<compile_context>
chip_gen: v7x
topology: tpu7x:2x2x1
jax: 0.10.2.dev20260603
libtpu: 0.0.44.dev20260713+nightly
codegen_flags: <defaults>
</compile_context>

<pallas_src>
import functools

import jax
import jax.numpy as jnp
from jax import lax
from jax.experimental import pallas as pl
from jax.experimental.pallas import tpu as pltpu
from jax.experimental.pallas import tpu_sc as plsc

N = 10000
D = 256
DH = D // 2
E = 160000
NC = 2
NS = 16
EP = E // NS
PIECE = 2000
HALF = N // NC
QLEN = (2504, 2496)
ACC = 2560
B = 80
CAP = EP + 4 * B + 32
OUT_T = 160


def _sc_agg_body(xa_hbm, xb_hbm, src_hbm, dst_hbm, suma_hbm, sumb_hbm, cnt_hbm,
                 src_p, dst_p, csrc_v, cdst_v,
                 rows0a_v, rows0b_v, rows1a_v, rows1b_v, ones_v,
                 sidx0_v, sidx1_v, didx0_v, didx1_v,
                 acca_sh, accb_sh, cacc_sh,
                 sem0a, sem0b, sem1a, sem1b, semS0, semS1, *, with_cnt):
    c = lax.axis_index("c")
    s = lax.axis_index("s")
    wid = s * NC + c
    lane = lax.iota(jnp.int32, 16)
    zeros16 = jnp.zeros((16,), jnp.float32)
    ones16 = jnp.ones((16,), jnp.float32)

    def _zrow(r, carry):
        for k in range(DH // 16):
            rows0a_v[r, pl.ds(k * 16, 16)] = zeros16
        ones_v[r, pl.ds(0, 16)] = zeros16
        return carry
    lax.fori_loop(0, B, _zrow, 0)

    cbase = c * HALF

    def _piece(p, carry):
        pltpu.sync_copy(src_hbm.at[pl.ds(s * EP + p * PIECE, PIECE)], src_p)
        pltpu.sync_copy(dst_hbm.at[pl.ds(s * EP + p * PIECE, PIECE)], dst_p)

        def _fstep(o, b0, b1):
            dvec = dst_p[pl.ds(o, 16)]
            svec = src_p[pl.ds(o, 16)]
            loc = dvec - cbase
            m0 = (loc >= 0) & (loc < QLEN[0])
            loc1 = loc - QLEN[0]
            m1 = (loc1 >= 0) & (loc1 < QLEN[1])
            m0i = m0.astype(jnp.int32)
            m1i = m1.astype(jnp.int32)
            pos0 = b0 + plsc.cumsum(m0i) - m0i
            plsc.store_scatter(cdst_v, [pos0], loc, mask=m0)
            plsc.store_scatter(csrc_v, [pos0], svec, mask=m0)
            pos1 = (CAP - 1) - (b1 + plsc.cumsum(m1i) - m1i)
            plsc.store_scatter(cdst_v, [pos1], loc1, mask=m1)
            plsc.store_scatter(csrc_v, [pos1], svec, mask=m1)
            return b0 + plsc.all_reduce_population_count(m0), \
                   b1 + plsc.all_reduce_population_count(m1)

        def _fbody(i, carry):
            return _fstep(i * 16, *carry)

        return lax.fori_loop(0, PIECE // 16, _fbody, carry)

    zero_i32 = jnp.zeros((16,), jnp.int32)
    n0_vec, n1_vec = lax.fori_loop(0, EP // PIECE, _piece,
                                   (zero_i32, zero_i32))
    n0 = jnp.max(n0_vec)
    n1 = jnp.max(n1_vec)

    pad_src = wid * 16 + lane
    pad_dst = QLEN[0] + ((wid * 16 + lane) % (ACC - QLEN[0]))
    for k in range(2 * B // 16):
        plsc.store_scatter(cdst_v, [n0 + k * 16 + lane], pad_dst)
        plsc.store_scatter(csrc_v, [n0 + k * 16 + lane], pad_src)
        plsc.store_scatter(cdst_v, [(CAP - 1) - (n1 + k * 16 + lane)], pad_dst)
        plsc.store_scatter(csrc_v, [(CAP - 1) - (n1 + k * 16 + lane)], pad_src)

    npairs0 = jnp.maximum((n0 + 2 * B - 1) // (2 * B), 1)
    npairs1 = jnp.maximum((n1 + 2 * B - 1) // (2 * B), 1)

    for q in range(2):
        qlen = QLEN[q]
        base_row = c * HALF + q * QLEN[0]
        npairs = npairs0 if q == 0 else npairs1
        list_base = jnp.int32(0) if q == 0 else CAP - npairs1 * 2 * B

        r0 = s * (ACC // NS)
        for acc in (acca_sh, accb_sh):
            pltpu.sync_copy(rows0a_v, acc.at[pl.ds(r0, B)])
            pltpu.sync_copy(rows0a_v, acc.at[pl.ds(r0 + B, B)])
        if with_cnt:
            pltpu.sync_copy(ones_v, cacc_sh.at[pl.ds(r0, B)])
            pltpu.sync_copy(ones_v, cacc_sh.at[pl.ds(r0 + B, B)])

            def _fone(r, carry):
                ones_v[r, pl.ds(0, 16)] = ones16
                return carry
            lax.fori_loop(0, B, _fone, 0)

        plsc.subcore_barrier()

        def _stage_start(b, sidx_v, didx_v, rows_a, rows_b, sem_a, sem_b):
            off = list_base + b * B
            for k in range(B // 16):
                sidx_v[pl.ds(k * 16, 16)] = csrc_v[pl.ds(off + k * 16, 16)]
                didx_v[pl.ds(k * 16, 16)] = cdst_v[pl.ds(off + k * 16, 16)]
            pltpu.async_copy(xa_hbm.at[sidx_v], rows_a, sem_a)
            pltpu.async_copy(xb_hbm.at[sidx_v], rows_b, sem_b)

        def _wait(sidx_v, rows_a, rows_b, sem_a, sem_b):
            pltpu.make_async_copy(xa_hbm.at[sidx_v], rows_a, sem_a).wait()
            pltpu.make_async_copy(xb_hbm.at[sidx_v], rows_b, sem_b).wait()

        def _scatter(didx_v, rows_a, rows_b, sem):
            pltpu.async_copy(rows_a, acca_sh.at[didx_v], sem, add=True)
            pltpu.async_copy(rows_b, accb_sh.at[didx_v], sem, add=True)
            if with_cnt:
                pltpu.async_copy(ones_v, cacc_sh.at[didx_v], sem, add=True)
            pltpu.make_async_copy(rows_a, acca_sh.at[didx_v], sem).wait()
            pltpu.make_async_copy(rows_b, accb_sh.at[didx_v], sem).wait()
            if with_cnt:
                pltpu.make_async_copy(ones_v, cacc_sh.at[didx_v], sem).wait()

        _stage_start(jnp.int32(0), sidx0_v, didx0_v, rows0a_v, rows0b_v,
                     sem0a, sem0b)

        def _pbody(p, carry):
            _stage_start(2 * p + 1, sidx1_v, didx1_v, rows1a_v, rows1b_v,
                         sem1a, sem1b)
            _wait(sidx0_v, rows0a_v, rows0b_v, sem0a, sem0b)
            _scatter(didx0_v, rows0a_v, rows0b_v, semS0)

            @pl.when(p + 1 < npairs)
            def _():
                _stage_start(2 * p + 2, sidx0_v, didx0_v, rows0a_v, rows0b_v,
                             sem0a, sem0b)
            _wait(sidx1_v, rows1a_v, rows1b_v, sem1a, sem1b)
            _scatter(didx1_v, rows1a_v, rows1b_v, semS1)
            return carry

        lax.fori_loop(0, npairs, _pbody, 0)

        plsc.subcore_barrier()

        rem = qlen - (NS - 1) * OUT_T

        @pl.when(s < NS - 1)
        def _():
            rb = s * OUT_T
            pltpu.sync_copy(acca_sh.at[pl.ds(rb, OUT_T)],
                            suma_hbm.at[pl.ds(base_row + rb, OUT_T)])
            pltpu.sync_copy(accb_sh.at[pl.ds(rb, OUT_T)],
                            sumb_hbm.at[pl.ds(base_row + rb, OUT_T)])
            if with_cnt:
                pltpu.sync_copy(cacc_sh.at[pl.ds(rb, OUT_T)],
                                cnt_hbm.at[pl.ds(base_row + rb, OUT_T)])

        @pl.when(s == NS - 1)
        def _():
            rb = (NS - 1) * OUT_T
            pltpu.sync_copy(acca_sh.at[pl.ds(rb, rem)],
                            suma_hbm.at[pl.ds(base_row + rb, rem)])
            pltpu.sync_copy(accb_sh.at[pl.ds(rb, rem)],
                            sumb_hbm.at[pl.ds(base_row + rb, rem)])
            if with_cnt:
                pltpu.sync_copy(cacc_sh.at[pl.ds(rb, rem)],
                                cnt_hbm.at[pl.ds(base_row + rb, rem)])

        if q == 0:
            lax.fori_loop(0, B, _zrow, 0)
            plsc.subcore_barrier()


def _make_sc_agg(with_cnt):
    body = functools.partial(_sc_agg_body, with_cnt=with_cnt)
    if with_cnt:
        def wrapped(xa, xb, src, dst, suma, sumb, cnt, *rest):
            body(xa, xb, src, dst, suma, sumb, cnt, *rest)
        out_type = (jax.ShapeDtypeStruct((N, DH), jnp.float32),
                    jax.ShapeDtypeStruct((N, DH), jnp.float32),
                    jax.ShapeDtypeStruct((N, 16), jnp.float32))
    else:
        def wrapped(xa, xb, src, dst, suma, sumb, *rest):
            body(xa, xb, src, dst, suma, sumb, None, *rest)
        out_type = (jax.ShapeDtypeStruct((N, DH), jnp.float32),
                    jax.ShapeDtypeStruct((N, DH), jnp.float32))
    return functools.partial(
        pl.kernel,
        mesh=plsc.VectorSubcoreMesh(core_axis_name="c", subcore_axis_name="s",
                                    num_cores=NC),
        compiler_params=pltpu.CompilerParams(needs_layout_passes=False,
                                             use_tc_tiling_on_sc=False),
        out_type=out_type,
        scratch_types=[
            pltpu.VMEM((PIECE,), jnp.int32),
            pltpu.VMEM((PIECE,), jnp.int32),
            pltpu.VMEM((CAP,), jnp.int32),
            pltpu.VMEM((CAP,), jnp.int32),
            pltpu.VMEM((B, DH), jnp.float32),
            pltpu.VMEM((B, DH), jnp.float32),
            pltpu.VMEM((B, DH), jnp.float32),
            pltpu.VMEM((B, DH), jnp.float32),
            pltpu.VMEM((B, 16), jnp.float32),
            pltpu.VMEM((B,), jnp.int32),
            pltpu.VMEM((B,), jnp.int32),
            pltpu.VMEM((B,), jnp.int32),
            pltpu.VMEM((B,), jnp.int32),
            pltpu.VMEM_SHARED((ACC, DH), jnp.float32),
            pltpu.VMEM_SHARED((ACC, DH), jnp.float32),
            pltpu.VMEM_SHARED((ACC, 16), jnp.float32),
            pltpu.SemaphoreType.DMA,
            pltpu.SemaphoreType.DMA,
            pltpu.SemaphoreType.DMA,
            pltpu.SemaphoreType.DMA,
            pltpu.SemaphoreType.DMA,
            pltpu.SemaphoreType.DMA,
        ],
    )(wrapped)


_sc_agg_cnt = _make_sc_agg(with_cnt=True)
_sc_agg_nocnt = _make_sc_agg(with_cnt=False)


RB = 2000


def _self_body(xa_ref, xb_ref, wr_ref, b_ref, o_ref):
    acc = lax.dot_general(xa_ref[...], wr_ref[:, 0:DH],
                          (((1,), (1,)), ((), ())),
                          preferred_element_type=jnp.float32)
    acc = acc + lax.dot_general(xb_ref[...], wr_ref[:, DH:D],
                                (((1,), (1,)), ((), ())),
                                preferred_element_type=jnp.float32)
    o_ref[...] = acc + b_ref[...]


def _self(xa, xb, Wr, b):
    return pl.pallas_call(
        _self_body,
        grid=(N // RB,),
        in_specs=[
            pl.BlockSpec((RB, DH), lambda i: (i, 0)),
            pl.BlockSpec((RB, DH), lambda i: (i, 0)),
            pl.BlockSpec((D, D), lambda i: (0, 0)),
            pl.BlockSpec((1, D), lambda i: (0, 0)),
        ],
        out_specs=pl.BlockSpec((RB, D), lambda i: (i, 0)),
        out_shape=jax.ShapeDtypeStruct((N, D), jnp.float32),
    )(xa, xb, Wr, b.reshape(1, D))


def _combine_body(suma_ref, sumb_ref, cnt_ref, t_ref, wl_ref,
                  oa_ref, ob_ref, *, relu, split_out):
    cnt = cnt_ref[:, 0:1]
    inv = 1.0 / jnp.maximum(cnt, 1.0)
    acc = lax.dot_general(suma_ref[...] * inv, wl_ref[:, 0:DH],
                          (((1,), (1,)), ((), ())),
                          preferred_element_type=jnp.float32)
    acc = acc + lax.dot_general(sumb_ref[...] * inv, wl_ref[:, DH:D],
                                (((1,), (1,)), ((), ())),
                                preferred_element_type=jnp.float32)
    acc = acc + t_ref[...]
    if relu:
        acc = jnp.maximum(acc, 0.0)
    if split_out:
        oa_ref[...] = acc[:, 0:DH]
        ob_ref[...] = acc[:, DH:D]
    else:
        oa_ref[...] = acc


def _combine(suma, sumb, cnt16, t, Wl, relu, split_out):
    if split_out:
        out_specs = (pl.BlockSpec((RB, DH), lambda i: (i, 0)),
                     pl.BlockSpec((RB, DH), lambda i: (i, 0)))
        out_shape = (jax.ShapeDtypeStruct((N, DH), jnp.float32),
                     jax.ShapeDtypeStruct((N, DH), jnp.float32))
    else:
        out_specs = pl.BlockSpec((RB, D), lambda i: (i, 0))
        out_shape = jax.ShapeDtypeStruct((N, D), jnp.float32)
    body = functools.partial(_combine_body, relu=relu, split_out=split_out)
    if not split_out:
        body_wrapped = lambda *refs: body(*refs[:-1], refs[-1], None)

        def body_wrapped(suma_ref, sumb_ref, cnt_ref, t_ref, wl_ref, o_ref):
            body(suma_ref, sumb_ref, cnt_ref, t_ref, wl_ref, o_ref, None)
    else:
        body_wrapped = body
    return pl.pallas_call(
        body_wrapped,
        grid=(N // RB,),
        in_specs=[
            pl.BlockSpec((RB, DH), lambda i: (i, 0)),
            pl.BlockSpec((RB, DH), lambda i: (i, 0)),
            pl.BlockSpec((RB, 16), lambda i: (i, 0)),
            pl.BlockSpec((RB, D), lambda i: (i, 0)),
            pl.BlockSpec((D, D), lambda i: (0, 0)),
        ],
        out_specs=out_specs,
        out_shape=out_shape,
    )(suma, sumb, cnt16, t, Wl)


def kernel(x, edge_index, W1l, b1l, W1r, W2l, b2l, W2r):
    ei = edge_index.astype(jnp.int32)
    src = ei[0]
    dst = ei[1]
    xa = x[:, 0:DH]
    xb = x[:, DH:D]
    s1a, s1b, c1 = _sc_agg_cnt(xa, xb, src, dst)
    t1 = _self(xa, xb, W1r, b1l)
    ha, hb = _combine(s1a, s1b, c1, t1, W1l, relu=True, split_out=True)
    s2a, s2b = _sc_agg_nocnt(ha, hb, src, dst)
    t2 = _self(ha, hb, W2r, b2l)
    out = _combine(s2a, s2b, c1, t2, W2l, relu=False, split_out=False)
    return out

# --- scband reference (transcript-rebuilt; emitter-appended) ---
"""Pipeline reference for scband-graph-sage-47502338293965 (READ-ONLY COPY).

The authoritative reference and input builder live on the scoring server;
editing this copy changes nothing except your own understanding.
"""

import jax, jax.numpy as jnp
import numpy as np

N_NODES = 10000
D_IN = 256
D_HID = 256
D_OUT = 256
N_EDGES = 160000


def setup_inputs(seed: int = 0) -> dict:
    key = jax.random.key(seed)
    ks = jax.random.split(key, 8)
    x = jax.random.normal(ks[0], (N_NODES, D_IN), dtype=jnp.float32)
    edge_index = jax.random.randint(ks[1], (2, N_EDGES), 0, N_NODES, dtype=jnp.int64)
    s1 = 1.0 / np.sqrt(D_IN)
    s2 = 1.0 / np.sqrt(D_HID)
    W1l = jax.random.uniform(ks[2], (D_HID, D_IN), jnp.float32, -s1, s1)
    b1l = jax.random.uniform(ks[3], (D_HID,), jnp.float32, -s1, s1)
    W1r = jax.random.uniform(ks[4], (D_HID, D_IN), jnp.float32, -s1, s1)
    W2l = jax.random.uniform(ks[5], (D_OUT, D_HID), jnp.float32, -s2, s2)
    b2l = jax.random.uniform(ks[6], (D_OUT,), jnp.float32, -s2, s2)
    W2r = jax.random.uniform(ks[7], (D_OUT, D_HID), jnp.float32, -s2, s2)
    return {"x": x, "edge_index": edge_index, "W1l": W1l, "b1l": b1l, "W1r": W1r, "W2l": W2l, "b2l": b2l, "W2r": W2r}


def _sage_conv(x, edge_index, Wl, bl, Wr):
    # PyG SAGEConv (aggr='mean'): out = lin_l(mean_j x_j) + lin_r(x_i)
    src = edge_index[0]
    dst = edge_index[1]
    msgs = jnp.take(x, src, axis=0)
    summed = jax.ops.segment_sum(msgs, dst, num_segments=N_NODES)
    cnt = jax.ops.segment_sum(jnp.ones((msgs.shape[0],), dtype=x.dtype), dst, num_segments=N_NODES)
    mean = summed / jnp.clip(cnt, 1.0)[:, None]
    return mean @ Wl.T + bl + x @ Wr.T


def reference(x, edge_index, W1l, b1l, W1r, W2l, b2l, W2r):
    h = _sage_conv(x, edge_index, W1l, b1l, W1r)
    h = jax.nn.relu(h)
    out = _sage_conv(h, edge_index, W2l, b2l, W2r)
    return out

if __name__ == "__main__":
    import jax
    _d = setup_inputs()
    print(jax.jit(kernel)(*tuple(_d.values())))

</pallas_src>

<mosaic_0001>
#map = affine_map<(d0, d1) -> (0, 0)>
#map1 = affine_map<(d0, d1) -> (0)>
module attributes {stable_mosaic.version = 14 : i64} {
  func.func @wrapped(%arg0: i32, %arg1: i32, %arg2: memref<10000x128xf32, #tpu.memory_space<hbm>>, %arg3: memref<10000x128xf32, #tpu.memory_space<hbm>>, %arg4: memref<160000xi32, #tpu.memory_space<hbm>>, %arg5: memref<160000xi32, #tpu.memory_space<hbm>>, %arg6: memref<10000x128xf32, #tpu.memory_space<hbm>>, %arg7: memref<10000x128xf32, #tpu.memory_space<hbm>>, %arg8: memref<10000x16xf32, #tpu.memory_space<hbm>>, %arg9: memref<2000xi32, #tpu.memory_space<vmem>>, %arg10: memref<2000xi32, #tpu.memory_space<vmem>>, %arg11: memref<10352xi32, #tpu.memory_space<vmem>>, %arg12: memref<10352xi32, #tpu.memory_space<vmem>>, %arg13: memref<80x128xf32, #tpu.memory_space<vmem>>, %arg14: memref<80x128xf32, #tpu.memory_space<vmem>>, %arg15: memref<80x128xf32, #tpu.memory_space<vmem>>, %arg16: memref<80x128xf32, #tpu.memory_space<vmem>>, %arg17: memref<80x16xf32, #tpu.memory_space<vmem>>, %arg18: memref<80xi32, #tpu.memory_space<vmem>>, %arg19: memref<80xi32, #tpu.memory_space<vmem>>, %arg20: memref<80xi32, #tpu.memory_space<vmem>>, %arg21: memref<80xi32, #tpu.memory_space<vmem>>, %arg22: memref<2560x128xf32, #tpu.memory_space<vmem_shared>>, %arg23: memref<2560x128xf32, #tpu.memory_space<vmem_shared>>, %arg24: memref<2560x16xf32, #tpu.memory_space<vmem_shared>>, %arg25: memref<!tpu.dma_semaphore, #tpu.memory_space<semaphore_mem>>, %arg26: memref<!tpu.dma_semaphore, #tpu.memory_space<semaphore_mem>>, %arg27: memref<!tpu.dma_semaphore, #tpu.memory_space<semaphore_mem>>, %arg28: memref<!tpu.dma_semaphore, #tpu.memory_space<semaphore_mem>>, %arg29: memref<!tpu.dma_semaphore, #tpu.memory_space<semaphore_mem>>, %arg30: memref<!tpu.dma_semaphore, #tpu.memory_space<semaphore_mem>>) attributes {dimension_semantics = [#tpu.dimension_semantics<core_parallel>, #tpu.dimension_semantics<subcore_parallel>], iteration_bounds = array<i64: 2, 16>, scalar_prefetch = 0 : i64, scratch_operands = 22 : i64, tpu.core_type = #tpu.core_type<sc_vector_subcore>, window_params = [{transform_indices = #map}, {transform_indices = #map}, {transform_indices = #map1}, {transform_indices = #map1}, {transform_indices = #map}, {transform_indices = #map}, {transform_indices = #map}]} {
    %mul3A = arith.constant 2 : i32
    %mul3A_0 = arith.muli %arg1, %mul3A : i32
    %add3A = arith.addi %mul3A_0, %arg0 : i32
    %iota3A = tpu.iota {dimensions = array<i32: 0>} : vector<16xi32>
    %broadcast_in_dim3A = arith.constant 0.000000e+00 : f32
    %broadcast_in_dim3A_1 = vector.broadcast %broadcast_in_dim3A : f32 to vector<16xf32>
    %broadcast_in_dim3A_2 = arith.constant 1.000000e+00 : f32
    %broadcast_in_dim3A_3 = vector.broadcast %broadcast_in_dim3A_2 : f32 to vector<16xf32>
    %scan3A = arith.constant 0 : i32
    %scan3A_4 = arith.constant 0 : i32
    %scan3A_5 = arith.constant 80 : i32
    %scan3A_6 = arith.addi %scan3A_4, %scan3A_5 : i32
    %scan3A_7 = arith.constant 1 : i32
    scf.for %scan3A_564 = %scan3A_4 to %scan3A_6 step %scan3A_7  : i32 {
      %swap3A_565 = arith.index_cast %scan3A_564 : i32 to index
      %swap3A_566 = arith.constant 0 : index
      %swap3A_567 = tpu.vector_load %arg13[%swap3A_565, %swap3A_566] {strides = array<i32>} : memref<80x128xf32, #tpu.memory_space<vmem>>, vector<16xf32>,
      tpu.vector_store %arg13[%swap3A_565, %swap3A_566], %broadcast_in_dim3A_1 {strides = array<i32>} : memref<80x128xf32, #tpu.memory_space<vmem>>, vector<16xf32>,
      %swap3A_568 = arith.index_cast %scan3A_564 : i32 to index
      %swap3A_569 = arith.constant 16 : index
      %swap3A_570 = tpu.vector_load %arg13[%swap3A_568, %swap3A_569] {strides = array<i32>} : memref<80x128xf32, #tpu.memory_space<vmem>>, vector<16xf32>,
      tpu.vector_store %arg13[%swap3A_568, %swap3A_569], %broadcast_in_dim3A_1 {strides = array<i32>} : memref<80x128xf32, #tpu.memory_space<vmem>>, vector<16xf32>,
      %swap3A_571 = arith.index_cast %scan3A_564 : i32 to index
      %swap3A_572 = arith.constant 32 : index
      %swap3A_573 = tpu.vector_load %arg13[%swap3A_571, %swap3A_572] {strides = array<i32>} : memref<80x128xf32, #tpu.memory_space<vmem>>, vector<16xf32>,
      tpu.vector_store %arg13[%swap3A_571, %swap3A_572], %broadcast_in_dim3A_1 {strides = array<i32>} : memref<80x128xf32, #tpu.memory_space<vmem>>, vector<16xf32>,
      %swap3A_574 = arith.index_cast %scan3A_564 : i32 to index
      %swap3A_575 = arith.constant 48 : index
      %swap3A_576 = tpu.vector_load %arg13[%swap3A_574, %swap3A_575] {strides = array<i32>} : memref<80x128xf32, #tpu.memory_space<vmem>>, vector<16xf32>,
      tpu.vector_store %arg13[%swap3A_574, %swap3A_575], %broadcast_in_dim3A_1 {strides = array<i32>} : memref<80x128xf32, #tpu.memory_space<vmem>>, vector<16xf32>,
      %swap3A_577 = arith.index_cast %scan3A_564 : i32 to index
      %swap3A_578 = arith.constant 64 : index
      %swap3A_579 = tpu.vector_load %arg13[%swap3A_577, %swap3A_578] {strides = array<i32>} : memref<80x128xf32, #tpu.memory_space<vmem>>, vector<16xf32>,
      tpu.vector_store %arg13[%swap3A_577, %swap3A_578], %broadcast_in_dim3A_1 {strides = array<i32>} : memref<80x128xf32, #tpu.memory_space<vmem>>, vector<16xf32>,
      %swap3A_580 = arith.index_cast %scan3A_564 : i32 to index
      %swap3A_581 = arith.constant 80 : index
      %swap3A_582 = tpu.vector_load %arg13[%swap3A_580, %swap3A_581] {strides = array<i32>} : memref<80x128xf32, #tpu.memory_space<vmem>>, vector<16xf32>,
      tpu.vector_store %arg13[%swap3A_580, %swap3A_581], %broadcast_in_dim3A_1 {strides = array<i32>} : memref<80x128xf32, #tpu.memory_space<vmem>>, vector<16xf32>,
      %swap3A_583 = arith.index_cast %scan3A_564 : i32 to index
      %swap3A_584 = arith.constant 96 : index
      %swap3A_585 = tpu.vector_load %arg13[%swap3A_583, %swap3A_584] {strides = array<i32>} : memref<80x128xf32, #tpu.memory_space<vmem>>, vector<16xf32>,
      tpu.vector_store %arg13[%swap3A_583, %swap3A_584], %broadcast_in_dim3A_1 {strides = array<i32>} : memref<80x128xf32, #tpu.memory_space<vmem>>, vector<16xf32>,
      %swap3A_586 = arith.index_cast %scan3A_564 : i32 to index
      %swap3A_587 = arith.constant 112 : index
      %swap3A_588 = tpu.vector_load %arg13[%swap3A_586, %swap3A_587] {strides = array<i32>} : memref<80x128xf32, #tpu.memory_space<vmem>>, vector<16xf32>,
      tpu.vector_store %arg13[%swap3A_586, %swap3A_587], %broadcast_in_dim3A_1 {strides = array<i32>} : memref<80x128xf32, #tpu.memory_space<vmem>>, vector<16xf32>,
      %swap3A_589 = arith.index_cast %scan3A_564 : i32 to index
      %swap3A_590 = arith.constant 0 : index
      %swap3A_591 = tpu.vector_load %arg17[%swap3A_589, %swap3A_590] {strides = array<i32>} : memref<80x16xf32, #tpu.memory_space<vmem>>, vector<16xf32>,
      tpu.vector_store %arg17[%swap3A_589, %swap3A_590], %broadcast_in_dim3A_1 {strides = array<i32>} : memref<80x16xf32, #tpu.memory_space<vmem>>, vector<16xf32>,
    }
    %scan3A_8 = arith.constant 80 : i32
    %mul3A_9 = arith.constant 5000 : i32
    %mul3A_10 = arith.muli %arg0, %mul3A_9 : i32
    %broadcast_in_dim3A_11 = arith.constant 0 : i32
    %broadcast_in_dim3A_12 = vector.broadcast %broadcast_in_dim3A_11 : i32 to vector<16xi32>
    %scan3A_13 = arith.constant 0 : i32
    %scan3A_14 = arith.constant 5 : i32
    %scan3A_15 = arith.addi %scan3A_13, %scan3A_14 : i32
    %scan3A_16 = arith.constant 1 : i32
    %scan3A_17:2 = scf.for %scan3A_564 = %scan3A_13 to %scan3A_15 step %scan3A_16 iter_args(%scan3A_565 = %broadcast_in_dim3A_12, %scan3A_566 = %broadcast_in_dim3A_12) -> (vector<16xi32>, vector<16xi32>)  : i32 {
      %mul3A_567 = arith.constant 10000 : i32
      %mul3A_568 = arith.muli %arg1, %mul3A_567 : i32
      %mul3A_569 = arith.constant 2000 : i32
      %mul3A_570 = arith.muli %scan3A_564, %mul3A_569 : i32
      %add3A_571 = arith.addi %mul3A_568, %mul3A_570 : i32
      "tpu.region"() ({
        %run_scoped3A = tpu.sem_alloc : memref<!tpu.dma_semaphore, #tpu.memory_space<semaphore_mem>>
        %dma_start3A_583 = tpu.memref_slice %arg4[%add3A_571] : memref<160000xi32, #tpu.memory_space<hbm>> -> memref<2000xi32, #tpu.memory_space<hbm>>
        %dma_start3A_584 = tpu.memref_slice %arg4[%add3A_571] : memref<160000xi32, #tpu.memory_space<hbm>> -> memref<2000xi32, #tpu.memory_space<hbm>>
        tpu.enqueue_dma source(%dma_start3A_584 : memref<2000xi32, #tpu.memory_space<hbm>>) target(%arg9 : memref<2000xi32, #tpu.memory_space<vmem>>) target_semaphore(%run_scoped3A : memref<!tpu.dma_semaphore, #tpu.memory_space<semaphore_mem>>)
        %dma_wait3A = tpu.memref_slice %arg4[%add3A_571] : memref<160000xi32, #tpu.memory_space<hbm>> -> memref<2000xi32, #tpu.memory_space<hbm>>
        %dma_wait3A_585 = tpu.memref_slice %arg4[%add3A_571] : memref<160000xi32, #tpu.memory_space<hbm>> -> memref<2000xi32, #tpu.memory_space<hbm>>
        tpu.wait_dma2 semaphore(%run_scoped3A : memref<!tpu.dma_semaphore, #tpu.memory_space<semaphore_mem>>) src(%dma_wait3A_585 : memref<2000xi32, #tpu.memory_space<hbm>>) dst(%arg9 : memref<2000xi32, #tpu.memory_space<vmem>>)
        tpu.yield
      }) : () -> ()
      %mul3A_572 = arith.constant 10000 : i32
      %mul3A_573 = arith.muli %arg1, %mul3A_572 : i32
      %mul3A_574 = arith.constant 2000 : i32
      %mul3A_575 = arith.muli %scan3A_564, %mul3A_574 : i32
      %add3A_576 = arith.addi %mul3A_573, %mul3A_575 : i32
      "tpu.region"() ({
        %run_scoped3A = tpu.sem_alloc : memref<!tpu.dma_semaphore, #tpu.memory_space<semaphore_mem>>
        %dma_start3A_583 = tpu.memref_slice %arg5[%add3A_576] : memref<160000xi32, #tpu.memory_space<hbm>> -> memref<2000xi32, #tpu.memory_space<hbm>>
        %dma_start3A_584 = tpu.memref_slice %arg5[%add3A_576] : memref<160000xi32, #tpu.memory_space<hbm>> -> memref<2000xi32, #tpu.memory_space<hbm>>
        tpu.enqueue_dma source(%dma_start3A_584 : memref<2000xi32, #tpu.memory_space<hbm>>) target(%arg10 : memref<2000xi32, #tpu.memory_space<vmem>>) target_semaphore(%run_scoped3A : memref<!tpu.dma_semaphore, #tpu.memory_space<semaphore_mem>>)
        %dma_wait3A = tpu.memref_slice %arg5[%add3A_576] : memref<160000xi32, #tpu.memory_space<hbm>> -> memref<2000xi32, #tpu.memory_space<hbm>>
        %dma_wait3A_585 = tpu.memref_slice %arg5[%add3A_576] : memref<160000xi32, #tpu.memory_space<hbm>> -> memref<2000xi32, #tpu.memory_space<hbm>>
        tpu.wait_dma2 semaphore(%run_scoped3A : memref<!tpu.dma_semaphore, #tpu.memory_space<semaphore_mem>>) src(%dma_wait3A_585 : memref<2000xi32, #tpu.memory_space<hbm>>) dst(%arg10 : memref<2000xi32, #tpu.memory_space<vmem>>)
        tpu.yield
      }) : () -> ()
      %scan3A_577 = arith.constant 0 : i32
      %scan3A_578 = arith.constant 125 : i32
      %scan3A_579 = arith.addi %scan3A_577, %scan3A_578 : i32
      %scan3A_580 = arith.constant 1 : i32
      %scan3A_581:2 = scf.for %scan3A_583 = %scan3A_577 to %scan3A_579 step %scan3A_580 iter_args(%scan3A_584 = %scan3A_565, %scan3A_585 = %scan3A_566) -> (vector<16xi32>, vector<16xi32>)  : i32 {
        %mul3A_586 = arith.constant 16 : i32
        %mul3A_587 = arith.muli %scan3A_583, %mul3A_586 : i32
        %get3A_588 = arith.index_cast %mul3A_587 : i32 to index
        %get3A_589 = tpu.vector_load %arg10[%get3A_588] {strides = array<i32>} : memref<2000xi32, #tpu.memory_space<vmem>>, vector<16xi32>,
        %get3A_590 = arith.index_cast %mul3A_587 : i32 to index
        %get3A_591 = tpu.vector_load %arg9[%get3A_590] {strides = array<i32>} : memref<2000xi32, #tpu.memory_space<vmem>>, vector<16xi32>,
        %sub3A_592 = vector.broadcast %mul3A_10 : i32 to vector<16xi32>
        %sub3A_593 = arith.subi %get3A_589, %sub3A_592 : vector<16xi32>
        %ge3A = arith.constant 0 : i32
        %ge3A_594 = vector.broadcast %ge3A : i32 to vector<16xi32>
        %ge3A_595 = arith.cmpi sge, %sub3A_593, %ge3A_594 : vector<16xi32>
        %lt3A_596 = arith.constant 2504 : i32
        %lt3A_597 = vector.broadcast %lt3A_596 : i32 to vector<16xi32>
        %lt3A_598 = arith.cmpi slt, %sub3A_593, %lt3A_597 : vector<16xi32>
        %and3A_599 = arith.andi %ge3A_595, %lt3A_598 : vector<16xi1>
        %sub3A_600 = arith.constant 2504 : i32
        %sub3A_601 = vector.broadcast %sub3A_600 : i32 to vector<16xi32>
        %sub3A_602 = arith.subi %sub3A_593, %sub3A_601 : vector<16xi32>
        %ge3A_603 = arith.constant 0 : i32
        %ge3A_604 = vector.broadcast %ge3A_603 : i32 to vector<16xi32>
        %ge3A_605 = arith.cmpi sge, %sub3A_602, %ge3A_604 : vector<16xi32>
        %lt3A_606 = arith.constant 2496 : i32
        %lt3A_607 = vector.broadcast %lt3A_606 : i32 to vector<16xi32>
        %lt3A_608 = arith.cmpi slt, %sub3A_602, %lt3A_607 : vector<16xi32>
        %and3A_609 = arith.andi %ge3A_605, %lt3A_608 : vector<16xi1>
        %convert_element_type3A_610 = arith.extui %and3A_599 : vector<16xi1> to vector<16xi32>
        %convert_element_type3A_611 = arith.extui %and3A_609 : vector<16xi1> to vector<16xi32>
        %broadcast_in_dim3A_612 = arith.constant true
        %broadcast_in_dim3A_613 = vector.broadcast %broadcast_in_dim3A_612 : i1 to vector<16xi1>
        %masked_cumsum3A = tpu.scan <sum>, %convert_element_type3A_610 masked %broadcast_in_dim3A_613 : vector<16xi32>, vector<16xi1> -> vector<16xi32>
        %add3A_614 = arith.addi %scan3A_584, %masked_cumsum3A : vector<16xi32>
        %sub3A_615 = arith.subi %add3A_614, %convert_element_type3A_610 : vector<16xi32>
        tpu.vector_store_idx %arg12[%sub3A_615], %sub3A_593 masked %and3A_599 : memref<10352xi32, #tpu.memory_space<vmem>>[vector<16xi32>], vector<16xi32>, vector<16xi1>
        tpu.vector_store_idx %arg11[%sub3A_615], %get3A_591 masked %and3A_599 : memref<10352xi32, #tpu.memory_space<vmem>>[vector<16xi32>], vector<16xi32>, vector<16xi1>
        %broadcast_in_dim3A_616 = arith.constant true
        %broadcast_in_dim3A_617 = vector.broadcast %broadcast_in_dim3A_616 : i1 to vector<16xi1>
        %masked_cumsum3A_618 = tpu.scan <sum>, %convert_element_type3A_611 masked %broadcast_in_dim3A_617 : vector<16xi32>, vector<16xi1> -> vector<16xi32>
        %add3A_619 = arith.addi %scan3A_585, %masked_cumsum3A_618 : vector<16xi32>
        %sub3A_620 = arith.subi %add3A_619, %convert_element_type3A_611 : vector<16xi32>
        %sub3A_621 = arith.constant 10351 : i32
        %sub3A_622 = vector.broadcast %sub3A_621 : i32 to vector<16xi32>
        %sub3A_623 = arith.subi %sub3A_622, %sub3A_620 : vector<16xi32>
        tpu.vector_store_idx %arg12[%sub3A_623], %sub3A_602 masked %and3A_609 : memref<10352xi32, #tpu.memory_space<vmem>>[vector<16xi32>], vector<16xi32>, vector<16xi1>
        tpu.vector_store_idx %arg11[%sub3A_623], %get3A_591 masked %and3A_609 : memref<10352xi32, #tpu.memory_space<vmem>>[vector<16xi32>], vector<16xi32>, vector<16xi1>
        %all_reduce_population_count3A = tpu.all_reduce %and3A_599 {dim = 0 : i64, kind = #tpu.reduction_kind<sum>} : vector<16xi1> -> vector<16xi32>
        %add3A_624 = arith.addi %scan3A_584, %all_reduce_population_count3A : vector<16xi32>
        %all_reduce_population_count3A_625 = tpu.all_reduce %and3A_609 {dim = 0 : i64, kind = #tpu.reduction_kind<sum>} : vector<16xi1> -> vector<16xi32>
        %add3A_626 = arith.addi %scan3A_585, %all_reduce_population_count3A_625 : vector<16xi32>
        scf.yield %add3A_624, %add3A_626 : vector<16xi32>, vector<16xi32>
      }
      %scan3A_582 = arith.constant 125 : i32
      scf.yield %scan3A_581#0, %scan3A_581#1 : vector<16xi32>, vector<16xi32>
    }
    %scan3A_18 = arith.constant 5 : i32
    %reduce_max3A = arith.constant true
    %reduce_max3A_19 = vector.broadcast %reduce_max3A : i1 to vector<16xi1>
    %reduce_max3A_20 = arith.constant -2147483648 : i32
    %reduce_max3A_21 = vector.broadcast %reduce_max3A_20 : i32 to vector<16xi32>
    %reduce_max3A_22 = arith.xori %scan3A_17#0, %reduce_max3A_21 : vector<16xi32>
    %reduce_max3A_23 = tpu.scan <max>, %reduce_max3A_22 masked %reduce_max3A_19 : vector<16xi32>, vector<16xi1> -> vector<16xi32>
    %reduce_max3A_24 = arith.xori %reduce_max3A_23, %reduce_max3A_21 : vector<16xi32>
    %reduce_max3A_25 = vector.extract %reduce_max3A_24[15] : i32 from vector<16xi32>
    %reduce_max3A_26 = arith.constant true
    %reduce_max3A_27 = vector.broadcast %reduce_max3A_26 : i1 to vector<16xi1>
    %reduce_max3A_28 = arith.constant -2147483648 : i32
    %reduce_max3A_29 = vector.broadcast %reduce_max3A_28 : i32 to vector<16xi32>
    %reduce_max3A_30 = arith.xori %scan3A_17#1, %reduce_max3A_29 : vector<16xi32>
    %reduce_max3A_31 = tpu.scan <max>, %reduce_max3A_30 masked %reduce_max3A_27 : vector<16xi32>, vector<16xi1> -> vector<16xi32>
    %reduce_max3A_32 = arith.xori %reduce_max3A_31, %reduce_max3A_29 : vector<16xi32>
    %reduce_max3A_33 = vector.extract %reduce_max3A_32[15] : i32 from vector<16xi32>
    %mul3A_34 = arith.constant 16 : i32
    %mul3A_35 = arith.muli %add3A, %mul3A_34 : i32
    %add3A_36 = vector.broadcast %mul3A_35 : i32 to vector<16xi32>
    %add3A_37 = arith.addi %add3A_36, %iota3A : vector<16xi32>
    %mul3A_38 = arith.constant 16 : i32
    %mul3A_39 = arith.muli %add3A, %mul3A_38 : i32
    %add3A_40 = vector.broadcast %mul3A_39 : i32 to vector<16xi32>
    %add3A_41 = arith.addi %add3A_40, %iota3A : vector<16xi32>
    %jit3A = arith.constant 56 : i32
    %eq3A = arith.constant 0 : i32
    %eq3A_42 = arith.cmpi eq, %jit3A, %eq3A : i32
    %jit3A_43 = arith.constant 1 : i32
    %select_n3A = arith.select %eq3A_42, %jit3A_43, %jit3A : i32
    %rem3A = vector.broadcast %select_n3A : i32 to vector<16xi32>
    %rem3A_44 = arith.remsi %add3A_41, %rem3A : vector<16xi32>
    %ne3A = arith.constant 0 : i32
    %ne3A_45 = vector.broadcast %ne3A : i32 to vector<16xi32>
    %ne3A_46 = arith.cmpi ne, %rem3A_44, %ne3A_45 : vector<16xi32>
    %lt3A = arith.constant 0 : i32
    %lt3A_47 = vector.broadcast %lt3A : i32 to vector<16xi32>
    %lt3A_48 = arith.cmpi slt, %rem3A_44, %lt3A_47 : vector<16xi32>
    %lt3A_49 = arith.constant 0 : i32
    %lt3A_50 = arith.cmpi slt, %select_n3A, %lt3A_49 : i32
    %ne3A_51 = vector.broadcast %lt3A_50 : i1 to vector<16xi1>
    %ne3A_52 = vector.broadcast %ne3A_51 : vector<16xi1> to vector<16xi1>
    %ne3A_53 = arith.xori %lt3A_48, %ne3A_52 : vector<16xi1>
    %and3A = arith.andi %ne3A_53, %ne3A_46 : vector<16xi1>
    %add3A_54 = vector.broadcast %select_n3A : i32 to vector<16xi32>
    %add3A_55 = arith.addi %rem3A_44, %add3A_54 : vector<16xi32>
    %select_n3A_56 = arith.select %and3A, %add3A_55, %rem3A_44 : vector<16xi1>, vector<16xi32>
    %add3A_57 = arith.constant 2504 : i32
    %add3A_58 = vector.broadcast %add3A_57 : i32 to vector<16xi32>
    %add3A_59 = arith.addi %add3A_58, %select_n3A_56 : vector<16xi32>
    %add3A_60 = arith.constant 0 : i32
    %add3A_61 = arith.addi %reduce_max3A_25, %add3A_60 : i32
    %add3A_62 = vector.broadcast %add3A_61 : i32 to vector<16xi32>
    %add3A_63 = arith.addi %add3A_62, %iota3A : vector<16xi32>
    tpu.vector_store_idx %arg12[%add3A_63], %add3A_59 : memref<10352xi32, #tpu.memory_space<vmem>>[vector<16xi32>], vector<16xi32>,
    %add3A_64 = arith.constant 0 : i32
    %add3A_65 = arith.addi %reduce_max3A_25, %add3A_64 : i32
    %add3A_66 = vector.broadcast %add3A_65 : i32 to vector<16xi32>
    %add3A_67 = arith.addi %add3A_66, %iota3A : vector<16xi32>
    tpu.vector_store_idx %arg11[%add3A_67], %add3A_37 : memref<10352xi32, #tpu.memory_space<vmem>>[vector<16xi32>], vector<16xi32>,
    %add3A_68 = arith.constant 0 : i32
    %add3A_69 = arith.addi %reduce_max3A_33, %add3A_68 : i32
    %add3A_70 = vector.broadcast %add3A_69 : i32 to vector<16xi32>
    %add3A_71 = arith.addi %add3A_70, %iota3A : vector<16xi32>
    %sub3A = arith.constant 10351 : i32
    %sub3A_72 = vector.broadcast %sub3A : i32 to vector<16xi32>
    %sub3A_73 = arith.subi %sub3A_72, %add3A_71 : vector<16xi32>
    tpu.vector_store_idx %arg12[%sub3A_73], %add3A_59 : memref<10352xi32, #tpu.memory_space<vmem>>[vector<16xi32>], vector<16xi32>,
    %add3A_74 = arith.constant 0 : i32
    %add3A_75 = arith.addi %reduce_max3A_33, %add3A_74 : i32
    %add3A_76 = vector.broadcast %add3A_75 : i32 to vector<16xi32>
    %add3A_77 = arith.addi %add3A_76, %iota3A : vector<16xi32>
    %sub3A_78 = arith.constant 10351 : i32
    %sub3A_79 = vector.broadcast %sub3A_78 : i32 to vector<16xi32>
    %sub3A_80 = arith.subi %sub3A_79, %add3A_77 : vector<16xi32>
    tpu.vector_store_idx %arg11[%sub3A_80], %add3A_37 : memref<10352xi32, #tpu.memory_space<vmem>>[vector<16xi32>], vector<16xi32>,
    %add3A_81 = arith.constant 16 : i32
    %add3A_82 = arith.addi %reduce_max3A_25, %add3A_81 : i32
    %add3A_83 = vector.broadcast %add3A_82 : i32 to vector<16xi32>
    %add3A_84 = arith.addi %add3A_83, %iota3A : vector<16xi32>
    tpu.vector_store_idx %arg12[%add3A_84], %add3A_59 : memref<10352xi32, #tpu.memory_space<vmem>>[vector<16xi32>], vector<16xi32>,
    %add3A_85 = arith.constant 16 : i32
    %add3A_86 = arith.addi %reduce_max3A_25, %add3A_85 : i32
    %add3A_87 = vector.broadcast %add3A_86 : i32 to vector<16xi32>
    %add3A_88 = arith.addi %add3A_87, %iota3A : vector<16xi32>
    tpu.vector_store_idx %arg11[%add3A_88], %add3A_37 : memref<10352xi32, #tpu.memory_space<vmem>>[vector<16xi32>], vector<16xi32>,
    %add3A_89 = arith.constant 16 : i32
    %add3A_90 = arith.addi %reduce_max3A_33, %add3A_89 : i32
    %add3A_91 = vector.broadcast %add3A_90 : i32 to vector<16xi32>
    %add3A_92 = arith.addi %add3A_91, %iota3A : vector<16xi32>
    %sub3A_93 = arith.constant 10351 : i32
    %sub3A_94 = vector.broadcast %sub3A_93 : i32 to vector<16xi32>
    %sub3A_95 = arith.subi %sub3A_94, %add3A_92 : vector<16xi32>
    tpu.vector_store_idx %arg12[%sub3A_95], %add3A_59 : memref<10352xi32, #tpu.memory_space<vmem>>[vector<16xi32>], vector<16xi32>,
    %add3A_96 = arith.constant 16 : i32
    %add3A_97 = arith.addi %reduce_max3A_33, %add3A_96 : i32
    %add3A_98 = vector.broadcast %add3A_97 : i32 to vector<16xi32>
    %add3A_99 = arith.addi %add3A_98, %iota3A : vector<16xi32>
    %sub3A_100 = arith.constant 10351 : i32
    %sub3A_101 = vector.broadcast %sub3A_100 : i32 to vector<16xi32>
    %sub3A_102 = arith.subi %sub3A_101, %add3A_99 : vector<16xi32>
    tpu.vector_store_idx %arg11[%sub3A_102], %add3A_37 : memref<10352xi32, #tpu.memory_space<vmem>>[vector<16xi32>], vector<16xi32>,
    %add3A_103 = arith.constant 32 : i32
    %add3A_104 = arith.addi %reduce_max3A_25, %add3A_103 : i32
    %add3A_105 = vector.broadcast %add3A_104 : i32 to vector<16xi32>
    %add3A_106 = arith.addi %add3A_105, %iota3A : vector<16xi32>
    tpu.vector_store_idx %arg12[%add3A_106], %add3A_59 : memref<10352xi32, #tpu.memory_space<vmem>>[vector<16xi32>], vector<16xi32>,
    %add3A_107 = arith.constant 32 : i32
    %add3A_108 = arith.addi %reduce_max3A_25, %add3A_107 : i32
    %add3A_109 = vector.broadcast %add3A_108 : i32 to vector<16xi32>
    %add3A_110 = arith.addi %add3A_109, %iota3A : vector<16xi32>
    tpu.vector_store_idx %arg11[%add3A_110], %add3A_37 : memref<10352xi32, #tpu.memory_space<vmem>>[vector<16xi32>], vector<16xi32>,
    %add3A_111 = arith.constant 32 : i32
    %add3A_112 = arith.addi %reduce_max3A_33, %add3A_111 : i32
    %add3A_113 = vector.broadcast %add3A_112 : i32 to vector<16xi32>
    %add3A_114 = arith.addi %add3A_113, %iota3A : vector<16xi32>
    %sub3A_115 = arith.constant 10351 : i32
    %sub3A_116 = vector.broadcast %sub3A_115 : i32 to vector<16xi32>
    %sub3A_117 = arith.subi %sub3A_116, %add3A_114 : vector<16xi32>
    tpu.vector_store_idx %arg12[%sub3A_117], %add3A_59 : memref<10352xi32, #tpu.memory_space<vmem>>[vector<16xi32>], vector<16xi32>,
    %add3A_118 = arith.constant 32 : i32
    %add3A_119 = arith.addi %reduce_max3A_33, %add3A_118 : i32
    %add3A_120 = vector.broadcast %add3A_119 : i32 to vector<16xi32>
    %add3A_121 = arith.addi %add3A_120, %iota3A : vector<16xi32>
    %sub3A_122 = arith.constant 10351 : i32
    %sub3A_123 = vector.broadcast %sub3A_122 : i32 to vector<16xi32>
    %sub3A_124 = arith.subi %sub3A_123, %add3A_121 : vector<16xi32>
    tpu.vector_store_idx %arg11[%sub3A_124], %add3A_37 : memref<10352xi32, #tpu.memory_space<vmem>>[vector<16xi32>], vector<16xi32>,
    %add3A_125 = arith.constant 48 : i32
    %add3A_126 = arith.addi %reduce_max3A_25, %add3A_125 : i32
    %add3A_127 = vector.broadcast %add3A_126 : i32 to vector<16xi32>
    %add3A_128 = arith.addi %add3A_127, %iota3A : vector<16xi32>
    tpu.vector_store_idx %arg12[%add3A_128], %add3A_59 : memref<10352xi32, #tpu.memory_space<vmem>>[vector<16xi32>], vector<16xi32>,
    %add3A_129 = arith.constant 48 : i32
    %add3A_130 = arith.addi %reduce_max3A_25, %add3A_129 : i32
    %add3A_131 = vector.broadcast %add3A_130 : i32 to vector<16xi32>
    %add3A_132 = arith.addi %add3A_131, %iota3A : vector<16xi32>
    tpu.vector_store_idx %arg11[%add3A_132], %add3A_37 : memref<10352xi32, #tpu.memory_space<vmem>>[vector<16xi32>], vector<16xi32>,
    %add3A_133 = arith.constant 48 : i32
    %add3A_134 = arith.addi %reduce_max3A_33, %add3A_133 : i32
    %add3A_135 = vector.broadcast %add3A_134 : i32 to vector<16xi32>
    %add3A_136 = arith.addi %add3A_135, %iota3A : vector<16xi32>
    %sub3A_137 = arith.constant 10351 : i32
    %sub3A_138 = vector.broadcast %sub3A_137 : i32 to vector<16xi32>
    %sub3A_139 = arith.subi %sub3A_138, %add3A_136 : vector<16xi32>
    tpu.vector_store_idx %arg12[%sub3A_139], %add3A_59 : memref<10352xi32, #tpu.memory_space<vmem>>[vector<16xi32>], vector<16xi32>,
    %add3A_140 = arith.constant 48 : i32
    %add3A_141 = arith.addi %reduce_max3A_33, %add3A_140 : i32
    %add3A_142 = vector.broadcast %add3A_141 : i32 to vector<16xi32>
    %add3A_143 = arith.addi %add3A_142, %iota3A : vector<16xi32>
    %sub3A_144 = arith.constant 10351 : i32
    %sub3A_145 = vector.broadcast %sub3A_144 : i32 to vector<16xi32>
    %sub3A_146 = arith.subi %sub3A_145, %add3A_143 : vector<16xi32>
    tpu.vector_store_idx %arg11[%sub3A_146], %add3A_37 : memref<10352xi32, #tpu.memory_space<vmem>>[vector<16xi32>], vector<16xi32>,
    %add3A_147 = arith.constant 64 : i32
    %add3A_148 = arith.addi %reduce_max3A_25, %add3A_147 : i32
    %add3A_149 = vector.broadcast %add3A_148 : i32 to vector<16xi32>
    %add3A_150 = arith.addi %add3A_149, %iota3A : vector<16xi32>
    tpu.vector_store_idx %arg12[%add3A_150], %add3A_59 : memref<10352xi32, #tpu.memory_space<vmem>>[vector<16xi32>], vector<16xi32>,
    %add3A_151 = arith.constant 64 : i32
    %add3A_152 = arith.addi %reduce_max3A_25, %add3A_151 : i32
    %add3A_153 = vector.broadcast %add3A_152 : i32 to vector<16xi32>
    %add3A_154 = arith.addi %add3A_153, %iota3A : vector<16xi32>
    tpu.vector_store_idx %arg11[%add3A_154], %add3A_37 : memref<10352xi32, #tpu.memory_space<vmem>>[vector<16xi32>], vector<16xi32>,
    %add3A_155 = arith.constant 64 : i32
    %add3A_156 = arith.addi %reduce_max3A_33, %add3A_155 : i32
    %add3A_157 = vector.broadcast %add3A_156 : i32 to vector<16xi32>
    %add3A_158 = arith.addi %add3A_157, %iota3A : vector<16xi32>
    %sub3A_159 = arith.constant 10351 : i32
    %sub3A_160 = vector.broadcast %sub3A_159 : i32 to vector<16xi32>
    %sub3A_161 = arith.subi %sub3A_160, %add3A_158 : vector<16xi32>
    tpu.vector_store_idx %arg12[%sub3A_161], %add3A_59 : memref<10352xi32, #tpu.memory_space<vmem>>[vector<16xi32>], vector<16xi32>,
    %add3A_162 = arith.constant 64 : i32
    %add3A_163 = arith.addi %reduce_max3A_33, %add3A_162 : i32
    %add3A_164 = vector.broadcast %add3A_163 : i32 to vector<16xi32>
    %add3A_165 = arith.addi %add3A_164, %iota3A : vector<16xi32>
    %sub3A_166 = arith.constant 10351 : i32
    %sub3A_167 = vector.broadcast %sub3A_166 : i32 to vector<16xi32>
    %sub3A_168 = arith.subi %sub3A_167, %add3A_165 : vector<16xi32>
    tpu.vector_store_idx %arg11[%sub3A_168], %add3A_37 : memref<10352xi32, #tpu.memory_space<vmem>>[vector<16xi32>], vector<16xi32>,
    %add3A_169 = arith.constant 80 : i32
    %add3A_170 = arith.addi %reduce_max3A_25, %add3A_169 : i32
    %add3A_171 = vector.broadcast %add3A_170 : i32 to vector<16xi32>
    %add3A_172 = arith.addi %add3A_171, %iota3A : vector<16xi32>
    tpu.vector_store_idx %arg12[%add3A_172], %add3A_59 : memref<10352xi32, #tpu.memory_space<vmem>>[vector<16xi32>], vector<16xi32>,
    %add3A_173 = arith.constant 80 : i32
    %add3A_174 = arith.addi %reduce_max3A_25, %add3A_173 : i32
    %add3A_175 = vector.broadcast %add3A_174 : i32 to vector<16xi32>
    %add3A_176 = arith.addi %add3A_175, %iota3A : vector<16xi32>
    tpu.vector_store_idx %arg11[%add3A_176], %add3A_37 : memref<10352xi32, #tpu.memory_space<vmem>>[vector<16xi32>], vector<16xi32>,
    %add3A_177 = arith.constant 80 : i32
    %add3A_178 = arith.addi %reduce_max3A_33, %add3A_177 : i32
    %add3A_179 = vector.broadcast %add3A_178 : i32 to vector<16xi32>
    %add3A_180 = arith.addi %add3A_179, %iota3A : vector<16xi32>
    %sub3A_181 = arith.constant 10351 : i32
    %sub3A_182 = vector.broadcast %sub3A_181 : i32 to vector<16xi32>
    %sub3A_183 = arith.subi %sub3A_182, %add3A_180 : vector<16xi32>
    tpu.vector_store_idx %arg12[%sub3A_183], %add3A_59 : memref<10352xi32, #tpu.memory_space<vmem>>[vector<16xi32>], vector<16xi32>,
    %add3A_184 = arith.constant 80 : i32
    %add3A_185 = arith.addi %reduce_max3A_33, %add3A_184 : i32
    %add3A_186 = vector.broadcast %add3A_185 : i32 to vector<16xi32>
    %add3A_187 = arith.addi %add3A_186, %iota3A : vector<16xi32>
    %sub3A_188 = arith.constant 10351 : i32
    %sub3A_189 = vector.broadcast %sub3A_188 : i32 to vector<16xi32>
    %sub3A_190 = arith.subi %sub3A_189, %add3A_187 : vector<16xi32>
    tpu.vector_store_idx %arg11[%sub3A_190], %add3A_37 : memref<10352xi32, #tpu.memory_space<vmem>>[vector<16xi32>], vector<16xi32>,
    %add3A_191 = arith.constant 96 : i32
    %add3A_192 = arith.addi %reduce_max3A_25, %add3A_191 : i32
    %add3A_193 = vector.broadcast %add3A_192 : i32 to vector<16xi32>
    %add3A_194 = arith.addi %add3A_193, %iota3A : vector<16xi32>
    tpu.vector_store_idx %arg12[%add3A_194], %add3A_59 : memref<10352xi32, #tpu.memory_space<vmem>>[vector<16xi32>], vector<16xi32>,
    %add3A_195 = arith.constant 96 : i32
    %add3A_196 = arith.addi %reduce_max3A_25, %add3A_195 : i32
    %add3A_197 = vector.broadcast %add3A_196 : i32 to vector<16xi32>
    %add3A_198 = arith.addi %add3A_197, %iota3A : vector<16xi32>
    tpu.vector_store_idx %arg11[%add3A_198], %add3A_37 : memref<10352xi32, #tpu.memory_space<vmem>>[vector<16xi32>], vector<16xi32>,
    %add3A_199 = arith.constant 96 : i32
    %add3A_200 = arith.addi %reduce_max3A_33, %add3A_199 : i32
    %add3A_201 = vector.broadcast %add3A_200 : i32 to vector<16xi32>
    %add3A_202 = arith.addi %add3A_201, %iota3A : vector<16xi32>
    %sub3A_203 = arith.constant 10351 : i32
    %sub3A_204 = vector.broadcast %sub3A_203 : i32 to vector<16xi32>
    %sub3A_205 = arith.subi %sub3A_204, %add3A_202 : vector<16xi32>
    tpu.vector_store_idx %arg12[%sub3A_205], %add3A_59 : memref<10352xi32, #tpu.memory_space<vmem>>[vector<16xi32>], vector<16xi32>,
    %add3A_206 = arith.constant 96 : i32
    %add3A_207 = arith.addi %reduce_max3A_33, %add3A_206 : i32
    %add3A_208 = vector.broadcast %add3A_207 : i32 to vector<16xi32>
    %add3A_209 = arith.addi %add3A_208, %iota3A : vector<16xi32>
    %sub3A_210 = arith.constant 10351 : i32
    %sub3A_211 = vector.broadcast %sub3A_210 : i32 to vector<16xi32>
    %sub3A_212 = arith.subi %sub3A_211, %add3A_209 : vector<16xi32>
    tpu.vector_store_idx %arg11[%sub3A_212], %add3A_37 : memref<10352xi32, #tpu.memory_space<vmem>>[vector<16xi32>], vector<16xi32>,
    %add3A_213 = arith.constant 112 : i32
    %add3A_214 = arith.addi %reduce_max3A_25, %add3A_213 : i32
    %add3A_215 = vector.broadcast %add3A_214 : i32 to vector<16xi32>
    %add3A_216 = arith.addi %add3A_215, %iota3A : vector<16xi32>
    tpu.vector_store_idx %arg12[%add3A_216], %add3A_59 : memref<10352xi32, #tpu.memory_space<vmem>>[vector<16xi32>], vector<16xi32>,
    %add3A_217 = arith.constant 112 : i32
    %add3A_218 = arith.addi %reduce_max3A_25, %add3A_217 : i32
    %add3A_219 = vector.broadcast %add3A_218 : i32 to vector<16xi32>
    %add3A_220 = arith.addi %add3A_219, %iota3A : vector<16xi32>
    tpu.vector_store_idx %arg11[%add3A_220], %add3A_37 : memref<10352xi32, #tpu.memory_space<vmem>>[vector<16xi32>], vector<16xi32>,
    %add3A_221 = arith.constant 112 : i32
    %add3A_222 = arith.addi %reduce_max3A_33, %add3A_221 : i32
    %add3A_223 = vector.broadcast %add3A_222 : i32 to vector<16xi32>
    %add3A_224 = arith.addi %add3A_223, %iota3A : vector<16xi32>
    %sub3A_225 = arith.constant 10351 : i32
    %sub3A_226 = vector.broadcast %sub3A_225 : i32 to vector<16xi32>
    %sub3A_227 = arith.subi %sub3A_226, %add3A_224 : vector<16xi32>
    tpu.vector_store_idx %arg12[%sub3A_227], %add3A_59 : memref<10352xi32, #tpu.memory_space<vmem>>[vector<16xi32>], vector<16xi32>,
    %add3A_228 = arith.constant 112 : i32
    %add3A_229 = arith.addi %reduce_max3A_33, %add3A_228 : i32
    %add3A_230 = vector.broadcast %add3A_229 : i32 to vector<16xi32>
    %add3A_231 = arith.addi %add3A_230, %iota3A : vector<16xi32>
    %sub3A_232 = arith.constant 10351 : i32
    %sub3A_233 = vector.broadcast %sub3A_232 : i32 to vector<16xi32>
    %sub3A_234 = arith.subi %sub3A_233, %add3A_231 : vector<16xi32>
    tpu.vector_store_idx %arg11[%sub3A_234], %add3A_37 : memref<10352xi32, #tpu.memory_space<vmem>>[vector<16xi32>], vector<16xi32>,
    %add3A_235 = arith.constant 128 : i32
    %add3A_236 = arith.addi %reduce_max3A_25, %add3A_235 : i32
    %add3A_237 = vector.broadcast %add3A_236 : i32 to vector<16xi32>
    %add3A_238 = arith.addi %add3A_237, %iota3A : vector<16xi32>
    tpu.vector_store_idx %arg12[%add3A_238], %add3A_59 : memref<10352xi32, #tpu.memory_space<vmem>>[vector<16xi32>], vector<16xi32>,
    %add3A_239 = arith.constant 128 : i32
    %add3A_240 = arith.addi %reduce_max3A_25, %add3A_239 : i32
    %add3A_241 = vector.broadcast %add3A_240 : i32 to vector<16xi32>
    %add3A_242 = arith.addi %add3A_241, %iota3A : vector<16xi32>
    tpu.vector_store_idx %arg11[%add3A_242], %add3A_37 : memref<10352xi32, #tpu.memory_space<vmem>>[vector<16xi32>], vector<16xi32>,
    %add3A_243 = arith.constant 128 : i32
    %add3A_244 = arith.addi %reduce_max3A_33, %add3A_243 : i32
    %add3A_245 = vector.broadcast %add3A_244 : i32 to vector<16xi32>
    %add3A_246 = arith.addi %add3A_245, %iota3A : vector<16xi32>
    %sub3A_247 = arith.constant 10351 : i32
    %sub3A_248 = vector.broadcast %sub3A_247 : i32 to vector<16xi32>
    %sub3A_249 = arith.subi %sub3A_248, %add3A_246 : vector<16xi32>
    tpu.vector_store_idx %arg12[%sub3A_249], %add3A_59 : memref<10352xi32, #tpu.memory_space<vmem>>[vector<16xi32>], vector<16xi32>,
    %add3A_250 = arith.constant 128 : i32
    %add3A_251 = arith.addi %reduce_max3A_33, %add3A_250 : i32
    %add3A_252 = vector.broadcast %add3A_251 : i32 to vector<16xi32>
    %add3A_253 = arith.addi %add3A_252, %iota3A : vector<16xi32>
    %sub3A_254 = arith.constant 10351 : i32
    %sub3A_255 = vector.broadcast %sub3A_254 : i32 to vector<16xi32>
    %sub3A_256 = arith.subi %sub3A_255, %add3A_253 : vector<16xi32>
    tpu.vector_store_idx %arg11[%sub3A_256], %add3A_37 : memref<10352xi32, #tpu.memory_space<vmem>>[vector<16xi32>], vector<16xi32>,
    %add3A_257 = arith.constant 144 : i32
    %add3A_258 = arith.addi %reduce_max3A_25, %add3A_257 : i32
    %add3A_259 = vector.broadcast %add3A_258 : i32 to vector<16xi32>
    %add3A_260 = arith.addi %add3A_259, %iota3A : vector<16xi32>
    tpu.vector_store_idx %arg12[%add3A_260], %add3A_59 : memref<10352xi32, #tpu.memory_space<vmem>>[vector<16xi32>], vector<16xi32>,
    %add3A_261 = arith.constant 144 : i32
    %add3A_262 = arith.addi %reduce_max3A_25, %add3A_261 : i32
    %add3A_263 = vector.broadcast %add3A_262 : i32 to vector<16xi32>
    %add3A_264 = arith.addi %add3A_263, %iota3A : vector<16xi32>
    tpu.vector_store_idx %arg11[%add3A_264], %add3A_37 : memref<10352xi32, #tpu.memory_space<vmem>>[vector<16xi32>], vector<16xi32>,
    %add3A_265 = arith.constant 144 : i32
    %add3A_266 = arith.addi %reduce_max3A_33, %add3A_265 : i32
    %add3A_267 = vector.broadcast %add3A_266 : i32 to vector<16xi32>
    %add3A_268 = arith.addi %add3A_267, %iota3A : vector<16xi32>
    %sub3A_269 = arith.constant 10351 : i32
    %sub3A_270 = vector.broadcast %sub3A_269 : i32 to vector<16xi32>
    %sub3A_271 = arith.subi %sub3A_270, %add3A_268 : vector<16xi32>
    tpu.vector_store_idx %arg12[%sub3A_271], %add3A_59 : memref<10352xi32, #tpu.memory_space<vmem>>[vector<16xi32>], vector<16xi32>,
    %add3A_272 = arith.constant 144 : i32
    %add3A_273 = arith.addi %reduce_max3A_33, %add3A_272 : i32
    %add3A_274 = vector.broadcast %add3A_273 : i32 to vector<16xi32>
    %add3A_275 = arith.addi %add3A_274, %iota3A : vector<16xi32>
    %sub3A_276 = arith.constant 10351 : i32
    %sub3A_277 = vector.broadcast %sub3A_276 : i32 to vector<16xi32>
    %sub3A_278 = arith.subi %sub3A_277, %add3A_275 : vector<16xi32>
    tpu.vector_store_idx %arg11[%sub3A_278], %add3A_37 : memref<10352xi32, #tpu.memory_space<vmem>>[vector<16xi32>], vector<16xi32>,
    %add3A_279 = arith.constant 160 : i32
    %add3A_280 = arith.addi %reduce_max3A_25, %add3A_279 : i32
    %sub3A_281 = arith.constant 1 : i32
    %sub3A_282 = arith.subi %add3A_280, %sub3A_281 : i32
    %jit3A_283 = arith.constant 160 : i32
    %div3A = arith.divsi %sub3A_282, %jit3A_283 : i32
    %sign3A = arith.constant 0 : i32
    %sign3A_284 = arith.cmpi sgt, %sub3A_282, %sign3A : i32
    %sign3A_285 = arith.extui %sign3A_284 : i1 to i32
    %sign3A_286 = arith.constant 0 : i32
    %sign3A_287 = arith.cmpi slt, %sub3A_282, %sign3A_286 : i32
    %sign3A_288 = arith.extui %sign3A_287 : i1 to i32
    %sign3A_289 = arith.subi %sign3A_285, %sign3A_288 : i32
    %sign3A_290 = arith.constant 0 : i32
    %sign3A_291 = arith.cmpi sgt, %jit3A_283, %sign3A_290 : i32
    %sign3A_292 = arith.extui %sign3A_291 : i1 to i32
    %sign3A_293 = arith.constant 0 : i32
    %sign3A_294 = arith.cmpi slt, %jit3A_283, %sign3A_293 : i32
    %sign3A_295 = arith.extui %sign3A_294 : i1 to i32
    %sign3A_296 = arith.subi %sign3A_292, %sign3A_295 : i32
    %ne3A_297 = arith.cmpi ne, %sign3A_289, %sign3A_296 : i32
    %rem3A_298 = arith.remsi %sub3A_282, %jit3A_283 : i32
    %ne3A_299 = arith.constant 0 : i32
    %ne3A_300 = arith.cmpi ne, %rem3A_298, %ne3A_299 : i32
    %and3A_301 = arith.andi %ne3A_297, %ne3A_300 : i1
    %sub3A_302 = arith.constant 1 : i32
    %sub3A_303 = arith.subi %div3A, %sub3A_302 : i32
    %select_n3A_304 = arith.select %and3A_301, %sub3A_303, %div3A : i32
    %max3A = arith.constant 1 : i32
    %max3A_305 = arith.maxsi %select_n3A_304, %max3A : i32
    %add3A_306 = arith.constant 160 : i32
    %add3A_307 = arith.addi %reduce_max3A_33, %add3A_306 : i32
    %sub3A_308 = arith.constant 1 : i32
    %sub3A_309 = arith.subi %add3A_307, %sub3A_308 : i32
    %jit3A_310 = arith.constant 160 : i32
    %div3A_311 = arith.divsi %sub3A_309, %jit3A_310 : i32
    %sign3A_312 = arith.constant 0 : i32
    %sign3A_313 = arith.cmpi sgt, %sub3A_309, %sign3A_312 : i32
    %sign3A_314 = arith.extui %sign3A_313 : i1 to i32
    %sign3A_315 = arith.constant 0 : i32
    %sign3A_316 = arith.cmpi slt, %sub3A_309, %sign3A_315 : i32
    %sign3A_317 = arith.extui %sign3A_316 : i1 to i32
    %sign3A_318 = arith.subi %sign3A_314, %sign3A_317 : i32
    %sign3A_319 = arith.constant 0 : i32
    %sign3A_320 = arith.cmpi sgt, %jit3A_310, %sign3A_319 : i32
    %sign3A_321 = arith.extui %sign3A_320 : i1 to i32
    %sign3A_322 = arith.constant 0 : i32
    %sign3A_323 = arith.cmpi slt, %jit3A_310, %sign3A_322 : i32
    %sign3A_324 = arith.extui %sign3A_323 : i1 to i32
    %sign3A_325 = arith.subi %sign3A_321, %sign3A_324 : i32
    %ne3A_326 = arith.cmpi ne, %sign3A_318, %sign3A_325 : i32
    %rem3A_327 = arith.remsi %sub3A_309, %jit3A_310 : i32
    %ne3A_328 = arith.constant 0 : i32
    %ne3A_329 = arith.cmpi ne, %rem3A_327, %ne3A_328 : i32
    %and3A_330 = arith.andi %ne3A_326, %ne3A_329 : i1
    %sub3A_331 = arith.constant 1 : i32
    %sub3A_332 = arith.subi %div3A_311, %sub3A_331 : i32
    %select_n3A_333 = arith.select %and3A_330, %sub3A_332, %div3A_311 : i32
    %max3A_334 = arith.constant 1 : i32
    %max3A_335 = arith.maxsi %select_n3A_333, %max3A_334 : i32
    %mul3A_336 = arith.constant 5000 : i32
    %mul3A_337 = arith.muli %arg0, %mul3A_336 : i32
    %add3A_338 = arith.constant 0 : i32
    %add3A_339 = arith.addi %mul3A_337, %add3A_338 : i32
    %mul3A_340 = arith.constant 160 : i32
    %mul3A_341 = arith.muli %arg1, %mul3A_340 : i32
    "tpu.region"() ({
      %run_scoped3A = tpu.sem_alloc : memref<!tpu.dma_semaphore, #tpu.memory_space<semaphore_mem>>
      %dma_start3A_564 = arith.constant 0 : i32
      %dma_start3A_565 = tpu.memref_slice %arg22[%mul3A_341, %dma_start3A_564] : memref<2560x128xf32, #tpu.memory_space<vmem_shared>> -> memref<80x128xf32, #tpu.memory_space<vmem_shared>>
      %dma_start3A_566 = arith.constant 0 : i32
      %dma_start3A_567 = tpu.memref_slice %arg22[%mul3A_341, %dma_start3A_566] : memref<2560x128xf32, #tpu.memory_space<vmem_shared>> -> memref<80x128xf32, #tpu.memory_space<vmem_shared>>
      tpu.enqueue_dma source(%arg13 : memref<80x128xf32, #tpu.memory_space<vmem>>) target(%dma_start3A_567 : memref<80x128xf32, #tpu.memory_space<vmem_shared>>) target_semaphore(%run_scoped3A : memref<!tpu.dma_semaphore, #tpu.memory_space<semaphore_mem>>)
      %dma_wait3A = arith.constant 0 : i32
      %dma_wait3A_568 = tpu.memref_slice %arg22[%mul3A_341, %dma_wait3A] : memref<2560x128xf32, #tpu.memory_space<vmem_shared>> -> memref<80x128xf32, #tpu.memory_space<vmem_shared>>
      %dma_wait3A_569 = arith.constant 0 : i32
      %dma_wait3A_570 = tpu.memref_slice %arg22[%mul3A_341, %dma_wait3A_569] : memref<2560x128xf32, #tpu.memory_space<vmem_shared>> -> memref<80x128xf32, #tpu.memory_space<vmem_shared>>
      tpu.wait_dma2 semaphore(%run_scoped3A : memref<!tpu.dma_semaphore, #tpu.memory_space<semaphore_mem>>) src(%arg13 : memref<80x128xf32, #tpu.memory_space<vmem>>) dst(%dma_wait3A_570 : memref<80x128xf32, #tpu.memory_space<vmem_shared>>)
      tpu.yield
    }) : () -> ()
    %add3A_342 = arith.constant 80 : i32
    %add3A_343 = arith.addi %mul3A_341, %add3A_342 : i32
    "tpu.region"() ({
      %run_scoped3A = tpu.sem_alloc : memref<!tpu.dma_semaphore, #tpu.memory_space<semaphore_mem>>
      %dma_start3A_564 = arith.constant 0 : i32
      %dma_start3A_565 = tpu.memref_slice %arg22[%add3A_343, %dma_start3A_564] : memref<2560x128xf32, #tpu.memory_space<vmem_shared>> -> memref<80x128xf32, #tpu.memory_space<vmem_shared>>
      %dma_start3A_566 = arith.constant 0 : i32
      %dma_start3A_567 = tpu.memref_slice %arg22[%add3A_343, %dma_start3A_566] : memref<2560x128xf32, #tpu.memory_space<vmem_shared>> -> memref<80x128xf32, #tpu.memory_space<vmem_shared>>
      tpu.enqueue_dma source(%arg13 : memref<80x128xf32, #tpu.memory_space<vmem>>) target(%dma_start3A_567 : memref<80x128xf32, #tpu.memory_space<vmem_shared>>) target_semaphore(%run_scoped3A : memref<!tpu.dma_semaphore, #tpu.memory_space<semaphore_mem>>)
      %dma_wait3A = arith.constant 0 : i32
      %dma_wait3A_568 = tpu.memref_slice %arg22[%add3A_343, %dma_wait3A] : memref<2560x128xf32, #tpu.memory_space<vmem_shared>> -> memref<80x128xf32, #tpu.memory_space<vmem_shared>>
      %dma_wait3A_569 = arith.constant 0 : i32
      %dma_wait3A_570 = tpu.memref_slice %arg22[%add3A_343, %dma_wait3A_569] : memref<2560x128xf32, #tpu.memory_space<vmem_shared>> -> memref<80x128xf32, #tpu.memory_space<vmem_shared>>
      tpu.wait_dma2 semaphore(%run_scoped3A : memref<!tpu.dma_semaphore, #tpu.memory_space<semaphore_mem>>) src(%arg13 : memref<80x128xf32, #tpu.memory_space<vmem>>) dst(%dma_wait3A_570 : memref<80x128xf32, #tpu.memory_space<vmem_shared>>)
      tpu.yield
    }) : () -> ()
    "tpu.region"() ({
      %run_scoped3A = tpu.sem_alloc : memref<!tpu.dma_semaphore, #tpu.memory_space<semaphore_mem>>
      %dma_start3A_564 = arith.constant 0 : i32
      %dma_start3A_565 = tpu.memref_slice %arg23[%mul3A_341, %dma_start3A_564] : memref<2560x128xf32, #tpu.memory_space<vmem_shared>> -> memref<80x128xf32, #tpu.memory_space<vmem_shared>>
      %dma_start3A_566 = arith.constant 0 : i32
      %dma_start3A_567 = tpu.memref_slice %arg23[%mul3A_341, %dma_start3A_566] : memref<2560x128xf32, #tpu.memory_space<vmem_shared>> -> memref<80x128xf32, #tpu.memory_space<vmem_shared>>
      tpu.enqueue_dma source(%arg13 : memref<80x128xf32, #tpu.memory_space<vmem>>) target(%dma_start3A_567 : memref<80x128xf32, #tpu.memory_space<vmem_shared>>) target_semaphore(%run_scoped3A : memref<!tpu.dma_semaphore, #tpu.memory_space<semaphore_mem>>)
      %dma_wait3A = arith.constant 0 : i32
      %dma_wait3A_568 = tpu.memref_slice %arg23[%mul3A_341, %dma_wait3A] : memref<2560x128xf32, #tpu.memory_space<vmem_shared>> -> memref<80x128xf32, #tpu.memory_space<vmem_shared>>
      %dma_wait3A_569 = arith.constant 0 : i32
      %dma_wait3A_570 = tpu.memref_slice %arg23[%mul3A_341, %dma_wait3A_569] : memref<2560x128xf32, #tpu.memory_space<vmem_shared>> -> memref<80x128xf32, #tpu.memory_space<vmem_shared>>
      tpu.wait_dma2 semaphore(%run_scoped3A : memref<!tpu.dma_semaphore, #tpu.memory_space<semaphore_mem>>) src(%arg13 : memref<80x128xf32, #tpu.memory_space<vmem>>) dst(%dma_wait3A_570 : memref<80x128xf32, #tpu.memory_space<vmem_shared>>)
      tpu.yield
    }) : () -> ()
    %add3A_344 = arith.constant 80 : i32
    %add3A_345 = arith.addi %mul3A_341, %add3A_344 : i32
    "tpu.region"() ({
      %run_scoped3A = tpu.sem_alloc : memref<!tpu.dma_semaphore, #tpu.memory_space<semaphore_mem>>
      %dma_start3A_564 = arith.constant 0 : i32
      %dma_start3A_565 = tpu.memref_slice %arg23[%add3A_345, %dma_start3A_564] : memref<2560x128xf32, #tpu.memory_space<vmem_shared>> -> memref<80x128xf32, #tpu.memory_space<vmem_shared>>
      %dma_start3A_566 = arith.constant 0 : i32
      %dma_start3A_567 = tpu.memref_slice %arg23[%add3A_345, %dma_start3A_566] : memref<2560x128xf32, #tpu.memory_space<vmem_shared>> -> memref<80x128xf32, #tpu.memory_space<vmem_shared>>
      tpu.enqueue_dma source(%arg13 : memref<80x128xf32, #tpu.memory_space<vmem>>) target(%dma_start3A_567 : memref<80x128xf32, #tpu.memory_space<vmem_shared>>) target_semaphore(%run_scoped3A : memref<!tpu.dma_semaphore, #tpu.memory_space<semaphore_mem>>)
      %dma_wait3A = arith.constant 0 : i32
      %dma_wait3A_568 = tpu.memref_slice %arg23[%add3A_345, %dma_wait3A] : memref<2560x128xf32, #tpu.memory_space<vmem_shared>> -> memref<80x128xf32, #tpu.memory_space<vmem_shared>>
      %dma_wait3A_569 = arith.constant 0 : i32
      %dma_wait3A_570 = tpu.memref_slice %arg23[%add3A_345, %dma_wait3A_569] : memref<2560x128xf32, #tpu.memory_space<vmem_shared>> -> memref<80x128xf32, #tpu.memory_space<vmem_shared>>
      tpu.wait_dma2 semaphore(%run_scoped3A : memref<!tpu.dma_semaphore, #tpu.memory_space<semaphore_mem>>) src(%arg13 : memref<80x128xf32, #tpu.memory_space<vmem>>) dst(%dma_wait3A_570 : memref<80x128xf32, #tpu.memory_space<vmem_shared>>)
      tpu.yield
    }) : () -> ()
    "tpu.region"() ({
      %run_scoped3A = tpu.sem_alloc : memref<!tpu.dma_semaphore, #tpu.memory_space<semaphore_mem>>
      %dma_start3A_564 = arith.constant 0 : i32
      %dma_start3A_565 = tpu.memref_slice %arg24[%mul3A_341, %dma_start3A_564] : memref<2560x16xf32, #tpu.memory_space<vmem_shared>> -> memref<80x16xf32, #tpu.memory_space<vmem_shared>>
      %dma_start3A_566 = arith.constant 0 : i32
      %dma_start3A_567 = tpu.memref_slice %arg24[%mul3A_341, %dma_start3A_566] : memref<2560x16xf32, #tpu.memory_space<vmem_shared>> -> memref<80x16xf32, #tpu.memory_space<vmem_shared>>
      tpu.enqueue_dma source(%arg17 : memref<80x16xf32, #tpu.memory_space<vmem>>) target(%dma_start3A_567 : memref<80x16xf32, #tpu.memory_space<vmem_shared>>) target_semaphore(%run_scoped3A : memref<!tpu.dma_semaphore, #tpu.memory_space<semaphore_mem>>)
      %dma_wait3A = arith.constant 0 : i32
      %dma_wait3A_568 = tpu.memref_slice %arg24[%mul3A_341, %dma_wait3A] : memref<2560x16xf32, #tpu.memory_space<vmem_shared>> -> memref<80x16xf32, #tpu.memory_space<vmem_shared>>
      %dma_wait3A_569 = arith.constant 0 : i32
      %dma_wait3A_570 = tpu.memref_slice %arg24[%mul3A_341, %dma_wait3A_569] : memref<2560x16xf32, #tpu.memory_space<vmem_shared>> -> memref<80x16xf32, #tpu.memory_space<vmem_shared>>
      tpu.wait_dma2 semaphore(%run_scoped3A : memref<!tpu.dma_semaphore, #tpu.memory_space<semaphore_mem>>) src(%arg17 : memref<80x16xf32, #tpu.memory_space<vmem>>) dst(%dma_wait3A_570 : memref<80x16xf32, #tpu.memory_space<vmem_shared>>)
      tpu.yield
    }) : () -> ()
    %add3A_346 = arith.constant 80 : i32
    %add3A_347 = arith.addi %mul3A_341, %add3A_346 : i32
    "tpu.region"() ({
      %run_scoped3A = tpu.sem_alloc : memref<!tpu.dma_semaphore, #tpu.memory_space<semaphore_mem>>
      %dma_start3A_564 = arith.constant 0 : i32
      %dma_start3A_565 = tpu.memref_slice %arg24[%add3A_347, %dma_start3A_564] : memref<2560x16xf32, #tpu.memory_space<vmem_shared>> -> memref<80x16xf32, #tpu.memory_space<vmem_shared>>
      %dma_start3A_566 = arith.constant 0 : i32
      %dma_start3A_567 = tpu.memref_slice %arg24[%add3A_347, %dma_start3A_566] : memref<2560x16xf32, #tpu.memory_space<vmem_shared>> -> memref<80x16xf32, #tpu.memory_space<vmem_shared>>
      tpu.enqueue_dma source(%arg17 : memref<80x16xf32, #tpu.memory_space<vmem>>) target(%dma_start3A_567 : memref<80x16xf32, #tpu.memory_space<vmem_shared>>) target_semaphore(%run_scoped3A : memref<!tpu.dma_semaphore, #tpu.memory_space<semaphore_mem>>)
      %dma_wait3A = arith.constant 0 : i32
      %dma_wait3A_568 = tpu.memref_slice %arg24[%add3A_347, %dma_wait3A] : memref<2560x16xf32, #tpu.memory_space<vmem_shared>> -> memref<80x16xf32, #tpu.memory_space<vmem_shared>>
      %dma_wait3A_569 = arith.constant 0 : i32
      %dma_wait3A_570 = tpu.memref_slice %arg24[%add3A_347, %dma_wait3A_569] : memref<2560x16xf32, #tpu.memory_space<vmem_shared>> -> memref<80x16xf32, #tpu.memory_space<vmem_shared>>
      tpu.wait_dma2 semaphore(%run_scoped3A : memref<!tpu.dma_semaphore, #tpu.memory_space<semaphore_mem>>) src(%arg17 : memref<80x16xf32, #tpu.memory_space<vmem>>) dst(%dma_wait3A_570 : memref<80x16xf32, #tpu.memory_space<vmem_shared>>)
      tpu.yield
    }) : () -> ()
    %scan3A_348 = arith.constant 0 : i32
    %scan3A_349 = arith.constant 0 : i32
    %scan3A_350 = arith.constant 80 : i32
    %scan3A_351 = arith.addi %scan3A_349, %scan3A_350 : i32
    %scan3A_352 = arith.constant 1 : i32
    scf.for %scan3A_564 = %scan3A_349 to %scan3A_351 step %scan3A_352  : i32 {
      %swap3A_565 = arith.index_cast %scan3A_564 : i32 to index
      %swap3A_566 = arith.constant 0 : index
      %swap3A_567 = tpu.vector_load %arg17[%swap3A_565, %swap3A_566] {strides = array<i32>} : memref<80x16xf32, #tpu.memory_space<vmem>>, vector<16xf32>,
      tpu.vector_store %arg17[%swap3A_565, %swap3A_566], %broadcast_in_dim3A_3 {strides = array<i32>} : memref<80x16xf32, #tpu.memory_space<vmem>>, vector<16xf32>,
    }
    %scan3A_353 = arith.constant 80 : i32
    %barrier3A = arith.constant 0 : index
    tpu.barrier barrier_id(%barrier3A)
    %mul3A_354 = arith.constant 0 : i32
    %mul3A_355 = arith.constant 80 : i32
    %mul3A_356 = arith.muli %mul3A_354, %mul3A_355 : i32
    %add3A_357 = arith.constant 0 : i32
    %add3A_358 = arith.addi %add3A_357, %mul3A_356 : i32
    %add3A_359 = arith.constant 0 : i32
    %add3A_360 = arith.addi %add3A_358, %add3A_359 : i32
    %get3A = arith.index_cast %add3A_360 : i32 to index
    %get3A_361 = tpu.vector_load %arg11[%get3A] {strides = array<i32>} : memref<10352xi32, #tpu.memory_space<vmem>>, vector<16xi32>,
    %swap3A = arith.constant 0 : index
    %swap3A_362 = tpu.vector_load %arg18[%swap3A] {strides = array<i32>} : memref<80xi32, #tpu.memory_space<vmem>>, vector<16xi32>,
    tpu.vector_store %arg18[%swap3A], %get3A_361 {strides = array<i32>} : memref<80xi32, #tpu.memory_space<vmem>>, vector<16xi32>,
    %add3A_363 = arith.constant 0 : i32
    %add3A_364 = arith.addi %add3A_358, %add3A_363 : i32
    %get3A_365 = arith.index_cast %add3A_364 : i32 to index
    %get3A_366 = tpu.vector_load %arg12[%get3A_365] {strides = array<i32>} : memref<10352xi32, #tpu.memory_space<vmem>>, vector<16xi32>,
    %swap3A_367 = arith.constant 0 : index
    %swap3A_368 = tpu.vector_load %arg20[%swap3A_367] {strides = array<i32>} : memref<80xi32, #tpu.memory_space<vmem>>, vector<16xi32>,
    tpu.vector_store %arg20[%swap3A_367], %get3A_366 {strides = array<i32>} : memref<80xi32, #tpu.memory_space<vmem>>, vector<16xi32>,
    %add3A_369 = arith.constant 16 : i32
    %add3A_370 = arith.addi %add3A_358, %add3A_369 : i32
    %get3A_371 = arith.index_cast %add3A_370 : i32 to index
    %get3A_372 = tpu.vector_load %arg11[%get3A_371] {strides = array<i32>} : memref<10352xi32, #tpu.memory_space<vmem>>, vector<16xi32>,
    %swap3A_373 = arith.constant 16 : index
    %swap3A_374 = tpu.vector_load %arg18[%swap3A_373] {strides = array<i32>} : memref<80xi32, #tpu.memory_space<vmem>>, vector<16xi32>,
    tpu.vector_store %arg18[%swap3A_373], %get3A_372 {strides = array<i32>} : memref<80xi32, #tpu.memory_space<vmem>>, vector<16xi32>,
    %add3A_375 = arith.constant 16 : i32
    %add3A_376 = arith.addi %add3A_358, %add3A_375 : i32
    %get3A_377 = arith.index_cast %add3A_376 : i32 to index
    %get3A_378 = tpu.vector_load %arg12[%get3A_377] {strides = array<i32>} : memref<10352xi32, #tpu.memory_space<vmem>>, vector<16xi32>,
    %swap3A_379 = arith.constant 16 : index
    %swap3A_380 = tpu.vector_load %arg20[%swap3A_379] {strides = array<i32>} : memref<80xi32, #tpu.memory_space<vmem>>, vector<16xi32>,
    tpu.vector_store %arg20[%swap3A_379], %get3A_378 {strides = array<i32>} : memref<80xi32, #tpu.memory_space<vmem>>, vector<16xi32>,
    %add3A_381 = arith.constant 32 : i32
    %add3A_382 = arith.addi %add3A_358, %add3A_381 : i32
    %get3A_383 = arith.index_cast %add3A_382 : i32 to index
    %get3A_384 = tpu.vector_load %arg11[%get3A_383] {strides = array<i32>} : memref<10352xi32, #tpu.memory_space<vmem>>, vector<16xi32>,
    %swap3A_385 = arith.constant 32 : index
    %swap3A_386 = tpu.vector_load %arg18[%swap3A_385] {strides = array<i32>} : memref<80xi32, #tpu.memory_space<vmem>>, vector<16xi32>,
    tpu.vector_store %arg18[%swap3A_385], %get3A_384 {strides = array<i32>} : memref<80xi32, #tpu.memory_space<vmem>>, vector<16xi32>,
    %add3A_387 = arith.constant 32 : i32
    %add3A_388 = arith.addi %add3A_358, %add3A_387 : i32
    %get3A_389 = arith.index_cast %add3A_388 : i32 to index
    %get3A_390 = tpu.vector_load %arg12[%get3A_389] {strides = array<i32>} : memref<10352xi32, #tpu.memory_space<vmem>>, vector<16xi32>,
    %swap3A_391 = arith.constant 32 : index
    %swap3A_392 = tpu.vector_load %arg20[%swap3A_391] {strides = array<i32>} : memref<80xi32, #tpu.memory_space<vmem>>, vector<16xi32>,
    tpu.vector_store %arg20[%swap3A_391], %get3A_390 {strides = array<i32>} : memref<80xi32, #tpu.memory_space<vmem>>, vector<16xi32>,
    %add3A_393 = arith.constant 48 : i32
    %add3A_394 = arith.addi %add3A_358, %add3A_393 : i32
    %get3A_395 = arith.index_cast %add3A_394 : i32 to index
    %get3A_396 = tpu.vector_load %arg11[%get3A_395] {strides = array<i32>} : memref<10352xi32, #tpu.memory_space<vmem>>, vector<16xi32>,
    %swap3A_397 = arith.constant 48 : index
    %swap3A_398 = tpu.vector_load %arg18[%swap3A_397] {strides = array<i32>} : memref<80xi32, #tpu.memory_space<vmem>>, vector<16xi32>,
    tpu.vector_store %arg18[%swap3A_397], %get3A_396 {strides = array<i32>} : memref<80xi32, #tpu.memory_space<vmem>>, vector<16xi32>,
    %add3A_399 = arith.constant 48 : i32
    %add3A_400 = arith.addi %add3A_358, %add3A_399 : i32
    %get3A_401 = arith.index_cast %add3A_400 : i32 to index
    %get3A_402 = tpu.vector_load %arg12[%get3A_401] {strides = array<i32>} : memref<10352xi32, #tpu.memory_space<vmem>>, vector<16xi32>,
    %swap3A_403 = arith.constant 48 : index
    %swap3A_404 = tpu.vector_load %arg20[%swap3A_403] {strides = array<i32>} : memref<80xi32, #tpu.memory_space<vmem>>, vector<16xi32>,
    tpu.vector_store %arg20[%swap3A_403], %get3A_402 {strides = array<i32>} : memref<80xi32, #tpu.memory_space<vmem>>, vector<16xi32>,
    %add3A_405 = arith.constant 64 : i32
    %add3A_406 = arith.addi %add3A_358, %add3A_405 : i32
    %get3A_407 = arith.index_cast %add3A_406 : i32 to index
    %get3A_408 = tpu.vector_load %arg11[%get3A_407] {strides = array<i32>} : memref<10352xi32, #tpu.memory_space<vmem>>, vector<16xi32>,
    %swap3A_409 = arith.constant 64 : index
    %swap3A_410 = tpu.vector_load %arg18[%swap3A_409] {strides = array<i32>} : memref<80xi32, #tpu.memory_space<vmem>>, vector<16xi32>,
    tpu.vector_store %arg18[%swap3A_409], %get3A_408 {strides = array<i32>} : memref<80xi32, #tpu.memory_space<vmem>>, vector<16xi32>,
    %add3A_411 = arith.constant 64 : i32
    %add3A_412 = arith.addi %add3A_358, %add3A_411 : i32
    %get3A_413 = arith.index_cast %add3A_412 : i32 to index
    %get3A_414 = tpu.vector_load %arg12[%get3A_413] {strides = array<i32>} : memref<10352xi32, #tpu.memory_space<vmem>>, vector<16xi32>,
    %swap3A_415 = arith.constant 64 : index
    %swap3A_416 = tpu.vector_load %arg20[%swap3A_415] {strides = array<i32>} : memref<80xi32, #tpu.memory_space<vmem>>, vector<16xi32>,
    tpu.vector_store %arg20[%swap3A_415], %get3A_414 {strides = array<i32>} : memref<80xi32, #tpu.memory_space<vmem>>, vector<16xi32>,
    %dma_start3A = arith.constant 0 : i32
    %dma_start3A_417 = arith.constant 0 : i32
    %dma_start3A_418 = tpu.memref_slice %arg2[%dma_start3A, %dma_start3A_417] : memref<10000x128xf32, #tpu.memory_space<hbm>> -> memref<10000x128xf32, #tpu.memory_space<hbm>>
    tpu.enqueue_indirect_dma source(%dma_start3A_418 : memref<10000x128xf32, #tpu.memory_space<hbm>>) target(%arg13 : memref<80x128xf32, #tpu.memory_space<vmem>>) offsets(%arg18 : memref<80xi32, #tpu.memory_space<vmem>>) semaphore(%arg25 : memref<!tpu.dma_semaphore, #tpu.memory_space<semaphore_mem>>)
    %dma_start3A_419 = arith.constant 0 : i32
    %dma_start3A_420 = arith.constant 0 : i32
    %dma_start3A_421 = tpu.memref_slice %arg3[%dma_start3A_419, %dma_start3A_420] : memref<10000x128xf32, #tpu.memory_space<hbm>> -> memref<10000x128xf32, #tpu.memory_space<hbm>>
    tpu.enqueue_indirect_dma source(%dma_start3A_421 : memref<10000x128xf32, #tpu.memory_space<hbm>>) target(%arg14 : memref<80x128xf32, #tpu.memory_space<vmem>>) offsets(%arg18 : memref<80xi32, #tpu.memory_space<vmem>>) semaphore(%arg26 : memref<!tpu.dma_semaphore, #tpu.memory_space<semaphore_mem>>)
    %while3A = arith.constant 0 : i32
    %while3A_422 = arith.constant 0 : i32
    %while3A_423 = arith.constant 0 : i32
    %while3A_424 = arith.subi %max3A_305, %while3A_423 : i32
    %while3A_425 = arith.addi %while3A_423, %while3A_424 : i32
    %while3A_426 = arith.constant 1 : i32
    %while3A_427 = arith.divsi %while3A_424, %while3A_426 : i32
    %while3A_428 = arith.muli %while3A_427, %while3A_426 : i32
    %while3A_429 = arith.addi %while3A_423, %while3A_428 : i32
    %while3A_430 = arith.constant 1 : i32
    scf.for %while3A_564 = %while3A_423 to %while3A_429 step %while3A_430  : i32 {
      %mul3A_565 = arith.constant 2 : i32
      %mul3A_566 = arith.muli %mul3A_565, %while3A_564 : i32
      %add3A_567 = arith.constant 1 : i32
      %add3A_568 = arith.addi %mul3A_566, %add3A_567 : i32
      %mul3A_569 = arith.constant 80 : i32
      %mul3A_570 = arith.muli %add3A_568, %mul3A_569 : i32
      %add3A_571 = arith.addi %while3A_422, %mul3A_570 : i32
      %add3A_572 = arith.constant 0 : i32
      %add3A_573 = arith.addi %add3A_571, %add3A_572 : i32
      %get3A_574 = arith.index_cast %add3A_573 : i32 to index
      %get3A_575 = tpu.vector_load %arg11[%get3A_574] {strides = array<i32>} : memref<10352xi32, #tpu.memory_space<vmem>>, vector<16xi32>,
      %swap3A_576 = arith.constant 0 : index
      %swap3A_577 = tpu.vector_load %arg19[%swap3A_576] {strides = array<i32>} : memref<80xi32, #tpu.memory_space<vmem>>, vector<16xi32>,
      tpu.vector_store %arg19[%swap3A_576], %get3A_575 {strides = array<i32>} : memref<80xi32, #tpu.memory_space<vmem>>, vector<16xi32>,
      %add3A_578 = arith.constant 0 : i32
      %add3A_579 = arith.addi %add3A_571, %add3A_578 : i32
      %get3A_580 = arith.index_cast %add3A_579 : i32 to index
      %get3A_581 = tpu.vector_load %arg12[%get3A_580] {strides = array<i32>} : memref<10352xi32, #tpu.memory_space<vmem>>, vector<16xi32>,
      %swap3A_582 = arith.constant 0 : index
      %swap3A_583 = tpu.vector_load %arg21[%swap3A_582] {strides = array<i32>} : memref<80xi32, #tpu.memory_space<vmem>>, vector<16xi32>,
      tpu.vector_store %arg21[%swap3A_582], %get3A_581 {strides = array<i32>} : memref<80xi32, #tpu.memory_space<vmem>>, vector<16xi32>,
      %add3A_584 = arith.constant 16 : i32
      %add3A_585 = arith.addi %add3A_571, %add3A_584 : i32
      %get3A_586 = arith.index_cast %add3A_585 : i32 to index
      %get3A_587 = tpu.vector_load %arg11[%get3A_586] {strides = array<i32>} : memref<10352xi32, #tpu.memory_space<vmem>>, vector<16xi32>,
      %swap3A_588 = arith.constant 16 : index
      %swap3A_589 = tpu.vector_load %arg19[%swap3A_588] {strides = array<i32>} : memref<80xi32, #tpu.memory_space<vmem>>, vector<16xi32>,
      tpu.vector_store %arg19[%swap3A_588], %get3A_587 {strides = array<i32>} : memref<80xi32, #tpu.memory_space<vmem>>, vector<16xi32>,
      %add3A_590 = arith.constant 16 : i32
      %add3A_591 = arith.addi %add3A_571, %add3A_590 : i32
      %get3A_592 = arith.index_cast %add3A_591 : i32 to index
      %get3A_593 = tpu.vector_load %arg12[%get3A_592] {strides = array<i32>} : memref<10352xi32, #tpu.memory_space<vmem>>, vector<16xi32>,
      %swap3A_594 = arith.constant 16 : index
      %swap3A_595 = tpu.vector_load %arg21[%swap3A_594] {strides = array<i32>} : memref<80xi32, #tpu.memory_space<vmem>>, vector<16xi32>,
      tpu.vector_store %arg21[%swap3A_594], %get3A_593 {strides = array<i32>} : memref<80xi32, #tpu.memory_space<vmem>>, vector<16xi32>,
      %add3A_596 = arith.constant 32 : i32
      %add3A_597 = arith.addi %add3A_571, %add3A_596 : i32
      %get3A_598 = arith.index_cast %add3A_597 : i32 to index
      %get3A_599 = tpu.vector_load %arg11[%get3A_598] {strides = array<i32>} : memref<10352xi32, #tpu.memory_space<vmem>>, vector<16xi32>,
      %swap3A_600 = arith.constant 32 : index
      %swap3A_601 = tpu.vector_load %arg19[%swap3A_600] {strides = array<i32>} : memref<80xi32, #tpu.memory_space<vmem>>, vector<16xi32>,
      tpu.vector_store %arg19[%swap3A_600], %get3A_599 {strides = array<i32>} : memref<80xi32, #tpu.memory_space<vmem>>, vector<16xi32>,
      %add3A_602 = arith.constant 32 : i32
      %add3A_603 = arith.addi %add3A_571, %add3A_602 : i32
      %get3A_604 = arith.index_cast %add3A_603 : i32 to index
      %get3A_605 = tpu.vector_load %arg12[%get3A_604] {strides = array<i32>} : memref<10352xi32, #tpu.memory_space<vmem>>, vector<16xi32>,
      %swap3A_606 = arith.constant 32 : index
      %swap3A_607 = tpu.vector_load %arg21[%swap3A_606] {strides = array<i32>} : memref<80xi32, #tpu.memory_space<vmem>>, vector<16xi32>,
      tpu.vector_store %arg21[%swap3A_606], %get3A_605 {strides = array<i32>} : memref<80xi32, #tpu.memory_space<vmem>>, vector<16xi32>,
      %add3A_608 = arith.constant 48 : i32
      %add3A_609 = arith.addi %add3A_571, %add3A_608 : i32
      %get3A_610 = arith.index_cast %add3A_609 : i32 to index
      %get3A_611 = tpu.vector_load %arg11[%get3A_610] {strides = array<i32>} : memref<10352xi32, #tpu.memory_space<vmem>>, vector<16xi32>,
      %swap3A_612 = arith.constant 48 : index
      %swap3A_613 = tpu.vector_load %arg19[%swap3A_612] {strides = array<i32>} : memref<80xi32, #tpu.memory_space<vmem>>, vector<16xi32>,
      tpu.vector_store %arg19[%swap3A_612], %get3A_611 {strides = array<i32>} : memref<80xi32, #tpu.memory_space<vmem>>, vector<16xi32>,
      %add3A_614 = arith.constant 48 : i32
      %add3A_615 = arith.addi %add3A_571, %add3A_614 : i32
      %get3A_616 = arith.index_cast %add3A_615 : i32 to index
      %get3A_617 = tpu.vector_load %arg12[%get3A_616] {strides = array<i32>} : memref<10352xi32, #tpu.memory_space<vmem>>, vector<16xi32>,
      %swap3A_618 = arith.constant 48 : index
      %swap3A_619 = tpu.vector_load %arg21[%swap3A_618] {strides = array<i32>} : memref<80xi32, #tpu.memory_space<vmem>>, vector<16xi32>,
      tpu.vector_store %arg21[%swap3A_618], %get3A_617 {strides = array<i32>} : memref<80xi32, #tpu.memory_space<vmem>>, vector<16xi32>,
      %add3A_620 = arith.constant 64 : i32
      %add3A_621 = arith.addi %add3A_571, %add3A_620 : i32
      %get3A_622 = arith.index_cast %add3A_621 : i32 to index
      %get3A_623 = tpu.vector_load %arg11[%get3A_622] {strides = array<i32>} : memref<10352xi32, #tpu.memory_space<vmem>>, vector<16xi32>,
      %swap3A_624 = arith.constant 64 : index
      %swap3A_625 = tpu.vector_load %arg19[%swap3A_624] {strides = array<i32>} : memref<80xi32, #tpu.memory_space<vmem>>, vector<16xi32>,
      tpu.vector_store %arg19[%swap3A_624], %get3A_623 {strides = array<i32>} : memref<80xi32, #tpu.memory_space<vmem>>, vector<16xi32>,
      %add3A_626 = arith.constant 64 : i32
      %add3A_627 = arith.addi %add3A_571, %add3A_626 : i32
      %get3A_628 = arith.index_cast %add3A_627 : i32 to index
      %get3A_629 = tpu.vector_load %arg12[%get3A_628] {strides = array<i32>} : memref<10352xi32, #tpu.memory_space<vmem>>, vector<16xi32>,
      %swap3A_630 = arith.constant 64 : index
      %swap3A_631 = tpu.vector_load %arg21[%swap3A_630] {strides = array<i32>} : memref<80xi32, #tpu.memory_space<vmem>>, vector<16xi32>,
      tpu.vector_store %arg21[%swap3A_630], %get3A_629 {strides = array<i32>} : memref<80xi32, #tpu.memory_space<vmem>>, vector<16xi32>,
      %dma_start3A_632 = arith.constant 0 : i32
      %dma_start3A_633 = arith.constant 0 : i32
      %dma_start3A_634 = tpu.memref_slice %arg2[%dma_start3A_632, %dma_start3A_633] : memref<10000x128xf32, #tpu.memory_space<hbm>> -> memref<10000x128xf32, #tpu.memory_space<hbm>>
      tpu.enqueue_indirect_dma source(%dma_start3A_634 : memref<10000x128xf32, #tpu.memory_space<hbm>>) target(%arg15 : memref<80x128xf32, #tpu.memory_space<vmem>>) offsets(%arg19 : memref<80xi32, #tpu.memory_space<vmem>>) semaphore(%arg27 : memref<!tpu.dma_semaphore, #tpu.memory_space<semaphore_mem>>)
      %dma_start3A_635 = arith.constant 0 : i32
      %dma_start3A_636 = arith.constant 0 : i32
      %dma_start3A_637 = tpu.memref_slice %arg3[%dma_start3A_635, %dma_start3A_636] : memref<10000x128xf32, #tpu.memory_space<hbm>> -> memref<10000x128xf32, #tpu.memory_space<hbm>>
      tpu.enqueue_indirect_dma source(%dma_start3A_637 : memref<10000x128xf32, #tpu.memory_space<hbm>>) target(%arg16 : memref<80x128xf32, #tpu.memory_space<vmem>>) offsets(%arg19 : memref<80xi32, #tpu.memory_space<vmem>>) semaphore(%arg28 : memref<!tpu.dma_semaphore, #tpu.memory_space<semaphore_mem>>)
      %dma_wait3A = arith.constant 0 : i32
      %dma_wait3A_638 = arith.constant 0 : i32
      %dma_wait3A_639 = tpu.memref_slice %arg2[%dma_wait3A, %dma_wait3A_638] : memref<10000x128xf32, #tpu.memory_space<hbm>> -> memref<10000x128xf32, #tpu.memory_space<hbm>>
      tpu.wait_indirect_dma semaphore(%arg25 : memref<!tpu.dma_semaphore, #tpu.memory_space<semaphore_mem>>) src(%dma_wait3A_639 : memref<10000x128xf32, #tpu.memory_space<hbm>>) dst(%arg13 : memref<80x128xf32, #tpu.memory_space<vmem>>)
      %dma_wait3A_640 = arith.constant 0 : i32
      %dma_wait3A_641 = arith.constant 0 : i32
      %dma_wait3A_642 = tpu.memref_slice %arg3[%dma_wait3A_640, %dma_wait3A_641] : memref<10000x128xf32, #tpu.memory_space<hbm>> -> memref<10000x128xf32, #tpu.memory_space<hbm>>
      tpu.wait_indirect_dma semaphore(%arg26 : memref<!tpu.dma_semaphore, #tpu.memory_space<semaphore_mem>>) src(%dma_wait3A_642 : memref<10000x128xf32, #tpu.memory_space<hbm>>) dst(%arg14 : memref<80x128xf32, #tpu.memory_space<vmem>>)
      %dma_start3A_643 = arith.constant 0 : i32
      %dma_start3A_644 = arith.constant 0 : i32
      %dma_start3A_645 = tpu.memref_slice %arg22[%dma_start3A_643, %dma_start3A_644] : memref<2560x128xf32, #tpu.memory_space<vmem_shared>> -> memref<2560x128xf32, #tpu.memory_space<vmem_shared>>
      tpu.enqueue_indirect_dma source(%arg13 : memref<80x128xf32, #tpu.memory_space<vmem>>) target(%dma_start3A_645 : memref<2560x128xf32, #tpu.memory_space<vmem_shared>>) offsets(%arg20 : memref<80xi32, #tpu.memory_space<vmem>>) semaphore(%arg29 : memref<!tpu.dma_semaphore, #tpu.memory_space<semaphore_mem>>) {add = true}
      %dma_start3A_646 = arith.constant 0 : i32
      %dma_start3A_647 = arith.constant 0 : i32
      %dma_start3A_648 = tpu.memref_slice %arg23[%dma_start3A_646, %dma_start3A_647] : memref<2560x128xf32, #tpu.memory_space<vmem_shared>> -> memref<2560x128xf32, #tpu.memory_space<vmem_shared>>
      tpu.enqueue_indirect_dma source(%arg14 : memref<80x128xf32, #tpu.memory_space<vmem>>) target(%dma_start3A_648 : memref<2560x128xf32, #tpu.memory_space<vmem_shared>>) offsets(%arg20 : memref<80xi32, #tpu.memory_space<vmem>>) semaphore(%arg29 : memref<!tpu.dma_semaphore, #tpu.memory_space<semaphore_mem>>) {add = true}
      %dma_start3A_649 = arith.constant 0 : i32
      %dma_start3A_650 = arith.constant 0 : i32
      %dma_start3A_651 = tpu.memref_slice %arg24[%dma_start3A_649, %dma_start3A_650] : memref<2560x16xf32, #tpu.memory_space<vmem_shared>> -> memref<2560x16xf32, #tpu.memory_space<vmem_shared>>
      tpu.enqueue_indirect_dma source(%arg17 : memref<80x16xf32, #tpu.memory_space<vmem>>) target(%dma_start3A_651 : memref<2560x16xf32, #tpu.memory_space<vmem_shared>>) offsets(%arg20 : memref<80xi32, #tpu.memory_space<vmem>>) semaphore(%arg29 : memref<!tpu.dma_semaphore, #tpu.memory_space<semaphore_mem>>) {add = true}
      %dma_wait3A_652 = arith.constant 0 : i32
      %dma_wait3A_653 = arith.constant 0 : i32
      %dma_wait3A_654 = tpu.memref_slice %arg22[%dma_wait3A_652, %dma_wait3A_653] : memref<2560x128xf32, #tpu.memory_space<vmem_shared>> -> memref<2560x128xf32, #tpu.memory_space<vmem_shared>>
      tpu.wait_indirect_dma semaphore(%arg29 : memref<!tpu.dma_semaphore, #tpu.memory_space<semaphore_mem>>) src(%arg13 : memref<80x128xf32, #tpu.memory_space<vmem>>) dst(%dma_wait3A_654 : memref<2560x128xf32, #tpu.memory_space<vmem_shared>>)
      %dma_wait3A_655 = arith.constant 0 : i32
      %dma_wait3A_656 = arith.constant 0 : i32
      %dma_wait3A_657 = tpu.memref_slice %arg23[%dma_wait3A_655, %dma_wait3A_656] : memref<2560x128xf32, #tpu.memory_space<vmem_shared>> -> memref<2560x128xf32, #tpu.memory_space<vmem_shared>>
      tpu.wait_indirect_dma semaphore(%arg29 : memref<!tpu.dma_semaphore, #tpu.memory_space<semaphore_mem>>) src(%arg14 : memref<80x128xf32, #tpu.memory_space<vmem>>) dst(%dma_wait3A_657 : memref<2560x128xf32, #tpu.memory_space<vmem_shared>>)
      %dma_wait3A_658 = arith.constant 0 : i32
      %dma_wait3A_659 = arith.constant 0 : i32
      %dma_wait3A_660 = tpu.memref_slice %arg24[%dma_wait3A_658, %dma_wait3A_659] : memref<2560x16xf32, #tpu.memory_space<vmem_shared>> -> memref<2560x16xf32, #tpu.memory_space<vmem_shared>>
      tpu.wait_indirect_dma semaphore(%arg29 : memref<!tpu.dma_semaphore, #tpu.memory_space<semaphore_mem>>) src(%arg17 : memref<80x16xf32, #tpu.memory_space<vmem>>) dst(%dma_wait3A_660 : memref<2560x16xf32, #tpu.memory_space<vmem_shared>>)
      %add3A_661 = arith.constant 1 : i32
      %add3A_662 = arith.addi %while3A_564, %add3A_661 : i32
      %lt3A_663 = arith.cmpi slt, %add3A_662, %max3A_305 : i32
      %convert_element_type3A_664 = arith.extui %lt3A_663 : i1 to i32
      %cond3A_665 = arith.constant 0 : i32
      %cond3A_666 = arith.cmpi ne, %convert_element_type3A_664, %cond3A_665 : i32
      scf.if %cond3A_666 {
        %mul3A_691 = arith.constant 2 : i32
        %mul3A_692 = arith.muli %mul3A_691, %while3A_564 : i32
        %add3A_693 = arith.constant 2 : i32
        %add3A_694 = arith.addi %mul3A_692, %add3A_693 : i32
        %mul3A_695 = arith.constant 80 : i32
        %mul3A_696 = arith.muli %add3A_694, %mul3A_695 : i32
        %add3A_697 = arith.addi %while3A_422, %mul3A_696 : i32
        %add3A_698 = arith.constant 0 : i32
        %add3A_699 = arith.addi %add3A_697, %add3A_698 : i32
        %get3A_700 = arith.index_cast %add3A_699 : i32 to index
        %get3A_701 = tpu.vector_load %arg11[%get3A_700] {strides = array<i32>} : memref<10352xi32, #tpu.memory_space<vmem>>, vector<16xi32>,
        %swap3A_702 = arith.constant 0 : index
        %swap3A_703 = tpu.vector_load %arg18[%swap3A_702] {strides = array<i32>} : memref<80xi32, #tpu.memory_space<vmem>>, vector<16xi32>,
        tpu.vector_store %arg18[%swap3A_702], %get3A_701 {strides = array<i32>} : memref<80xi32, #tpu.memory_space<vmem>>, vector<16xi32>,
        %add3A_704 = arith.constant 0 : i32
        %add3A_705 = arith.addi %add3A_697, %add3A_704 : i32
        %get3A_706 = arith.index_cast %add3A_705 : i32 to index
        %get3A_707 = tpu.vector_load %arg12[%get3A_706] {strides = array<i32>} : memref<10352xi32, #tpu.memory_space<vmem>>, vector<16xi32>,
        %swap3A_708 = arith.constant 0 : index
        %swap3A_709 = tpu.vector_load %arg20[%swap3A_708] {strides = array<i32>} : memref<80xi32, #tpu.memory_space<vmem>>, vector<16xi32>,
        tpu.vector_store %arg20[%swap3A_708], %get3A_707 {strides = array<i32>} : memref<80xi32, #tpu.memory_space<vmem>>, vector<16xi32>,
        %add3A_710 = arith.constant 16 : i32
        %add3A_711 = arith.addi %add3A_697, %add3A_710 : i32
        %get3A_712 = arith.index_cast %add3A_711 : i32 to index
        %get3A_713 = tpu.vector_load %arg11[%get3A_712] {strides = array<i32>} : memref<10352xi32, #tpu.memory_space<vmem>>, vector<16xi32>,
        %swap3A_714 = arith.constant 16 : index
        %swap3A_715 = tpu.vector_load %arg18[%swap3A_714] {strides = array<i32>} : memref<80xi32, #tpu.memory_space<vmem>>, vector<16xi32>,
        tpu.vector_store %arg18[%swap3A_714], %get3A_713 {strides = array<i32>} : memref<80xi32, #tpu.memory_space<vmem>>, vector<16xi32>,
        %add3A_716 = arith.constant 16 : i32
        %add3A_717 = arith.addi %add3A_697, %add3A_716 : i32
        %get3A_718 = arith.index_cast %add3A_717 : i32 to index
        %get3A_719 = tpu.vector_load %arg12[%get3A_718] {strides = array<i32>} : memref<10352xi32, #tpu.memory_space<vmem>>, vector<16xi32>,
        %swap3A_720 = arith.constant 16 : index
        %swap3A_721 = tpu.vector_load %arg20[%swap3A_720] {strides = array<i32>} : memref<80xi32, #tpu.memory_space<vmem>>, vector<16xi32>,
        tpu.vector_store %arg20[%swap3A_720], %get3A_719 {strides = array<i32>} : memref<80xi32, #tpu.memory_space<vmem>>, vector<16xi32>,
        %add3A_722 = arith.constant 32 : i32
        %add3A_723 = arith.addi %add3A_697, %add3A_722 : i32
        %get3A_724 = arith.index_cast %add3A_723 : i32 to index
        %get3A_725 = tpu.vector_load %arg11[%get3A_724] {strides = array<i32>} : memref<10352xi32, #tpu.memory_space<vmem>>, vector<16xi32>,
        %swap3A_726 = arith.constant 32 : index
        %swap3A_727 = tpu.vector_load %arg18[%swap3A_726] {strides = array<i32>} : memref<80xi32, #tpu.memory_space<vmem>>, vector<16xi32>,
        tpu.vector_store %arg18[%swap3A_726], %get3A_725 {strides = array<i32>} : memref<80xi32, #tpu.memory_space<vmem>>, vector<16xi32>,
        %add3A_728 = arith.constant 32 : i32
        %add3A_729 = arith.addi %add3A_697, %add3A_728 : i32
        %get3A_730 = arith.index_cast %add3A_729 : i32 to index
        %get3A_731 = tpu.vector_load %arg12[%get3A_730] {strides = array<i32>} : memref<10352xi32, #tpu.memory_space<vmem>>, vector<16xi32>,
        %swap3A_732 = arith.constant 32 : index
        %swap3A_733 = tpu.vector_load %arg20[%swap3A_732] {strides = array<i32>} : memref<80xi32, #tpu.memory_space<vmem>>, vector<16xi32>,
        tpu.vector_store %arg20[%swap3A_732], %get3A_731 {strides = array<i32>} : memref<80xi32, #tpu.memory_space<vmem>>, vector<16xi32>,
        %add3A_734 = arith.constant 48 : i32
        %add3A_735 = arith.addi %add3A_697, %add3A_734 : i32
        %get3A_736 = arith.index_cast %add3A_735 : i32 to index
        %get3A_737 = tpu.vector_load %arg11[%get3A_736] {strides = array<i32>} : memref<10352xi32, #tpu.memory_space<vmem>>, vector<16xi32>,
        %swap3A_738 = arith.constant 48 : index
        %swap3A_739 = tpu.vector_load %arg18[%swap3A_738] {strides = array<i32>} : memref<80xi32, #tpu.memory_space<vmem>>, vector<16xi32>,
        tpu.vector_store %arg18[%swap3A_738], %get3A_737 {strides = array<i32>} : memref<80xi32, #tpu.memory_space<vmem>>, vector<16xi32>,
        %add3A_740 = arith.constant 48 : i32
        %add3A_741 = arith.addi %add3A_697, %add3A_740 : i32
        %get3A_742 = arith.index_cast %add3A_741 : i32 to index
        %get3A_743 = tpu.vector_load %arg12[%get3A_742] {strides = array<i32>} : memref<10352xi32, #tpu.memory_space<vmem>>, vector<16xi32>,
        %swap3A_744 = arith.constant 48 : index
        %swap3A_745 = tpu.vector_load %arg20[%swap3A_744] {strides = array<i32>} : memref<80xi32, #tpu.memory_space<vmem>>, vector<16xi32>,
        tpu.vector_store %arg20[%swap3A_744], %get3A_743 {strides = array<i32>} : memref<80xi32, #tpu.memory_space<vmem>>, vector<16xi32>,
        %add3A_746 = arith.constant 64 : i32
        %add3A_747 = arith.addi %add3A_697, %add3A_746 : i32
        %get3A_748 = arith.index_cast %add3A_747 : i32 to index
        %get3A_749 = tpu.vector_load %arg11[%get3A_748] {strides = array<i32>} : memref<10352xi32, #tpu.memory_space<vmem>>, vector<16xi32>,
        %swap3A_750 = arith.constant 64 : index
        %swap3A_751 = tpu.vector_load %arg18[%swap3A_750] {strides = array<i32>} : memref<80xi32, #tpu.memory_space<vmem>>, vector<16xi32>,
        tpu.vector_store %arg18[%swap3A_750], %get3A_749 {strides = array<i32>} : memref<80xi32, #tpu.memory_space<vmem>>, vector<16xi32>,
        %add3A_752 = arith.constant 64 : i32
        %add3A_753 = arith.addi %add3A_697, %add3A_752 : i32
        %get3A_754 = arith.index_cast %add3A_753 : i32 to index
        %get3A_755 = tpu.vector_load %arg12[%get3A_754] {strides = array<i32>} : memref<10352xi32, #tpu.memory_space<vmem>>, vector<16xi32>,
        %swap3A_756 = arith.constant 64 : index
        %swap3A_757 = tpu.vector_load %arg20[%swap3A_756] {strides = array<i32>} : memref<80xi32, #tpu.memory_space<vmem>>, vector<16xi32>,
        tpu.vector_store %arg20[%swap3A_756], %get3A_755 {strides = array<i32>} : memref<80xi32, #tpu.memory_space<vmem>>, vector<16xi32>,
        %dma_start3A_758 = arith.constant 0 : i32
        %dma_start3A_759 = arith.constant 0 : i32
        %dma_start3A_760 = tpu.memref_slice %arg2[%dma_start3A_758, %dma_start3A_759] : memref<10000x128xf32, #tpu.memory_space<hbm>> -> memref<10000x128xf32, #tpu.memory_space<hbm>>
        tpu.enqueue_indirect_dma source(%dma_start3A_760 : memref<10000x128xf32, #tpu.memory_space<hbm>>) target(%arg13 : memref<80x128xf32, #tpu.memory_space<vmem>>) offsets(%arg18 : memref<80xi32, #tpu.memory_space<vmem>>) semaphore(%arg25 : memref<!tpu.dma_semaphore, #tpu.memory_space<semaphore_mem>>)
        %dma_start3A_761 = arith.constant 0 : i32
        %dma_start3A_762 = arith.constant 0 : i32
        %dma_start3A_763 = tpu.memref_slice %arg3[%dma_start3A_761, %dma_start3A_762] : memref<10000x128xf32, #tpu.memory_space<hbm>> -> memref<10000x128xf32, #tpu.memory_space<hbm>>
        tpu.enqueue_indirect_dma source(%dma_start3A_763 : memref<10000x128xf32, #tpu.memory_space<hbm>>) target(%arg14 : memref<80x128xf32, #tpu.memory_space<vmem>>) offsets(%arg18 : memref<80xi32, #tpu.memory_space<vmem>>) semaphore(%arg26 : memref<!tpu.dma_semaphore, #tpu.memory_space<semaphore_mem>>)
      } else {
      }
      %dma_wait3A_667 = arith.constant 0 : i32
      %dma_wait3A_668 = arith.constant 0 : i32
      %dma_wait3A_669 = tpu.memref_slice %arg2[%dma_wait3A_667, %dma_wait3A_668] : memref<10000x128xf32, #tpu.memory_space<hbm>> -> memref<10000x128xf32, #tpu.memory_space<hbm>>
      tpu.wait_indirect_dma semaphore(%arg27 : memref<!tpu.dma_semaphore, #tpu.memory_space<semaphore_mem>>) src(%dma_wait3A_669 : memref<10000x128xf32, #tpu.memory_space<hbm>>) dst(%arg15 : memref<80x128xf32, #tpu.memory_space<vmem>>)
      %dma_wait3A_670 = arith.constant 0 : i32
      %dma_wait3A_671 = arith.constant 0 : i32
      %dma_wait3A_672 = tpu.memref_slice %arg3[%dma_wait3A_670, %dma_wait3A_671] : memref<10000x128xf32, #tpu.memory_space<hbm>> -> memref<10000x128xf32, #tpu.memory_space<hbm>>
      tpu.wait_indirect_dma semaphore(%arg28 : memref<!tpu.dma_semaphore, #tpu.memory_space<semaphore_mem>>) src(%dma_wait3A_672 : memref<10000x128xf32, #tpu.memory_space<hbm>>) dst(%arg16 : memref<80x128xf32, #tpu.memory_space<vmem>>)
      %dma_start3A_673 = arith.constant 0 : i32
      %dma_start3A_674 = arith.constant 0 : i32
      %dma_start3A_675 = tpu.memref_slice %arg22[%dma_start3A_673, %dma_start3A_674] : memref<2560x128xf32, #tpu.memory_space<vmem_shared>> -> memref<2560x128xf32, #tpu.memory_space<vmem_shared>>
      tpu.enqueue_indirect_dma source(%arg15 : memref<80x128xf32, #tpu.memory_space<vmem>>) target(%dma_start3A_675 : memref<2560x128xf32, #tpu.memory_space<vmem_shared>>) offsets(%arg21 : memref<80xi32, #tpu.memory_space<vmem>>) semaphore(%arg30 : memref<!tpu.dma_semaphore, #tpu.memory_space<semaphore_mem>>) {add = true}
      %dma_start3A_676 = arith.constant 0 : i32
      %dma_start3A_677 = arith.constant 0 : i32
      %dma_start3A_678 = tpu.memref_slice %arg23[%dma_start3A_676, %dma_start3A_677] : memref<2560x128xf32, #tpu.memory_space<vmem_shared>> -> memref<2560x128xf32, #tpu.memory_space<vmem_shared>>
      tpu.enqueue_indirect_dma source(%arg16 : memref<80x128xf32, #tpu.memory_space<vmem>>) target(%dma_start3A_678 : memref<2560x128xf32, #tpu.memory_space<vmem_shared>>) offsets(%arg21 : memref<80xi32, #tpu.memory_space<vmem>>) semaphore(%arg30 : memref<!tpu.dma_semaphore, #tpu.memory_space<semaphore_mem>>) {add = true}
      %dma_start3A_679 = arith.constant 0 : i32
      %dma_start3A_680 = arith.constant 0 : i32
      %dma_start3A_681 = tpu.memref_slice %arg24[%dma_start3A_679, %dma_start3A_680] : memref<2560x16xf32, #tpu.memory_space<vmem_shared>> -> memref<2560x16xf32, #tpu.memory_space<vmem_shared>>
      tpu.enqueue_indirect_dma source(%arg17 : memref<80x16xf32, #tpu.memory_space<vmem>>) target(%dma_start3A_681 : memref<2560x16xf32, #tpu.memory_space<vmem_shared>>) offsets(%arg21 : memref<80xi32, #tpu.memory_space<vmem>>) semaphore(%arg30 : memref<!tpu.dma_semaphore, #tpu.memory_space<semaphore_mem>>) {add = true}
      %dma_wait3A_682 = arith.constant 0 : i32
      %dma_wait3A_683 = arith.constant 0 : i32
      %dma_wait3A_684 = tpu.memref_slice %arg22[%dma_wait3A_682, %dma_wait3A_683] : memref<2560x128xf32, #tpu.memory_space<vmem_shared>> -> memref<2560x128xf32, #tpu.memory_space<vmem_shared>>
      tpu.wait_indirect_dma semaphore(%arg30 : memref<!tpu.dma_semaphore, #tpu.memory_space<semaphore_mem>>) src(%arg15 : memref<80x128xf32, #tpu.memory_space<vmem>>) dst(%dma_wait3A_684 : memref<2560x128xf32, #tpu.memory_space<vmem_shared>>)
      %dma_wait3A_685 = arith.constant 0 : i32
      %dma_wait3A_686 = arith.constant 0 : i32
      %dma_wait3A_687 = tpu.memref_slice %arg23[%dma_wait3A_685, %dma_wait3A_686] : memref<2560x128xf32, #tpu.memory_space<vmem_shared>> -> memref<2560x128xf32, #tpu.memory_space<vmem_shared>>
      tpu.wait_indirect_dma semaphore(%arg30 : memref<!tpu.dma_semaphore, #tpu.memory_space<semaphore_mem>>) src(%arg16 : memref<80x128xf32, #tpu.memory_space<vmem>>) dst(%dma_wait3A_687 : memref<2560x128xf32, #tpu.memory_space<vmem_shared>>)
      %dma_wait3A_688 = arith.constant 0 : i32
      %dma_wait3A_689 = arith.constant 0 : i32
      %dma_wait3A_690 = tpu.memref_slice %arg24[%dma_wait3A_688, %dma_wait3A_689] : memref<2560x16xf32, #tpu.memory_space<vmem_shared>> -> memref<2560x16xf32, #tpu.memory_space<vmem_shared>>
      tpu.wait_indirect_dma semaphore(%arg30 : memref<!tpu.dma_semaphore, #tpu.memory_space<semaphore_mem>>) src(%arg17 : memref<80x16xf32, #tpu.memory_space<vmem>>) dst(%dma_wait3A_690 : memref<2560x16xf32, #tpu.memory_space<vmem_shared>>)
    }
    %while3A_431 = arith.constant 1 : i32
    scf.for %while3A_564 = %while3A_429 to %while3A_425 step %while3A_431  : i32 {
      %mul3A_565 = arith.constant 2 : i32
      %mul3A_566 = arith.muli %mul3A_565, %while3A_564 : i32
      %add3A_567 = arith.constant 1 : i32
      %add3A_568 = arith.addi %mul3A_566, %add3A_567 : i32
      %mul3A_569 = arith.constant 80 : i32
      %mul3A_570 = arith.muli %add3A_568, %mul3A_569 : i32
      %add3A_571 = arith.addi %while3A_422, %mul3A_570 : i32
      %add3A_572 = arith.constant 0 : i32
      %add3A_573 = arith.addi %add3A_571, %add3A_572 : i32
      %get3A_574 = arith.index_cast %add3A_573 : i32 to index
      %get3A_575 = tpu.vector_load %arg11[%get3A_574] {strides = array<i32>} : memref<10352xi32, #tpu.memory_space<vmem>>, vector<16xi32>,
      %swap3A_576 = arith.constant 0 : index
      %swap3A_577 = tpu.vector_load %arg19[%swap3A_576] {strides = array<i32>} : memref<80xi32, #tpu.memory_space<vmem>>, vector<16xi32>,
      tpu.vector_store %arg19[%swap3A_576], %get3A_575 {strides = array<i32>} : memref<80xi32, #tpu.memory_space<vmem>>, vector<16xi32>,
      %add3A_578 = arith.constant 0 : i32
      %add3A_579 = arith.addi %add3A_571, %add3A_578 : i32
      %get3A_580 = arith.index_cast %add3A_579 : i32 to index
      %get3A_581 = tpu.vector_load %arg12[%get3A_580] {strides = array<i32>} : memref<10352xi32, #tpu.memory_space<vmem>>, vector<16xi32>,
      %swap3A_582 = arith.constant 0 : index
      %swap3A_583 = tpu.vector_load %arg21[%swap3A_582] {strides = array<i32>} : memref<80xi32, #tpu.memory_space<vmem>>, vector<16xi32>,
      tpu.vector_store %arg21[%swap3A_582], %get3A_581 {strides = array<i32>} : memref<80xi32, #tpu.memory_space<vmem>>, vector<16xi32>,
      %add3A_584 = arith.constant 16 : i32
      %add3A_585 = arith.addi %add3A_571, %add3A_584 : i32
      %get3A_586 = arith.index_cast %add3A_585 : i32 to index
      %get3A_587 = tpu.vector_load %arg11[%get3A_586] {strides = array<i32>} : memref<10352xi32, #tpu.memory_space<vmem>>, vector<16xi32>,
      %swap3A_588 = arith.constant 16 : index
      %swap3A_589 = tpu.vector_load %arg19[%swap3A_588] {strides = array<i32>} : memref<80xi32, #tpu.memory_space<vmem>>, vector<16xi32>,
      tpu.vector_store %arg19[%swap3A_588], %get3A_587 {strides = array<i32>} : memref<80xi32, #tpu.memory_space<vmem>>, vector<16xi32>,
      %add3A_590 = arith.constant 16 : i32
      %add3A_591 = arith.addi %add3A_571, %add3A_590 : i32
      %get3A_592 = arith.index_cast %add3A_591 : i32 to index
      %get3A_593 = tpu.vector_load %arg12[%get3A_592] {strides = array<i32>} : memref<10352xi32, #tpu.memory_space<vmem>>, vector<16xi32>,
      %swap3A_594 = arith.constant 16 : index
      %swap3A_595 = tpu.vector_load %arg21[%swap3A_594] {strides = array<i32>} : memref<80xi32, #tpu.memory_space<vmem>>, vector<16xi32>,
      tpu.vector_store %arg21[%swap3A_594], %get3A_593 {strides = array<i32>} : memref<80xi32, #tpu.memory_space<vmem>>, vector<16xi32>,
      %add3A_596 = arith.constant 32 : i32
      %add3A_597 = arith.addi %add3A_571, %add3A_596 : i32
      %get3A_598 = arith.index_cast %add3A_597 : i32 to index
      %get3A_599 = tpu.vector_load %arg11[%get3A_598] {strides = array<i32>} : memref<10352xi32, #tpu.memory_space<vmem>>, vector<16xi32>,
      %swap3A_600 = arith.constant 32 : index
      %swap3A_601 = tpu.vector_load %arg19[%swap3A_600] {strides = array<i32>} : memref<80xi32, #tpu.memory_space<vmem>>, vector<16xi32>,
      tpu.vector_store %arg19[%swap3A_600], %get3A_599 {strides = array<i32>} : memref<80xi32, #tpu.memory_space<vmem>>, vector<16xi32>,
      %add3A_602 = arith.constant 32 : i32
      %add3A_603 = arith.addi %add3A_571, %add3A_602 : i32
      %get3A_604 = arith.index_cast %add3A_603 : i32 to index
      %get3A_605 = tpu.vector_load %arg12[%get3A_604] {strides = array<i32>} : memref<10352xi32, #tpu.memory_space<vmem>>, vector<16xi32>,
      %swap3A_606 = arith.constant 32 : index
      %swap3A_607 = tpu.vector_load %arg21[%swap3A_606] {strides = array<i32>} : memref<80xi32, #tpu.memory_space<vmem>>, vector<16xi32>,
      tpu.vector_store %arg21[%swap3A_606], %get3A_605 {strides = array<i32>} : memref<80xi32, #tpu.memory_space<vmem>>, vector<16xi32>,
      %add3A_608 = arith.constant 48 : i32
      %add3A_609 = arith.addi %add3A_571, %add3A_608 : i32
      %get3A_610 = arith.index_cast %add3A_609 : i32 to index
      %get3A_611 = tpu.vector_load %arg11[%get3A_610] {strides = array<i32>} : memref<10352xi32, #tpu.memory_space<vmem>>, vector<16xi32>,
      %swap3A_612 = arith.constant 48 : index
      %swap3A_613 = tpu.vector_load %arg19[%swap3A_612] {strides = array<i32>} : memref<80xi32, #tpu.memory_space<vmem>>, vector<16xi32>,
      tpu.vector_store %arg19[%swap3A_612], %get3A_611 {strides = array<i32>} : memref<80xi32, #tpu.memory_space<vmem>>, vector<16xi32>,
      %add3A_614 = arith.constant 48 : i32
      %add3A_615 = arith.addi %add3A_571, %add3A_614 : i32
      %get3A_616 = arith.index_cast %add3A_615 : i32 to index
      %get3A_617 = tpu.vector_load %arg12[%get3A_616] {strides = array<i32>} : memref<10352xi32, #tpu.memory_space<vmem>>, vector<16xi32>,
      %swap3A_618 = arith.constant 48 : index
      %swap3A_619 = tpu.vector_load %arg21[%swap3A_618] {strides = array<i32>} : memref<80xi32, #tpu.memory_space<vmem>>, vector<16xi32>,
      tpu.vector_store %arg21[%swap3A_618], %get3A_617 {strides = array<i32>} : memref<80xi32, #tpu.memory_space<vmem>>, vector<16xi32>,
      %add3A_620 = arith.constant 64 : i32
      %add3A_621 = arith.addi %add3A_571, %add3A_620 : i32
      %get3A_622 = arith.index_cast %add3A_621 : i32 to index
      %get3A_623 = tpu.vector_load %arg11[%get3A_622] {strides = array<i32>} : memref<10352xi32, #tpu.memory_space<vmem>>, vector<16xi32>,
      %swap3A_624 = arith.constant 64 : index
      %swap3A_625 = tpu.vector_load %arg19[%swap3A_624] {strides = array<i32>} : memref<80xi32, #tpu.memory_space<vmem>>, vector<16xi32>,
      tpu.vector_store %arg19[%swap3A_624], %get3A_623 {strides = array<i32>} : memref<80xi32, #tpu.memory_space<vmem>>, vector<16xi32>,
      %add3A_626 = arith.constant 64 : i32
      %add3A_627 = arith.addi %add3A_571, %add3A_626 : i32
      %get3A_628 = arith.index_cast %add3A_627 : i32 to index
      %get3A_629 = tpu.vector_load %arg12[%get3A_628] {strides = array<i32>} : memref<10352xi32, #tpu.memory_space<vmem>>, vector<16xi32>,
      %swap3A_630 = arith.constant 64 : index
      %swap3A_631 = tpu.vector_load %arg21[%swap3A_630] {strides = array<i32>} : memref<80xi32, #tpu.memory_space<vmem>>, vector<16xi32>,
      tpu.vector_store %arg21[%swap3A_630], %get3A_629 {strides = array<i32>} : memref<80xi32, #tpu.memory_space<vmem>>, vector<16xi32>,
      %dma_start3A_632 = arith.constant 0 : i32
      %dma_start3A_633 = arith.constant 0 : i32
      %dma_start3A_634 = tpu.memref_slice %arg2[%dma_start3A_632, %dma_start3A_633] : memref<10000x128xf32, #tpu.memory_space<hbm>> -> memref<10000x128xf32, #tpu.memory_space<hbm>>
      tpu.enqueue_indirect_dma source(%dma_start3A_634 : memref<10000x128xf32, #tpu.memory_space<hbm>>) target(%arg15 : memref<80x128xf32, #tpu.memory_space<vmem>>) offsets(%arg19 : memref<80xi32, #tpu.memory_space<vmem>>) semaphore(%arg27 : memref<!tpu.dma_semaphore, #tpu.memory_space<semaphore_mem>>)
      %dma_start3A_635 = arith.constant 0 : i32
      %dma_start3A_636 = arith.constant 0 : i32
      %dma_start3A_637 = tpu.memref_slice %arg3[%dma_start3A_635, %dma_start3A_636] : memref<10000x128xf32, #tpu.memory_space<hbm>> -> memref<10000x128xf32, #tpu.memory_space<hbm>>
      tpu.enqueue_indirect_dma source(%dma_start3A_637 : memref<10000x128xf32, #tpu.memory_space<hbm>>) target(%arg16 : memref<80x128xf32, #tpu.memory_space<vmem>>) offsets(%arg19 : memref<80xi32, #tpu.memory_space<vmem>>) semaphore(%arg28 : memref<!tpu.dma_semaphore, #tpu.memory_space<semaphore_mem>>)
      %dma_wait3A = arith.constant 0 : i32
      %dma_wait3A_638 = arith.constant 0 : i32
      %dma_wait3A_639 = tpu.memref_slice %arg2[%dma_wait3A, %dma_wait3A_638] : memref<10000x128xf32, #tpu.memory_space<hbm>> -> memref<10000x128xf32, #tpu.memory_space<hbm>>
      tpu.wait_indirect_dma semaphore(%arg25 : memref<!tpu.dma_semaphore, #tpu.memory_space<semaphore_mem>>) src(%dma_wait3A_639 : memref<10000x128xf32, #tpu.memory_space<hbm>>) dst(%arg13 : memref<80x128xf32, #tpu.memory_space<vmem>>)
      %dma_wait3A_640 = arith.constant 0 : i32
      %dma_wait3A_641 = arith.constant 0 : i32
      %dma_wait3A_642 = tpu.memref_slice %arg3[%dma_wait3A_640, %dma_wait3A_641] : memref<10000x128xf32, #tpu.memory_space<hbm>> -> memref<10000x128xf32, #tpu.memory_space<hbm>>
      tpu.wait_indirect_dma semaphore(%arg26 : memref<!tpu.dma_semaphore, #tpu.memory_space<semaphore_mem>>) src(%dma_wait3A_642 : memref<10000x128xf32, #tpu.memory_space<hbm>>) dst(%arg14 : memref<80x128xf32, #tpu.memory_space<vmem>>)
      %dma_start3A_643 = arith.constant 0 : i32
      %dma_start3A_644 = arith.constant 0 : i32
      %dma_start3A_645 = tpu.memref_slice %arg22[%dma_start3A_643, %dma_start3A_644] : memref<2560x128xf32, #tpu.memory_space<vmem_shared>> -> memref<2560x128xf32, #tpu.memory_space<vmem_shared>>
      tpu.enqueue_indirect_dma source(%arg13 : memref<80x128xf32, #tpu.memory_space<vmem>>) target(%dma_start3A_645 : memref<2560x128xf32, #tpu.memory_space<vmem_shared>>) offsets(%arg20 : memref<80xi32, #tpu.memory_space<vmem>>) semaphore(%arg29 : memref<!tpu.dma_semaphore, #tpu.memory_space<semaphore_mem>>) {add = true}
      %dma_start3A_646 = arith.constant 0 : i32
      %dma_start3A_647 = arith.constant 0 : i32
      %dma_start3A_648 = tpu.memref_slice %arg23[%dma_start3A_646, %dma_start3A_647] : memref<2560x128xf32, #tpu.memory_space<vmem_shared>> -> memref<2560x128xf32, #tpu.memory_space<vmem_shared>>
      tpu.enqueue_indirect_dma source(%arg14 : memref<80x128xf32, #tpu.memory_space<vmem>>) target(%dma_start3A_648 : memref<2560x128xf32, #tpu.memory_space<vmem_shared>>) offsets(%arg20 : memref<80xi32, #tpu.memory_space<vmem>>) semaphore(%arg29 : memref<!tpu.dma_semaphore, #tpu.memory_space<semaphore_mem>>) {add = true}
      %dma_start3A_649 = arith.constant 0 : i32
      %dma_start3A_650 = arith.constant 0 : i32
      %dma_start3A_651 = tpu.memref_slice %arg24[%dma_start3A_649, %dma_start3A_650] : memref<2560x16xf32, #tpu.memory_space<vmem_shared>> -> memref<2560x16xf32, #tpu.memory_space<vmem_shared>>
      tpu.enqueue_indirect_dma source(%arg17 : memref<80x16xf32, #tpu.memory_space<vmem>>) target(%dma_start3A_651 : memref<2560x16xf32, #tpu.memory_space<vmem_shared>>) offsets(%arg20 : memref<80xi32, #tpu.memory_space<vmem>>) semaphore(%arg29 : memref<!tpu.dma_semaphore, #tpu.memory_space<semaphore_mem>>) {add = true}
      %dma_wait3A_652 = arith.constant 0 : i32
      %dma_wait3A_653 = arith.constant 0 : i32
      %dma_wait3A_654 = tpu.memref_slice %arg22[%dma_wait3A_652, %dma_wait3A_653] : memref<2560x128xf32, #tpu.memory_space<vmem_shared>> -> memref<2560x128xf32, #tpu.memory_space<vmem_shared>>
      tpu.wait_indirect_dma semaphore(%arg29 : memref<!tpu.dma_semaphore, #tpu.memory_space<semaphore_mem>>) src(%arg13 : memref<80x128xf32, #tpu.memory_space<vmem>>) dst(%dma_wait3A_654 : memref<2560x128xf32, #tpu.memory_space<vmem_shared>>)
      %dma_wait3A_655 = arith.constant 0 : i32
      %dma_wait3A_656 = arith.constant 0 : i32
      %dma_wait3A_657 = tpu.memref_slice %arg23[%dma_wait3A_655, %dma_wait3A_656] : memref<2560x128xf32, #tpu.memory_space<vmem_shared>> -> memref<2560x128xf32, #tpu.memory_space<vmem_shared>>
      tpu.wait_indirect_dma semaphore(%arg29 : memref<!tpu.dma_semaphore, #tpu.memory_space<semaphore_mem>>) src(%arg14 : memref<80x128xf32, #tpu.memory_space<vmem>>) dst(%dma_wait3A_657 : memref<2560x128xf32, #tpu.memory_space<vmem_shared>>)
      %dma_wait3A_658 = arith.constant 0 : i32
      %dma_wait3A_659 = arith.constant 0 : i32
      %dma_wait3A_660 = tpu.memref_slice %arg24[%dma_wait3A_658, %dma_wait3A_659] : memref<2560x16xf32, #tpu.memory_space<vmem_shared>> -> memref<2560x16xf32, #tpu.memory_space<vmem_shared>>
      tpu.wait_indirect_dma semaphore(%arg29 : memref<!tpu.dma_semaphore, #tpu.memory_space<semaphore_mem>>) src(%arg17 : memref<80x16xf32, #tpu.memory_space<vmem>>) dst(%dma_wait3A_660 : memref<2560x16xf32, #tpu.memory_space<vmem_shared>>)
      %add3A_661 = arith.constant 1 : i32
      %add3A_662 = arith.addi %while3A_564, %add3A_661 : i32
      %lt3A_663 = arith.cmpi slt, %add3A_662, %max3A_305 : i32
      %convert_element_type3A_664 = arith.extui %lt3A_663 : i1 to i32
      %cond3A_665 = arith.constant 0 : i32
      %cond3A_666 = arith.cmpi ne, %convert_element_type3A_664, %cond3A_665 : i32
      scf.if %cond3A_666 {
        %mul3A_691 = arith.constant 2 : i32
        %mul3A_692 = arith.muli %mul3A_691, %while3A_564 : i32
        %add3A_693 = arith.constant 2 : i32
        %add3A_694 = arith.addi %mul3A_692, %add3A_693 : i32
        %mul3A_695 = arith.constant 80 : i32
        %mul3A_696 = arith.muli %add3A_694, %mul3A_695 : i32
        %add3A_697 = arith.addi %while3A_422, %mul3A_696 : i32
        %add3A_698 = arith.constant 0 : i32
        %add3A_699 = arith.addi %add3A_697, %add3A_698 : i32
        %get3A_700 = arith.index_cast %add3A_699 : i32 to index
        %get3A_701 = tpu.vector_load %arg11[%get3A_700] {strides = array<i32>} : memref<10352xi32, #tpu.memory_space<vmem>>, vector<16xi32>,
        %swap3A_702 = arith.constant 0 : index
        %swap3A_703 = tpu.vector_load %arg18[%swap3A_702] {strides = array<i32>} : memref<80xi32, #tpu.memory_space<vmem>>, vector<16xi32>,
        tpu.vector_store %arg18[%swap3A_702], %get3A_701 {strides = array<i32>} : memref<80xi32, #tpu.memory_space<vmem>>, vector<16xi32>,
        %add3A_704 = arith.constant 0 : i32
        %add3A_705 = arith.addi %add3A_697, %add3A_704 : i32
        %get3A_706 = arith.index_cast %add3A_705 : i32 to index
        %get3A_707 = tpu.vector_load %arg12[%get3A_706] {strides = array<i32>} : memref<10352xi32, #tpu.memory_space<vmem>>, vector<16xi32>,
        %swap3A_708 = arith.constant 0 : index
        %swap3A_709 = tpu.vector_load %arg20[%swap3A_708] {strides = array<i32>} : memref<80xi32, #tpu.memory_space<vmem>>, vector<16xi32>,
        tpu.vector_store %arg20[%swap3A_708], %get3A_707 {strides = array<i32>} : memref<80xi32, #tpu.memory_space<vmem>>, vector<16xi32>,
        %add3A_710 = arith.constant 16 : i32
        %add3A_711 = arith.addi %add3A_697, %add3A_710 : i32
        %get3A_712 = arith.index_cast %add3A_711 : i32 to index
        %get3A_713 = tpu.vector_load %arg11[%get3A_712] {strides = array<i32>} : memref<10352xi32, #tpu.memory_space<vmem>>, vector<16xi32>,
        %swap3A_714 = arith.constant 16 : index
        %swap3A_715 = tpu.vector_load %arg18[%swap3A_714] {strides = array<i32>} : memref<80xi32, #tpu.memory_space<vmem>>, vector<16xi32>,
        tpu.vector_store %arg18[%swap3A_714], %get3A_713 {strides = array<i32>} : memref<80xi32, #tpu.memory_space<vmem>>, vector<16xi32>,
        %add3A_716 = arith.constant 16 : i32
        %add3A_717 = arith.addi %add3A_697, %add3A_716 : i32
        %get3A_718 = arith.index_cast %add3A_717 : i32 to index
        %get3A_719 = tpu.vector_load %arg12[%get3A_718] {strides = array<i32>} : memref<10352xi32, #tpu.memory_space<vmem>>, vector<16xi32>,
        %swap3A_720 = arith.constant 16 : index
        %swap3A_721 = tpu.vector_load %arg20[%swap3A_720] {strides = array<i32>} : memref<80xi32, #tpu.memory_space<vmem>>, vector<16xi32>,
        tpu.vector_store %arg20[%swap3A_720], %get3A_719 {strides = array<i32>} : memref<80xi32, #tpu.memory_space<vmem>>, vector<16xi32>,
        %add3A_722 = arith.constant 32 : i32
        %add3A_723 = arith.addi %add3A_697, %add3A_722 : i32
        %get3A_724 = arith.index_cast %add3A_723 : i32 to index
        %get3A_725 = tpu.vector_load %arg11[%get3A_724] {strides = array<i32>} : memref<10352xi32, #tpu.memory_space<vmem>>, vector<16xi32>,
        %swap3A_726 = arith.constant 32 : index
        %swap3A_727 = tpu.vector_load %arg18[%swap3A_726] {strides = array<i32>} : memref<80xi32, #tpu.memory_space<vmem>>, vector<16xi32>,
        tpu.vector_store %arg18[%swap3A_726], %get3A_725 {strides = array<i32>} : memref<80xi32, #tpu.memory_space<vmem>>, vector<16xi32>,
        %add3A_728 = arith.constant 32 : i32
        %add3A_729 = arith.addi %add3A_697, %add3A_728 : i32
        %get3A_730 = arith.index_cast %add3A_729 : i32 to index
        %get3A_731 = tpu.vector_load %arg12[%get3A_730] {strides = array<i32>} : memref<10352xi32, #tpu.memory_space<vmem>>, vector<16xi32>,
        %swap3A_732 = arith.constant 32 : index
        %swap3A_733 = tpu.vector_load %arg20[%swap3A_732] {strides = array<i32>} : memref<80xi32, #tpu.memory_space<vmem>>, vector<16xi32>,
        tpu.vector_store %arg20[%swap3A_732], %get3A_731 {strides = array<i32>} : memref<80xi32, #tpu.memory_space<vmem>>, vector<16xi32>,
        %add3A_734 = arith.constant 48 : i32
        %add3A_735 = arith.addi %add3A_697, %add3A_734 : i32
        %get3A_736 = arith.index_cast %add3A_735 : i32 to index
        %get3A_737 = tpu.vector_load %arg11[%get3A_736] {strides = array<i32>} : memref<10352xi32, #tpu.memory_space<vmem>>, vector<16xi32>,
        %swap3A_738 = arith.constant 48 : index
        %swap3A_739 = tpu.vector_load %arg18[%swap3A_738] {strides = array<i32>} : memref<80xi32, #tpu.memory_space<vmem>>, vector<16xi32>,
        tpu.vector_store %arg18[%swap3A_738], %get3A_737 {strides = array<i32>} : memref<80xi32, #tpu.memory_space<vmem>>, vector<16xi32>,
        %add3A_740 = arith.constant 48 : i32
        %add3A_741 = arith.addi %add3A_697, %add3A_740 : i32
        %get3A_742 = arith.index_cast %add3A_741 : i32 to index
        %get3A_743 = tpu.vector_load %arg12[%get3A_742] {strides = array<i32>} : memref<10352xi32, #tpu.memory_space<vmem>>, vector<16xi32>,
        %swap3A_744 = arith.constant 48 : index
        %swap3A_745 = tpu.vector_load %arg20[%swap3A_744] {strides = array<i32>} : memref<80xi32, #tpu.memory_space<vmem>>, vector<16xi32>,
        tpu.vector_store %arg20[%swap3A_744], %get3A_743 {strides = array<i32>} : memref<80xi32, #tpu.memory_space<vmem>>, vector<16xi32>,
        %add3A_746 = arith.constant 64 : i32
        %add3A_747 = arith.addi %add3A_697, %add3A_746 : i32
        %get3A_748 = arith.index_cast %add3A_747 : i32 to index
        %get3A_749 = tpu.vector_load %arg11[%get3A_748] {strides = array<i32>} : memref<10352xi32, #tpu.memory_space<vmem>>, vector<16xi32>,
        %swap3A_750 = arith.constant 64 : index
        %swap3A_751 = tpu.vector_load %arg18[%swap3A_750] {strides = array<i32>} : memref<80xi32, #tpu.memory_space<vmem>>, vector<16xi32>,
        tpu.vector_store %arg18[%swap3A_750], %get3A_749 {strides = array<i32>} : memref<80xi32, #tpu.memory_space<vmem>>, vector<16xi32>,
        %add3A_752 = arith.constant 64 : i32
        %add3A_753 = arith.addi %add3A_697, %add3A_752 : i32
        %get3A_754 = arith.index_cast %add3A_753 : i32 to index
        %get3A_755 = tpu.vector_load %arg12[%get3A_754] {strides = array<i32>} : memref<10352xi32, #tpu.memory_space<vmem>>, vector<16xi32>,
        %swap3A_756 = arith.constant 64 : index
        %swap3A_757 = tpu.vector_load %arg20[%swap3A_756] {strides = array<i32>} : memref<80xi32, #tpu.memory_space<vmem>>, vector<16xi32>,
        tpu.vector_store %arg20[%swap3A_756], %get3A_755 {strides = array<i32>} : memref<80xi32, #tpu.memory_space<vmem>>, vector<16xi32>,
        %dma_start3A_758 = arith.constant 0 : i32
        %dma_start3A_759 = arith.constant 0 : i32
        %dma_start3A_760 = tpu.memref_slice %arg2[%dma_start3A_758, %dma_start3A_759] : memref<10000x128xf32, #tpu.memory_space<hbm>> -> memref<10000x128xf32, #tpu.memory_space<hbm>>
        tpu.enqueue_indirect_dma source(%dma_start3A_760 : memref<10000x128xf32, #tpu.memory_space<hbm>>) target(%arg13 : memref<80x128xf32, #tpu.memory_space<vmem>>) offsets(%arg18 : memref<80xi32, #tpu.memory_space<vmem>>) semaphore(%arg25 : memref<!tpu.dma_semaphore, #tpu.memory_space<semaphore_mem>>)
        %dma_start3A_761 = arith.constant 0 : i32
        %dma_start3A_762 = arith.constant 0 : i32
        %dma_start3A_763 = tpu.memref_slice %arg3[%dma_start3A_761, %dma_start3A_762] : memref<10000x128xf32, #tpu.memory_space<hbm>> -> memref<10000x128xf32, #tpu.memory_space<hbm>>
        tpu.enqueue_indirect_dma source(%dma_start3A_763 : memref<10000x128xf32, #tpu.memory_space<hbm>>) target(%arg14 : memref<80x128xf32, #tpu.memory_space<vmem>>) offsets(%arg18 : memref<80xi32, #tpu.memory_space<vmem>>) semaphore(%arg26 : memref<!tpu.dma_semaphore, #tpu.memory_space<semaphore_mem>>)
      } else {
      }
      %dma_wait3A_667 = arith.constant 0 : i32
      %dma_wait3A_668 = arith.constant 0 : i32
      %dma_wait3A_669 = tpu.memref_slice %arg2[%dma_wait3A_667, %dma_wait3A_668] : memref<10000x128xf32, #tpu.memory_space<hbm>> -> memref<10000x128xf32, #tpu.memory_space<hbm>>
      tpu.wait_indirect_dma semaphore(%arg27 : memref<!tpu.dma_semaphore, #tpu.memory_space<semaphore_mem>>) src(%dma_wait3A_669 : memref<10000x128xf32, #tpu.memory_space<hbm>>) dst(%arg15 : memref<80x128xf32, #tpu.memory_space<vmem>>)
      %dma_wait3A_670 = arith.constant 0 : i32
      %dma_wait3A_671 = arith.constant 0 : i32
      %dma_wait3A_672 = tpu.memref_slice %arg3[%dma_wait3A_670, %dma_wait3A_671] : memref<10000x128xf32, #tpu.memory_space<hbm>> -> memref<10000x128xf32, #tpu.memory_space<hbm>>
      tpu.wait_indirect_dma semaphore(%arg28 : memref<!tpu.dma_semaphore, #tpu.memory_space<semaphore_mem>>) src(%dma_wait3A_672 : memref<10000x128xf32, #tpu.memory_space<hbm>>) dst(%arg16 : memref<80x128xf32, #tpu.memory_space<vmem>>)
      %dma_start3A_673 = arith.constant 0 : i32
      %dma_start3A_674 = arith.constant 0 : i32
      %dma_start3A_675 = tpu.memref_slice %arg22[%dma_start3A_673, %dma_start3A_674] : memref<2560x128xf32, #tpu.memory_space<vmem_shared>> -> memref<2560x128xf32, #tpu.memory_space<vmem_shared>>
      tpu.enqueue_indirect_dma source(%arg15 : memref<80x128xf32, #tpu.memory_space<vmem>>) target(%dma_start3A_675 : memref<2560x128xf32, #tpu.memory_space<vmem_shared>>) offsets(%arg21 : memref<80xi32, #tpu.memory_space<vmem>>) semaphore(%arg30 : memref<!tpu.dma_semaphore, #tpu.memory_space<semaphore_mem>>) {add = true}
      %dma_start3A_676 = arith.constant 0 : i32
      %dma_start3A_677 = arith.constant 0 : i32
      %dma_start3A_678 = tpu.memref_slice %arg23[%dma_start3A_676, %dma_start3A_677] : memref<2560x128xf32, #tpu.memory_space<vmem_shared>> -> memref<2560x128xf32, #tpu.memory_space<vmem_shared>>
      tpu.enqueue_indirect_dma source(%arg16 : memref<80x128xf32, #tpu.memory_space<vmem>>) target(%dma_start3A_678 : memref<2560x128xf32, #tpu.memory_space<vmem_shared>>) offsets(%arg21 : memref<80xi32, #tpu.memory_space<vmem>>) semaphore(%arg30 : memref<!tpu.dma_semaphore, #tpu.memory_space<semaphore_mem>>) {add = true}
      %dma_start3A_679 = arith.constant 0 : i32
      %dma_start3A_680 = arith.constant 0 : i32
      %dma_start3A_681 = tpu.memref_slice %arg24[%dma_start3A_679, %dma_start3A_680] : memref<2560x16xf32, #tpu.memory_space<vmem_shared>> -> memref<2560x16xf32, #tpu.memory_space<vmem_shared>>
      tpu.enqueue_indirect_dma source(%arg17 : memref<80x16xf32, #tpu.memory_space<vmem>>) target(%dma_start3A_681 : memref<2560x16xf32, #tpu.memory_space<vmem_shared>>) offsets(%arg21 : memref<80xi32, #tpu.memory_space<vmem>>) semaphore(%arg30 : memref<!tpu.dma_semaphore, #tpu.memory_space<semaphore_mem>>) {add = true}
      %dma_wait3A_682 = arith.constant 0 : i32
      %dma_wait3A_683 = arith.constant 0 : i32
      %dma_wait3A_684 = tpu.memref_slice %arg22[%dma_wait3A_682, %dma_wait3A_683] : memref<2560x128xf32, #tpu.memory_space<vmem_shared>> -> memref<2560x128xf32, #tpu.memory_space<vmem_shared>>
      tpu.wait_indirect_dma semaphore(%arg30 : memref<!tpu.dma_semaphore, #tpu.memory_space<semaphore_mem>>) src(%arg15 : memref<80x128xf32, #tpu.memory_space<vmem>>) dst(%dma_wait3A_684 : memref<2560x128xf32, #tpu.memory_space<vmem_shared>>)
      %dma_wait3A_685 = arith.constant 0 : i32
      %dma_wait3A_686 = arith.constant 0 : i32
      %dma_wait3A_687 = tpu.memref_slice %arg23[%dma_wait3A_685, %dma_wait3A_686] : memref<2560x128xf32, #tpu.memory_space<vmem_shared>> -> memref<2560x128xf32, #tpu.memory_space<vmem_shared>>
      tpu.wait_indirect_dma semaphore(%arg30 : memref<!tpu.dma_semaphore, #tpu.memory_space<semaphore_mem>>) src(%arg16 : memref<80x128xf32, #tpu.memory_space<vmem>>) dst(%dma_wait3A_687 : memref<2560x128xf32, #tpu.memory_space<vmem_shared>>)
      %dma_wait3A_688 = arith.constant 0 : i32
      %dma_wait3A_689 = arith.constant 0 : i32
      %dma_wait3A_690 = tpu.memref_slice %arg24[%dma_wait3A_688, %dma_wait3A_689] : memref<2560x16xf32, #tpu.memory_space<vmem_shared>> -> memref<2560x16xf32, #tpu.memory_space<vmem_shared>>
      tpu.wait_indirect_dma semaphore(%arg30 : memref<!tpu.dma_semaphore, #tpu.memory_space<semaphore_mem>>) src(%arg17 : memref<80x16xf32, #tpu.memory_space<vmem>>) dst(%dma_wait3A_690 : memref<2560x16xf32, #tpu.memory_space<vmem_shared>>)
    }
    %barrier3A_432 = arith.constant 0 : index
    tpu.barrier barrier_id(%barrier3A_432)
    %lt3A_433 = arith.constant 15 : i32
    %lt3A_434 = arith.cmpi slt, %arg1, %lt3A_433 : i32
    %convert_element_type3A = arith.extui %lt3A_434 : i1 to i32
    %cond3A = arith.constant 0 : i32
    %cond3A_435 = arith.cmpi ne, %convert_element_type3A, %cond3A : i32
    scf.if %cond3A_435 {
      %mul3A_564 = arith.constant 160 : i32
      %mul3A_565 = arith.muli %arg1, %mul3A_564 : i32
      %add3A_566 = arith.addi %add3A_339, %mul3A_565 : i32
      "tpu.region"() ({
        %run_scoped3A = tpu.sem_alloc : memref<!tpu.dma_semaphore, #tpu.memory_space<semaphore_mem>>
        %dma_start3A_569 = arith.constant 0 : i32
        %dma_start3A_570 = tpu.memref_slice %arg6[%add3A_566, %dma_start3A_569] : memref<10000x128xf32, #tpu.memory_space<hbm>> -> memref<160x128xf32, #tpu.memory_space<hbm>>
        %dma_start3A_571 = arith.constant 0 : i32
        %dma_start3A_572 = tpu.memref_slice %arg22[%mul3A_565, %dma_start3A_571] : memref<2560x128xf32, #tpu.memory_space<vmem_shared>> -> memref<160x128xf32, #tpu.memory_space<vmem_shared>>
        tpu.enqueue_dma source(%dma_start3A_572 : memref<160x128xf32, #tpu.memory_space<vmem_shared>>) target(%dma_start3A_570 : memref<160x128xf32, #tpu.memory_space<hbm>>) target_semaphore(%run_scoped3A : memref<!tpu.dma_semaphore, #tpu.memory_space<semaphore_mem>>)
        %dma_wait3A = arith.constant 0 : i32
        %dma_wait3A_573 = tpu.memref_slice %arg6[%add3A_566, %dma_wait3A] : memref<10000x128xf32, #tpu.memory_space<hbm>> -> memref<160x128xf32, #tpu.memory_space<hbm>>
        %dma_wait3A_574 = arith.constant 0 : i32
        %dma_wait3A_575 = tpu.memref_slice %arg22[%mul3A_565, %dma_wait3A_574] : memref<2560x128xf32, #tpu.memory_space<vmem_shared>> -> memref<160x128xf32, #tpu.memory_space<vmem_shared>>
        tpu.wait_dma2 semaphore(%run_scoped3A : memref<!tpu.dma_semaphore, #tpu.memory_space<semaphore_mem>>) src(%dma_wait3A_575 : memref<160x128xf32, #tpu.memory_space<vmem_shared>>) dst(%dma_wait3A_573 : memref<160x128xf32, #tpu.memory_space<hbm>>)
        tpu.yield
      }) : () -> ()
      %add3A_567 = arith.addi %add3A_339, %mul3A_565 : i32
      "tpu.region"() ({
        %run_scoped3A = tpu.sem_alloc : memref<!tpu.dma_semaphore, #tpu.memory_space<semaphore_mem>>
        %dma_start3A_569 = arith.constant 0 : i32
        %dma_start3A_570 = tpu.memref_slice %arg7[%add3A_567, %dma_start3A_569] : memref<10000x128xf32, #tpu.memory_space<hbm>> -> memref<160x128xf32, #tpu.memory_space<hbm>>
        %dma_start3A_571 = arith.constant 0 : i32
        %dma_start3A_572 = tpu.memref_slice %arg23[%mul3A_565, %dma_start3A_571] : memref<2560x128xf32, #tpu.memory_space<vmem_shared>> -> memref<160x128xf32, #tpu.memory_space<vmem_shared>>
        tpu.enqueue_dma source(%dma_start3A_572 : memref<160x128xf32, #tpu.memory_space<vmem_shared>>) target(%dma_start3A_570 : memref<160x128xf32, #tpu.memory_space<hbm>>) target_semaphore(%run_scoped3A : memref<!tpu.dma_semaphore, #tpu.memory_space<semaphore_mem>>)
        %dma_wait3A = arith.constant 0 : i32
        %dma_wait3A_573 = tpu.memref_slice %arg7[%add3A_567, %dma_wait3A] : memref<10000x128xf32, #tpu.memory_space<hbm>> -> memref<160x128xf32, #tpu.memory_space<hbm>>
        %dma_wait3A_574 = arith.constant 0 : i32
        %dma_wait3A_575 = tpu.memref_slice %arg23[%mul3A_565, %dma_wait3A_574] : memref<2560x128xf32, #tpu.memory_space<vmem_shared>> -> memref<160x128xf32, #tpu.memory_space<vmem_shared>>
        tpu.wait_dma2 semaphore(%run_scoped3A : memref<!tpu.dma_semaphore, #tpu.memory_space<semaphore_mem>>) src(%dma_wait3A_575 : memref<160x128xf32, #tpu.memory_space<vmem_shared>>) dst(%dma_wait3A_573 : memref<160x128xf32, #tpu.memory_space<hbm>>)
        tpu.yield
      }) : () -> ()
      %add3A_568 = arith.addi %add3A_339, %mul3A_565 : i32
      "tpu.region"() ({
        %run_scoped3A = tpu.sem_alloc : memref<!tpu.dma_semaphore, #tpu.memory_space<semaphore_mem>>
        %dma_start3A_569 = arith.constant 0 : i32
        %dma_start3A_570 = tpu.memref_slice %arg8[%add3A_568, %dma_start3A_569] : memref<10000x16xf32, #tpu.memory_space<hbm>> -> memref<160x16xf32, #tpu.memory_space<hbm>>
        %dma_start3A_571 = arith.constant 0 : i32
        %dma_start3A_572 = tpu.memref_slice %arg24[%mul3A_565, %dma_start3A_571] : memref<2560x16xf32, #tpu.memory_space<vmem_shared>> -> memref<160x16xf32, #tpu.memory_space<vmem_shared>>
        tpu.enqueue_dma source(%dma_start3A_572 : memref<160x16xf32, #tpu.memory_space<vmem_shared>>) target(%dma_start3A_570 : memref<160x16xf32, #tpu.memory_space<hbm>>) target_semaphore(%run_scoped3A : memref<!tpu.dma_semaphore, #tpu.memory_space<semaphore_mem>>)
        %dma_wait3A = arith.constant 0 : i32
        %dma_wait3A_573 = tpu.memref_slice %arg8[%add3A_568, %dma_wait3A] : memref<10000x16xf32, #tpu.memory_space<hbm>> -> memref<160x16xf32, #tpu.memory_space<hbm>>
        %dma_wait3A_574 = arith.constant 0 : i32
        %dma_wait3A_575 = tpu.memref_slice %arg24[%mul3A_565, %dma_wait3A_574] : memref<2560x16xf32, #tpu.memory_space<vmem_shared>> -> memref<160x16xf32, #tpu.memory_space<vmem_shared>>
        tpu.wait_dma2 semaphore(%run_scoped3A : memref<!tpu.dma_semaphore, #tpu.memory_space<semaphore_mem>>) src(%dma_wait3A_575 : memref<160x16xf32, #tpu.memory_space<vmem_shared>>) dst(%dma_wait3A_573 : memref<160x16xf32, #tpu.memory_space<hbm>>)
        tpu.yield
      }) : () -> ()
    } else {
    }
    %eq3A_436 = arith.constant 15 : i32
    %eq3A_437 = arith.cmpi eq, %arg1, %eq3A_436 : i32
    %convert_element_type3A_438 = arith.extui %eq3A_437 : i1 to i32
    %cond3A_439 = arith.constant 0 : i32
    %cond3A_440 = arith.cmpi ne, %convert_element_type3A_438, %cond3A_439 : i32
    scf.if %cond3A_440 {
      %add3A_564 = arith.constant 2400 : i32
      %add3A_565 = arith.addi %add3A_339, %add3A_564 : i32
      "tpu.region"() ({
        %run_scoped3A = tpu.sem_alloc : memref<!tpu.dma_semaphore, #tpu.memory_space<semaphore_mem>>
        %dma_start3A_570 = arith.constant 0 : i32
        %dma_start3A_571 = tpu.memref_slice %arg6[%add3A_565, %dma_start3A_570] : memref<10000x128xf32, #tpu.memory_space<hbm>> -> memref<104x128xf32, #tpu.memory_space<hbm>>
        %dma_start3A_572 = arith.constant 2400 : i32
        %dma_start3A_573 = arith.constant 0 : i32
        %dma_start3A_574 = tpu.memref_slice %arg22[%dma_start3A_572, %dma_start3A_573] : memref<2560x128xf32, #tpu.memory_space<vmem_shared>> -> memref<104x128xf32, #tpu.memory_space<vmem_shared>>
        tpu.enqueue_dma source(%dma_start3A_574 : memref<104x128xf32, #tpu.memory_space<vmem_shared>>) target(%dma_start3A_571 : memref<104x128xf32, #tpu.memory_space<hbm>>) target_semaphore(%run_scoped3A : memref<!tpu.dma_semaphore, #tpu.memory_space<semaphore_mem>>)
        %dma_wait3A = arith.constant 0 : i32
        %dma_wait3A_575 = tpu.memref_slice %arg6[%add3A_565, %dma_wait3A] : memref<10000x128xf32, #tpu.memory_space<hbm>> -> memref<104x128xf32, #tpu.memory_space<hbm>>
        %dma_wait3A_576 = arith.constant 2400 : i32
        %dma_wait3A_577 = arith.constant 0 : i32
        %dma_wait3A_578 = tpu.memref_slice %arg22[%dma_wait3A_576, %dma_wait3A_577] : memref<2560x128xf32, #tpu.memory_space<vmem_shared>> -> memref<104x128xf32, #tpu.memory_space<vmem_shared>>
        tpu.wait_dma2 semaphore(%run_scoped3A : memref<!tpu.dma_semaphore, #tpu.memory_space<semaphore_mem>>) src(%dma_wait3A_578 : memref<104x128xf32, #tpu.memory_space<vmem_shared>>) dst(%dma_wait3A_575 : memref<104x128xf32, #tpu.memory_space<hbm>>)
        tpu.yield
      }) : () -> ()
      %add3A_566 = arith.constant 2400 : i32
      %add3A_567 = arith.addi %add3A_339, %add3A_566 : i32
      "tpu.region"() ({
        %run_scoped3A = tpu.sem_alloc : memref<!tpu.dma_semaphore, #tpu.memory_space<semaphore_mem>>
        %dma_start3A_570 = arith.constant 0 : i32
        %dma_start3A_571 = tpu.memref_slice %arg7[%add3A_567, %dma_start3A_570] : memref<10000x128xf32, #tpu.memory_space<hbm>> -> memref<104x128xf32, #tpu.memory_space<hbm>>
        %dma_start3A_572 = arith.constant 2400 : i32
        %dma_start3A_573 = arith.constant 0 : i32
        %dma_start3A_574 = tpu.memref_slice %arg23[%dma_start3A_572, %dma_start3A_573] : memref<2560x128xf32, #tpu.memory_space<vmem_shared>> -> memref<104x128xf32, #tpu.memory_space<vmem_shared>>
        tpu.enqueue_dma source(%dma_start3A_574 : memref<104x128xf32, #tpu.memory_space<vmem_shared>>) target(%dma_start3A_571 : memref<104x128xf32, #tpu.memory_space<hbm>>) target_semaphore(%run_scoped3A : memref<!tpu.dma_semaphore, #tpu.memory_space<semaphore_mem>>)
        %dma_wait3A = arith.constant 0 : i32
        %dma_wait3A_575 = tpu.memref_slice %arg7[%add3A_567, %dma_wait3A] : memref<10000x128xf32, #tpu.memory_space<hbm>> -> memref<104x128xf32, #tpu.memory_space<hbm>>
        %dma_wait3A_576 = arith.constant 2400 : i32
        %dma_wait3A_577 = arith.constant 0 : i32
        %dma_wait3A_578 = tpu.memref_slice %arg23[%dma_wait3A_576, %dma_wait3A_577] : memref<2560x128xf32, #tpu.memory_space<vmem_shared>> -> memref<104x128xf32, #tpu.memory_space<vmem_shared>>
        tpu.wait_dma2 semaphore(%run_scoped3A : memref<!tpu.dma_semaphore, #tpu.memory_space<semaphore_mem>>) src(%dma_wait3A_578 : memref<104x128xf32, #tpu.memory_space<vmem_shared>>) dst(%dma_wait3A_575 : memref<104x128xf32, #tpu.memory_space<hbm>>)
        tpu.yield
      }) : () -> ()
      %add3A_568 = arith.constant 2400 : i32
      %add3A_569 = arith.addi %add3A_339, %add3A_568 : i32
      "tpu.region"() ({
        %run_scoped3A = tpu.sem_alloc : memref<!tpu.dma_semaphore, #tpu.memory_space<semaphore_mem>>
        %dma_start3A_570 = arith.constant 0 : i32
        %dma_start3A_571 = tpu.memref_slice %arg8[%add3A_569, %dma_start3A_570] : memref<10000x16xf32, #tpu.memory_space<hbm>> -> memref<104x16xf32, #tpu.memory_space<hbm>>
        %dma_start3A_572 = arith.constant 2400 : i32
        %dma_start3A_573 = arith.constant 0 : i32
        %dma_start3A_574 = tpu.memref_slice %arg24[%dma_start3A_572, %dma_start3A_573] : memref<2560x16xf32, #tpu.memory_space<vmem_shared>> -> memref<104x16xf32, #tpu.memory_space<vmem_shared>>
        tpu.enqueue_dma source(%dma_start3A_574 : memref<104x16xf32, #tpu.memory_space<vmem_shared>>) target(%dma_start3A_571 : memref<104x16xf32, #tpu.memory_space<hbm>>) target_semaphore(%run_scoped3A : memref<!tpu.dma_semaphore, #tpu.memory_space<semaphore_mem>>)
        %dma_wait3A = arith.constant 0 : i32
        %dma_wait3A_575 = tpu.memref_slice %arg8[%add3A_569, %dma_wait3A] : memref<10000x16xf32, #tpu.memory_space<hbm>> -> memref<104x16xf32, #tpu.memory_space<hbm>>
        %dma_wait3A_576 = arith.constant 2400 : i32
        %dma_wait3A_577 = arith.constant 0 : i32
        %dma_wait3A_578 = tpu.memref_slice %arg24[%dma_wait3A_576, %dma_wait3A_577] : memref<2560x16xf32, #tpu.memory_space<vmem_shared>> -> memref<104x16xf32, #tpu.memory_space<vmem_shared>>
        tpu.wait_dma2 semaphore(%run_scoped3A : memref<!tpu.dma_semaphore, #tpu.memory_space<semaphore_mem>>) src(%dma_wait3A_578 : memref<104x16xf32, #tpu.memory_space<vmem_shared>>) dst(%dma_wait3A_575 : memref<104x16xf32, #tpu.memory_space<hbm>>)
        tpu.yield
      }) : () -> ()
    } else {
    }
    %scan3A_441 = arith.constant 0 : i32
    %scan3A_442 = arith.constant 0 : i32
    %scan3A_443 = arith.constant 80 : i32
    %scan3A_444 = arith.addi %scan3A_442, %scan3A_443 : i32
    %scan3A_445 = arith.constant 1 : i32
    scf.for %scan3A_564 = %scan3A_442 to %scan3A_444 step %scan3A_445  : i32 {
      %swap3A_565 = arith.index_cast %scan3A_564 : i32 to index
      %swap3A_566 = arith.constant 0 : index
      %swap3A_567 = tpu.vector_load %arg13[%swap3A_565, %swap3A_566] {strides = array<i32>} : memref<80x128xf32, #tpu.memory_space<vmem>>, vector<16xf32>,
      tpu.vector_store %arg13[%swap3A_565, %swap3A_566], %broadcast_in_dim3A_1 {strides = array<i32>} : memref<80x128xf32, #tpu.memory_space<vmem>>, vector<16xf32>,
      %swap3A_568 = arith.index_cast %scan3A_564 : i32 to index
      %swap3A_569 = arith.constant 16 : index
      %swap3A_570 = tpu.vector_load %arg13[%swap3A_568, %swap3A_569] {strides = array<i32>} : memref<80x128xf32, #tpu.memory_space<vmem>>, vector<16xf32>,
      tpu.vector_store %arg13[%swap3A_568, %swap3A_569], %broadcast_in_dim3A_1 {strides = array<i32>} : memref<80x128xf32, #tpu.memory_space<vmem>>, vector<16xf32>,
      %swap3A_571 = arith.index_cast %scan3A_564 : i32 to index
      %swap3A_572 = arith.constant 32 : index
      %swap3A_573 = tpu.vector_load %arg13[%swap3A_571, %swap3A_572] {strides = array<i32>} : memref<80x128xf32, #tpu.memory_space<vmem>>, vector<16xf32>,
      tpu.vector_store %arg13[%swap3A_571, %swap3A_572], %broadcast_in_dim3A_1 {strides = array<i32>} : memref<80x128xf32, #tpu.memory_space<vmem>>, vector<16xf32>,
      %swap3A_574 = arith.index_cast %scan3A_564 : i32 to index
      %swap3A_575 = arith.constant 48 : index
      %swap3A_576 = tpu.vector_load %arg13[%swap3A_574, %swap3A_575] {strides = array<i32>} : memref<80x128xf32, #tpu.memory_space<vmem>>, vector<16xf32>,
      tpu.vector_store %arg13[%swap3A_574, %swap3A_575], %broadcast_in_dim3A_1 {strides = array<i32>} : memref<80x128xf32, #tpu.memory_space<vmem>>, vector<16xf32>,
      %swap3A_577 = arith.index_cast %scan3A_564 : i32 to index
      %swap3A_578 = arith.constant 64 : index
      %swap3A_579 = tpu.vector_load %arg13[%swap3A_577, %swap3A_578] {strides = array<i32>} : memref<80x128xf32, #tpu.memory_space<vmem>>, vector<16xf32>,
      tpu.vector_store %arg13[%swap3A_577, %swap3A_578], %broadcast_in_dim3A_1 {strides = array<i32>} : memref<80x128xf32, #tpu.memory_space<vmem>>, vector<16xf32>,
      %swap3A_580 = arith.index_cast %scan3A_564 : i32 to index
      %swap3A_581 = arith.constant 80 : index
      %swap3A_582 = tpu.vector_load %arg13[%swap3A_580, %swap3A_581] {strides = array<i32>} : memref<80x128xf32, #tpu.memory_space<vmem>>, vector<16xf32>,
      tpu.vector_store %arg13[%swap3A_580, %swap3A_581], %broadcast_in_dim3A_1 {strides = array<i32>} : memref<80x128xf32, #tpu.memory_space<vmem>>, vector<16xf32>,
      %swap3A_583 = arith.index_cast %scan3A_564 : i32 to index
      %swap3A_584 = arith.constant 96 : index
      %swap3A_585 = tpu.vector_load %arg13[%swap3A_583, %swap3A_584] {strides = array<i32>} : memref<80x128xf32, #tpu.memory_space<vmem>>, vector<16xf32>,
      tpu.vector_store %arg13[%swap3A_583, %swap3A_584], %broadcast_in_dim3A_1 {strides = array<i32>} : memref<80x128xf32, #tpu.memory_space<vmem>>, vector<16xf32>,
      %swap3A_586 = arith.index_cast %scan3A_564 : i32 to index
      %swap3A_587 = arith.constant 112 : index
      %swap3A_588 = tpu.vector_load %arg13[%swap3A_586, %swap3A_587] {strides = array<i32>} : memref<80x128xf32, #tpu.memory_space<vmem>>, vector<16xf32>,
      tpu.vector_store %arg13[%swap3A_586, %swap3A_587], %broadcast_in_dim3A_1 {strides = array<i32>} : memref<80x128xf32, #tpu.memory_space<vmem>>, vector<16xf32>,
      %swap3A_589 = arith.index_cast %scan3A_564 : i32 to index
      %swap3A_590 = arith.constant 0 : index
      %swap3A_591 = tpu.vector_load %arg17[%swap3A_589, %swap3A_590] {strides = array<i32>} : memref<80x16xf32, #tpu.memory_space<vmem>>, vector<16xf32>,
      tpu.vector_store %arg17[%swap3A_589, %swap3A_590], %broadcast_in_dim3A_1 {strides = array<i32>} : memref<80x16xf32, #tpu.memory_space<vmem>>, vector<16xf32>,
    }
    %scan3A_446 = arith.constant 80 : i32
    %barrier3A_447 = arith.constant 0 : index
    tpu.barrier barrier_id(%barrier3A_447)
    %mul3A_448 = arith.constant 5000 : i32
    %mul3A_449 = arith.muli %arg0, %mul3A_448 : i32
    %add3A_450 = arith.constant 2504 : i32
    %add3A_451 = arith.addi %mul3A_449, %add3A_450 : i32
    %mul3A_452 = arith.constant 2 : i32
    %mul3A_453 = arith.muli %max3A_335, %mul3A_452 : i32
    %mul3A_454 = arith.constant 80 : i32
    %mul3A_455 = arith.muli %mul3A_453, %mul3A_454 : i32
    %sub3A_456 = arith.constant 10352 : i32
    %sub3A_457 = arith.subi %sub3A_456, %mul3A_455 : i32
    %mul3A_458 = arith.constant 160 : i32
    %mul3A_459 = arith.muli %arg1, %mul3A_458 : i32
    "tpu.region"() ({
      %run_scoped3A = tpu.sem_alloc : memref<!tpu.dma_semaphore, #tpu.memory_space<semaphore_mem>>
      %dma_start3A_564 = arith.constant 0 : i32
      %dma_start3A_565 = tpu.memref_slice %arg22[%mul3A_459, %dma_start3A_564] : memref<2560x128xf32, #tpu.memory_space<vmem_shared>> -> memref<80x128xf32, #tpu.memory_space<vmem_shared>>
      %dma_start3A_566 = arith.constant 0 : i32
      %dma_start3A_567 = tpu.memref_slice %arg22[%mul3A_459, %dma_start3A_566] : memref<2560x128xf32, #tpu.memory_space<vmem_shared>> -> memref<80x128xf32, #tpu.memory_space<vmem_shared>>
      tpu.enqueue_dma source(%arg13 : memref<80x128xf32, #tpu.memory_space<vmem>>) target(%dma_start3A_567 : memref<80x128xf32, #tpu.memory_space<vmem_shared>>) target_semaphore(%run_scoped3A : memref<!tpu.dma_semaphore, #tpu.memory_space<semaphore_mem>>)
      %dma_wait3A = arith.constant 0 : i32
      %dma_wait3A_568 = tpu.memref_slice %arg22[%mul3A_459, %dma_wait3A] : memref<2560x128xf32, #tpu.memory_space<vmem_shared>> -> memref<80x128xf32, #tpu.memory_space<vmem_shared>>
      %dma_wait3A_569 = arith.constant 0 : i32
      %dma_wait3A_570 = tpu.memref_slice %arg22[%mul3A_459, %dma_wait3A_569] : memref<2560x128xf32, #tpu.memory_space<vmem_shared>> -> memref<80x128xf32, #tpu.memory_space<vmem_shared>>
      tpu.wait_dma2 semaphore(%run_scoped3A : memref<!tpu.dma_semaphore, #tpu.memory_space<semaphore_mem>>) src(%arg13 : memref<80x128xf32, #tpu.memory_space<vmem>>) dst(%dma_wait3A_570 : memref<80x128xf32, #tpu.memory_space<vmem_shared>>)
      tpu.yield
    }) : () -> ()
    %add3A_460 = arith.constant 80 : i32
    %add3A_461 = arith.addi %mul3A_459, %add3A_460 : i32
    "tpu.region"() ({
      %run_scoped3A = tpu.sem_alloc : memref<!tpu.dma_semaphore, #tpu.memory_space<semaphore_mem>>
      %dma_start3A_564 = arith.constant 0 : i32
      %dma_start3A_565 = tpu.memref_slice %arg22[%add3A_461, %dma_start3A_564] : memref<2560x128xf32, #tpu.memory_space<vmem_shared>> -> memref<80x128xf32, #tpu.memory_space<vmem_shared>>
      %dma_start3A_566 = arith.constant 0 : i32
      %dma_start3A_567 = tpu.memref_slice %arg22[%add3A_461, %dma_start3A_566] : memref<2560x128xf32, #tpu.memory_space<vmem_shared>> -> memref<80x128xf32, #tpu.memory_space<vmem_shared>>
      tpu.enqueue_dma source(%arg13 : memref<80x128xf32, #tpu.memory_space<vmem>>) target(%dma_start3A_567 : memref<80x128xf32, #tpu.memory_space<vmem_shared>>) target_semaphore(%run_scoped3A : memref<!tpu.dma_semaphore, #tpu.memory_space<semaphore_mem>>)
      %dma_wait3A = arith.constant 0 : i32
      %dma_wait3A_568 = tpu.memref_slice %arg22[%add3A_461, %dma_wait3A] : memref<2560x128xf32, #tpu.memory_space<vmem_shared>> -> memref<80x128xf32, #tpu.memory_space<vmem_shared>>
      %dma_wait3A_569 = arith.constant 0 : i32
      %dma_wait3A_570 = tpu.memref_slice %arg22[%add3A_461, %dma_wait3A_569] : memref<2560x128xf32, #tpu.memory_space<vmem_shared>> -> memref<80x128xf32, #tpu.memory_space<vmem_shared>>
      tpu.wait_dma2 semaphore(%run_scoped3A : memref<!tpu.dma_semaphore, #tpu.memory_space<semaphore_mem>>) src(%arg13 : memref<80x128xf32, #tpu.memory_space<vmem>>) dst(%dma_wait3A_570 : memref<80x128xf32, #tpu.memory_space<vmem_shared>>)
      tpu.yield
    }) : () -> ()
    "tpu.region"() ({
      %run_scoped3A = tpu.sem_alloc : memref<!tpu.dma_semaphore, #tpu.memory_space<semaphore_mem>>
      %dma_start3A_564 = arith.constant 0 : i32
      %dma_start3A_565 = tpu.memref_slice %arg23[%mul3A_459, %dma_start3A_564] : memref<2560x128xf32, #tpu.memory_space<vmem_shared>> -> memref<80x128xf32, #tpu.memory_space<vmem_shared>>
      %dma_start3A_566 = arith.constant 0 : i32
      %dma_start3A_567 = tpu.memref_slice %arg23[%mul3A_459, %dma_start3A_566] : memref<2560x128xf32, #tpu.memory_space<vmem_shared>> -> memref<80x128xf32, #tpu.memory_space<vmem_shared>>
      tpu.enqueue_dma source(%arg13 : memref<80x128xf32, #tpu.memory_space<vmem>>) target(%dma_start3A_567 : memref<80x128xf32, #tpu.memory_space<vmem_shared>>) target_semaphore(%run_scoped3A : memref<!tpu.dma_semaphore, #tpu.memory_space<semaphore_mem>>)
      %dma_wait3A = arith.constant 0 : i32
      %dma_wait3A_568 = tpu.memref_slice %arg23[%mul3A_459, %dma_wait3A] : memref<2560x128xf32, #tpu.memory_space<vmem_shared>> -> memref<80x128xf32, #tpu.memory_space<vmem_shared>>
      %dma_wait3A_569 = arith.constant 0 : i32
      %dma_wait3A_570 = tpu.memref_slice %arg23[%mul3A_459, %dma_wait3A_569] : memref<2560x128xf32, #tpu.memory_space<vmem_shared>> -> memref<80x128xf32, #tpu.memory_space<vmem_shared>>
      tpu.wait_dma2 semaphore(%run_scoped3A : memref<!tpu.dma_semaphore, #tpu.memory_space<semaphore_mem>>) src(%arg13 : memref<80x128xf32, #tpu.memory_space<vmem>>) dst(%dma_wait3A_570 : memref<80x128xf32, #tpu.memory_space<vmem_shared>>)
      tpu.yield
    }) : () -> ()
    %add3A_462 = arith.constant 80 : i32
    %add3A_463 = arith.addi %mul3A_459, %add3A_462 : i32
    "tpu.region"() ({
      %run_scoped3A = tpu.sem_alloc : memref<!tpu.dma_semaphore, #tpu.memory_space<semaphore_mem>>
      %dma_start3A_564 = arith.constant 0 : i32
      %dma_start3A_565 = tpu.memref_slice %arg23[%add3A_463, %dma_start3A_564] : memref<2560x128xf32, #tpu.memory_space<vmem_shared>> -> memref<80x128xf32, #tpu.memory_space<vmem_shared>>
      %dma_start3A_566 = arith.constant 0 : i32
      %dma_start3A_567 = tpu.memref_slice %arg23[%add3A_463, %dma_start3A_566] : memref<2560x128xf32, #tpu.memory_space<vmem_shared>> -> memref<80x128xf32, #tpu.memory_space<vmem_shared>>
      tpu.enqueue_dma source(%arg13 : memref<80x128xf32, #tpu.memory_space<vmem>>) target(%dma_start3A_567 : memref<80x128xf32, #tpu.memory_space<vmem_shared>>) target_semaphore(%run_scoped3A : memref<!tpu.dma_semaphore, #tpu.memory_space<semaphore_mem>>)
      %dma_wait3A = arith.constant 0 : i32
      %dma_wait3A_568 = tpu.memref_slice %arg23[%add3A_463, %dma_wait3A] : memref<2560x128xf32, #tpu.memory_space<vmem_shared>> -> memref<80x128xf32, #tpu.memory_space<vmem_shared>>
      %dma_wait3A_569 = arith.constant 0 : i32
      %dma_wait3A_570 = tpu.memref_slice %arg23[%add3A_463, %dma_wait3A_569] : memref<2560x128xf32, #tpu.memory_space<vmem_shared>> -> memref<80x128xf32, #tpu.memory_space<vmem_shared>>
      tpu.wait_dma2 semaphore(%run_scoped3A : memref<!tpu.dma_semaphore, #tpu.memory_space<semaphore_mem>>) src(%arg13 : memref<80x128xf32, #tpu.memory_space<vmem>>) dst(%dma_wait3A_570 : memref<80x128xf32, #tpu.memory_space<vmem_shared>>)
      tpu.yield
    }) : () -> ()
    "tpu.region"() ({
      %run_scoped3A = tpu.sem_alloc : memref<!tpu.dma_semaphore, #tpu.memory_space<semaphore_mem>>
      %dma_start3A_564 = arith.constant 0 : i32
      %dma_start3A_565 = tpu.memref_slice %arg24[%mul3A_459, %dma_start3A_564] : memref<2560x16xf32, #tpu.memory_space<vmem_shared>> -> memref<80x16xf32, #tpu.memory_space<vmem_shared>>
      %dma_start3A_566 = arith.constant 0 : i32
      %dma_start3A_567 = tpu.memref_slice %arg24[%mul3A_459, %dma_start3A_566] : memref<2560x16xf32, #tpu.memory_space<vmem_shared>> -> memref<80x16xf32, #tpu.memory_space<vmem_shared>>
      tpu.enqueue_dma source(%arg17 : memref<80x16xf32, #tpu.memory_space<vmem>>) target(%dma_start3A_567 : memref<80x16xf32, #tpu.memory_space<vmem_shared>>) target_semaphore(%run_scoped3A : memref<!tpu.dma_semaphore, #tpu.memory_space<semaphore_mem>>)
      %dma_wait3A = arith.constant 0 : i32
      %dma_wait3A_568 = tpu.memref_slice %arg24[%mul3A_459, %dma_wait3A] : memref<2560x16xf32, #tpu.memory_space<vmem_shared>> -> memref<80x16xf32, #tpu.memory_space<vmem_shared>>
      %dma_wait3A_569 = arith.constant 0 : i32
      %dma_wait3A_570 = tpu.memref_slice %arg24[%mul3A_459, %dma_wait3A_569] : memref<2560x16xf32, #tpu.memory_space<vmem_shared>> -> memref<80x16xf32, #tpu.memory_space<vmem_shared>>
      tpu.wait_dma2 semaphore(%run_scoped3A : memref<!tpu.dma_semaphore, #tpu.memory_space<semaphore_mem>>) src(%arg17 : memref<80x16xf32, #tpu.memory_space<vmem>>) dst(%dma_wait3A_570 : memref<80x16xf32, #tpu.memory_space<vmem_shared>>)
      tpu.yield
    }) : () -> ()
    %add3A_464 = arith.constant 80 : i32
    %add3A_465 = arith.addi %mul3A_459, %add3A_464 : i32
    "tpu.region"() ({
      %run_scoped3A = tpu.sem_alloc : memref<!tpu.dma_semaphore, #tpu.memory_space<semaphore_mem>>
      %dma_start3A_564 = arith.constant 0 : i32
      %dma_start3A_565 = tpu.memref_slice %arg24[%add3A_465, %dma_start3A_564] : memref<2560x16xf32, #tpu.memory_space<vmem_shared>> -> memref<80x16xf32, #tpu.memory_space<vmem_shared>>
      %dma_start3A_566 = arith.constant 0 : i32
      %dma_start3A_567 = tpu.memref_slice %arg24[%add3A_465, %dma_start3A_566] : memref<2560x16xf32, #tpu.memory_space<vmem_shared>> -> memref<80x16xf32, #tpu.memory_space<vmem_shared>>
      tpu.enqueue_dma source(%arg17 : memref<80x16xf32, #tpu.memory_space<vmem>>) target(%dma_start3A_567 : memref<80x16xf32, #tpu.memory_space<vmem_shared>>) target_semaphore(%run_scoped3A : memref<!tpu.dma_semaphore, #tpu.memory_space<semaphore_mem>>)
      %dma_wait3A = arith.constant 0 : i32
      %dma_wait3A_568 = tpu.memref_slice %arg24[%add3A_465, %dma_wait3A] : memref<2560x16xf32, #tpu.memory_space<vmem_shared>> -> memref<80x16xf32, #tpu.memory_space<vmem_shared>>
      %dma_wait3A_569 = arith.constant 0 : i32
      %dma_wait3A_570 = tpu.memref_slice %arg24[%add3A_465, %dma_wait3A_569] : memref<2560x16xf32, #tpu.memory_space<vmem_shared>> -> memref<80x16xf32, #tpu.memory_space<vmem_shared>>
      tpu.wait_dma2 semaphore(%run_scoped3A : memref<!tpu.dma_semaphore, #tpu.memory_space<semaphore_mem>>) src(%arg17 : memref<80x16xf32, #tpu.memory_space<vmem>>) dst(%dma_wait3A_570 : memref<80x16xf32, #tpu.memory_space<vmem_shared>>)
      tpu.yield
    }) : () -> ()
    %scan3A_466 = arith.constant 0 : i32
    %scan3A_467 = arith.constant 0 : i32
    %scan3A_468 = arith.constant 80 : i32
    %scan3A_469 = arith.addi %scan3A_467, %scan3A_468 : i32
    %scan3A_470 = arith.constant 1 : i32
    scf.for %scan3A_564 = %scan3A_467 to %scan3A_469 step %scan3A_470  : i32 {
      %swap3A_565 = arith.index_cast %scan3A_564 : i32 to index
      %swap3A_566 = arith.constant 0 : index
      %swap3A_567 = tpu.vector_load %arg17[%swap3A_565, %swap3A_566] {strides = array<i32>} : memref<80x16xf32, #tpu.memory_space<vmem>>, vector<16xf32>,
      tpu.vector_store %arg17[%swap3A_565, %swap3A_566], %broadcast_in_dim3A_3 {strides = array<i32>} : memref<80x16xf32, #tpu.memory_space<vmem>>, vector<16xf32>,
    }
    %scan3A_471 = arith.constant 80 : i32
    %barrier3A_472 = arith.constant 0 : index
    tpu.barrier barrier_id(%barrier3A_472)
    %mul3A_473 = arith.constant 0 : i32
    %mul3A_474 = arith.constant 80 : i32
    %mul3A_475 = arith.muli %mul3A_473, %mul3A_474 : i32
    %add3A_476 = arith.addi %sub3A_457, %mul3A_475 : i32
    %add3A_477 = arith.constant 0 : i32
    %add3A_478 = arith.addi %add3A_476, %add3A_477 : i32
    %get3A_479 = arith.index_cast %add3A_478 : i32 to index
    %get3A_480 = tpu.vector_load %arg11[%get3A_479] {strides = array<i32>} : memref<10352xi32, #tpu.memory_space<vmem>>, vector<16xi32>,
    %swap3A_481 = arith.constant 0 : index
    %swap3A_482 = tpu.vector_load %arg18[%swap3A_481] {strides = array<i32>} : memref<80xi32, #tpu.memory_space<vmem>>, vector<16xi32>,
    tpu.vector_store %arg18[%swap3A_481], %get3A_480 {strides = array<i32>} : memref<80xi32, #tpu.memory_space<vmem>>, vector<16xi32>,
    %add3A_483 = arith.constant 0 : i32
    %add3A_484 = arith.addi %add3A_476, %add3A_483 : i32
    %get3A_485 = arith.index_cast %add3A_484 : i32 to index
    %get3A_486 = tpu.vector_load %arg12[%get3A_485] {strides = array<i32>} : memref<10352xi32, #tpu.memory_space<vmem>>, vector<16xi32>,
    %swap3A_487 = arith.constant 0 : index
    %swap3A_488 = tpu.vector_load %arg20[%swap3A_487] {strides = array<i32>} : memref<80xi32, #tpu.memory_space<vmem>>, vector<16xi32>,
    tpu.vector_store %arg20[%swap3A_487], %get3A_486 {strides = array<i32>} : memref<80xi32, #tpu.memory_space<vmem>>, vector<16xi32>,
    %add3A_489 = arith.constant 16 : i32
    %add3A_490 = arith.addi %add3A_476, %add3A_489 : i32
    %get3A_491 = arith.index_cast %add3A_490 : i32 to index
    %get3A_492 = tpu.vector_load %arg11[%get3A_491] {strides = array<i32>} : memref<10352xi32, #tpu.memory_space<vmem>>, vector<16xi32>,
    %swap3A_493 = arith.constant 16 : index
    %swap3A_494 = tpu.vector_load %arg18[%swap3A_493] {strides = array<i32>} : memref<80xi32, #tpu.memory_space<vmem>>, vector<16xi32>,
    tpu.vector_store %arg18[%swap3A_493], %get3A_492 {strides = array<i32>} : memref<80xi32, #tpu.memory_space<vmem>>, vector<16xi32>,
    %add3A_495 = arith.constant 16 : i32
    %add3A_496 = arith.addi %add3A_476, %add3A_495 : i32
    %get3A_497 = arith.index_cast %add3A_496 : i32 to index
    %get3A_498 = tpu.vector_load %arg12[%get3A_497] {strides = array<i32>} : memref<10352xi32, #tpu.memory_space<vmem>>, vector<16xi32>,
    %swap3A_499 = arith.constant 16 : index
    %swap3A_500 = tpu.vector_load %arg20[%swap3A_499] {strides = array<i32>} : memref<80xi32, #tpu.memory_space<vmem>>, vector<16xi32>,
    tpu.vector_store %arg20[%swap3A_499], %get3A_498 {strides = array<i32>} : memref<80xi32, #tpu.memory_space<vmem>>, vector<16xi32>,
    %add3A_501 = arith.constant 32 : i32
    %add3A_502 = arith.addi %add3A_476, %add3A_501 : i32
    %get3A_503 = arith.index_cast %add3A_502 : i32 to index
    %get3A_504 = tpu.vector_load %arg11[%get3A_503] {strides = array<i32>} : memref<10352xi32, #tpu.memory_space<vmem>>, vector<16xi32>,
    %swap3A_505 = arith.constant 32 : index
    %swap3A_506 = tpu.vector_load %arg18[%swap3A_505] {strides = array<i32>} : memref<80xi32, #tpu.memory_space<vmem>>, vector<16xi32>,
    tpu.vector_store %arg18[%swap3A_505], %get3A_504 {strides = array<i32>} : memref<80xi32, #tpu.memory_space<vmem>>, vector<16xi32>,
    %add3A_507 = arith.constant 32 : i32
    %add3A_508 = arith.addi %add3A_476, %add3A_507 : i32
    %get3A_509 = arith.index_cast %add3A_508 : i32 to index
    %get3A_510 = tpu.vector_load %arg12[%get3A_509] {strides = array<i32>} : memref<10352xi32, #tpu.memory_space<vmem>>, vector<16xi32>,
    %swap3A_511 = arith.constant 32 : index
    %swap3A_512 = tpu.vector_load %arg20[%swap3A_511] {strides = array<i32>} : memref<80xi32, #tpu.memory_space<vmem>>, vector<16xi32>,
    tpu.vector_store %arg20[%swap3A_511], %get3A_510 {strides = array<i32>} : memref<80xi32, #tpu.memory_space<vmem>>, vector<16xi32>,
    %add3A_513 = arith.constant 48 : i32
    %add3A_514 = arith.addi %add3A_476, %add3A_513 : i32
    %get3A_515 = arith.index_cast %add3A_514 : i32 to index
    %get3A_516 = tpu.vector_load %arg11[%get3A_515] {strides = array<i32>} : memref<10352xi32, #tpu.memory_space<vmem>>, vector<16xi32>,
    %swap3A_517 = arith.constant 48 : index
    %swap3A_518 = tpu.vector_load %arg18[%swap3A_517] {strides = array<i32>} : memref<80xi32, #tpu.memory_space<vmem>>, vector<16xi32>,
    tpu.vector_store %arg18[%swap3A_517], %get3A_516 {strides = array<i32>} : memref<80xi32, #tpu.memory_space<vmem>>, vector<16xi32>,
    %add3A_519 = arith.constant 48 : i32
    %add3A_520 = arith.addi %add3A_476, %add3A_519 : i32
    %get3A_521 = arith.index_cast %add3A_520 : i32 to index
    %get3A_522 = tpu.vector_load %arg12[%get3A_521] {strides = array<i32>} : memref<10352xi32, #tpu.memory_space<vmem>>, vector<16xi32>,
    %swap3A_523 = arith.constant 48 : index
    %swap3A_524 = tpu.vector_load %arg20[%swap3A_523] {strides = array<i32>} : memref<80xi32, #tpu.memory_space<vmem>>, vector<16xi32>,
    tpu.vector_store %arg20[%swap3A_523], %get3A_522 {strides = array<i32>} : memref<80xi32, #tpu.memory_space<vmem>>, vector<16xi32>,
    %add3A_525 = arith.constant 64 : i32
    %add3A_526 = arith.addi %add3A_476, %add3A_525 : i32
    %get3A_527 = arith.index_cast %add3A_526 : i32 to index
    %get3A_528 = tpu.vector_load %arg11[%get3A_527] {strides = array<i32>} : memref<10352xi32, #tpu.memory_space<vmem>>, vector<16xi32>,
    %swap3A_529 = arith.constant 64 : index
    %swap3A_530 = tpu.vector_load %arg18[%swap3A_529] {strides = array<i32>} : memref<80xi32, #tpu.memory_space<vmem>>, vector<16xi32>,
    tpu.vector_store %arg18[%swap3A_529], %get3A_528 {strides = array<i32>} : memref<80xi32, #tpu.memory_space<vmem>>, vector<16xi32>,
    %add3A_531 = arith.constant 64 : i32
    %add3A_532 = arith.addi %add3A_476, %add3A_531 : i32
    %get3A_533 = arith.index_cast %add3A_532 : i32 to index
    %get3A_534 = tpu.vector_load %arg12[%get3A_533] {strides = array<i32>} : memref<10352xi32, #tpu.memory_space<vmem>>, vector<16xi32>,
    %swap3A_535 = arith.constant 64 : index
    %swap3A_536 = tpu.vector_load %arg20[%swap3A_535] {strides = array<i32>} : memref<80xi32, #tpu.memory_space<vmem>>, vector<16xi32>,
    tpu.vector_store %arg20[%swap3A_535], %get3A_534 {strides = array<i32>} : memref<80xi32, #tpu.memory_space<vmem>>, vector<16xi32>,
    %dma_start3A_537 = arith.constant 0 : i32
    %dma_start3A_538 = arith.constant 0 : i32
    %dma_start3A_539 = tpu.memref_slice %arg2[%dma_start3A_537, %dma_start3A_538] : memref<10000x128xf32, #tpu.memory_space<hbm>> -> memref<10000x128xf32, #tpu.memory_space<hbm>>
    tpu.enqueue_indirect_dma source(%dma_start3A_539 : memref<10000x128xf32, #tpu.memory_space<hbm>>) target(%arg13 : memref<80x128xf32, #tpu.memory_space<vmem>>) offsets(%arg18 : memref<80xi32, #tpu.memory_space<vmem>>) semaphore(%arg25 : memref<!tpu.dma_semaphore, #tpu.memory_space<semaphore_mem>>)
    %dma_start3A_540 = arith.constant 0 : i32
    %dma_start3A_541 = arith.constant 0 : i32
    %dma_start3A_542 = tpu.memref_slice %arg3[%dma_start3A_540, %dma_start3A_541] : memref<10000x128xf32, #tpu.memory_space<hbm>> -> memref<10000x128xf32, #tpu.memory_space<hbm>>
    tpu.enqueue_indirect_dma source(%dma_start3A_542 : memref<10000x128xf32, #tpu.memory_space<hbm>>) target(%arg14 : memref<80x128xf32, #tpu.memory_space<vmem>>) offsets(%arg18 : memref<80xi32, #tpu.memory_space<vmem>>) semaphore(%arg26 : memref<!tpu.dma_semaphore, #tpu.memory_space<semaphore_mem>>)
    %while3A_543 = arith.constant 0 : i32
    %while3A_544 = arith.constant 0 : i32
    %while3A_545 = arith.subi %max3A_335, %while3A_544 : i32
    %while3A_546 = arith.addi %while3A_544, %while3A_545 : i32
    %while3A_547 = arith.constant 1 : i32
    %while3A_548 = arith.divsi %while3A_545, %while3A_547 : i32
    %while3A_549 = arith.muli %while3A_548, %while3A_547 : i32
    %while3A_550 = arith.addi %while3A_544, %while3A_549 : i32
    %while3A_551 = arith.constant 1 : i32
    scf.for %while3A_564 = %while3A_544 to %while3A_550 step %while3A_551  : i32 {
      %mul3A_565 = arith.constant 2 : i32
      %mul3A_566 = arith.muli %mul3A_565, %while3A_564 : i32
      %add3A_567 = arith.constant 1 : i32
      %add3A_568 = arith.addi %mul3A_566, %add3A_567 : i32
      %mul3A_569 = arith.constant 80 : i32
      %mul3A_570 = arith.muli %add3A_568, %mul3A_569 : i32
      %add3A_571 = arith.addi %sub3A_457, %mul3A_570 : i32
      %add3A_572 = arith.constant 0 : i32
      %add3A_573 = arith.addi %add3A_571, %add3A_572 : i32
      %get3A_574 = arith.index_cast %add3A_573 : i32 to index
      %get3A_575 = tpu.vector_load %arg11[%get3A_574] {strides = array<i32>} : memref<10352xi32, #tpu.memory_space<vmem>>, vector<16xi32>,
      %swap3A_576 = arith.constant 0 : index
      %swap3A_577 = tpu.vector_load %arg19[%swap3A_576] {strides = array<i32>} : memref<80xi32, #tpu.memory_space<vmem>>, vector<16xi32>,
      tpu.vector_store %arg19[%swap3A_576], %get3A_575 {strides = array<i32>} : memref<80xi32, #tpu.memory_space<vmem>>, vector<16xi32>,
      %add3A_578 = arith.constant 0 : i32
      %add3A_579 = arith.addi %add3A_571, %add3A_578 : i32
      %get3A_580 = arith.index_cast %add3A_579 : i32 to index
      %get3A_581 = tpu.vector_load %arg12[%get3A_580] {strides = array<i32>} : memref<10352xi32, #tpu.memory_space<vmem>>, vector<16xi32>,
      %swap3A_582 = arith.constant 0 : index
      %swap3A_583 = tpu.vector_load %arg21[%swap3A_582] {strides = array<i32>} : memref<80xi32, #tpu.memory_space<vmem>>, vector<16xi32>,
      tpu.vector_store %arg21[%swap3A_582], %get3A_581 {strides = array<i32>} : memref<80xi32, #tpu.memory_space<vmem>>, vector<16xi32>,
      %add3A_584 = arith.constant 16 : i32
      %add3A_585 = arith.addi %add3A_571, %add3A_584 : i32
      %get3A_586 = arith.index_cast %add3A_585 : i32 to index
      %get3A_587 = tpu.vector_load %arg11[%get3A_586] {strides = array<i32>} : memref<10352xi32, #tpu.memory_space<vmem>>, vector<16xi32>,
      %swap3A_588 = arith.constant 16 : index
      %swap3A_589 = tpu.vector_load %arg19[%swap3A_588] {strides = array<i32>} : memref<80xi32, #tpu.memory_space<vmem>>, vector<16xi32>,
      tpu.vector_store %arg19[%swap3A_588], %get3A_587 {strides = array<i32>} : memref<80xi32, #tpu.memory_space<vmem>>, vector<16xi32>,
      %add3A_590 = arith.constant 16 : i32
      %add3A_591 = arith.addi %add3A_571, %add3A_590 : i32
      %get3A_592 = arith.index_cast %add3A_591 : i32 to index
      %get3A_593 = tpu.vector_load %arg12[%get3A_592] {strides = array<i32>} : memref<10352xi32, #tpu.memory_space<vmem>>, vector<16xi32>,
      %swap3A_594 = arith.constant 16 : index
      %swap3A_595 = tpu.vector_load %arg21[%swap3A_594] {strides = array<i32>} : memref<80xi32, #tpu.memory_space<vmem>>, vector<16xi32>,
      tpu.vector_store %arg21[%swap3A_594], %get3A_593 {strides = array<i32>} : memref<80xi32, #tpu.memory_space<vmem>>, vector<16xi32>,
      %add3A_596 = arith.constant 32 : i32
      %add3A_597 = arith.addi %add3A_571, %add3A_596 : i32
      %get3A_598 = arith.index_cast %add3A_597 : i32 to index
      %get3A_599 = tpu.vector_load %arg11[%get3A_598] {strides = array<i32>} : memref<10352xi32, #tpu.memory_space<vmem>>, vector<16xi32>,
      %swap3A_600 = arith.constant 32 : index
      %swap3A_601 = tpu.vector_load %arg19[%swap3A_600] {strides = array<i32>} : memref<80xi32, #tpu.memory_space<vmem>>, vector<16xi32>,
      tpu.vector_store %arg19[%swap3A_600], %get3A_599 {strides = array<i32>} : memref<80xi32, #tpu.memory_space<vmem>>, vector<16xi32>,
      %add3A_602 = arith.constant 32 : i32
      %add3A_603 = arith.addi %add3A_571, %add3A_602 : i32
      %get3A_604 = arith.index_cast %add3A_603 : i32 to index
      %get3A_605 = tpu.vector_load %arg12[%get3A_604] {strides = array<i32>} : memref<10352xi32, #tpu.memory_space<vmem>>, vector<16xi32>,
      %swap3A_606 = arith.constant 32 : index
      %swap3A_607 = tpu.vector_load %arg21[%swap3A_606] {strides = array<i32>} : memref<80xi32, #tpu.memory_space<vmem>>, vector<16xi32>,
      tpu.vector_store %arg21[%swap3A_606], %get3A_605 {strides = array<i32>} : memref<80xi32, #tpu.memory_space<vmem>>, vector<16xi32>,
      %add3A_608 = arith.constant 48 : i32
      %add3A_609 = arith.addi %add3A_571, %add3A_608 : i32
      %get3A_610 = arith.index_cast %add3A_609 : i32 to index
      %get3A_611 = tpu.vector_load %arg11[%get3A_610] {strides = array<i32>} : memref<10352xi32, #tpu.memory_space<vmem>>, vector<16xi32>,
      %swap3A_612 = arith.constant 48 : index
      %swap3A_613 = tpu.vector_load %arg19[%swap3A_612] {strides = array<i32>} : memref<80xi32, #tpu.memory_space<vmem>>, vector<16xi32>,
      tpu.vector_store %arg19[%swap3A_612], %get3A_611 {strides = array<i32>} : memref<80xi32, #tpu.memory_space<vmem>>, vector<16xi32>,
      %add3A_614 = arith.constant 48 : i32
      %add3A_615 = arith.addi %add3A_571, %add3A_614 : i32
      %get3A_616 = arith.index_cast %add3A_615 : i32 to index
      %get3A_617 = tpu.vector_load %arg12[%get3A_616] {strides = array<i32>} : memref<10352xi32, #tpu.memory_space<vmem>>, vector<16xi32>,
      %swap3A_618 = arith.constant 48 : index
      %swap3A_619 = tpu.vector_load %arg21[%swap3A_618] {strides = array<i32>} : memref<80xi32, #tpu.memory_space<vmem>>, vector<16xi32>,
      tpu.vector_store %arg21[%swap3A_618], %get3A_617 {strides = array<i32>} : memref<80xi32, #tpu.memory_space<vmem>>, vector<16xi32>,
      %add3A_620 = arith.constant 64 : i32
      %add3A_621 = arith.addi %add3A_571, %add3A_620 : i32
      %get3A_622 = arith.index_cast %add3A_621 : i32 to index
      %get3A_623 = tpu.vector_load %arg11[%get3A_622] {strides = array<i32>} : memref<10352xi32, #tpu.memory_space<vmem>>, vector<16xi32>,
      %swap3A_624 = arith.constant 64 : index
      %swap3A_625 = tpu.vector_load %arg19[%swap3A_624] {strides = array<i32>} : memref<80xi32, #tpu.memory_space<vmem>>, vector<16xi32>,
      tpu.vector_store %arg19[%swap3A_624], %get3A_623 {strides = array<i32>} : memref<80xi32, #tpu.memory_space<vmem>>, vector<16xi32>,
      %add3A_626 = arith.constant 64 : i32
      %add3A_627 = arith.addi %add3A_571, %add3A_626 : i32
      %get3A_628 = arith.index_cast %add3A_627 : i32 to index
      %get3A_629 = tpu.vector_load %arg12[%get3A_628] {strides = array<i32>} : memref<10352xi32, #tpu.memory_space<vmem>>, vector<16xi32>,
      %swap3A_630 = arith.constant 64 : index
      %swap3A_631 = tpu.vector_load %arg21[%swap3A_630] {strides = array<i32>} : memref<80xi32, #tpu.memory_space<vmem>>, vector<16xi32>,
      tpu.vector_store %arg21[%swap3A_630], %get3A_629 {strides = array<i32>} : memref<80xi32, #tpu.memory_space<vmem>>, vector<16xi32>,
      %dma_start3A_632 = arith.constant 0 : i32
      %dma_start3A_633 = arith.constant 0 : i32
      %dma_start3A_634 = tpu.memref_slice %arg2[%dma_start3A_632, %dma_start3A_633] : memref<10000x128xf32, #tpu.memory_space<hbm>> -> memref<10000x128xf32, #tpu.memory_space<hbm>>
      tpu.enqueue_indirect_dma source(%dma_start3A_634 : memref<10000x128xf32, #tpu.memory_space<hbm>>) target(%arg15 : memref<80x128xf32, #tpu.memory_space<vmem>>) offsets(%arg19 : memref<80xi32, #tpu.memory_space<vmem>>) semaphore(%arg27 : memref<!tpu.dma_semaphore, #tpu.memory_space<semaphore_mem>>)
      %dma_start3A_635 = arith.constant 0 : i32
      %dma_start3A_636 = arith.constant 0 : i32
      %dma_start3A_637 = tpu.memref_slice %arg3[%dma_start3A_635, %dma_start3A_636] : memref<10000x128xf32, #tpu.memory_space<hbm>> -> memref<10000x128xf32, #tpu.memory_space<hbm>>
      tpu.enqueue_indirect_dma source(%dma_start3A_637 : memref<10000x128xf32, #tpu.memory_space<hbm>>) target(%arg16 : memref<80x128xf32, #tpu.memory_space<vmem>>) offsets(%arg19 : memref<80xi32, #tpu.memory_space<vmem>>) semaphore(%arg28 : memref<!tpu.dma_semaphore, #tpu.memory_space<semaphore_mem>>)
      %dma_wait3A = arith.constant 0 : i32
      %dma_wait3A_638 = arith.constant 0 : i32
      %dma_wait3A_639 = tpu.memref_slice %arg2[%dma_wait3A, %dma_wait3A_638] : memref<10000x128xf32, #tpu.memory_space<hbm>> -> memref<10000x128xf32, #tpu.memory_space<hbm>>
      tpu.wait_indirect_dma semaphore(%arg25 : memref<!tpu.dma_semaphore, #tpu.memory_space<semaphore_mem>>) src(%dma_wait3A_639 : memref<10000x128xf32, #tpu.memory_space<hbm>>) dst(%arg13 : memref<80x128xf32, #tpu.memory_space<vmem>>)
      %dma_wait3A_640 = arith.constant 0 : i32
      %dma_wait3A_641 = arith.constant 0 : i32
      %dma_wait3A_642 = tpu.memref_slice %arg3[%dma_wait3A_640, %dma_wait3A_641] : memref<10000x128xf32, #tpu.memory_space<hbm>> -> memref<10000x128xf32, #tpu.memory_space<hbm>>
      tpu.wait_indirect_dma semaphore(%arg26 : memref<!tpu.dma_semaphore, #tpu.memory_space<semaphore_mem>>) src(%dma_wait3A_642 : memref<10000x128xf32, #tpu.memory_space<hbm>>) dst(%arg14 : memref<80x128xf32, #tpu.memory_space<vmem>>)
      %dma_start3A_643 = arith.constant 0 : i32
      %dma_start3A_644 = arith.constant 0 : i32
      %dma_start3A_645 = tpu.memref_slice %arg22[%dma_start3A_643, %dma_start3A_644] : memref<2560x128xf32, #tpu.memory_space<vmem_shared>> -> memref<2560x128xf32, #tpu.memory_space<vmem_shared>>
      tpu.enqueue_indirect_dma source(%arg13 : memref<80x128xf32, #tpu.memory_space<vmem>>) target(%dma_start3A_645 : memref<2560x128xf32, #tpu.memory_space<vmem_shared>>) offsets(%arg20 : memref<80xi32, #tpu.memory_space<vmem>>) semaphore(%arg29 : memref<!tpu.dma_semaphore, #tpu.memory_space<semaphore_mem>>) {add = true}
      %dma_start3A_646 = arith.constant 0 : i32
      %dma_start3A_647 = arith.constant 0 : i32
      %dma_start3A_648 = tpu.memref_slice %arg23[%dma_start3A_646, %dma_start3A_647] : memref<2560x128xf32, #tpu.memory_space<vmem_shared>> -> memref<2560x128xf32, #tpu.memory_space<vmem_shared>>
      tpu.enqueue_indirect_dma source(%arg14 : memref<80x128xf32, #tpu.memory_space<vmem>>) target(%dma_start3A_648 : memref<2560x128xf32, #tpu.memory_space<vmem_shared>>) offsets(%arg20 : memref<80xi32, #tpu.memory_space<vmem>>) semaphore(%arg29 : memref<!tpu.dma_semaphore, #tpu.memory_space<semaphore_mem>>) {add = true}
      %dma_start3A_649 = arith.constant 0 : i32
      %dma_start3A_650 = arith.constant 0 : i32
      %dma_start3A_651 = tpu.memref_slice %arg24[%dma_start3A_649, %dma_start3A_650] : memref<2560x16xf32, #tpu.memory_space<vmem_shared>> -> memref<2560x16xf32, #tpu.memory_space<vmem_shared>>
      tpu.enqueue_indirect_dma source(%arg17 : memref<80x16xf32, #tpu.memory_space<vmem>>) target(%dma_start3A_651 : memref<2560x16xf32, #tpu.memory_space<vmem_shared>>) offsets(%arg20 : memref<80xi32, #tpu.memory_space<vmem>>) semaphore(%arg29 : memref<!tpu.dma_semaphore, #tpu.memory_space<semaphore_mem>>) {add = true}
      %dma_wait3A_652 = arith.constant 0 : i32
      %dma_wait3A_653 = arith.constant 0 : i32
      %dma_wait3A_654 = tpu.memref_slice %arg22[%dma_wait3A_652, %dma_wait3A_653] : memref<2560x128xf32, #tpu.memory_space<vmem_shared>> -> memref<2560x128xf32, #tpu.memory_space<vmem_shared>>
      tpu.wait_indirect_dma semaphore(%arg29 : memref<!tpu.dma_semaphore, #tpu.memory_space<semaphore_mem>>) src(%arg13 : memref<80x128xf32, #tpu.memory_space<vmem>>) dst(%dma_wait3A_654 : memref<2560x128xf32, #tpu.memory_space<vmem_shared>>)
      %dma_wait3A_655 = arith.constant 0 : i32
      %dma_wait3A_656 = arith.constant 0 : i32
      %dma_wait3A_657 = tpu.memref_slice %arg23[%dma_wait3A_655, %dma_wait3A_656] : memref<2560x128xf32, #tpu.memory_space<vmem_shared>> -> memref<2560x128xf32, #tpu.memory_space<vmem_shared>>
      tpu.wait_indirect_dma semaphore(%arg29 : memref<!tpu.dma_semaphore, #tpu.memory_space<semaphore_mem>>) src(%arg14 : memref<80x128xf32, #tpu.memory_space<vmem>>) dst(%dma_wait3A_657 : memref<2560x128xf32, #tpu.memory_space<vmem_shared>>)
      %dma_wait3A_658 = arith.constant 0 : i32
      %dma_wait3A_659 = arith.constant 0 : i32
      %dma_wait3A_660 = tpu.memref_slice %arg24[%dma_wait3A_658, %dma_wait3A_659] : memref<2560x16xf32, #tpu.memory_space<vmem_shared>> -> memref<2560x16xf32, #tpu.memory_space<vmem_shared>>
      tpu.wait_indirect_dma semaphore(%arg29 : memref<!tpu.dma_semaphore, #tpu.memory_space<semaphore_mem>>) src(%arg17 : memref<80x16xf32, #tpu.memory_space<vmem>>) dst(%dma_wait3A_660 : memref<2560x16xf32, #tpu.memory_space<vmem_shared>>)
      %add3A_661 = arith.constant 1 : i32
      %add3A_662 = arith.addi %while3A_564, %add3A_661 : i32
      %lt3A_663 = arith.cmpi slt, %add3A_662, %max3A_335 : i32
      %convert_element_type3A_664 = arith.extui %lt3A_663 : i1 to i32
      %cond3A_665 = arith.constant 0 : i32
      %cond3A_666 = arith.cmpi ne, %convert_element_type3A_664, %cond3A_665 : i32
      scf.if %cond3A_666 {
        %mul3A_691 = arith.constant 2 : i32
        %mul3A_692 = arith.muli %mul3A_691, %while3A_564 : i32
        %add3A_693 = arith.constant 2 : i32
        %add3A_694 = arith.addi %mul3A_692, %add3A_693 : i32
        %mul3A_695 = arith.constant 80 : i32
        %mul3A_696 = arith.muli %add3A_694, %mul3A_695 : i32
        %add3A_697 = arith.addi %sub3A_457, %mul3A_696 : i32
        %add3A_698 = arith.constant 0 : i32
        %add3A_699 = arith.addi %add3A_697, %add3A_698 : i32
        %get3A_700 = arith.index_cast %add3A_699 : i32 to index
        %get3A_701 = tpu.vector_load %arg11[%get3A_700] {strides = array<i32>} : memref<10352xi32, #tpu.memory_space<vmem>>, vector<16xi32>,
        %swap3A_702 = arith.constant 0 : index
        %swap3A_703 = tpu.vector_load %arg18[%swap3A_702] {strides = array<i32>} : memref<80xi32, #tpu.memory_space<vmem>>, vector<16xi32>,
        tpu.vector_store %arg18[%swap3A_702], %get3A_701 {strides = array<i32>} : memref<80xi32, #tpu.memory_space<vmem>>, vector<16xi32>,
        %add3A_704 = arith.constant 0 : i32
        %add3A_705 = arith.addi %add3A_697, %add3A_704 : i32
        %get3A_706 = arith.index_cast %add3A_705 : i32 to index
        %get3A_707 = tpu.vector_load %arg12[%get3A_706] {strides = array<i32>} : memref<10352xi32, #tpu.memory_space<vmem>>, vector<16xi32>,
        %swap3A_708 = arith.constant 0 : index
        %swap3A_709 = tpu.vector_load %arg20[%swap3A_708] {strides = array<i32>} : memref<80xi32, #tpu.memory_space<vmem>>, vector<16xi32>,
        tpu.vector_store %arg20[%swap3A_708], %get3A_707 {strides = array<i32>} : memref<80xi32, #tpu.memory_space<vmem>>, vector<16xi32>,
        %add3A_710 = arith.constant 16 : i32
        %add3A_711 = arith.addi %add3A_697, %add3A_710 : i32
        %get3A_712 = arith.index_cast %add3A_711 : i32 to index
        %get3A_713 = tpu.vector_load %arg11[%get3A_712] {strides = array<i32>} : memref<10352xi32, #tpu.memory_space<vmem>>, vector<16xi32>,
        %swap3A_714 = arith.constant 16 : index
        %swap3A_715 = tpu.vector_load %arg18[%swap3A_714] {strides = array<i32>} : memref<80xi32, #tpu.memory_space<vmem>>, vector<16xi32>,
        tpu.vector_store %arg18[%swap3A_714], %get3A_713 {strides = array<i32>} : memref<80xi32, #tpu.memory_space<vmem>>, vector<16xi32>,
        %add3A_716 = arith.constant 16 : i32
        %add3A_717 = arith.addi %add3A_697, %add3A_716 : i32
        %get3A_718 = arith.index_cast %add3A_717 : i32 to index
        %get3A_719 = tpu.vector_load %arg12[%get3A_718] {strides = array<i32>} : memref<10352xi32, #tpu.memory_space<vmem>>, vector<16xi32>,
        %swap3A_720 = arith.constant 16 : index
        %swap3A_721 = tpu.vector_load %arg20[%swap3A_720] {strides = array<i32>} : memref<80xi32, #tpu.memory_space<vmem>>, vector<16xi32>,
        tpu.vector_store %arg20[%swap3A_720], %get3A_719 {strides = array<i32>} : memref<80xi32, #tpu.memory_space<vmem>>, vector<16xi32>,
        %add3A_722 = arith.constant 32 : i32
        %add3A_723 = arith.addi %add3A_697, %add3A_722 : i32
        %get3A_724 = arith.index_cast %add3A_723 : i32 to index
        %get3A_725 = tpu.vector_load %arg11[%get3A_724] {strides = array<i32>} : memref<10352xi32, #tpu.memory_space<vmem>>, vector<16xi32>,
        %swap3A_726 = arith.constant 32 : index
        %swap3A_727 = tpu.vector_load %arg18[%swap3A_726] {strides = array<i32>} : memref<80xi32, #tpu.memory_space<vmem>>, vector<16xi32>,
        tpu.vector_store %arg18[%swap3A_726], %get3A_725 {strides = array<i32>} : memref<80xi32, #tpu.memory_space<vmem>>, vector<16xi32>,
        %add3A_728 = arith.constant 32 : i32
        %add3A_729 = arith.addi %add3A_697, %add3A_728 : i32
        %get3A_730 = arith.index_cast %add3A_729 : i32 to index
        %get3A_731 = tpu.vector_load %arg12[%get3A_730] {strides = array<i32>} : memref<10352xi32, #tpu.memory_space<vmem>>, vector<16xi32>,
        %swap3A_732 = arith.constant 32 : index
        %swap3A_733 = tpu.vector_load %arg20[%swap3A_732] {strides = array<i32>} : memref<80xi32, #tpu.memory_space<vmem>>, vector<16xi32>,
        tpu.vector_store %arg20[%swap3A_732], %get3A_731 {strides = array<i32>} : memref<80xi32, #tpu.memory_space<vmem>>, vector<16xi32>,
        %add3A_734 = arith.constant 48 : i32
        %add3A_735 = arith.addi %add3A_697, %add3A_734 : i32
        %get3A_736 = arith.index_cast %add3A_735 : i32 to index
        %get3A_737 = tpu.vector_load %arg11[%get3A_736] {strides = array<i32>} : memref<10352xi32, #tpu.memory_space<vmem>>, vector<16xi32>,
        %swap3A_738 = arith.constant 48 : index
        %swap3A_739 = tpu.vector_load %arg18[%swap3A_738] {strides = array<i32>} : memref<80xi32, #tpu.memory_space<vmem>>, vector<16xi32>,
        tpu.vector_store %arg18[%swap3A_738], %get3A_737 {strides = array<i32>} : memref<80xi32, #tpu.memory_space<vmem>>, vector<16xi32>,
        %add3A_740 = arith.constant 48 : i32
        %add3A_741 = arith.addi %add3A_697, %add3A_740 : i32
        %get3A_742 = arith.index_cast %add3A_741 : i32 to index
        %get3A_743 = tpu.vector_load %arg12[%get3A_742] {strides = array<i32>} : memref<10352xi32, #tpu.memory_space<vmem>>, vector<16xi32>,
        %swap3A_744 = arith.constant 48 : index
        %swap3A_745 = tpu.vector_load %arg20[%swap3A_744] {strides = array<i32>} : memref<80xi32, #tpu.memory_space<vmem>>, vector<16xi32>,
        tpu.vector_store %arg20[%swap3A_744], %get3A_743 {strides = array<i32>} : memref<80xi32, #tpu.memory_space<vmem>>, vector<16xi32>,
        %add3A_746 = arith.constant 64 : i32
        %add3A_747 = arith.addi %add3A_697, %add3A_746 : i32
        %get3A_748 = arith.index_cast %add3A_747 : i32 to index
        %get3A_749 = tpu.vector_load %arg11[%get3A_748] {strides = array<i32>} : memref<10352xi32, #tpu.memory_space<vmem>>, vector<16xi32>,
        %swap3A_750 = arith.constant 64 : index
        %swap3A_751 = tpu.vector_load %arg18[%swap3A_750] {strides = array<i32>} : memref<80xi32, #tpu.memory_space<vmem>>, vector<16xi32>,
        tpu.vector_store %arg18[%swap3A_750], %get3A_749 {strides = array<i32>} : memref<80xi32, #tpu.memory_space<vmem>>, vector<16xi32>,
        %add3A_752 = arith.constant 64 : i32
        %add3A_753 = arith.addi %add3A_697, %add3A_752 : i32
        %get3A_754 = arith.index_cast %add3A_753 : i32 to index
        %get3A_755 = tpu.vector_load %arg12[%get3A_754] {strides = array<i32>} : memref<10352xi32, #tpu.memory_space<vmem>>, vector<16xi32>,
        %swap3A_756 = arith.constant 64 : index
        %swap3A_757 = tpu.vector_load %arg20[%swap3A_756] {strides = array<i32>} : memref<80xi32, #tpu.memory_space<vmem>>, vector<16xi32>,
        tpu.vector_store %arg20[%swap3A_756], %get3A_755 {strides = array<i32>} : memref<80xi32, #tpu.memory_space<vmem>>, vector<16xi32>,
        %dma_start3A_758 = arith.constant 0 : i32
        %dma_start3A_759 = arith.constant 0 : i32
        %dma_start3A_760 = tpu.memref_slice %arg2[%dma_start3A_758, %dma_start3A_759] : memref<10000x128xf32, #tpu.memory_space<hbm>> -> memref<10000x128xf32, #tpu.memory_space<hbm>>
        tpu.enqueue_indirect_dma source(%dma_start3A_760 : memref<10000x128xf32, #tpu.memory_space<hbm>>) target(%arg13 : memref<80x128xf32, #tpu.memory_space<vmem>>) offsets(%arg18 : memref<80xi32, #tpu.memory_space<vmem>>) semaphore(%arg25 : memref<!tpu.dma_semaphore, #tpu.memory_space<semaphore_mem>>)
        %dma_start3A_761 = arith.constant 0 : i32
        %dma_start3A_762 = arith.constant 0 : i32
        %dma_start3A_763 = tpu.memref_slice %arg3[%dma_start3A_761, %dma_start3A_762] : memref<10000x128xf32, #tpu.memory_space<hbm>> -> memref<10000x128xf32, #tpu.memory_space<hbm>>
        tpu.enqueue_indirect_dma source(%dma_start3A_763 : memref<10000x128xf32, #tpu.memory_space<hbm>>) target(%arg14 : memref<80x128xf32, #tpu.memory_space<vmem>>) offsets(%arg18 : memref<80xi32, #tpu.memory_space<vmem>>) semaphore(%arg26 : memref<!tpu.dma_semaphore, #tpu.memory_space<semaphore_mem>>)
      } else {
      }
      %dma_wait3A_667 = arith.constant 0 : i32
      %dma_wait3A_668 = arith.constant 0 : i32
      %dma_wait3A_669 = tpu.memref_slice %arg2[%dma_wait3A_667, %dma_wait3A_668] : memref<10000x128xf32, #tpu.memory_space<hbm>> -> memref<10000x128xf32, #tpu.memory_space<hbm>>
      tpu.wait_indirect_dma semaphore(%arg27 : memref<!tpu.dma_semaphore, #tpu.memory_space<semaphore_mem>>) src(%dma_wait3A_669 : memref<10000x128xf32, #tpu.memory_space<hbm>>) dst(%arg15 : memref<80x128xf32, #tpu.memory_space<vmem>>)
      %dma_wait3A_670 = arith.constant 0 : i32
      %dma_wait3A_671 = arith.constant 0 : i32
      %dma_wait3A_672 = tpu.memref_slice %arg3[%dma_wait3A_670, %dma_wait3A_671] : memref<10000x128xf32, #tpu.memory_space<hbm>> -> memref<10000x128xf32, #tpu.memory_space<hbm>>
      tpu.wait_indirect_dma semaphore(%arg28 : memref<!tpu.dma_semaphore, #tpu.memory_space<semaphore_mem>>) src(%dma_wait3A_672 : memref<10000x128xf32, #tpu.memory_space<hbm>>) dst(%arg16 : memref<80x128xf32, #tpu.memory_space<vmem>>)
      %dma_start3A_673 = arith.constant 0 : i32
      %dma_start3A_674 = arith.constant 0 : i32
      %dma_start3A_675 = tpu.memref_slice %arg22[%dma_start3A_673, %dma_start3A_674] : memref<2560x128xf32, #tpu.memory_space<vmem_shared>> -> memref<2560x128xf32, #tpu.memory_space<vmem_shared>>
      tpu.enqueue_indirect_dma source(%arg15 : memref<80x128xf32, #tpu.memory_space<vmem>>) target(%dma_start3A_675 : memref<2560x128xf32, #tpu.memory_space<vmem_shared>>) offsets(%arg21 : memref<80xi32, #tpu.memory_space<vmem>>) semaphore(%arg30 : memref<!tpu.dma_semaphore, #tpu.memory_space<semaphore_mem>>) {add = true}
      %dma_start3A_676 = arith.constant 0 : i32
      %dma_start3A_677 = arith.constant 0 : i32
      %dma_start3A_678 = tpu.memref_slice %arg23[%dma_start3A_676, %dma_start3A_677] : memref<2560x128xf32, #tpu.memory_space<vmem_shared>> -> memref<2560x128xf32, #tpu.memory_space<vmem_shared>>
      tpu.enqueue_indirect_dma source(%arg16 : memref<80x128xf32, #tpu.memory_space<vmem>>) target(%dma_start3A_678 : memref<2560x128xf32, #tpu.memory_space<vmem_shared>>) offsets(%arg21 : memref<80xi32, #tpu.memory_space<vmem>>) semaphore(%arg30 : memref<!tpu.dma_semaphore, #tpu.memory_space<semaphore_mem>>) {add = true}
      %dma_start3A_679 = arith.constant 0 : i32
      %dma_start3A_680 = arith.constant 0 : i32
      %dma_start3A_681 = tpu.memref_slice %arg24[%dma_start3A_679, %dma_start3A_680] : memref<2560x16xf32, #tpu.memory_space<vmem_shared>> -> memref<2560x16xf32, #tpu.memory_space<vmem_shared>>
      tpu.enqueue_indirect_dma source(%arg17 : memref<80x16xf32, #tpu.memory_space<vmem>>) target(%dma_start3A_681 : memref<2560x16xf32, #tpu.memory_space<vmem_shared>>) offsets(%arg21 : memref<80xi32, #tpu.memory_space<vmem>>) semaphore(%arg30 : memref<!tpu.dma_semaphore, #tpu.memory_space<semaphore_mem>>) {add = true}
      %dma_wait3A_682 = arith.constant 0 : i32
      %dma_wait3A_683 = arith.constant 0 : i32
      %dma_wait3A_684 = tpu.memref_slice %arg22[%dma_wait3A_682, %dma_wait3A_683] : memref<2560x128xf32, #tpu.memory_space<vmem_shared>> -> memref<2560x128xf32, #tpu.memory_space<vmem_shared>>
      tpu.wait_indirect_dma semaphore(%arg30 : memref<!tpu.dma_semaphore, #tpu.memory_space<semaphore_mem>>) src(%arg15 : memref<80x128xf32, #tpu.memory_space<vmem>>) dst(%dma_wait3A_684 : memref<2560x128xf32, #tpu.memory_space<vmem_shared>>)
      %dma_wait3A_685 = arith.constant 0 : i32
      %dma_wait3A_686 = arith.constant 0 : i32
      %dma_wait3A_687 = tpu.memref_slice %arg23[%dma_wait3A_685, %dma_wait3A_686] : memref<2560x128xf32, #tpu.memory_space<vmem_shared>> -> memref<2560x128xf32, #tpu.memory_space<vmem_shared>>
      tpu.wait_indirect_dma semaphore(%arg30 : memref<!tpu.dma_semaphore, #tpu.memory_space<semaphore_mem>>) src(%arg16 : memref<80x128xf32, #tpu.memory_space<vmem>>) dst(%dma_wait3A_687 : memref<2560x128xf32, #tpu.memory_space<vmem_shared>>)
      %dma_wait3A_688 = arith.constant 0 : i32
      %dma_wait3A_689 = arith.constant 0 : i32
      %dma_wait3A_690 = tpu.memref_slice %arg24[%dma_wait3A_688, %dma_wait3A_689] : memref<2560x16xf32, #tpu.memory_space<vmem_shared>> -> memref<2560x16xf32, #tpu.memory_space<vmem_shared>>
      tpu.wait_indirect_dma semaphore(%arg30 : memref<!tpu.dma_semaphore, #tpu.memory_space<semaphore_mem>>) src(%arg17 : memref<80x16xf32, #tpu.memory_space<vmem>>) dst(%dma_wait3A_690 : memref<2560x16xf32, #tpu.memory_space<vmem_shared>>)
    }
    %while3A_552 = arith.constant 1 : i32
    scf.for %while3A_564 = %while3A_550 to %while3A_546 step %while3A_552  : i32 {
      %mul3A_565 = arith.constant 2 : i32
      %mul3A_566 = arith.muli %mul3A_565, %while3A_564 : i32
      %add3A_567 = arith.constant 1 : i32
      %add3A_568 = arith.addi %mul3A_566, %add3A_567 : i32
      %mul3A_569 = arith.constant 80 : i32
      %mul3A_570 = arith.muli %add3A_568, %mul3A_569 : i32
      %add3A_571 = arith.addi %sub3A_457, %mul3A_570 : i32
      %add3A_572 = arith.constant 0 : i32
      %add3A_573 = arith.addi %add3A_571, %add3A_572 : i32
      %get3A_574 = arith.index_cast %add3A_573 : i32 to index
      %get3A_575 = tpu.vector_load %arg11[%get3A_574] {strides = array<i32>} : memref<10352xi32, #tpu.memory_space<vmem>>, vector<16xi32>,
      %swap3A_576 = arith.constant 0 : index
      %swap3A_577 = tpu.vector_load %arg19[%swap3A_576] {strides = array<i32>} : memref<80xi32, #tpu.memory_space<vmem>>, vector<16xi32>,
      tpu.vector_store %arg19[%swap3A_576], %get3A_575 {strides = array<i32>} : memref<80xi32, #tpu.memory_space<vmem>>, vector<16xi32>,
      %add3A_578 = arith.constant 0 : i32
      %add3A_579 = arith.addi %add3A_571, %add3A_578 : i32
      %get3A_580 = arith.index_cast %add3A_579 : i32 to index
      %get3A_581 = tpu.vector_load %arg12[%get3A_580] {strides = array<i32>} : memref<10352xi32, #tpu.memory_space<vmem>>, vector<16xi32>,
      %swap3A_582 = arith.constant 0 : index
      %swap3A_583 = tpu.vector_load %arg21[%swap3A_582] {strides = array<i32>} : memref<80xi32, #tpu.memory_space<vmem>>, vector<16xi32>,
      tpu.vector_store %arg21[%swap3A_582], %get3A_581 {strides = array<i32>} : memref<80xi32, #tpu.memory_space<vmem>>, vector<16xi32>,
      %add3A_584 = arith.constant 16 : i32
      %add3A_585 = arith.addi %add3A_571, %add3A_584 : i32
      %get3A_586 = arith.index_cast %add3A_585 : i32 to index
      %get3A_587 = tpu.vector_load %arg11[%get3A_586] {strides = array<i32>} : memref<10352xi32, #tpu.memory_space<vmem>>, vector<16xi32>,
      %swap3A_588 = arith.constant 16 : index
      %swap3A_589 = tpu.vector_load %arg19[%swap3A_588] {strides = array<i32>} : memref<80xi32, #tpu.memory_space<vmem>>, vector<16xi32>,
      tpu.vector_store %arg19[%swap3A_588], %get3A_587 {strides = array<i32>} : memref<80xi32, #tpu.memory_space<vmem>>, vector<16xi32>,
      %add3A_590 = arith.constant 16 : i32
      %add3A_591 = arith.addi %add3A_571, %add3A_590 : i32
      %get3A_592 = arith.index_cast %add3A_591 : i32 to index
      %get3A_593 = tpu.vector_load %arg12[%get3A_592] {strides = array<i32>} : memref<10352xi32, #tpu.memory_space<vmem>>, vector<16xi32>,
      %swap3A_594 = arith.constant 16 : index
      %swap3A_595 = tpu.vector_load %arg21[%swap3A_594] {strides = array<i32>} : memref<80xi32, #tpu.memory_space<vmem>>, vector<16xi32>,
      tpu.vector_store %arg21[%swap3A_594], %get3A_593 {strides = array<i32>} : memref<80xi32, #tpu.memory_space<vmem>>, vector<16xi32>,
      %add3A_596 = arith.constant 32 : i32
      %add3A_597 = arith.addi %add3A_571, %add3A_596 : i32
      %get3A_598 = arith.index_cast %add3A_597 : i32 to index
      %get3A_599 = tpu.vector_load %arg11[%get3A_598] {strides = array<i32>} : memref<10352xi32, #tpu.memory_space<vmem>>, vector<16xi32>,
      %swap3A_600 = arith.constant 32 : index
      %swap3A_601 = tpu.vector_load %arg19[%swap3A_600] {strides = array<i32>} : memref<80xi32, #tpu.memory_space<vmem>>, vector<16xi32>,
      tpu.vector_store %arg19[%swap3A_600], %get3A_599 {strides = array<i32>} : memref<80xi32, #tpu.memory_space<vmem>>, vector<16xi32>,
      %add3A_602 = arith.constant 32 : i32
      %add3A_603 = arith.addi %add3A_571, %add3A_602 : i32
      %get3A_604 = arith.index_cast %add3A_603 : i32 to index
      %get3A_605 = tpu.vector_load %arg12[%get3A_604] {strides = array<i32>} : memref<10352xi32, #tpu.memory_space<vmem>>, vector<16xi32>,
      %swap3A_606 = arith.constant 32 : index
      %swap3A_607 = tpu.vector_load %arg21[%swap3A_606] {strides = array<i32>} : memref<80xi32, #tpu.memory_space<vmem>>, vector<16xi32>,
      tpu.vector_store %arg21[%swap3A_606], %get3A_605 {strides = array<i32>} : memref<80xi32, #tpu.memory_space<vmem>>, vector<16xi32>,
      %add3A_608 = arith.constant 48 : i32
      %add3A_609 = arith.addi %add3A_571, %add3A_608 : i32
      %get3A_610 = arith.index_cast %add3A_609 : i32 to index
      %get3A_611 = tpu.vector_load %arg11[%get3A_610] {strides = array<i32>} : memref<10352xi32, #tpu.memory_space<vmem>>, vector<16xi32>,
      %swap3A_612 = arith.constant 48 : index
      %swap3A_613 = tpu.vector_load %arg19[%swap3A_612] {strides = array<i32>} : memref<80xi32, #tpu.memory_space<vmem>>, vector<16xi32>,
      tpu.vector_store %arg19[%swap3A_612], %get3A_611 {strides = array<i32>} : memref<80xi32, #tpu.memory_space<vmem>>, vector<16xi32>,
      %add3A_614 = arith.constant 48 : i32
      %add3A_615 = arith.addi %add3A_571, %add3A_614 : i32
      %get3A_616 = arith.index_cast %add3A_615 : i32 to index
      %get3A_617 = tpu.vector_load %arg12[%get3A_616] {strides = array<i32>} : memref<10352xi32, #tpu.memory_space<vmem>>, vector<16xi32>,
      %swap3A_618 = arith.constant 48 : index
      %swap3A_619 = tpu.vector_load %arg21[%swap3A_618] {strides = array<i32>} : memref<80xi32, #tpu.memory_space<vmem>>, vector<16xi32>,
      tpu.vector_store %arg21[%swap3A_618], %get3A_617 {strides = array<i32>} : memref<80xi32, #tpu.memory_space<vmem>>, vector<16xi32>,
      %add3A_620 = arith.constant 64 : i32
      %add3A_621 = arith.addi %add3A_571, %add3A_620 : i32
      %get3A_622 = arith.index_cast %add3A_621 : i32 to index
      %get3A_623 = tpu.vector_load %arg11[%get3A_622] {strides = array<i32>} : memref<10352xi32, #tpu.memory_space<vmem>>, vector<16xi32>,
      %swap3A_624 = arith.constant 64 : index
      %swap3A_625 = tpu.vector_load %arg19[%swap3A_624] {strides = array<i32>} : memref<80xi32, #tpu.memory_space<vmem>>, vector<16xi32>,
      tpu.vector_store %arg19[%swap3A_624], %get3A_623 {strides = array<i32>} : memref<80xi32, #tpu.memory_space<vmem>>, vector<16xi32>,
      %add3A_626 = arith.constant 64 : i32
      %add3A_627 = arith.addi %add3A_571, %add3A_626 : i32
      %get3A_628 = arith.index_cast %add3A_627 : i32 to index
      %get3A_629 = tpu.vector_load %arg12[%get3A_628] {strides = array<i32>} : memref<10352xi32, #tpu.memory_space<vmem>>, vector<16xi32>,
      %swap3A_630 = arith.constant 64 : index
      %swap3A_631 = tpu.vector_load %arg21[%swap3A_630] {strides = array<i32>} : memref<80xi32, #tpu.memory_space<vmem>>, vector<16xi32>,
      tpu.vector_store %arg21[%swap3A_630], %get3A_629 {strides = array<i32>} : memref<80xi32, #tpu.memory_space<vmem>>, vector<16xi32>,
      %dma_start3A_632 = arith.constant 0 : i32
      %dma_start3A_633 = arith.constant 0 : i32
      %dma_start3A_634 = tpu.memref_slice %arg2[%dma_start3A_632, %dma_start3A_633] : memref<10000x128xf32, #tpu.memory_space<hbm>> -> memref<10000x128xf32, #tpu.memory_space<hbm>>
      tpu.enqueue_indirect_dma source(%dma_start3A_634 : memref<10000x128xf32, #tpu.memory_space<hbm>>) target(%arg15 : memref<80x128xf32, #tpu.memory_space<vmem>>) offsets(%arg19 : memref<80xi32, #tpu.memory_space<vmem>>) semaphore(%arg27 : memref<!tpu.dma_semaphore, #tpu.memory_space<semaphore_mem>>)
      %dma_start3A_635 = arith.constant 0 : i32
      %dma_start3A_636 = arith.constant 0 : i32
      %dma_start3A_637 = tpu.memref_slice %arg3[%dma_start3A_635, %dma_start3A_636] : memref<10000x128xf32, #tpu.memory_space<hbm>> -> memref<10000x128xf32, #tpu.memory_space<hbm>>
      tpu.enqueue_indirect_dma source(%dma_start3A_637 : memref<10000x128xf32, #tpu.memory_space<hbm>>) target(%arg16 : memref<80x128xf32, #tpu.memory_space<vmem>>) offsets(%arg19 : memref<80xi32, #tpu.memory_space<vmem>>) semaphore(%arg28 : memref<!tpu.dma_semaphore, #tpu.memory_space<semaphore_mem>>)
      %dma_wait3A = arith.constant 0 : i32
      %dma_wait3A_638 = arith.constant 0 : i32
      %dma_wait3A_639 = tpu.memref_slice %arg2[%dma_wait3A, %dma_wait3A_638] : memref<10000x128xf32, #tpu.memory_space<hbm>> -> memref<10000x128xf32, #tpu.memory_space<hbm>>
      tpu.wait_indirect_dma semaphore(%arg25 : memref<!tpu.dma_semaphore, #tpu.memory_space<semaphore_mem>>) src(%dma_wait3A_639 : memref<10000x128xf32, #tpu.memory_space<hbm>>) dst(%arg13 : memref<80x128xf32, #tpu.memory_space<vmem>>)
      %dma_wait3A_640 = arith.constant 0 : i32
      %dma_wait3A_641 = arith.constant 0 : i32
      %dma_wait3A_642 = tpu.memref_slice %arg3[%dma_wait3A_640, %dma_wait3A_641] : memref<10000x128xf32, #tpu.memory_space<hbm>> -> memref<10000x128xf32, #tpu.memory_space<hbm>>
      tpu.wait_indirect_dma semaphore(%arg26 : memref<!tpu.dma_semaphore, #tpu.memory_space<semaphore_mem>>) src(%dma_wait3A_642 : memref<10000x128xf32, #tpu.memory_space<hbm>>) dst(%arg14 : memref<80x128xf32, #tpu.memory_space<vmem>>)
      %dma_start3A_643 = arith.constant 0 : i32
      %dma_start3A_644 = arith.constant 0 : i32
      %dma_start3A_645 = tpu.memref_slice %arg22[%dma_start3A_643, %dma_start3A_644] : memref<2560x128xf32, #tpu.memory_space<vmem_shared>> -> memref<2560x128xf32, #tpu.memory_space<vmem_shared>>
      tpu.enqueue_indirect_dma source(%arg13 : memref<80x128xf32, #tpu.memory_space<vmem>>) target(%dma_start3A_645 : memref<2560x128xf32, #tpu.memory_space<vmem_shared>>) offsets(%arg20 : memref<80xi32, #tpu.memory_space<vmem>>) semaphore(%arg29 : memref<!tpu.dma_semaphore, #tpu.memory_space<semaphore_mem>>) {add = true}
      %dma_start3A_646 = arith.constant 0 : i32
      %dma_start3A_647 = arith.constant 0 : i32
      %dma_start3A_648 = tpu.memref_slice %arg23[%dma_start3A_646, %dma_start3A_647] : memref<2560x128xf32, #tpu.memory_space<vmem_shared>> -> memref<2560x128xf32, #tpu.memory_space<vmem_shared>>
      tpu.enqueue_indirect_dma source(%arg14 : memref<80x128xf32, #tpu.memory_space<vmem>>) target(%dma_start3A_648 : memref<2560x128xf32, #tpu.memory_space<vmem_shared>>) offsets(%arg20 : memref<80xi32, #tpu.memory_space<vmem>>) semaphore(%arg29 : memref<!tpu.dma_semaphore, #tpu.memory_space<semaphore_mem>>) {add = true}
      %dma_start3A_649 = arith.constant 0 : i32
      %dma_start3A_650 = arith.constant 0 : i32
      %dma_start3A_651 = tpu.memref_slice %arg24[%dma_start3A_649, %dma_start3A_650] : memref<2560x16xf32, #tpu.memory_space<vmem_shared>> -> memref<2560x16xf32, #tpu.memory_space<vmem_shared>>
      tpu.enqueue_indirect_dma source(%arg17 : memref<80x16xf32, #tpu.memory_space<vmem>>) target(%dma_start3A_651 : memref<2560x16xf32, #tpu.memory_space<vmem_shared>>) offsets(%arg20 : memref<80xi32, #tpu.memory_space<vmem>>) semaphore(%arg29 : memref<!tpu.dma_semaphore, #tpu.memory_space<semaphore_mem>>) {add = true}
      %dma_wait3A_652 = arith.constant 0 : i32
      %dma_wait3A_653 = arith.constant 0 : i32
      %dma_wait3A_654 = tpu.memref_slice %arg22[%dma_wait3A_652, %dma_wait3A_653] : memref<2560x128xf32, #tpu.memory_space<vmem_shared>> -> memref<2560x128xf32, #tpu.memory_space<vmem_shared>>
      tpu.wait_indirect_dma semaphore(%arg29 : memref<!tpu.dma_semaphore, #tpu.memory_space<semaphore_mem>>) src(%arg13 : memref<80x128xf32, #tpu.memory_space<vmem>>) dst(%dma_wait3A_654 : memref<2560x128xf32, #tpu.memory_space<vmem_shared>>)
      %dma_wait3A_655 = arith.constant 0 : i32
      %dma_wait3A_656 = arith.constant 0 : i32
      %dma_wait3A_657 = tpu.memref_slice %arg23[%dma_wait3A_655, %dma_wait3A_656] : memref<2560x128xf32, #tpu.memory_space<vmem_shared>> -> memref<2560x128xf32, #tpu.memory_space<vmem_shared>>
      tpu.wait_indirect_dma semaphore(%arg29 : memref<!tpu.dma_semaphore, #tpu.memory_space<semaphore_mem>>) src(%arg14 : memref<80x128xf32, #tpu.memory_space<vmem>>) dst(%dma_wait3A_657 : memref<2560x128xf32, #tpu.memory_space<vmem_shared>>)
      %dma_wait3A_658 = arith.constant 0 : i32
      %dma_wait3A_659 = arith.constant 0 : i32
      %dma_wait3A_660 = tpu.memref_slice %arg24[%dma_wait3A_658, %dma_wait3A_659] : memref<2560x16xf32, #tpu.memory_space<vmem_shared>> -> memref<2560x16xf32, #tpu.memory_space<vmem_shared>>
      tpu.wait_indirect_dma semaphore(%arg29 : memref<!tpu.dma_semaphore, #tpu.memory_space<semaphore_mem>>) src(%arg17 : memref<80x16xf32, #tpu.memory_space<vmem>>) dst(%dma_wait3A_660 : memref<2560x16xf32, #tpu.memory_space<vmem_shared>>)
      %add3A_661 = arith.constant 1 : i32
      %add3A_662 = arith.addi %while3A_564, %add3A_661 : i32
      %lt3A_663 = arith.cmpi slt, %add3A_662, %max3A_335 : i32
      %convert_element_type3A_664 = arith.extui %lt3A_663 : i1 to i32
      %cond3A_665 = arith.constant 0 : i32
      %cond3A_666 = arith.cmpi ne, %convert_element_type3A_664, %cond3A_665 : i32
      scf.if %cond3A_666 {
        %mul3A_691 = arith.constant 2 : i32
        %mul3A_692 = arith.muli %mul3A_691, %while3A_564 : i32
        %add3A_693 = arith.constant 2 : i32
        %add3A_694 = arith.addi %mul3A_692, %add3A_693 : i32
        %mul3A_695 = arith.constant 80 : i32
        %mul3A_696 = arith.muli %add3A_694, %mul3A_695 : i32
        %add3A_697 = arith.addi %sub3A_457, %mul3A_696 : i32
        %add3A_698 = arith.constant 0 : i32
        %add3A_699 = arith.addi %add3A_697, %add3A_698 : i32
        %get3A_700 = arith.index_cast %add3A_699 : i32 to index
        %get3A_701 = tpu.vector_load %arg11[%get3A_700] {strides = array<i32>} : memref<10352xi32, #tpu.memory_space<vmem>>, vector<16xi32>,
        %swap3A_702 = arith.constant 0 : index
        %swap3A_703 = tpu.vector_load %arg18[%swap3A_702] {strides = array<i32>} : memref<80xi32, #tpu.memory_space<vmem>>, vector<16xi32>,
        tpu.vector_store %arg18[%swap3A_702], %get3A_701 {strides = array<i32>} : memref<80xi32, #tpu.memory_space<vmem>>, vector<16xi32>,
        %add3A_704 = arith.constant 0 : i32
        %add3A_705 = arith.addi %add3A_697, %add3A_704 : i32
        %get3A_706 = arith.index_cast %add3A_705 : i32 to index
        %get3A_707 = tpu.vector_load %arg12[%get3A_706] {strides = array<i32>} : memref<10352xi32, #tpu.memory_space<vmem>>, vector<16xi32>,
        %swap3A_708 = arith.constant 0 : index
        %swap3A_709 = tpu.vector_load %arg20[%swap3A_708] {strides = array<i32>} : memref<80xi32, #tpu.memory_space<vmem>>, vector<16xi32>,
        tpu.vector_store %arg20[%swap3A_708], %get3A_707 {strides = array<i32>} : memref<80xi32, #tpu.memory_space<vmem>>, vector<16xi32>,
        %add3A_710 = arith.constant 16 : i32
        %add3A_711 = arith.addi %add3A_697, %add3A_710 : i32
        %get3A_712 = arith.index_cast %add3A_711 : i32 to index
        %get3A_713 = tpu.vector_load %arg11[%get3A_712] {strides = array<i32>} : memref<10352xi32, #tpu.memory_space<vmem>>, vector<16xi32>,
        %swap3A_714 = arith.constant 16 : index
        %swap3A_715 = tpu.vector_load %arg18[%swap3A_714] {strides = array<i32>} : memref<80xi32, #tpu.memory_space<vmem>>, vector<16xi32>,
        tpu.vector_store %arg18[%swap3A_714], %get3A_713 {strides = array<i32>} : memref<80xi32, #tpu.memory_space<vmem>>, vector<16xi32>,
        %add3A_716 = arith.constant 16 : i32
        %add3A_717 = arith.addi %add3A_697, %add3A_716 : i32
        %get3A_718 = arith.index_cast %add3A_717 : i32 to index
        %get3A_719 = tpu.vector_load %arg12[%get3A_718] {strides = array<i32>} : memref<10352xi32, #tpu.memory_space<vmem>>, vector<16xi32>,
        %swap3A_720 = arith.constant 16 : index
        %swap3A_721 = tpu.vector_load %arg20[%swap3A_720] {strides = array<i32>} : memref<80xi32, #tpu.memory_space<vmem>>, vector<16xi32>,
        tpu.vector_store %arg20[%swap3A_720], %get3A_719 {strides = array<i32>} : memref<80xi32, #tpu.memory_space<vmem>>, vector<16xi32>,
        %add3A_722 = arith.constant 32 : i32
        %add3A_723 = arith.addi %add3A_697, %add3A_722 : i32
        %get3A_724 = arith.index_cast %add3A_723 : i32 to index
        %get3A_725 = tpu.vector_load %arg11[%get3A_724] {strides = array<i32>} : memref<10352xi32, #tpu.memory_space<vmem>>, vector<16xi32>,
        %swap3A_726 = arith.constant 32 : index
        %swap3A_727 = tpu.vector_load %arg18[%swap3A_726] {strides = array<i32>} : memref<80xi32, #tpu.memory_space<vmem>>, vector<16xi32>,
        tpu.vector_store %arg18[%swap3A_726], %get3A_725 {strides = array<i32>} : memref<80xi32, #tpu.memory_space<vmem>>, vector<16xi32>,
        %add3A_728 = arith.constant 32 : i32
        %add3A_729 = arith.addi %add3A_697, %add3A_728 : i32
        %get3A_730 = arith.index_cast %add3A_729 : i32 to index
        %get3A_731 = tpu.vector_load %arg12[%get3A_730] {strides = array<i32>} : memref<10352xi32, #tpu.memory_space<vmem>>, vector<16xi32>,
        %swap3A_732 = arith.constant 32 : index
        %swap3A_733 = tpu.vector_load %arg20[%swap3A_732] {strides = array<i32>} : memref<80xi32, #tpu.memory_space<vmem>>, vector<16xi32>,
        tpu.vector_store %arg20[%swap3A_732], %get3A_731 {strides = array<i32>} : memref<80xi32, #tpu.memory_space<vmem>>, vector<16xi32>,
        %add3A_734 = arith.constant 48 : i32
        %add3A_735 = arith.addi %add3A_697, %add3A_734 : i32
        %get3A_736 = arith.index_cast %add3A_735 : i32 to index
        %get3A_737 = tpu.vector_load %arg11[%get3A_736] {strides = array<i32>} : memref<10352xi32, #tpu.memory_space<vmem>>, vector<16xi32>,
        %swap3A_738 = arith.constant 48 : index
        %swap3A_739 = tpu.vector_load %arg18[%swap3A_738] {strides = array<i32>} : memref<80xi32, #tpu.memory_space<vmem>>, vector<16xi32>,
        tpu.vector_store %arg18[%swap3A_738], %get3A_737 {strides = array<i32>} : memref<80xi32, #tpu.memory_space<vmem>>, vector<16xi32>,
        %add3A_740 = arith.constant 48 : i32
        %add3A_741 = arith.addi %add3A_697, %add3A_740 : i32
        %get3A_742 = arith.index_cast %add3A_741 : i32 to index
        %get3A_743 = tpu.vector_load %arg12[%get3A_742] {strides = array<i32>} : memref<10352xi32, #tpu.memory_space<vmem>>, vector<16xi32>,
        %swap3A_744 = arith.constant 48 : index
        %swap3A_745 = tpu.vector_load %arg20[%swap3A_744] {strides = array<i32>} : memref<80xi32, #tpu.memory_space<vmem>>, vector<16xi32>,
        tpu.vector_store %arg20[%swap3A_744], %get3A_743 {strides = array<i32>} : memref<80xi32, #tpu.memory_space<vmem>>, vector<16xi32>,
        %add3A_746 = arith.constant 64 : i32
        %add3A_747 = arith.addi %add3A_697, %add3A_746 : i32
        %get3A_748 = arith.index_cast %add3A_747 : i32 to index
        %get3A_749 = tpu.vector_load %arg11[%get3A_748] {strides = array<i32>} : memref<10352xi32, #tpu.memory_space<vmem>>, vector<16xi32>,
        %swap3A_750 = arith.constant 64 : index
        %swap3A_751 = tpu.vector_load %arg18[%swap3A_750] {strides = array<i32>} : memref<80xi32, #tpu.memory_space<vmem>>, vector<16xi32>,
        tpu.vector_store %arg18[%swap3A_750], %get3A_749 {strides = array<i32>} : memref<80xi32, #tpu.memory_space<vmem>>, vector<16xi32>,
        %add3A_752 = arith.constant 64 : i32
        %add3A_753 = arith.addi %add3A_697, %add3A_752 : i32
        %get3A_754 = arith.index_cast %add3A_753 : i32 to index
        %get3A_755 = tpu.vector_load %arg12[%get3A_754] {strides = array<i32>} : memref<10352xi32, #tpu.memory_space<vmem>>, vector<16xi32>,
        %swap3A_756 = arith.constant 64 : index
        %swap3A_757 = tpu.vector_load %arg20[%swap3A_756] {strides = array<i32>} : memref<80xi32, #tpu.memory_space<vmem>>, vector<16xi32>,
        tpu.vector_store %arg20[%swap3A_756], %get3A_755 {strides = array<i32>} : memref<80xi32, #tpu.memory_space<vmem>>, vector<16xi32>,
        %dma_start3A_758 = arith.constant 0 : i32
        %dma_start3A_759 = arith.constant 0 : i32
        %dma_start3A_760 = tpu.memref_slice %arg2[%dma_start3A_758, %dma_start3A_759] : memref<10000x128xf32, #tpu.memory_space<hbm>> -> memref<10000x128xf32, #tpu.memory_space<hbm>>
        tpu.enqueue_indirect_dma source(%dma_start3A_760 : memref<10000x128xf32, #tpu.memory_space<hbm>>) target(%arg13 : memref<80x128xf32, #tpu.memory_space<vmem>>) offsets(%arg18 : memref<80xi32, #tpu.memory_space<vmem>>) semaphore(%arg25 : memref<!tpu.dma_semaphore, #tpu.memory_space<semaphore_mem>>)
        %dma_start3A_761 = arith.constant 0 : i32
        %dma_start3A_762 = arith.constant 0 : i32
        %dma_start3A_763 = tpu.memref_slice %arg3[%dma_start3A_761, %dma_start3A_762] : memref<10000x128xf32, #tpu.memory_space<hbm>> -> memref<10000x128xf32, #tpu.memory_space<hbm>>
        tpu.enqueue_indirect_dma source(%dma_start3A_763 : memref<10000x128xf32, #tpu.memory_space<hbm>>) target(%arg14 : memref<80x128xf32, #tpu.memory_space<vmem>>) offsets(%arg18 : memref<80xi32, #tpu.memory_space<vmem>>) semaphore(%arg26 : memref<!tpu.dma_semaphore, #tpu.memory_space<semaphore_mem>>)
      } else {
      }
      %dma_wait3A_667 = arith.constant 0 : i32
      %dma_wait3A_668 = arith.constant 0 : i32
      %dma_wait3A_669 = tpu.memref_slice %arg2[%dma_wait3A_667, %dma_wait3A_668] : memref<10000x128xf32, #tpu.memory_space<hbm>> -> memref<10000x128xf32, #tpu.memory_space<hbm>>
      tpu.wait_indirect_dma semaphore(%arg27 : memref<!tpu.dma_semaphore, #tpu.memory_space<semaphore_mem>>) src(%dma_wait3A_669 : memref<10000x128xf32, #tpu.memory_space<hbm>>) dst(%arg15 : memref<80x128xf32, #tpu.memory_space<vmem>>)
      %dma_wait3A_670 = arith.constant 0 : i32
      %dma_wait3A_671 = arith.constant 0 : i32
      %dma_wait3A_672 = tpu.memref_slice %arg3[%dma_wait3A_670, %dma_wait3A_671] : memref<10000x128xf32, #tpu.memory_space<hbm>> -> memref<10000x128xf32, #tpu.memory_space<hbm>>
      tpu.wait_indirect_dma semaphore(%arg28 : memref<!tpu.dma_semaphore, #tpu.memory_space<semaphore_mem>>) src(%dma_wait3A_672 : memref<10000x128xf32, #tpu.memory_space<hbm>>) dst(%arg16 : memref<80x128xf32, #tpu.memory_space<vmem>>)
      %dma_start3A_673 = arith.constant 0 : i32
      %dma_start3A_674 = arith.constant 0 : i32
      %dma_start3A_675 = tpu.memref_slice %arg22[%dma_start3A_673, %dma_start3A_674] : memref<2560x128xf32, #tpu.memory_space<vmem_shared>> -> memref<2560x128xf32, #tpu.memory_space<vmem_shared>>
      tpu.enqueue_indirect_dma source(%arg15 : memref<80x128xf32, #tpu.memory_space<vmem>>) target(%dma_start3A_675 : memref<2560x128xf32, #tpu.memory_space<vmem_shared>>) offsets(%arg21 : memref<80xi32, #tpu.memory_space<vmem>>) semaphore(%arg30 : memref<!tpu.dma_semaphore, #tpu.memory_space<semaphore_mem>>) {add = true}
      %dma_start3A_676 = arith.constant 0 : i32
      %dma_start3A_677 = arith.constant 0 : i32
      %dma_start3A_678 = tpu.memref_slice %arg23[%dma_start3A_676, %dma_start3A_677] : memref<2560x128xf32, #tpu.memory_space<vmem_shared>> -> memref<2560x128xf32, #tpu.memory_space<vmem_shared>>
      tpu.enqueue_indirect_dma source(%arg16 : memref<80x128xf32, #tpu.memory_space<vmem>>) target(%dma_start3A_678 : memref<2560x128xf32, #tpu.memory_space<vmem_shared>>) offsets(%arg21 : memref<80xi32, #tpu.memory_space<vmem>>) semaphore(%arg30 : memref<!tpu.dma_semaphore, #tpu.memory_space<semaphore_mem>>) {add = true}
      %dma_start3A_679 = arith.constant 0 : i32
      %dma_start3A_680 = arith.constant 0 : i32
      %dma_start3A_681 = tpu.memref_slice %arg24[%dma_start3A_679, %dma_start3A_680] : memref<2560x16xf32, #tpu.memory_space<vmem_shared>> -> memref<2560x16xf32, #tpu.memory_space<vmem_shared>>
      tpu.enqueue_indirect_dma source(%arg17 : memref<80x16xf32, #tpu.memory_space<vmem>>) target(%dma_start3A_681 : memref<2560x16xf32, #tpu.memory_space<vmem_shared>>) offsets(%arg21 : memref<80xi32, #tpu.memory_space<vmem>>) semaphore(%arg30 : memref<!tpu.dma_semaphore, #tpu.memory_space<semaphore_mem>>) {add = true}
      %dma_wait3A_682 = arith.constant 0 : i32
      %dma_wait3A_683 = arith.constant 0 : i32
      %dma_wait3A_684 = tpu.memref_slice %arg22[%dma_wait3A_682, %dma_wait3A_683] : memref<2560x128xf32, #tpu.memory_space<vmem_shared>> -> memref<2560x128xf32, #tpu.memory_space<vmem_shared>>
      tpu.wait_indirect_dma semaphore(%arg30 : memref<!tpu.dma_semaphore, #tpu.memory_space<semaphore_mem>>) src(%arg15 : memref<80x128xf32, #tpu.memory_space<vmem>>) dst(%dma_wait3A_684 : memref<2560x128xf32, #tpu.memory_space<vmem_shared>>)
      %dma_wait3A_685 = arith.constant 0 : i32
      %dma_wait3A_686 = arith.constant 0 : i32
      %dma_wait3A_687 = tpu.memref_slice %arg23[%dma_wait3A_685, %dma_wait3A_686] : memref<2560x128xf32, #tpu.memory_space<vmem_shared>> -> memref<2560x128xf32, #tpu.memory_space<vmem_shared>>
      tpu.wait_indirect_dma semaphore(%arg30 : memref<!tpu.dma_semaphore, #tpu.memory_space<semaphore_mem>>) src(%arg16 : memref<80x128xf32, #tpu.memory_space<vmem>>) dst(%dma_wait3A_687 : memref<2560x128xf32, #tpu.memory_space<vmem_shared>>)
      %dma_wait3A_688 = arith.constant 0 : i32
      %dma_wait3A_689 = arith.constant 0 : i32
      %dma_wait3A_690 = tpu.memref_slice %arg24[%dma_wait3A_688, %dma_wait3A_689] : memref<2560x16xf32, #tpu.memory_space<vmem_shared>> -> memref<2560x16xf32, #tpu.memory_space<vmem_shared>>
      tpu.wait_indirect_dma semaphore(%arg30 : memref<!tpu.dma_semaphore, #tpu.memory_space<semaphore_mem>>) src(%arg17 : memref<80x16xf32, #tpu.memory_space<vmem>>) dst(%dma_wait3A_690 : memref<2560x16xf32, #tpu.memory_space<vmem_shared>>)
    }
    %barrier3A_553 = arith.constant 0 : index
    tpu.barrier barrier_id(%barrier3A_553)
    %lt3A_554 = arith.constant 15 : i32
    %lt3A_555 = arith.cmpi slt, %arg1, %lt3A_554 : i32
    %convert_element_type3A_556 = arith.extui %lt3A_555 : i1 to i32
    %cond3A_557 = arith.constant 0 : i32
    %cond3A_558 = arith.cmpi ne, %convert_element_type3A_556, %cond3A_557 : i32
    scf.if %cond3A_558 {
      %mul3A_564 = arith.constant 160 : i32
      %mul3A_565 = arith.muli %arg1, %mul3A_564 : i32
      %add3A_566 = arith.addi %add3A_451, %mul3A_565 : i32
      "tpu.region"() ({
        %run_scoped3A = tpu.sem_alloc : memref<!tpu.dma_semaphore, #tpu.memory_space<semaphore_mem>>
        %dma_start3A_569 = arith.constant 0 : i32
        %dma_start3A_570 = tpu.memref_slice %arg6[%add3A_566, %dma_start3A_569] : memref<10000x128xf32, #tpu.memory_space<hbm>> -> memref<160x128xf32, #tpu.memory_space<hbm>>
        %dma_start3A_571 = arith.constant 0 : i32
        %dma_start3A_572 = tpu.memref_slice %arg22[%mul3A_565, %dma_start3A_571] : memref<2560x128xf32, #tpu.memory_space<vmem_shared>> -> memref<160x128xf32, #tpu.memory_space<vmem_shared>>
        tpu.enqueue_dma source(%dma_start3A_572 : memref<160x128xf32, #tpu.memory_space<vmem_shared>>) target(%dma_start3A_570 : memref<160x128xf32, #tpu.memory_space<hbm>>) target_semaphore(%run_scoped3A : memref<!tpu.dma_semaphore, #tpu.memory_space<semaphore_mem>>)
        %dma_wait3A = arith.constant 0 : i32
        %dma_wait3A_573 = tpu.memref_slice %arg6[%add3A_566, %dma_wait3A] : memref<10000x128xf32, #tpu.memory_space<hbm>> -> memref<160x128xf32, #tpu.memory_space<hbm>>
        %dma_wait3A_574 = arith.constant 0 : i32
        %dma_wait3A_575 = tpu.memref_slice %arg22[%mul3A_565, %dma_wait3A_574] : memref<2560x128xf32, #tpu.memory_space<vmem_shared>> -> memref<160x128xf32, #tpu.memory_space<vmem_shared>>
        tpu.wait_dma2 semaphore(%run_scoped3A : memref<!tpu.dma_semaphore, #tpu.memory_space<semaphore_mem>>) src(%dma_wait3A_575 : memref<160x128xf32, #tpu.memory_space<vmem_shared>>) dst(%dma_wait3A_573 : memref<160x128xf32, #tpu.memory_space<hbm>>)
        tpu.yield
      }) : () -> ()
      %add3A_567 = arith.addi %add3A_451, %mul3A_565 : i32
      "tpu.region"() ({
        %run_scoped3A = tpu.sem_alloc : memref<!tpu.dma_semaphore, #tpu.memory_space<semaphore_mem>>
        %dma_start3A_569 = arith.constant 0 : i32
        %dma_start3A_570 = tpu.memref_slice %arg7[%add3A_567, %dma_start3A_569] : memref<10000x128xf32, #tpu.memory_space<hbm>> -> memref<160x128xf32, #tpu.memory_space<hbm>>
        %dma_start3A_571 = arith.constant 0 : i32
        %dma_start3A_572 = tpu.memref_slice %arg23[%mul3A_565, %dma_start3A_571] : memref<2560x128xf32, #tpu.memory_space<vmem_shared>> -> memref<160x128xf32, #tpu.memory_space<vmem_shared>>
        tpu.enqueue_dma source(%dma_start3A_572 : memref<160x128xf32, #tpu.memory_space<vmem_shared>>) target(%dma_start3A_570 : memref<160x128xf32, #tpu.memory_space<hbm>>) target_semaphore(%run_scoped3A : memref<!tpu.dma_semaphore, #tpu.memory_space<semaphore_mem>>)
        %dma_wait3A = arith.constant 0 : i32
        %dma_wait3A_573 = tpu.memref_slice %arg7[%add3A_567, %dma_wait3A] : memref<10000x128xf32, #tpu.memory_space<hbm>> -> memref<160x128xf32, #tpu.memory_space<hbm>>
        %dma_wait3A_574 = arith.constant 0 : i32
        %dma_wait3A_575 = tpu.memref_slice %arg23[%mul3A_565, %dma_wait3A_574] : memref<2560x128xf32, #tpu.memory_space<vmem_shared>> -> memref<160x128xf32, #tpu.memory_space<vmem_shared>>
        tpu.wait_dma2 semaphore(%run_scoped3A : memref<!tpu.dma_semaphore, #tpu.memory_space<semaphore_mem>>) src(%dma_wait3A_575 : memref<160x128xf32, #tpu.memory_space<vmem_shared>>) dst(%dma_wait3A_573 : memref<160x128xf32, #tpu.memory_space<hbm>>)
        tpu.yield
      }) : () -> ()
      %add3A_568 = arith.addi %add3A_451, %mul3A_565 : i32
      "tpu.region"() ({
        %run_scoped3A = tpu.sem_alloc : memref<!tpu.dma_semaphore, #tpu.memory_space<semaphore_mem>>
        %dma_start3A_569 = arith.constant 0 : i32
        %dma_start3A_570 = tpu.memref_slice %arg8[%add3A_568, %dma_start3A_569] : memref<10000x16xf32, #tpu.memory_space<hbm>> -> memref<160x16xf32, #tpu.memory_space<hbm>>
        %dma_start3A_571 = arith.constant 0 : i32
        %dma_start3A_572 = tpu.memref_slice %arg24[%mul3A_565, %dma_start3A_571] : memref<2560x16xf32, #tpu.memory_space<vmem_shared>> -> memref<160x16xf32, #tpu.memory_space<vmem_shared>>
        tpu.enqueue_dma source(%dma_start3A_572 : memref<160x16xf32, #tpu.memory_space<vmem_shared>>) target(%dma_start3A_570 : memref<160x16xf32, #tpu.memory_space<hbm>>) target_semaphore(%run_scoped3A : memref<!tpu.dma_semaphore, #tpu.memory_space<semaphore_mem>>)
        %dma_wait3A = arith.constant 0 : i32
        %dma_wait3A_573 = tpu.memref_slice %arg8[%add3A_568, %dma_wait3A] : memref<10000x16xf32, #tpu.memory_space<hbm>> -> memref<160x16xf32, #tpu.memory_space<hbm>>
        %dma_wait3A_574 = arith.constant 0 : i32
        %dma_wait3A_575 = tpu.memref_slice %arg24[%mul3A_565, %dma_wait3A_574] : memref<2560x16xf32, #tpu.memory_space<vmem_shared>> -> memref<160x16xf32, #tpu.memory_space<vmem_shared>>
        tpu.wait_dma2 semaphore(%run_scoped3A : memref<!tpu.dma_semaphore, #tpu.memory_space<semaphore_mem>>) src(%dma_wait3A_575 : memref<160x16xf32, #tpu.memory_space<vmem_shared>>) dst(%dma_wait3A_573 : memref<160x16xf32, #tpu.memory_space<hbm>>)
        tpu.yield
      }) : () -> ()
    } else {
    }
    %eq3A_559 = arith.constant 15 : i32
    %eq3A_560 = arith.cmpi eq, %arg1, %eq3A_559 : i32
    %convert_element_type3A_561 = arith.extui %eq3A_560 : i1 to i32
    %cond3A_562 = arith.constant 0 : i32
    %cond3A_563 = arith.cmpi ne, %convert_element_type3A_561, %cond3A_562 : i32
    scf.if %cond3A_563 {
      %add3A_564 = arith.constant 2400 : i32
      %add3A_565 = arith.addi %add3A_451, %add3A_564 : i32
      "tpu.region"() ({
        %run_scoped3A = tpu.sem_alloc : memref<!tpu.dma_semaphore, #tpu.memory_space<semaphore_mem>>
        %dma_start3A_570 = arith.constant 0 : i32
        %dma_start3A_571 = tpu.memref_slice %arg6[%add3A_565, %dma_start3A_570] : memref<10000x128xf32, #tpu.memory_space<hbm>> -> memref<96x128xf32, #tpu.memory_space<hbm>>
        %dma_start3A_572 = arith.constant 2400 : i32
        %dma_start3A_573 = arith.constant 0 : i32
        %dma_start3A_574 = tpu.memref_slice %arg22[%dma_start3A_572, %dma_start3A_573] : memref<2560x128xf32, #tpu.memory_space<vmem_shared>> -> memref<96x128xf32, #tpu.memory_space<vmem_shared>>
        tpu.enqueue_dma source(%dma_start3A_574 : memref<96x128xf32, #tpu.memory_space<vmem_shared>>) target(%dma_start3A_571 : memref<96x128xf32, #tpu.memory_space<hbm>>) target_semaphore(%run_scoped3A : memref<!tpu.dma_semaphore, #tpu.memory_space<semaphore_mem>>)
        %dma_wait3A = arith.constant 0 : i32
        %dma_wait3A_575 = tpu.memref_slice %arg6[%add3A_565, %dma_wait3A] : memref<10000x128xf32, #tpu.memory_space<hbm>> -> memref<96x128xf32, #tpu.memory_space<hbm>>
        %dma_wait3A_576 = arith.constant 2400 : i32
        %dma_wait3A_577 = arith.constant 0 : i32
        %dma_wait3A_578 = tpu.memref_slice %arg22[%dma_wait3A_576, %dma_wait3A_577] : memref<2560x128xf32, #tpu.memory_space<vmem_shared>> -> memref<96x128xf32, #tpu.memory_space<vmem_shared>>
        tpu.wait_dma2 semaphore(%run_scoped3A : memref<!tpu.dma_semaphore, #tpu.memory_space<semaphore_mem>>) src(%dma_wait3A_578 : memref<96x128xf32, #tpu.memory_space<vmem_shared>>) dst(%dma_wait3A_575 : memref<96x128xf32, #tpu.memory_space<hbm>>)
        tpu.yield
      }) : () -> ()
      %add3A_566 = arith.constant 2400 : i32
      %add3A_567 = arith.addi %add3A_451, %add3A_566 : i32
      "tpu.region"() ({
        %run_scoped3A = tpu.sem_alloc : memref<!tpu.dma_semaphore, #tpu.memory_space<semaphore_mem>>
        %dma_start3A_570 = arith.constant 0 : i32
        %dma_start3A_571 = tpu.memref_slice %arg7[%add3A_567, %dma_start3A_570] : memref<10000x128xf32, #tpu.memory_space<hbm>> -> memref<96x128xf32, #tpu.memory_space<hbm>>
        %dma_start3A_572 = arith.constant 2400 : i32
        %dma_start3A_573 = arith.constant 0 : i32
        %dma_start3A_574 = tpu.memref_slice %arg23[%dma_start3A_572, %dma_start3A_573] : memref<2560x128xf32, #tpu.memory_space<vmem_shared>> -> memref<96x128xf32, #tpu.memory_space<vmem_shared>>
        tpu.enqueue_dma source(%dma_start3A_574 : memref<96x128xf32, #tpu.memory_space<vmem_shared>>) target(%dma_start3A_571 : memref<96x128xf32, #tpu.memory_space<hbm>>) target_semaphore(%run_scoped3A : memref<!tpu.dma_semaphore, #tpu.memory_space<semaphore_mem>>)
        %dma_wait3A = arith.constant 0 : i32
        %dma_wait3A_575 = tpu.memref_slice %arg7[%add3A_567, %dma_wait3A] : memref<10000x128xf32, #tpu.memory_space<hbm>> -> memref<96x128xf32, #tpu.memory_space<hbm>>
        %dma_wait3A_576 = arith.constant 2400 : i32
        %dma_wait3A_577 = arith.constant 0 : i32
        %dma_wait3A_578 = tpu.memref_slice %arg23[%dma_wait3A_576, %dma_wait3A_577] : memref<2560x128xf32, #tpu.memory_space<vmem_shared>> -> memref<96x128xf32, #tpu.memory_space<vmem_shared>>
        tpu.wait_dma2 semaphore(%run_scoped3A : memref<!tpu.dma_semaphore, #tpu.memory_space<semaphore_mem>>) src(%dma_wait3A_578 : memref<96x128xf32, #tpu.memory_space<vmem_shared>>) dst(%dma_wait3A_575 : memref<96x128xf32, #tpu.memory_space<hbm>>)
        tpu.yield
      }) : () -> ()
      %add3A_568 = arith.constant 2400 : i32
      %add3A_569 = arith.addi %add3A_451, %add3A_568 : i32
      "tpu.region"() ({
        %run_scoped3A = tpu.sem_alloc : memref<!tpu.dma_semaphore, #tpu.memory_space<semaphore_mem>>
        %dma_start3A_570 = arith.constant 0 : i32
        %dma_start3A_571 = tpu.memref_slice %arg8[%add3A_569, %dma_start3A_570] : memref<10000x16xf32, #tpu.memory_space<hbm>> -> memref<96x16xf32, #tpu.memory_space<hbm>>
        %dma_start3A_572 = arith.constant 2400 : i32
        %dma_start3A_573 = arith.constant 0 : i32
        %dma_start3A_574 = tpu.memref_slice %arg24[%dma_start3A_572, %dma_start3A_573] : memref<2560x16xf32, #tpu.memory_space<vmem_shared>> -> memref<96x16xf32, #tpu.memory_space<vmem_shared>>
        tpu.enqueue_dma source(%dma_start3A_574 : memref<96x16xf32, #tpu.memory_space<vmem_shared>>) target(%dma_start3A_571 : memref<96x16xf32, #tpu.memory_space<hbm>>) target_semaphore(%run_scoped3A : memref<!tpu.dma_semaphore, #tpu.memory_space<semaphore_mem>>)
        %dma_wait3A = arith.constant 0 : i32
        %dma_wait3A_575 = tpu.memref_slice %arg8[%add3A_569, %dma_wait3A] : memref<10000x16xf32, #tpu.memory_space<hbm>> -> memref<96x16xf32, #tpu.memory_space<hbm>>
        %dma_wait3A_576 = arith.constant 2400 : i32
        %dma_wait3A_577 = arith.constant 0 : i32
        %dma_wait3A_578 = tpu.memref_slice %arg24[%dma_wait3A_576, %dma_wait3A_577] : memref<2560x16xf32, #tpu.memory_space<vmem_shared>> -> memref<96x16xf32, #tpu.memory_space<vmem_shared>>
        tpu.wait_dma2 semaphore(%run_scoped3A : memref<!tpu.dma_semaphore, #tpu.memory_space<semaphore_mem>>) src(%dma_wait3A_578 : memref<96x16xf32, #tpu.memory_space<vmem_shared>>) dst(%dma_wait3A_575 : memref<96x16xf32, #tpu.memory_space<hbm>>)
        tpu.yield
      }) : () -> ()
    } else {
    }
    return
  }
}

#map = affine_map<(d0, d1) -> (0, 0)>
#map1 = affine_map<(d0, d1) -> (0)>
module attributes {stable_mosaic.version = 14 : i64} {
  func.func @wrapped(%arg0: i32, %arg1: i32, %arg2: memref<10000x128xf32, #tpu.memory_space<hbm>>, %arg3: memref<10000x128xf32, #tpu.memory_space<hbm>>, %arg4: memref<160000xi32, #tpu.memory_space<hbm>>, %arg5: memref<160000xi32, #tpu.memory_space<hbm>>, %arg6: memref<10000x128xf32, #tpu.memory_space<hbm>>, %arg7: memref<10000x128xf32, #tpu.memory_space<hbm>>, %arg8: memref<2000xi32, #tpu.memory_space<vmem>>, %arg9: memref<2000xi32, #tpu.memory_space<vmem>>, %arg10: memref<10352xi32, #tpu.memory_space<vmem>>, %arg11: memref<10352xi32, #tpu.memory_space<vmem>>, %arg12: memref<80x128xf32, #tpu.memory_space<vmem>>, %arg13: memref<80x128xf32, #tpu.memory_space<vmem>>, %arg14: memref<80x128xf32, #tpu.memory_space<vmem>>, %arg15: memref<80x128xf32, #tpu.memory_space<vmem>>, %arg16: memref<80x16xf32, #tpu.memory_space<vmem>>, %arg17: memref<80xi32, #tpu.memory_space<vmem>>, %arg18: memref<80xi32, #tpu.memory_space<vmem>>, %arg19: memref<80xi32, #tpu.memory_space<vmem>>, %arg20: memref<80xi32, #tpu.memory_space<vmem>>, %arg21: memref<2560x128xf32, #tpu.memory_space<vmem_shared>>, %arg22: memref<2560x128xf32, #tpu.memory_space<vmem_shared>>, %arg23: memref<2560x16xf32, #tpu.memory_space<vmem_shared>>, %arg24: memref<!tpu.dma_semaphore, #tpu.memory_space<semaphore_mem>>, %arg25: memref<!tpu.dma_semaphore, #tpu.memory_space<semaphore_mem>>, %arg26: memref<!tpu.dma_semaphore, #tpu.memory_space<semaphore_mem>>, %arg27: memref<!tpu.dma_semaphore, #tpu.memory_space<semaphore_mem>>, %arg28: memref<!tpu.dma_semaphore, #tpu.memory_space<semaphore_mem>>, %arg29: memref<!tpu.dma_semaphore, #tpu.memory_space<semaphore_mem>>) attributes {dimension_semantics = [#tpu.dimension_semantics<core_parallel>, #tpu.dimension_semantics<subcore_parallel>], iteration_bounds = array<i64: 2, 16>, scalar_prefetch = 0 : i64, scratch_operands = 22 : i64, tpu.core_type = #tpu.core_type<sc_vector_subcore>, window_params = [{transform_indices = #map}, {transform_indices = #map}, {transform_indices = #map1}, {transform_indices = #map1}, {transform_indices = #map}, {transform_indices = #map}]} {
    %mul3A = arith.constant 2 : i32
    %mul3A_0 = arith.muli %arg1, %mul3A : i32
    %add3A = arith.addi %mul3A_0, %arg0 : i32
    %iota3A = tpu.iota {dimensions = array<i32: 0>} : vector<16xi32>
    %broadcast_in_dim3A = arith.constant 0.000000e+00 : f32
    %broadcast_in_dim3A_1 = vector.broadcast %broadcast_in_dim3A : f32 to vector<16xf32>
    %broadcast_in_dim3A_2 = arith.constant 1.000000e+00 : f32
    %broadcast_in_dim3A_3 = vector.broadcast %broadcast_in_dim3A_2 : f32 to vector<16xf32>
    %scan3A = arith.constant 0 : i32
    %scan3A_4 = arith.constant 0 : i32
    %scan3A_5 = arith.constant 80 : i32
    %scan3A_6 = arith.addi %scan3A_4, %scan3A_5 : i32
    %scan3A_7 = arith.constant 1 : i32
    scf.for %scan3A_548 = %scan3A_4 to %scan3A_6 step %scan3A_7  : i32 {
      %swap3A_549 = arith.index_cast %scan3A_548 : i32 to index
      %swap3A_550 = arith.constant 0 : index
      %swap3A_551 = tpu.vector_load %arg12[%swap3A_549, %swap3A_550] {strides = array<i32>} : memref<80x128xf32, #tpu.memory_space<vmem>>, vector<16xf32>,
      tpu.vector_store %arg12[%swap3A_549, %swap3A_550], %broadcast_in_dim3A_1 {strides = array<i32>} : memref<80x128xf32, #tpu.memory_space<vmem>>, vector<16xf32>,
      %swap3A_552 = arith.index_cast %scan3A_548 : i32 to index
      %swap3A_553 = arith.constant 16 : index
      %swap3A_554 = tpu.vector_load %arg12[%swap3A_552, %swap3A_553] {strides = array<i32>} : memref<80x128xf32, #tpu.memory_space<vmem>>, vector<16xf32>,
      tpu.vector_store %arg12[%swap3A_552, %swap3A_553], %broadcast_in_dim3A_1 {strides = array<i32>} : memref<80x128xf32, #tpu.memory_space<vmem>>, vector<16xf32>,
      %swap3A_555 = arith.index_cast %scan3A_548 : i32 to index
      %swap3A_556 = arith.constant 32 : index
      %swap3A_557 = tpu.vector_load %arg12[%swap3A_555, %swap3A_556] {strides = array<i32>} : memref<80x128xf32, #tpu.memory_space<vmem>>, vector<16xf32>,
      tpu.vector_store %arg12[%swap3A_555, %swap3A_556], %broadcast_in_dim3A_1 {strides = array<i32>} : memref<80x128xf32, #tpu.memory_space<vmem>>, vector<16xf32>,
      %swap3A_558 = arith.index_cast %scan3A_548 : i32 to index
      %swap3A_559 = arith.constant 48 : index
      %swap3A_560 = tpu.vector_load %arg12[%swap3A_558, %swap3A_559] {strides = array<i32>} : memref<80x128xf32, #tpu.memory_space<vmem>>, vector<16xf32>,
      tpu.vector_store %arg12[%swap3A_558, %swap3A_559], %broadcast_in_dim3A_1 {strides = array<i32>} : memref<80x128xf32, #tpu.memory_space<vmem>>, vector<16xf32>,
      %swap3A_561 = arith.index_cast %scan3A_548 : i32 to index
      %swap3A_562 = arith.constant 64 : index
      %swap3A_563 = tpu.vector_load %arg12[%swap3A_561, %swap3A_562] {strides = array<i32>} : memref<80x128xf32, #tpu.memory_space<vmem>>, vector<16xf32>,
      tpu.vector_store %arg12[%swap3A_561, %swap3A_562], %broadcast_in_dim3A_1 {strides = array<i32>} : memref<80x128xf32, #tpu.memory_space<vmem>>, vector<16xf32>,
      %swap3A_564 = arith.index_cast %scan3A_548 : i32 to index
      %swap3A_565 = arith.constant 80 : index
      %swap3A_566 = tpu.vector_load %arg12[%swap3A_564, %swap3A_565] {strides = array<i32>} : memref<80x128xf32, #tpu.memory_space<vmem>>, vector<16xf32>,
      tpu.vector_store %arg12[%swap3A_564, %swap3A_565], %broadcast_in_dim3A_1 {strides = array<i32>} : memref<80x128xf32, #tpu.memory_space<vmem>>, vector<16xf32>,
      %swap3A_567 = arith.index_cast %scan3A_548 : i32 to index
      %swap3A_568 = arith.constant 96 : index
      %swap3A_569 = tpu.vector_load %arg12[%swap3A_567, %swap3A_568] {strides = array<i32>} : memref<80x128xf32, #tpu.memory_space<vmem>>, vector<16xf32>,
      tpu.vector_store %arg12[%swap3A_567, %swap3A_568], %broadcast_in_dim3A_1 {strides = array<i32>} : memref<80x128xf32, #tpu.memory_space<vmem>>, vector<16xf32>,
      %swap3A_570 = arith.index_cast %scan3A_548 : i32 to index
      %swap3A_571 = arith.constant 112 : index
      %swap3A_572 = tpu.vector_load %arg12[%swap3A_570, %swap3A_571] {strides = array<i32>} : memref<80x128xf32, #tpu.memory_space<vmem>>, vector<16xf32>,
      tpu.vector_store %arg12[%swap3A_570, %swap3A_571], %broadcast_in_dim3A_1 {strides = array<i32>} : memref<80x128xf32, #tpu.memory_space<vmem>>, vector<16xf32>,
      %swap3A_573 = arith.index_cast %scan3A_548 : i32 to index
      %swap3A_574 = arith.constant 0 : index
      %swap3A_575 = tpu.vector_load %arg16[%swap3A_573, %swap3A_574] {strides = array<i32>} : memref<80x16xf32, #tpu.memory_space<vmem>>, vector<16xf32>,
      tpu.vector_store %arg16[%swap3A_573, %swap3A_574], %broadcast_in_dim3A_1 {strides = array<i32>} : memref<80x16xf32, #tpu.memory_space<vmem>>, vector<16xf32>,
    }
    %scan3A_8 = arith.constant 80 : i32
    %mul3A_9 = arith.constant 5000 : i32
    %mul3A_10 = arith.muli %arg0, %mul3A_9 : i32
    %broadcast_in_dim3A_11 = arith.constant 0 : i32
    %broadcast_in_dim3A_12 = vector.broadcast %broadcast_in_dim3A_11 : i32 to vector<16xi32>
    %scan3A_13 = arith.constant 0 : i32
    %scan3A_14 = arith.constant 5 : i32
    %scan3A_15 = arith.addi %scan3A_13, %scan3A_14 : i32
    %scan3A_16 = arith.constant 1 : i32
    %scan3A_17:2 = scf.for %scan3A_548 = %scan3A_13 to %scan3A_15 step %scan3A_16 iter_args(%scan3A_549 = %broadcast_in_dim3A_12, %scan3A_550 = %broadcast_in_dim3A_12) -> (vector<16xi32>, vector<16xi32>)  : i32 {
      %mul3A_551 = arith.constant 10000 : i32
      %mul3A_552 = arith.muli %arg1, %mul3A_551 : i32
      %mul3A_553 = arith.constant 2000 : i32
      %mul3A_554 = arith.muli %scan3A_548, %mul3A_553 : i32
      %add3A_555 = arith.addi %mul3A_552, %mul3A_554 : i32
      "tpu.region"() ({
        %run_scoped3A = tpu.sem_alloc : memref<!tpu.dma_semaphore, #tpu.memory_space<semaphore_mem>>
        %dma_start3A_567 = tpu.memref_slice %arg4[%add3A_555] : memref<160000xi32, #tpu.memory_space<hbm>> -> memref<2000xi32, #tpu.memory_space<hbm>>
        %dma_start3A_568 = tpu.memref_slice %arg4[%add3A_555] : memref<160000xi32, #tpu.memory_space<hbm>> -> memref<2000xi32, #tpu.memory_space<hbm>>
        tpu.enqueue_dma source(%dma_start3A_568 : memref<2000xi32, #tpu.memory_space<hbm>>) target(%arg8 : memref<2000xi32, #tpu.memory_space<vmem>>) target_semaphore(%run_scoped3A : memref<!tpu.dma_semaphore, #tpu.memory_space<semaphore_mem>>)
        %dma_wait3A = tpu.memref_slice %arg4[%add3A_555] : memref<160000xi32, #tpu.memory_space<hbm>> -> memref<2000xi32, #tpu.memory_space<hbm>>
        %dma_wait3A_569 = tpu.memref_slice %arg4[%add3A_555] : memref<160000xi32, #tpu.memory_space<hbm>> -> memref<2000xi32, #tpu.memory_space<hbm>>
        tpu.wait_dma2 semaphore(%run_scoped3A : memref<!tpu.dma_semaphore, #tpu.memory_space<semaphore_mem>>) src(%dma_wait3A_569 : memref<2000xi32, #tpu.memory_space<hbm>>) dst(%arg8 : memref<2000xi32, #tpu.memory_space<vmem>>)
        tpu.yield
      }) : () -> ()
      %mul3A_556 = arith.constant 10000 : i32
      %mul3A_557 = arith.muli %arg1, %mul3A_556 : i32
      %mul3A_558 = arith.constant 2000 : i32
      %mul3A_559 = arith.muli %scan3A_548, %mul3A_558 : i32
      %add3A_560 = arith.addi %mul3A_557, %mul3A_559 : i32
      "tpu.region"() ({
        %run_scoped3A = tpu.sem_alloc : memref<!tpu.dma_semaphore, #tpu.memory_space<semaphore_mem>>
        %dma_start3A_567 = tpu.memref_slice %arg5[%add3A_560] : memref<160000xi32, #tpu.memory_space<hbm>> -> memref<2000xi32, #tpu.memory_space<hbm>>
        %dma_start3A_568 = tpu.memref_slice %arg5[%add3A_560] : memref<160000xi32, #tpu.memory_space<hbm>> -> memref<2000xi32, #tpu.memory_space<hbm>>
        tpu.enqueue_dma source(%dma_start3A_568 : memref<2000xi32, #tpu.memory_space<hbm>>) target(%arg9 : memref<2000xi32, #tpu.memory_space<vmem>>) target_semaphore(%run_scoped3A : memref<!tpu.dma_semaphore, #tpu.memory_space<semaphore_mem>>)
        %dma_wait3A = tpu.memref_slice %arg5[%add3A_560] : memref<160000xi32, #tpu.memory_space<hbm>> -> memref<2000xi32, #tpu.memory_space<hbm>>
        %dma_wait3A_569 = tpu.memref_slice %arg5[%add3A_560] : memref<160000xi32, #tpu.memory_space<hbm>> -> memref<2000xi32, #tpu.memory_space<hbm>>
        tpu.wait_dma2 semaphore(%run_scoped3A : memref<!tpu.dma_semaphore, #tpu.memory_space<semaphore_mem>>) src(%dma_wait3A_569 : memref<2000xi32, #tpu.memory_space<hbm>>) dst(%arg9 : memref<2000xi32, #tpu.memory_space<vmem>>)
        tpu.yield
      }) : () -> ()
      %scan3A_561 = arith.constant 0 : i32
      %scan3A_562 = arith.constant 125 : i32
      %scan3A_563 = arith.addi %scan3A_561, %scan3A_562 : i32
      %scan3A_564 = arith.constant 1 : i32
      %scan3A_565:2 = scf.for %scan3A_567 = %scan3A_561 to %scan3A_563 step %scan3A_564 iter_args(%scan3A_568 = %scan3A_549, %scan3A_569 = %scan3A_550) -> (vector<16xi32>, vector<16xi32>)  : i32 {
        %mul3A_570 = arith.constant 16 : i32
        %mul3A_571 = arith.muli %scan3A_567, %mul3A_570 : i32
        %get3A_572 = arith.index_cast %mul3A_571 : i32 to index
        %get3A_573 = tpu.vector_load %arg9[%get3A_572] {strides = array<i32>} : memref<2000xi32, #tpu.memory_space<vmem>>, vector<16xi32>,
        %get3A_574 = arith.index_cast %mul3A_571 : i32 to index
        %get3A_575 = tpu.vector_load %arg8[%get3A_574] {strides = array<i32>} : memref<2000xi32, #tpu.memory_space<vmem>>, vector<16xi32>,
        %sub3A_576 = vector.broadcast %mul3A_10 : i32 to vector<16xi32>
        %sub3A_577 = arith.subi %get3A_573, %sub3A_576 : vector<16xi32>
        %ge3A = arith.constant 0 : i32
        %ge3A_578 = vector.broadcast %ge3A : i32 to vector<16xi32>
        %ge3A_579 = arith.cmpi sge, %sub3A_577, %ge3A_578 : vector<16xi32>
        %lt3A_580 = arith.constant 2504 : i32
        %lt3A_581 = vector.broadcast %lt3A_580 : i32 to vector<16xi32>
        %lt3A_582 = arith.cmpi slt, %sub3A_577, %lt3A_581 : vector<16xi32>
        %and3A_583 = arith.andi %ge3A_579, %lt3A_582 : vector<16xi1>
        %sub3A_584 = arith.constant 2504 : i32
        %sub3A_585 = vector.broadcast %sub3A_584 : i32 to vector<16xi32>
        %sub3A_586 = arith.subi %sub3A_577, %sub3A_585 : vector<16xi32>
        %ge3A_587 = arith.constant 0 : i32
        %ge3A_588 = vector.broadcast %ge3A_587 : i32 to vector<16xi32>
        %ge3A_589 = arith.cmpi sge, %sub3A_586, %ge3A_588 : vector<16xi32>
        %lt3A_590 = arith.constant 2496 : i32
        %lt3A_591 = vector.broadcast %lt3A_590 : i32 to vector<16xi32>
        %lt3A_592 = arith.cmpi slt, %sub3A_586, %lt3A_591 : vector<16xi32>
        %and3A_593 = arith.andi %ge3A_589, %lt3A_592 : vector<16xi1>
        %convert_element_type3A_594 = arith.extui %and3A_583 : vector<16xi1> to vector<16xi32>
        %convert_element_type3A_595 = arith.extui %and3A_593 : vector<16xi1> to vector<16xi32>
        %broadcast_in_dim3A_596 = arith.constant true
        %broadcast_in_dim3A_597 = vector.broadcast %broadcast_in_dim3A_596 : i1 to vector<16xi1>
        %masked_cumsum3A = tpu.scan <sum>, %convert_element_type3A_594 masked %broadcast_in_dim3A_597 : vector<16xi32>, vector<16xi1> -> vector<16xi32>
        %add3A_598 = arith.addi %scan3A_568, %masked_cumsum3A : vector<16xi32>
        %sub3A_599 = arith.subi %add3A_598, %convert_element_type3A_594 : vector<16xi32>
        tpu.vector_store_idx %arg11[%sub3A_599], %sub3A_577 masked %and3A_583 : memref<10352xi32, #tpu.memory_space<vmem>>[vector<16xi32>], vector<16xi32>, vector<16xi1>
        tpu.vector_store_idx %arg10[%sub3A_599], %get3A_575 masked %and3A_583 : memref<10352xi32, #tpu.memory_space<vmem>>[vector<16xi32>], vector<16xi32>, vector<16xi1>
        %broadcast_in_dim3A_600 = arith.constant true
        %broadcast_in_dim3A_601 = vector.broadcast %broadcast_in_dim3A_600 : i1 to vector<16xi1>
        %masked_cumsum3A_602 = tpu.scan <sum>, %convert_element_type3A_595 masked %broadcast_in_dim3A_601 : vector<16xi32>, vector<16xi1> -> vector<16xi32>
        %add3A_603 = arith.addi %scan3A_569, %masked_cumsum3A_602 : vector<16xi32>
        %sub3A_604 = arith.subi %add3A_603, %convert_element_type3A_595 : vector<16xi32>
        %sub3A_605 = arith.constant 10351 : i32
        %sub3A_606 = vector.broadcast %sub3A_605 : i32 to vector<16xi32>
        %sub3A_607 = arith.subi %sub3A_606, %sub3A_604 : vector<16xi32>
        tpu.vector_store_idx %arg11[%sub3A_607], %sub3A_586 masked %and3A_593 : memref<10352xi32, #tpu.memory_space<vmem>>[vector<16xi32>], vector<16xi32>, vector<16xi1>
        tpu.vector_store_idx %arg10[%sub3A_607], %get3A_575 masked %and3A_593 : memref<10352xi32, #tpu.memory_space<vmem>>[vector<16xi32>], vector<16xi32>, vector<16xi1>
        %all_reduce_population_count3A = tpu.all_reduce %and3A_583 {dim = 0 : i64, kind = #tpu.reduction_kind<sum>} : vector<16xi1> -> vector<16xi32>
        %add3A_608 = arith.addi %scan3A_568, %all_reduce_population_count3A : vector<16xi32>
        %all_reduce_population_count3A_609 = tpu.all_reduce %and3A_593 {dim = 0 : i64, kind = #tpu.reduction_kind<sum>} : vector<16xi1> -> vector<16xi32>
        %add3A_610 = arith.addi %scan3A_569, %all_reduce_population_count3A_609 : vector<16xi32>
        scf.yield %add3A_608, %add3A_610 : vector<16xi32>, vector<16xi32>
      }
      %scan3A_566 = arith.constant 125 : i32
      scf.yield %scan3A_565#0, %scan3A_565#1 : vector<16xi32>, vector<16xi32>
    }
    %scan3A_18 = arith.constant 5 : i32
    %reduce_max3A = arith.constant true
    %reduce_max3A_19 = vector.broadcast %reduce_max3A : i1 to vector<16xi1>
    %reduce_max3A_20 = arith.constant -2147483648 : i32
    %reduce_max3A_21 = vector.broadcast %reduce_max3A_20 : i32 to vector<16xi32>
    %reduce_max3A_22 = arith.xori %scan3A_17#0, %reduce_max3A_21 : vector<16xi32>
    %reduce_max3A_23 = tpu.scan <max>, %reduce_max3A_22 masked %reduce_max3A_19 : vector<16xi32>, vector<16xi1> -> vector<16xi32>
    %reduce_max3A_24 = arith.xori %reduce_max3A_23, %reduce_max3A_21 : vector<16xi32>
    %reduce_max3A_25 = vector.extract %reduce_max3A_24[15] : i32 from vector<16xi32>
    %reduce_max3A_26 = arith.constant true
    %reduce_max3A_27 = vector.broadcast %reduce_max3A_26 : i1 to vector<16xi1>
    %reduce_max3A_28 = arith.constant -2147483648 : i32
    %reduce_max3A_29 = vector.broadcast %reduce_max3A_28 : i32 to vector<16xi32>
    %reduce_max3A_30 = arith.xori %scan3A_17#1, %reduce_max3A_29 : vector<16xi32>
    %reduce_max3A_31 = tpu.scan <max>, %reduce_max3A_30 masked %reduce_max3A_27 : vector<16xi32>, vector<16xi1> -> vector<16xi32>
    %reduce_max3A_32 = arith.xori %reduce_max3A_31, %reduce_max3A_29 : vector<16xi32>
    %reduce_max3A_33 = vector.extract %reduce_max3A_32[15] : i32 from vector<16xi32>
    %mul3A_34 = arith.constant 16 : i32
    %mul3A_35 = arith.muli %add3A, %mul3A_34 : i32
    %add3A_36 = vector.broadcast %mul3A_35 : i32 to vector<16xi32>
    %add3A_37 = arith.addi %add3A_36, %iota3A : vector<16xi32>
    %mul3A_38 = arith.constant 16 : i32
    %mul3A_39 = arith.muli %add3A, %mul3A_38 : i32
    %add3A_40 = vector.broadcast %mul3A_39 : i32 to vector<16xi32>
    %add3A_41 = arith.addi %add3A_40, %iota3A : vector<16xi32>
    %jit3A = arith.constant 56 : i32
    %eq3A = arith.constant 0 : i32
    %eq3A_42 = arith.cmpi eq, %jit3A, %eq3A : i32
    %jit3A_43 = arith.constant 1 : i32
    %select_n3A = arith.select %eq3A_42, %jit3A_43, %jit3A : i32
    %rem3A = vector.broadcast %select_n3A : i32 to vector<16xi32>
    %rem3A_44 = arith.remsi %add3A_41, %rem3A : vector<16xi32>
    %ne3A = arith.constant 0 : i32
    %ne3A_45 = vector.broadcast %ne3A : i32 to vector<16xi32>
    %ne3A_46 = arith.cmpi ne, %rem3A_44, %ne3A_45 : vector<16xi32>
    %lt3A = arith.constant 0 : i32
    %lt3A_47 = vector.broadcast %lt3A : i32 to vector<16xi32>
    %lt3A_48 = arith.cmpi slt, %rem3A_44, %lt3A_47 : vector<16xi32>
    %lt3A_49 = arith.constant 0 : i32
    %lt3A_50 = arith.cmpi slt, %select_n3A, %lt3A_49 : i32
    %ne3A_51 = vector.broadcast %lt3A_50 : i1 to vector<16xi1>
    %ne3A_52 = vector.broadcast %ne3A_51 : vector<16xi1> to vector<16xi1>
    %ne3A_53 = arith.xori %lt3A_48, %ne3A_52 : vector<16xi1>
    %and3A = arith.andi %ne3A_53, %ne3A_46 : vector<16xi1>
    %add3A_54 = vector.broadcast %select_n3A : i32 to vector<16xi32>
    %add3A_55 = arith.addi %rem3A_44, %add3A_54 : vector<16xi32>
    %select_n3A_56 = arith.select %and3A, %add3A_55, %rem3A_44 : vector<16xi1>, vector<16xi32>
    %add3A_57 = arith.constant 2504 : i32
    %add3A_58 = vector.broadcast %add3A_57 : i32 to vector<16xi32>
    %add3A_59 = arith.addi %add3A_58, %select_n3A_56 : vector<16xi32>
    %add3A_60 = arith.constant 0 : i32
    %add3A_61 = arith.addi %reduce_max3A_25, %add3A_60 : i32
    %add3A_62 = vector.broadcast %add3A_61 : i32 to vector<16xi32>
    %add3A_63 = arith.addi %add3A_62, %iota3A : vector<16xi32>
    tpu.vector_store_idx %arg11[%add3A_63], %add3A_59 : memref<10352xi32, #tpu.memory_space<vmem>>[vector<16xi32>], vector<16xi32>,
    %add3A_64 = arith.constant 0 : i32
    %add3A_65 = arith.addi %reduce_max3A_25, %add3A_64 : i32
    %add3A_66 = vector.broadcast %add3A_65 : i32 to vector<16xi32>
    %add3A_67 = arith.addi %add3A_66, %iota3A : vector<16xi32>
    tpu.vector_store_idx %arg10[%add3A_67], %add3A_37 : memref<10352xi32, #tpu.memory_space<vmem>>[vector<16xi32>], vector<16xi32>,
    %add3A_68 = arith.constant 0 : i32
    %add3A_69 = arith.addi %reduce_max3A_33, %add3A_68 : i32
    %add3A_70 = vector.broadcast %add3A_69 : i32 to vector<16xi32>
    %add3A_71 = arith.addi %add3A_70, %iota3A : vector<16xi32>
    %sub3A = arith.constant 10351 : i32
    %sub3A_72 = vector.broadcast %sub3A : i32 to vector<16xi32>
    %sub3A_73 = arith.subi %sub3A_72, %add3A_71 : vector<16xi32>
    tpu.vector_store_idx %arg11[%sub3A_73], %add3A_59 : memref<10352xi32, #tpu.memory_space<vmem>>[vector<16xi32>], vector<16xi32>,
    %add3A_74 = arith.constant 0 : i32
    %add3A_75 = arith.addi %reduce_max3A_33, %add3A_74 : i32
    %add3A_76 = vector.broadcast %add3A_75 : i32 to vector<16xi32>
    %add3A_77 = arith.addi %add3A_76, %iota3A : vector<16xi32>
    %sub3A_78 = arith.constant 10351 : i32
    %sub3A_79 = vector.broadcast %sub3A_78 : i32 to vector<16xi32>
    %sub3A_80 = arith.subi %sub3A_79, %add3A_77 : vector<16xi32>
    tpu.vector_store_idx %arg10[%sub3A_80], %add3A_37 : memref<10352xi32, #tpu.memory_space<vmem>>[vector<16xi32>], vector<16xi32>,
    %add3A_81 = arith.constant 16 : i32
    %add3A_82 = arith.addi %reduce_max3A_25, %add3A_81 : i32
    %add3A_83 = vector.broadcast %add3A_82 : i32 to vector<16xi32>
    %add3A_84 = arith.addi %add3A_83, %iota3A : vector<16xi32>
    tpu.vector_store_idx %arg11[%add3A_84], %add3A_59 : memref<10352xi32, #tpu.memory_space<vmem>>[vector<16xi32>], vector<16xi32>,
    %add3A_85 = arith.constant 16 : i32
    %add3A_86 = arith.addi %reduce_max3A_25, %add3A_85 : i32
    %add3A_87 = vector.broadcast %add3A_86 : i32 to vector<16xi32>
    %add3A_88 = arith.addi %add3A_87, %iota3A : vector<16xi32>
    tpu.vector_store_idx %arg10[%add3A_88], %add3A_37 : memref<10352xi32, #tpu.memory_space<vmem>>[vector<16xi32>], vector<16xi32>,
    %add3A_89 = arith.constant 16 : i32
    %add3A_90 = arith.addi %reduce_max3A_33, %add3A_89 : i32
    %add3A_91 = vector.broadcast %add3A_90 : i32 to vector<16xi32>
    %add3A_92 = arith.addi %add3A_91, %iota3A : vector<16xi32>
    %sub3A_93 = arith.constant 10351 : i32
    %sub3A_94 = vector.broadcast %sub3A_93 : i32 to vector<16xi32>
    %sub3A_95 = arith.subi %sub3A_94, %add3A_92 : vector<16xi32>
    tpu.vector_store_idx %arg11[%sub3A_95], %add3A_59 : memref<10352xi32, #tpu.memory_space<vmem>>[vector<16xi32>], vector<16xi32>,
    %add3A_96 = arith.constant 16 : i32
    %add3A_97 = arith.addi %reduce_max3A_33, %add3A_96 : i32
    %add3A_98 = vector.broadcast %add3A_97 : i32 to vector<16xi32>
    %add3A_99 = arith.addi %add3A_98, %iota3A : vector<16xi32>
    %sub3A_100 = arith.constant 10351 : i32
    %sub3A_101 = vector.broadcast %sub3A_100 : i32 to vector<16xi32>
    %sub3A_102 = arith.subi %sub3A_101, %add3A_99 : vector<16xi32>
    tpu.vector_store_idx %arg10[%sub3A_102], %add3A_37 : memref<10352xi32, #tpu.memory_space<vmem>>[vector<16xi32>], vector<16xi32>,
    %add3A_103 = arith.constant 32 : i32
    %add3A_104 = arith.addi %reduce_max3A_25, %add3A_103 : i32
    %add3A_105 = vector.broadcast %add3A_104 : i32 to vector<16xi32>
    %add3A_106 = arith.addi %add3A_105, %iota3A : vector<16xi32>
    tpu.vector_store_idx %arg11[%add3A_106], %add3A_59 : memref<10352xi32, #tpu.memory_space<vmem>>[vector<16xi32>], vector<16xi32>,
    %add3A_107 = arith.constant 32 : i32
    %add3A_108 = arith.addi %reduce_max3A_25, %add3A_107 : i32
    %add3A_109 = vector.broadcast %add3A_108 : i32 to vector<16xi32>
    %add3A_110 = arith.addi %add3A_109, %iota3A : vector<16xi32>
    tpu.vector_store_idx %arg10[%add3A_110], %add3A_37 : memref<10352xi32, #tpu.memory_space<vmem>>[vector<16xi32>], vector<16xi32>,
    %add3A_111 = arith.constant 32 : i32
    %add3A_112 = arith.addi %reduce_max3A_33, %add3A_111 : i32
    %add3A_113 = vector.broadcast %add3A_112 : i32 to vector<16xi32>
    %add3A_114 = arith.addi %add3A_113, %iota3A : vector<16xi32>
    %sub3A_115 = arith.constant 10351 : i32
    %sub3A_116 = vector.broadcast %sub3A_115 : i32 to vector<16xi32>
    %sub3A_117 = arith.subi %sub3A_116, %add3A_114 : vector<16xi32>
    tpu.vector_store_idx %arg11[%sub3A_117], %add3A_59 : memref<10352xi32, #tpu.memory_space<vmem>>[vector<16xi32>], vector<16xi32>,
    %add3A_118 = arith.constant 32 : i32
    %add3A_119 = arith.addi %reduce_max3A_33, %add3A_118 : i32
    %add3A_120 = vector.broadcast %add3A_119 : i32 to vector<16xi32>
    %add3A_121 = arith.addi %add3A_120, %iota3A : vector<16xi32>
    %sub3A_122 = arith.constant 10351 : i32
    %sub3A_123 = vector.broadcast %sub3A_122 : i32 to vector<16xi32>
    %sub3A_124 = arith.subi %sub3A_123, %add3A_121 : vector<16xi32>
    tpu.vector_store_idx %arg10[%sub3A_124], %add3A_37 : memref<10352xi32, #tpu.memory_space<vmem>>[vector<16xi32>], vector<16xi32>,
    %add3A_125 = arith.constant 48 : i32
    %add3A_126 = arith.addi %reduce_max3A_25, %add3A_125 : i32
    %add3A_127 = vector.broadcast %add3A_126 : i32 to vector<16xi32>
    %add3A_128 = arith.addi %add3A_127, %iota3A : vector<16xi32>
    tpu.vector_store_idx %arg11[%add3A_128], %add3A_59 : memref<10352xi32, #tpu.memory_space<vmem>>[vector<16xi32>], vector<16xi32>,
    %add3A_129 = arith.constant 48 : i32
    %add3A_130 = arith.addi %reduce_max3A_25, %add3A_129 : i32
    %add3A_131 = vector.broadcast %add3A_130 : i32 to vector<16xi32>
    %add3A_132 = arith.addi %add3A_131, %iota3A : vector<16xi32>
    tpu.vector_store_idx %arg10[%add3A_132], %add3A_37 : memref<10352xi32, #tpu.memory_space<vmem>>[vector<16xi32>], vector<16xi32>,
    %add3A_133 = arith.constant 48 : i32
    %add3A_134 = arith.addi %reduce_max3A_33, %add3A_133 : i32
    %add3A_135 = vector.broadcast %add3A_134 : i32 to vector<16xi32>
    %add3A_136 = arith.addi %add3A_135, %iota3A : vector<16xi32>
    %sub3A_137 = arith.constant 10351 : i32
    %sub3A_138 = vector.broadcast %sub3A_137 : i32 to vector<16xi32>
    %sub3A_139 = arith.subi %sub3A_138, %add3A_136 : vector<16xi32>
    tpu.vector_store_idx %arg11[%sub3A_139], %add3A_59 : memref<10352xi32, #tpu.memory_space<vmem>>[vector<16xi32>], vector<16xi32>,
    %add3A_140 = arith.constant 48 : i32
    %add3A_141 = arith.addi %reduce_max3A_33, %add3A_140 : i32
    %add3A_142 = vector.broadcast %add3A_141 : i32 to vector<16xi32>
    %add3A_143 = arith.addi %add3A_142, %iota3A : vector<16xi32>
    %sub3A_144 = arith.constant 10351 : i32
    %sub3A_145 = vector.broadcast %sub3A_144 : i32 to vector<16xi32>
    %sub3A_146 = arith.subi %sub3A_145, %add3A_143 : vector<16xi32>
    tpu.vector_store_idx %arg10[%sub3A_146], %add3A_37 : memref<10352xi32, #tpu.memory_space<vmem>>[vector<16xi32>], vector<16xi32>,
    %add3A_147 = arith.constant 64 : i32
    %add3A_148 = arith.addi %reduce_max3A_25, %add3A_147 : i32
    %add3A_149 = vector.broadcast %add3A_148 : i32 to vector<16xi32>
    %add3A_150 = arith.addi %add3A_149, %iota3A : vector<16xi32>
    tpu.vector_store_idx %arg11[%add3A_150], %add3A_59 : memref<10352xi32, #tpu.memory_space<vmem>>[vector<16xi32>], vector<16xi32>,
    %add3A_151 = arith.constant 64 : i32
    %add3A_152 = arith.addi %reduce_max3A_25, %add3A_151 : i32
    %add3A_153 = vector.broadcast %add3A_152 : i32 to vector<16xi32>
    %add3A_154 = arith.addi %add3A_153, %iota3A : vector<16xi32>
    tpu.vector_store_idx %arg10[%add3A_154], %add3A_37 : memref<10352xi32, #tpu.memory_space<vmem>>[vector<16xi32>], vector<16xi32>,
    %add3A_155 = arith.constant 64 : i32
    %add3A_156 = arith.addi %reduce_max3A_33, %add3A_155 : i32
    %add3A_157 = vector.broadcast %add3A_156 : i32 to vector<16xi32>
    %add3A_158 = arith.addi %add3A_157, %iota3A : vector<16xi32>
    %sub3A_159 = arith.constant 10351 : i32
    %sub3A_160 = vector.broadcast %sub3A_159 : i32 to vector<16xi32>
    %sub3A_161 = arith.subi %sub3A_160, %add3A_158 : vector<16xi32>
    tpu.vector_store_idx %arg11[%sub3A_161], %add3A_59 : memref<10352xi32, #tpu.memory_space<vmem>>[vector<16xi32>], vector<16xi32>,
    %add3A_162 = arith.constant 64 : i32
    %add3A_163 = arith.addi %reduce_max3A_33, %add3A_162 : i32
    %add3A_164 = vector.broadcast %add3A_163 : i32 to vector<16xi32>
    %add3A_165 = arith.addi %add3A_164, %iota3A : vector<16xi32>
    %sub3A_166 = arith.constant 10351 : i32
    %sub3A_167 = vector.broadcast %sub3A_166 : i32 to vector<16xi32>
    %sub3A_168 = arith.subi %sub3A_167, %add3A_165 : vector<16xi32>
    tpu.vector_store_idx %arg10[%sub3A_168], %add3A_37 : memref<10352xi32, #tpu.memory_space<vmem>>[vector<16xi32>], vector<16xi32>,
    %add3A_169 = arith.constant 80 : i32
    %add3A_170 = arith.addi %reduce_max3A_25, %add3A_169 : i32
    %add3A_171 = vector.broadcast %add3A_170 : i32 to vector<16xi32>
    %add3A_172 = arith.addi %add3A_171, %iota3A : vector<16xi32>
    tpu.vector_store_idx %arg11[%add3A_172], %add3A_59 : memref<10352xi32, #tpu.memory_space<vmem>>[vector<16xi32>], vector<16xi32>,
    %add3A_173 = arith.constant 80 : i32
    %add3A_174 = arith.addi %reduce_max3A_25, %add3A_173 : i32
    %add3A_175 = vector.broadcast %add3A_174 : i32 to vector<16xi32>
    %add3A_176 = arith.addi %add3A_175, %iota3A : vector<16xi32>
    tpu.vector_store_idx %arg10[%add3A_176], %add3A_37 : memref<10352xi32, #tpu.memory_space<vmem>>[vector<16xi32>], vector<16xi32>,
    %add3A_177 = arith.constant 80 : i32
    %add3A_178 = arith.addi %reduce_max3A_33, %add3A_177 : i32
    %add3A_179 = vector.broadcast %add3A_178 : i32 to vector<16xi32>
    %add3A_180 = arith.addi %add3A_179, %iota3A : vector<16xi32>
    %sub3A_181 = arith.constant 10351 : i32
    %sub3A_182 = vector.broadcast %sub3A_181 : i32 to vector<16xi32>
    %sub3A_183 = arith.subi %sub3A_182, %add3A_180 : vector<16xi32>
    tpu.vector_store_idx %arg11[%sub3A_183], %add3A_59 : memref<10352xi32, #tpu.memory_space<vmem>>[vector<16xi32>], vector<16xi32>,
    %add3A_184 = arith.constant 80 : i32
    %add3A_185 = arith.addi %reduce_max3A_33, %add3A_184 : i32
    %add3A_186 = vector.broadcast %add3A_185 : i32 to vector<16xi32>
    %add3A_187 = arith.addi %add3A_186, %iota3A : vector<16xi32>
    %sub3A_188 = arith.constant 10351 : i32
    %sub3A_189 = vector.broadcast %sub3A_188 : i32 to vector<16xi32>
    %sub3A_190 = arith.subi %sub3A_189, %add3A_187 : vector<16xi32>
    tpu.vector_store_idx %arg10[%sub3A_190], %add3A_37 : memref<10352xi32, #tpu.memory_space<vmem>>[vector<16xi32>], vector<16xi32>,
    %add3A_191 = arith.constant 96 : i32
    %add3A_192 = arith.addi %reduce_max3A_25, %add3A_191 : i32
    %add3A_193 = vector.broadcast %add3A_192 : i32 to vector<16xi32>
    %add3A_194 = arith.addi %add3A_193, %iota3A : vector<16xi32>
    tpu.vector_store_idx %arg11[%add3A_194], %add3A_59 : memref<10352xi32, #tpu.memory_space<vmem>>[vector<16xi32>], vector<16xi32>,
    %add3A_195 = arith.constant 96 : i32
    %add3A_196 = arith.addi %reduce_max3A_25, %add3A_195 : i32
    %add3A_197 = vector.broadcast %add3A_196 : i32 to vector<16xi32>
    %add3A_198 = arith.addi %add3A_197, %iota3A : vector<16xi32>
    tpu.vector_store_idx %arg10[%add3A_198], %add3A_37 : memref<10352xi32, #tpu.memory_space<vmem>>[vector<16xi32>], vector<16xi32>,
    %add3A_199 = arith.constant 96 : i32
    %add3A_200 = arith.addi %reduce_max3A_33, %add3A_199 : i32
    %add3A_201 = vector.broadcast %add3A_200 : i32 to vector<16xi32>
    %add3A_202 = arith.addi %add3A_201, %iota3A : vector<16xi32>
    %sub3A_203 = arith.constant 10351 : i32
    %sub3A_204 = vector.broadcast %sub3A_203 : i32 to vector<16xi32>
    %sub3A_205 = arith.subi %sub3A_204, %add3A_202 : vector<16xi32>
    tpu.vector_store_idx %arg11[%sub3A_205], %add3A_59 : memref<10352xi32, #tpu.memory_space<vmem>>[vector<16xi32>], vector<16xi32>,
    %add3A_206 = arith.constant 96 : i32
    %add3A_207 = arith.addi %reduce_max3A_33, %add3A_206 : i32
    %add3A_208 = vector.broadcast %add3A_207 : i32 to vector<16xi32>
    %add3A_209 = arith.addi %add3A_208, %iota3A : vector<16xi32>
    %sub3A_210 = arith.constant 10351 : i32
    %sub3A_211 = vector.broadcast %sub3A_210 : i32 to vector<16xi32>
    %sub3A_212 = arith.subi %sub3A_211, %add3A_209 : vector<16xi32>
    tpu.vector_store_idx %arg10[%sub3A_212], %add3A_37 : memref<10352xi32, #tpu.memory_space<vmem>>[vector<16xi32>], vector<16xi32>,
    %add3A_213 = arith.constant 112 : i32
    %add3A_214 = arith.addi %reduce_max3A_25, %add3A_213 : i32
    %add3A_215 = vector.broadcast %add3A_214 : i32 to vector<16xi32>
    %add3A_216 = arith.addi %add3A_215, %iota3A : vector<16xi32>
    tpu.vector_store_idx %arg11[%add3A_216], %add3A_59 : memref<10352xi32, #tpu.memory_space<vmem>>[vector<16xi32>], vector<16xi32>,
    %add3A_217 = arith.constant 112 : i32
    %add3A_218 = arith.addi %reduce_max3A_25, %add3A_217 : i32
    %add3A_219 = vector.broadcast %add3A_218 : i32 to vector<16xi32>
    %add3A_220 = arith.addi %add3A_219, %iota3A : vector<16xi32>
    tpu.vector_store_idx %arg10[%add3A_220], %add3A_37 : memref<10352xi32, #tpu.memory_space<vmem>>[vector<16xi32>], vector<16xi32>,
    %add3A_221 = arith.constant 112 : i32
    %add3A_222 = arith.addi %reduce_max3A_33, %add3A_221 : i32
    %add3A_223 = vector.broadcast %add3A_222 : i32 to vector<16xi32>
    %add3A_224 = arith.addi %add3A_223, %iota3A : vector<16xi32>
    %sub3A_225 = arith.constant 10351 : i32
    %sub3A_226 = vector.broadcast %sub3A_225 : i32 to vector<16xi32>
    %sub3A_227 = arith.subi %sub3A_226, %add3A_224 : vector<16xi32>
    tpu.vector_store_idx %arg11[%sub3A_227], %add3A_59 : memref<10352xi32, #tpu.memory_space<vmem>>[vector<16xi32>], vector<16xi32>,
    %add3A_228 = arith.constant 112 : i32
    %add3A_229 = arith.addi %reduce_max3A_33, %add3A_228 : i32
    %add3A_230 = vector.broadcast %add3A_229 : i32 to vector<16xi32>
    %add3A_231 = arith.addi %add3A_230, %iota3A : vector<16xi32>
    %sub3A_232 = arith.constant 10351 : i32
    %sub3A_233 = vector.broadcast %sub3A_232 : i32 to vector<16xi32>
    %sub3A_234 = arith.subi %sub3A_233, %add3A_231 : vector<16xi32>
    tpu.vector_store_idx %arg10[%sub3A_234], %add3A_37 : memref<10352xi32, #tpu.memory_space<vmem>>[vector<16xi32>], vector<16xi32>,
    %add3A_235 = arith.constant 128 : i32
    %add3A_236 = arith.addi %reduce_max3A_25, %add3A_235 : i32
    %add3A_237 = vector.broadcast %add3A_236 : i32 to vector<16xi32>
    %add3A_238 = arith.addi %add3A_237, %iota3A : vector<16xi32>
    tpu.vector_store_idx %arg11[%add3A_238], %add3A_59 : memref<10352xi32, #tpu.memory_space<vmem>>[vector<16xi32>], vector<16xi32>,
    %add3A_239 = arith.constant 128 : i32
    %add3A_240 = arith.addi %reduce_max3A_25, %add3A_239 : i32
    %add3A_241 = vector.broadcast %add3A_240 : i32 to vector<16xi32>
    %add3A_242 = arith.addi %add3A_241, %iota3A : vector<16xi32>
    tpu.vector_store_idx %arg10[%add3A_242], %add3A_37 : memref<10352xi32, #tpu.memory_space<vmem>>[vector<16xi32>], vector<16xi32>,
    %add3A_243 = arith.constant 128 : i32
    %add3A_244 = arith.addi %reduce_max3A_33, %add3A_243 : i32
    %add3A_245 = vector.broadcast %add3A_244 : i32 to vector<16xi32>
    %add3A_246 = arith.addi %add3A_245, %iota3A : vector<16xi32>
    %sub3A_247 = arith.constant 10351 : i32
    %sub3A_248 = vector.broadcast %sub3A_247 : i32 to vector<16xi32>
    %sub3A_249 = arith.subi %sub3A_248, %add3A_246 : vector<16xi32>
    tpu.vector_store_idx %arg11[%sub3A_249], %add3A_59 : memref<10352xi32, #tpu.memory_space<vmem>>[vector<16xi32>], vector<16xi32>,
    %add3A_250 = arith.constant 128 : i32
    %add3A_251 = arith.addi %reduce_max3A_33, %add3A_250 : i32
    %add3A_252 = vector.broadcast %add3A_251 : i32 to vector<16xi32>
    %add3A_253 = arith.addi %add3A_252, %iota3A : vector<16xi32>
    %sub3A_254 = arith.constant 10351 : i32
    %sub3A_255 = vector.broadcast %sub3A_254 : i32 to vector<16xi32>
    %sub3A_256 = arith.subi %sub3A_255, %add3A_253 : vector<16xi32>
    tpu.vector_store_idx %arg10[%sub3A_256], %add3A_37 : memref<10352xi32, #tpu.memory_space<vmem>>[vector<16xi32>], vector<16xi32>,
    %add3A_257 = arith.constant 144 : i32
    %add3A_258 = arith.addi %reduce_max3A_25, %add3A_257 : i32
    %add3A_259 = vector.broadcast %add3A_258 : i32 to vector<16xi32>
    %add3A_260 = arith.addi %add3A_259, %iota3A : vector<16xi32>
    tpu.vector_store_idx %arg11[%add3A_260], %add3A_59 : memref<10352xi32, #tpu.memory_space<vmem>>[vector<16xi32>], vector<16xi32>,
    %add3A_261 = arith.constant 144 : i32
    %add3A_262 = arith.addi %reduce_max3A_25, %add3A_261 : i32
    %add3A_263 = vector.broadcast %add3A_262 : i32 to vector<16xi32>
    %add3A_264 = arith.addi %add3A_263, %iota3A : vector<16xi32>
    tpu.vector_store_idx %arg10[%add3A_264], %add3A_37 : memref<10352xi32, #tpu.memory_space<vmem>>[vector<16xi32>], vector<16xi32>,
    %add3A_265 = arith.constant 144 : i32
    %add3A_266 = arith.addi %reduce_max3A_33, %add3A_265 : i32
    %add3A_267 = vector.broadcast %add3A_266 : i32 to vector<16xi32>
    %add3A_268 = arith.addi %add3A_267, %iota3A : vector<16xi32>
    %sub3A_269 = arith.constant 10351 : i32
    %sub3A_270 = vector.broadcast %sub3A_269 : i32 to vector<16xi32>
    %sub3A_271 = arith.subi %sub3A_270, %add3A_268 : vector<16xi32>
    tpu.vector_store_idx %arg11[%sub3A_271], %add3A_59 : memref<10352xi32, #tpu.memory_space<vmem>>[vector<16xi32>], vector<16xi32>,
    %add3A_272 = arith.constant 144 : i32
    %add3A_273 = arith.addi %reduce_max3A_33, %add3A_272 : i32
    %add3A_274 = vector.broadcast %add3A_273 : i32 to vector<16xi32>
    %add3A_275 = arith.addi %add3A_274, %iota3A : vector<16xi32>
    %sub3A_276 = arith.constant 10351 : i32
    %sub3A_277 = vector.broadcast %sub3A_276 : i32 to vector<16xi32>
    %sub3A_278 = arith.subi %sub3A_277, %add3A_275 : vector<16xi32>
    tpu.vector_store_idx %arg10[%sub3A_278], %add3A_37 : memref<10352xi32, #tpu.memory_space<vmem>>[vector<16xi32>], vector<16xi32>,
    %add3A_279 = arith.constant 160 : i32
    %add3A_280 = arith.addi %reduce_max3A_25, %add3A_279 : i32
    %sub3A_281 = arith.constant 1 : i32
    %sub3A_282 = arith.subi %add3A_280, %sub3A_281 : i32
    %jit3A_283 = arith.constant 160 : i32
    %div3A = arith.divsi %sub3A_282, %jit3A_283 : i32
    %sign3A = arith.constant 0 : i32
    %sign3A_284 = arith.cmpi sgt, %sub3A_282, %sign3A : i32
    %sign3A_285 = arith.extui %sign3A_284 : i1 to i32
    %sign3A_286 = arith.constant 0 : i32
    %sign3A_287 = arith.cmpi slt, %sub3A_282, %sign3A_286 : i32
    %sign3A_288 = arith.extui %sign3A_287 : i1 to i32
    %sign3A_289 = arith.subi %sign3A_285, %sign3A_288 : i32
    %sign3A_290 = arith.constant 0 : i32
    %sign3A_291 = arith.cmpi sgt, %jit3A_283, %sign3A_290 : i32
    %sign3A_292 = arith.extui %sign3A_291 : i1 to i32
    %sign3A_293 = arith.constant 0 : i32
    %sign3A_294 = arith.cmpi slt, %jit3A_283, %sign3A_293 : i32
    %sign3A_295 = arith.extui %sign3A_294 : i1 to i32
    %sign3A_296 = arith.subi %sign3A_292, %sign3A_295 : i32
    %ne3A_297 = arith.cmpi ne, %sign3A_289, %sign3A_296 : i32
    %rem3A_298 = arith.remsi %sub3A_282, %jit3A_283 : i32
    %ne3A_299 = arith.constant 0 : i32
    %ne3A_300 = arith.cmpi ne, %rem3A_298, %ne3A_299 : i32
    %and3A_301 = arith.andi %ne3A_297, %ne3A_300 : i1
    %sub3A_302 = arith.constant 1 : i32
    %sub3A_303 = arith.subi %div3A, %sub3A_302 : i32
    %select_n3A_304 = arith.select %and3A_301, %sub3A_303, %div3A : i32
    %max3A = arith.constant 1 : i32
    %max3A_305 = arith.maxsi %select_n3A_304, %max3A : i32
    %add3A_306 = arith.constant 160 : i32
    %add3A_307 = arith.addi %reduce_max3A_33, %add3A_306 : i32
    %sub3A_308 = arith.constant 1 : i32
    %sub3A_309 = arith.subi %add3A_307, %sub3A_308 : i32
    %jit3A_310 = arith.constant 160 : i32
    %div3A_311 = arith.divsi %sub3A_309, %jit3A_310 : i32
    %sign3A_312 = arith.constant 0 : i32
    %sign3A_313 = arith.cmpi sgt, %sub3A_309, %sign3A_312 : i32
    %sign3A_314 = arith.extui %sign3A_313 : i1 to i32
    %sign3A_315 = arith.constant 0 : i32
    %sign3A_316 = arith.cmpi slt, %sub3A_309, %sign3A_315 : i32
    %sign3A_317 = arith.extui %sign3A_316 : i1 to i32
    %sign3A_318 = arith.subi %sign3A_314, %sign3A_317 : i32
    %sign3A_319 = arith.constant 0 : i32
    %sign3A_320 = arith.cmpi sgt, %jit3A_310, %sign3A_319 : i32
    %sign3A_321 = arith.extui %sign3A_320 : i1 to i32
    %sign3A_322 = arith.constant 0 : i32
    %sign3A_323 = arith.cmpi slt, %jit3A_310, %sign3A_322 : i32
    %sign3A_324 = arith.extui %sign3A_323 : i1 to i32
    %sign3A_325 = arith.subi %sign3A_321, %sign3A_324 : i32
    %ne3A_326 = arith.cmpi ne, %sign3A_318, %sign3A_325 : i32
    %rem3A_327 = arith.remsi %sub3A_309, %jit3A_310 : i32
    %ne3A_328 = arith.constant 0 : i32
    %ne3A_329 = arith.cmpi ne, %rem3A_327, %ne3A_328 : i32
    %and3A_330 = arith.andi %ne3A_326, %ne3A_329 : i1
    %sub3A_331 = arith.constant 1 : i32
    %sub3A_332 = arith.subi %div3A_311, %sub3A_331 : i32
    %select_n3A_333 = arith.select %and3A_330, %sub3A_332, %div3A_311 : i32
    %max3A_334 = arith.constant 1 : i32
    %max3A_335 = arith.maxsi %select_n3A_333, %max3A_334 : i32
    %mul3A_336 = arith.constant 5000 : i32
    %mul3A_337 = arith.muli %arg0, %mul3A_336 : i32
    %add3A_338 = arith.constant 0 : i32
    %add3A_339 = arith.addi %mul3A_337, %add3A_338 : i32
    %mul3A_340 = arith.constant 160 : i32
    %mul3A_341 = arith.muli %arg1, %mul3A_340 : i32
    "tpu.region"() ({
      %run_scoped3A = tpu.sem_alloc : memref<!tpu.dma_semaphore, #tpu.memory_space<semaphore_mem>>
      %dma_start3A_548 = arith.constant 0 : i32
      %dma_start3A_549 = tpu.memref_slice %arg21[%mul3A_341, %dma_start3A_548] : memref<2560x128xf32, #tpu.memory_space<vmem_shared>> -> memref<80x128xf32, #tpu.memory_space<vmem_shared>>
      %dma_start3A_550 = arith.constant 0 : i32
      %dma_start3A_551 = tpu.memref_slice %arg21[%mul3A_341, %dma_start3A_550] : memref<2560x128xf32, #tpu.memory_space<vmem_shared>> -> memref<80x128xf32, #tpu.memory_space<vmem_shared>>
      tpu.enqueue_dma source(%arg12 : memref<80x128xf32, #tpu.memory_space<vmem>>) target(%dma_start3A_551 : memref<80x128xf32, #tpu.memory_space<vmem_shared>>) target_semaphore(%run_scoped3A : memref<!tpu.dma_semaphore, #tpu.memory_space<semaphore_mem>>)
      %dma_wait3A = arith.constant 0 : i32
      %dma_wait3A_552 = tpu.memref_slice %arg21[%mul3A_341, %dma_wait3A] : memref<2560x128xf32, #tpu.memory_space<vmem_shared>> -> memref<80x128xf32, #tpu.memory_space<vmem_shared>>
      %dma_wait3A_553 = arith.constant 0 : i32
      %dma_wait3A_554 = tpu.memref_slice %arg21[%mul3A_341, %dma_wait3A_553] : memref<2560x128xf32, #tpu.memory_space<vmem_shared>> -> memref<80x128xf32, #tpu.memory_space<vmem_shared>>
      tpu.wait_dma2 semaphore(%run_scoped3A : memref<!tpu.dma_semaphore, #tpu.memory_space<semaphore_mem>>) src(%arg12 : memref<80x128xf32, #tpu.memory_space<vmem>>) dst(%dma_wait3A_554 : memref<80x128xf32, #tpu.memory_space<vmem_shared>>)
      tpu.yield
    }) : () -> ()
    %add3A_342 = arith.constant 80 : i32
    %add3A_343 = arith.addi %mul3A_341, %add3A_342 : i32
    "tpu.region"() ({
      %run_scoped3A = tpu.sem_alloc : memref<!tpu.dma_semaphore, #tpu.memory_space<semaphore_mem>>
      %dma_start3A_548 = arith.constant 0 : i32
      %dma_start3A_549 = tpu.memref_slice %arg21[%add3A_343, %dma_start3A_548] : memref<2560x128xf32, #tpu.memory_space<vmem_shared>> -> memref<80x128xf32, #tpu.memory_space<vmem_shared>>
      %dma_start3A_550 = arith.constant 0 : i32
      %dma_start3A_551 = tpu.memref_slice %arg21[%add3A_343, %dma_start3A_550] : memref<2560x128xf32, #tpu.memory_space<vmem_shared>> -> memref<80x128xf32, #tpu.memory_space<vmem_shared>>
      tpu.enqueue_dma source(%arg12 : memref<80x128xf32, #tpu.memory_space<vmem>>) target(%dma_start3A_551 : memref<80x128xf32, #tpu.memory_space<vmem_shared>>) target_semaphore(%run_scoped3A : memref<!tpu.dma_semaphore, #tpu.memory_space<semaphore_mem>>)
      %dma_wait3A = arith.constant 0 : i32
      %dma_wait3A_552 = tpu.memref_slice %arg21[%add3A_343, %dma_wait3A] : memref<2560x128xf32, #tpu.memory_space<vmem_shared>> -> memref<80x128xf32, #tpu.memory_space<vmem_shared>>
      %dma_wait3A_553 = arith.constant 0 : i32
      %dma_wait3A_554 = tpu.memref_slice %arg21[%add3A_343, %dma_wait3A_553] : memref<2560x128xf32, #tpu.memory_space<vmem_shared>> -> memref<80x128xf32, #tpu.memory_space<vmem_shared>>
      tpu.wait_dma2 semaphore(%run_scoped3A : memref<!tpu.dma_semaphore, #tpu.memory_space<semaphore_mem>>) src(%arg12 : memref<80x128xf32, #tpu.memory_space<vmem>>) dst(%dma_wait3A_554 : memref<80x128xf32, #tpu.memory_space<vmem_shared>>)
      tpu.yield
    }) : () -> ()
    "tpu.region"() ({
      %run_scoped3A = tpu.sem_alloc : memref<!tpu.dma_semaphore, #tpu.memory_space<semaphore_mem>>
      %dma_start3A_548 = arith.constant 0 : i32
      %dma_start3A_549 = tpu.memref_slice %arg22[%mul3A_341, %dma_start3A_548] : memref<2560x128xf32, #tpu.memory_space<vmem_shared>> -> memref<80x128xf32, #tpu.memory_space<vmem_shared>>
      %dma_start3A_550 = arith.constant 0 : i32
      %dma_start3A_551 = tpu.memref_slice %arg22[%mul3A_341, %dma_start3A_550] : memref<2560x128xf32, #tpu.memory_space<vmem_shared>> -> memref<80x128xf32, #tpu.memory_space<vmem_shared>>
      tpu.enqueue_dma source(%arg12 : memref<80x128xf32, #tpu.memory_space<vmem>>) target(%dma_start3A_551 : memref<80x128xf32, #tpu.memory_space<vmem_shared>>) target_semaphore(%run_scoped3A : memref<!tpu.dma_semaphore, #tpu.memory_space<semaphore_mem>>)
      %dma_wait3A = arith.constant 0 : i32
      %dma_wait3A_552 = tpu.memref_slice %arg22[%mul3A_341, %dma_wait3A] : memref<2560x128xf32, #tpu.memory_space<vmem_shared>> -> memref<80x128xf32, #tpu.memory_space<vmem_shared>>
      %dma_wait3A_553 = arith.constant 0 : i32
      %dma_wait3A_554 = tpu.memref_slice %arg22[%mul3A_341, %dma_wait3A_553] : memref<2560x128xf32, #tpu.memory_space<vmem_shared>> -> memref<80x128xf32, #tpu.memory_space<vmem_shared>>
      tpu.wait_dma2 semaphore(%run_scoped3A : memref<!tpu.dma_semaphore, #tpu.memory_space<semaphore_mem>>) src(%arg12 : memref<80x128xf32, #tpu.memory_space<vmem>>) dst(%dma_wait3A_554 : memref<80x128xf32, #tpu.memory_space<vmem_shared>>)
      tpu.yield
    }) : () -> ()
    %add3A_344 = arith.constant 80 : i32
    %add3A_345 = arith.addi %mul3A_341, %add3A_344 : i32
    "tpu.region"() ({
      %run_scoped3A = tpu.sem_alloc : memref<!tpu.dma_semaphore, #tpu.memory_space<semaphore_mem>>
      %dma_start3A_548 = arith.constant 0 : i32
      %dma_start3A_549 = tpu.memref_slice %arg22[%add3A_345, %dma_start3A_548] : memref<2560x128xf32, #tpu.memory_space<vmem_shared>> -> memref<80x128xf32, #tpu.memory_space<vmem_shared>>
      %dma_start3A_550 = arith.constant 0 : i32
      %dma_start3A_551 = tpu.memref_slice %arg22[%add3A_345, %dma_start3A_550] : memref<2560x128xf32, #tpu.memory_space<vmem_shared>> -> memref<80x128xf32, #tpu.memory_space<vmem_shared>>
      tpu.enqueue_dma source(%arg12 : memref<80x128xf32, #tpu.memory_space<vmem>>) target(%dma_start3A_551 : memref<80x128xf32, #tpu.memory_space<vmem_shared>>) target_semaphore(%run_scoped3A : memref<!tpu.dma_semaphore, #tpu.memory_space<semaphore_mem>>)
      %dma_wait3A = arith.constant 0 : i32
      %dma_wait3A_552 = tpu.memref_slice %arg22[%add3A_345, %dma_wait3A] : memref<2560x128xf32, #tpu.memory_space<vmem_shared>> -> memref<80x128xf32, #tpu.memory_space<vmem_shared>>
      %dma_wait3A_553 = arith.constant 0 : i32
      %dma_wait3A_554 = tpu.memref_slice %arg22[%add3A_345, %dma_wait3A_553] : memref<2560x128xf32, #tpu.memory_space<vmem_shared>> -> memref<80x128xf32, #tpu.memory_space<vmem_shared>>
      tpu.wait_dma2 semaphore(%run_scoped3A : memref<!tpu.dma_semaphore, #tpu.memory_space<semaphore_mem>>) src(%arg12 : memref<80x128xf32, #tpu.memory_space<vmem>>) dst(%dma_wait3A_554 : memref<80x128xf32, #tpu.memory_space<vmem_shared>>)
      tpu.yield
    }) : () -> ()
    %barrier3A = arith.constant 0 : index
    tpu.barrier barrier_id(%barrier3A)
    %mul3A_346 = arith.constant 0 : i32
    %mul3A_347 = arith.constant 80 : i32
    %mul3A_348 = arith.muli %mul3A_346, %mul3A_347 : i32
    %add3A_349 = arith.constant 0 : i32
    %add3A_350 = arith.addi %add3A_349, %mul3A_348 : i32
    %add3A_351 = arith.constant 0 : i32
    %add3A_352 = arith.addi %add3A_350, %add3A_351 : i32
    %get3A = arith.index_cast %add3A_352 : i32 to index
    %get3A_353 = tpu.vector_load %arg10[%get3A] {strides = array<i32>} : memref<10352xi32, #tpu.memory_space<vmem>>, vector<16xi32>,
    %swap3A = arith.constant 0 : index
    %swap3A_354 = tpu.vector_load %arg17[%swap3A] {strides = array<i32>} : memref<80xi32, #tpu.memory_space<vmem>>, vector<16xi32>,
    tpu.vector_store %arg17[%swap3A], %get3A_353 {strides = array<i32>} : memref<80xi32, #tpu.memory_space<vmem>>, vector<16xi32>,
    %add3A_355 = arith.constant 0 : i32
    %add3A_356 = arith.addi %add3A_350, %add3A_355 : i32
    %get3A_357 = arith.index_cast %add3A_356 : i32 to index
    %get3A_358 = tpu.vector_load %arg11[%get3A_357] {strides = array<i32>} : memref<10352xi32, #tpu.memory_space<vmem>>, vector<16xi32>,
    %swap3A_359 = arith.constant 0 : index
    %swap3A_360 = tpu.vector_load %arg19[%swap3A_359] {strides = array<i32>} : memref<80xi32, #tpu.memory_space<vmem>>, vector<16xi32>,
    tpu.vector_store %arg19[%swap3A_359], %get3A_358 {strides = array<i32>} : memref<80xi32, #tpu.memory_space<vmem>>, vector<16xi32>,
    %add3A_361 = arith.constant 16 : i32
    %add3A_362 = arith.addi %add3A_350, %add3A_361 : i32
    %get3A_363 = arith.index_cast %add3A_362 : i32 to index
    %get3A_364 = tpu.vector_load %arg10[%get3A_363] {strides = array<i32>} : memref<10352xi32, #tpu.memory_space<vmem>>, vector<16xi32>,
    %swap3A_365 = arith.constant 16 : index
    %swap3A_366 = tpu.vector_load %arg17[%swap3A_365] {strides = array<i32>} : memref<80xi32, #tpu.memory_space<vmem>>, vector<16xi32>,
    tpu.vector_store %arg17[%swap3A_365], %get3A_364 {strides = array<i32>} : memref<80xi32, #tpu.memory_space<vmem>>, vector<16xi32>,
    %add3A_367 = arith.constant 16 : i32
    %add3A_368 = arith.addi %add3A_350, %add3A_367 : i32
    %get3A_369 = arith.index_cast %add3A_368 : i32 to index
    %get3A_370 = tpu.vector_load %arg11[%get3A_369] {strides = array<i32>} : memref<10352xi32, #tpu.memory_space<vmem>>, vector<16xi32>,
    %swap3A_371 = arith.constant 16 : index
    %swap3A_372 = tpu.vector_load %arg19[%swap3A_371] {strides = array<i32>} : memref<80xi32, #tpu.memory_space<vmem>>, vector<16xi32>,
    tpu.vector_store %arg19[%swap3A_371], %get3A_370 {strides = array<i32>} : memref<80xi32, #tpu.memory_space<vmem>>, vector<16xi32>,
    %add3A_373 = arith.constant 32 : i32
    %add3A_374 = arith.addi %add3A_350, %add3A_373 : i32
    %get3A_375 = arith.index_cast %add3A_374 : i32 to index
    %get3A_376 = tpu.vector_load %arg10[%get3A_375] {strides = array<i32>} : memref<10352xi32, #tpu.memory_space<vmem>>, vector<16xi32>,
    %swap3A_377 = arith.constant 32 : index
    %swap3A_378 = tpu.vector_load %arg17[%swap3A_377] {strides = array<i32>} : memref<80xi32, #tpu.memory_space<vmem>>, vector<16xi32>,
    tpu.vector_store %arg17[%swap3A_377], %get3A_376 {strides = array<i32>} : memref<80xi32, #tpu.memory_space<vmem>>, vector<16xi32>,
    %add3A_379 = arith.constant 32 : i32
    %add3A_380 = arith.addi %add3A_350, %add3A_379 : i32
    %get3A_381 = arith.index_cast %add3A_380 : i32 to index
    %get3A_382 = tpu.vector_load %arg11[%get3A_381] {strides = array<i32>} : memref<10352xi32, #tpu.memory_space<vmem>>, vector<16xi32>,
    %swap3A_383 = arith.constant 32 : index
    %swap3A_384 = tpu.vector_load %arg19[%swap3A_383] {strides = array<i32>} : memref<80xi32, #tpu.memory_space<vmem>>, vector<16xi32>,
    tpu.vector_store %arg19[%swap3A_383], %get3A_382 {strides = array<i32>} : memref<80xi32, #tpu.memory_space<vmem>>, vector<16xi32>,
    %add3A_385 = arith.constant 48 : i32
    %add3A_386 = arith.addi %add3A_350, %add3A_385 : i32
    %get3A_387 = arith.index_cast %add3A_386 : i32 to index
    %get3A_388 = tpu.vector_load %arg10[%get3A_387] {strides = array<i32>} : memref<10352xi32, #tpu.memory_space<vmem>>, vector<16xi32>,
    %swap3A_389 = arith.constant 48 : index
    %swap3A_390 = tpu.vector_load %arg17[%swap3A_389] {strides = array<i32>} : memref<80xi32, #tpu.memory_space<vmem>>, vector<16xi32>,
    tpu.vector_store %arg17[%swap3A_389], %get3A_388 {strides = array<i32>} : memref<80xi32, #tpu.memory_space<vmem>>, vector<16xi32>,
    %add3A_391 = arith.constant 48 : i32
    %add3A_392 = arith.addi %add3A_350, %add3A_391 : i32
    %get3A_393 = arith.index_cast %add3A_392 : i32 to index
    %get3A_394 = tpu.vector_load %arg11[%get3A_393] {strides = array<i32>} : memref<10352xi32, #tpu.memory_space<vmem>>, vector<16xi32>,
    %swap3A_395 = arith.constant 48 : index
    %swap3A_396 = tpu.vector_load %arg19[%swap3A_395] {strides = array<i32>} : memref<80xi32, #tpu.memory_space<vmem>>, vector<16xi32>,
    tpu.vector_store %arg19[%swap3A_395], %get3A_394 {strides = array<i32>} : memref<80xi32, #tpu.memory_space<vmem>>, vector<16xi32>,
    %add3A_397 = arith.constant 64 : i32
    %add3A_398 = arith.addi %add3A_350, %add3A_397 : i32
    %get3A_399 = arith.index_cast %add3A_398 : i32 to index
    %get3A_400 = tpu.vector_load %arg10[%get3A_399] {strides = array<i32>} : memref<10352xi32, #tpu.memory_space<vmem>>, vector<16xi32>,
    %swap3A_401 = arith.constant 64 : index
    %swap3A_402 = tpu.vector_load %arg17[%swap3A_401] {strides = array<i32>} : memref<80xi32, #tpu.memory_space<vmem>>, vector<16xi32>,
    tpu.vector_store %arg17[%swap3A_401], %get3A_400 {strides = array<i32>} : memref<80xi32, #tpu.memory_space<vmem>>, vector<16xi32>,
    %add3A_403 = arith.constant 64 : i32
    %add3A_404 = arith.addi %add3A_350, %add3A_403 : i32
    %get3A_405 = arith.index_cast %add3A_404 : i32 to index
    %get3A_406 = tpu.vector_load %arg11[%get3A_405] {strides = array<i32>} : memref<10352xi32, #tpu.memory_space<vmem>>, vector<16xi32>,
    %swap3A_407 = arith.constant 64 : index
    %swap3A_408 = tpu.vector_load %arg19[%swap3A_407] {strides = array<i32>} : memref<80xi32, #tpu.memory_space<vmem>>, vector<16xi32>,
    tpu.vector_store %arg19[%swap3A_407], %get3A_406 {strides = array<i32>} : memref<80xi32, #tpu.memory_space<vmem>>, vector<16xi32>,
    %dma_start3A = arith.constant 0 : i32
    %dma_start3A_409 = arith.constant 0 : i32
    %dma_start3A_410 = tpu.memref_slice %arg2[%dma_start3A, %dma_start3A_409] : memref<10000x128xf32, #tpu.memory_space<hbm>> -> memref<10000x128xf32, #tpu.memory_space<hbm>>
    tpu.enqueue_indirect_dma source(%dma_start3A_410 : memref<10000x128xf32, #tpu.memory_space<hbm>>) target(%arg12 : memref<80x128xf32, #tpu.memory_space<vmem>>) offsets(%arg17 : memref<80xi32, #tpu.memory_space<vmem>>) semaphore(%arg24 : memref<!tpu.dma_semaphore, #tpu.memory_space<semaphore_mem>>)
    %dma_start3A_411 = arith.constant 0 : i32
    %dma_start3A_412 = arith.constant 0 : i32
    %dma_start3A_413 = tpu.memref_slice %arg3[%dma_start3A_411, %dma_start3A_412] : memref<10000x128xf32, #tpu.memory_space<hbm>> -> memref<10000x128xf32, #tpu.memory_space<hbm>>
    tpu.enqueue_indirect_dma source(%dma_start3A_413 : memref<10000x128xf32, #tpu.memory_space<hbm>>) target(%arg13 : memref<80x128xf32, #tpu.memory_space<vmem>>) offsets(%arg17 : memref<80xi32, #tpu.memory_space<vmem>>) semaphore(%arg25 : memref<!tpu.dma_semaphore, #tpu.memory_space<semaphore_mem>>)
    %while3A = arith.constant 0 : i32
    %while3A_414 = arith.constant 0 : i32
    %while3A_415 = arith.constant 0 : i32
    %while3A_416 = arith.subi %max3A_305, %while3A_415 : i32
    %while3A_417 = arith.addi %while3A_415, %while3A_416 : i32
    %while3A_418 = arith.constant 1 : i32
    %while3A_419 = arith.divsi %while3A_416, %while3A_418 : i32
    %while3A_420 = arith.muli %while3A_419, %while3A_418 : i32
    %while3A_421 = arith.addi %while3A_415, %while3A_420 : i32
    %while3A_422 = arith.constant 1 : i32
    scf.for %while3A_548 = %while3A_415 to %while3A_421 step %while3A_422  : i32 {
      %mul3A_549 = arith.constant 2 : i32
      %mul3A_550 = arith.muli %mul3A_549, %while3A_548 : i32
      %add3A_551 = arith.constant 1 : i32
      %add3A_552 = arith.addi %mul3A_550, %add3A_551 : i32
      %mul3A_553 = arith.constant 80 : i32
      %mul3A_554 = arith.muli %add3A_552, %mul3A_553 : i32
      %add3A_555 = arith.addi %while3A_414, %mul3A_554 : i32
      %add3A_556 = arith.constant 0 : i32
      %add3A_557 = arith.addi %add3A_555, %add3A_556 : i32
      %get3A_558 = arith.index_cast %add3A_557 : i32 to index
      %get3A_559 = tpu.vector_load %arg10[%get3A_558] {strides = array<i32>} : memref<10352xi32, #tpu.memory_space<vmem>>, vector<16xi32>,
      %swap3A_560 = arith.constant 0 : index
      %swap3A_561 = tpu.vector_load %arg18[%swap3A_560] {strides = array<i32>} : memref<80xi32, #tpu.memory_space<vmem>>, vector<16xi32>,
      tpu.vector_store %arg18[%swap3A_560], %get3A_559 {strides = array<i32>} : memref<80xi32, #tpu.memory_space<vmem>>, vector<16xi32>,
      %add3A_562 = arith.constant 0 : i32
      %add3A_563 = arith.addi %add3A_555, %add3A_562 : i32
      %get3A_564 = arith.index_cast %add3A_563 : i32 to index
      %get3A_565 = tpu.vector_load %arg11[%get3A_564] {strides = array<i32>} : memref<10352xi32, #tpu.memory_space<vmem>>, vector<16xi32>,
      %swap3A_566 = arith.constant 0 : index
      %swap3A_567 = tpu.vector_load %arg20[%swap3A_566] {strides = array<i32>} : memref<80xi32, #tpu.memory_space<vmem>>, vector<16xi32>,
      tpu.vector_store %arg20[%swap3A_566], %get3A_565 {strides = array<i32>} : memref<80xi32, #tpu.memory_space<vmem>>, vector<16xi32>,
      %add3A_568 = arith.constant 16 : i32
      %add3A_569 = arith.addi %add3A_555, %add3A_568 : i32
      %get3A_570 = arith.index_cast %add3A_569 : i32 to index
      %get3A_571 = tpu.vector_load %arg10[%get3A_570] {strides = array<i32>} : memref<10352xi32, #tpu.memory_space<vmem>>, vector<16xi32>,
      %swap3A_572 = arith.constant 16 : index
      %swap3A_573 = tpu.vector_load %arg18[%swap3A_572] {strides = array<i32>} : memref<80xi32, #tpu.memory_space<vmem>>, vector<16xi32>,
      tpu.vector_store %arg18[%swap3A_572], %get3A_571 {strides = array<i32>} : memref<80xi32, #tpu.memory_space<vmem>>, vector<16xi32>,
      %add3A_574 = arith.constant 16 : i32
      %add3A_575 = arith.addi %add3A_555, %add3A_574 : i32
      %get3A_576 = arith.index_cast %add3A_575 : i32 to index
      %get3A_577 = tpu.vector_load %arg11[%get3A_576] {strides = array<i32>} : memref<10352xi32, #tpu.memory_space<vmem>>, vector<16xi32>,
      %swap3A_578 = arith.constant 16 : index
      %swap3A_579 = tpu.vector_load %arg20[%swap3A_578] {strides = array<i32>} : memref<80xi32, #tpu.memory_space<vmem>>, vector<16xi32>,
      tpu.vector_store %arg20[%swap3A_578], %get3A_577 {strides = array<i32>} : memref<80xi32, #tpu.memory_space<vmem>>, vector<16xi32>,
      %add3A_580 = arith.constant 32 : i32
      %add3A_581 = arith.addi %add3A_555, %add3A_580 : i32
      %get3A_582 = arith.index_cast %add3A_581 : i32 to index
      %get3A_583 = tpu.vector_load %arg10[%get3A_582] {strides = array<i32>} : memref<10352xi32, #tpu.memory_space<vmem>>, vector<16xi32>,
      %swap3A_584 = arith.constant 32 : index
      %swap3A_585 = tpu.vector_load %arg18[%swap3A_584] {strides = array<i32>} : memref<80xi32, #tpu.memory_space<vmem>>, vector<16xi32>,
      tpu.vector_store %arg18[%swap3A_584], %get3A_583 {strides = array<i32>} : memref<80xi32, #tpu.memory_space<vmem>>, vector<16xi32>,
      %add3A_586 = arith.constant 32 : i32
      %add3A_587 = arith.addi %add3A_555, %add3A_586 : i32
      %get3A_588 = arith.index_cast %add3A_587 : i32 to index
      %get3A_589 = tpu.vector_load %arg11[%get3A_588] {strides = array<i32>} : memref<10352xi32, #tpu.memory_space<vmem>>, vector<16xi32>,
      %swap3A_590 = arith.constant 32 : index
      %swap3A_591 = tpu.vector_load %arg20[%swap3A_590] {strides = array<i32>} : memref<80xi32, #tpu.memory_space<vmem>>, vector<16xi32>,
      tpu.vector_store %arg20[%swap3A_590], %get3A_589 {strides = array<i32>} : memref<80xi32, #tpu.memory_space<vmem>>, vector<16xi32>,
      %add3A_592 = arith.constant 48 : i32
      %add3A_593 = arith.addi %add3A_555, %add3A_592 : i32
      %get3A_594 = arith.index_cast %add3A_593 : i32 to index
      %get3A_595 = tpu.vector_load %arg10[%get3A_594] {strides = array<i32>} : memref<10352xi32, #tpu.memory_space<vmem>>, vector<16xi32>,
      %swap3A_596 = arith.constant 48 : index
      %swap3A_597 = tpu.vector_load %arg18[%swap3A_596] {strides = array<i32>} : memref<80xi32, #tpu.memory_space<vmem>>, vector<16xi32>,
      tpu.vector_store %arg18[%swap3A_596], %get3A_595 {strides = array<i32>} : memref<80xi32, #tpu.memory_space<vmem>>, vector<16xi32>,
      %add3A_598 = arith.constant 48 : i32
      %add3A_599 = arith.addi %add3A_555, %add3A_598 : i32
      %get3A_600 = arith.index_cast %add3A_599 : i32 to index
      %get3A_601 = tpu.vector_load %arg11[%get3A_600] {strides = array<i32>} : memref<10352xi32, #tpu.memory_space<vmem>>, vector<16xi32>,
      %swap3A_602 = arith.constant 48 : index
      %swap3A_603 = tpu.vector_load %arg20[%swap3A_602] {strides = array<i32>} : memref<80xi32, #tpu.memory_space<vmem>>, vector<16xi32>,
      tpu.vector_store %arg20[%swap3A_602], %get3A_601 {strides = array<i32>} : memref<80xi32, #tpu.memory_space<vmem>>, vector<16xi32>,
      %add3A_604 = arith.constant 64 : i32
      %add3A_605 = arith.addi %add3A_555, %add3A_604 : i32
      %get3A_606 = arith.index_cast %add3A_605 : i32 to index
      %get3A_607 = tpu.vector_load %arg10[%get3A_606] {strides = array<i32>} : memref<10352xi32, #tpu.memory_space<vmem>>, vector<16xi32>,
      %swap3A_608 = arith.constant 64 : index
      %swap3A_609 = tpu.vector_load %arg18[%swap3A_608] {strides = array<i32>} : memref<80xi32, #tpu.memory_space<vmem>>, vector<16xi32>,
      tpu.vector_store %arg18[%swap3A_608], %get3A_607 {strides = array<i32>} : memref<80xi32, #tpu.memory_space<vmem>>, vector<16xi32>,
      %add3A_610 = arith.constant 64 : i32
      %add3A_611 = arith.addi %add3A_555, %add3A_610 : i32
      %get3A_612 = arith.index_cast %add3A_611 : i32 to index
      %get3A_613 = tpu.vector_load %arg11[%get3A_612] {strides = array<i32>} : memref<10352xi32, #tpu.memory_space<vmem>>, vector<16xi32>,
      %swap3A_614 = arith.constant 64 : index
      %swap3A_615 = tpu.vector_load %arg20[%swap3A_614] {strides = array<i32>} : memref<80xi32, #tpu.memory_space<vmem>>, vector<16xi32>,
      tpu.vector_store %arg20[%swap3A_614], %get3A_613 {strides = array<i32>} : memref<80xi32, #tpu.memory_space<vmem>>, vector<16xi32>,
      %dma_start3A_616 = arith.constant 0 : i32
      %dma_start3A_617 = arith.constant 0 : i32
      %dma_start3A_618 = tpu.memref_slice %arg2[%dma_start3A_616, %dma_start3A_617] : memref<10000x128xf32, #tpu.memory_space<hbm>> -> memref<10000x128xf32, #tpu.memory_space<hbm>>
      tpu.enqueue_indirect_dma source(%dma_start3A_618 : memref<10000x128xf32, #tpu.memory_space<hbm>>) target(%arg14 : memref<80x128xf32, #tpu.memory_space<vmem>>) offsets(%arg18 : memref<80xi32, #tpu.memory_space<vmem>>) semaphore(%arg26 : memref<!tpu.dma_semaphore, #tpu.memory_space<semaphore_mem>>)
      %dma_start3A_619 = arith.constant 0 : i32
      %dma_start3A_620 = arith.constant 0 : i32
      %dma_start3A_621 = tpu.memref_slice %arg3[%dma_start3A_619, %dma_start3A_620] : memref<10000x128xf32, #tpu.memory_space<hbm>> -> memref<10000x128xf32, #tpu.memory_space<hbm>>
      tpu.enqueue_indirect_dma source(%dma_start3A_621 : memref<10000x128xf32, #tpu.memory_space<hbm>>) target(%arg15 : memref<80x128xf32, #tpu.memory_space<vmem>>) offsets(%arg18 : memref<80xi32, #tpu.memory_space<vmem>>) semaphore(%arg27 : memref<!tpu.dma_semaphore, #tpu.memory_space<semaphore_mem>>)
      %dma_wait3A = arith.constant 0 : i32
      %dma_wait3A_622 = arith.constant 0 : i32
      %dma_wait3A_623 = tpu.memref_slice %arg2[%dma_wait3A, %dma_wait3A_622] : memref<10000x128xf32, #tpu.memory_space<hbm>> -> memref<10000x128xf32, #tpu.memory_space<hbm>>
      tpu.wait_indirect_dma semaphore(%arg24 : memref<!tpu.dma_semaphore, #tpu.memory_space<semaphore_mem>>) src(%dma_wait3A_623 : memref<10000x128xf32, #tpu.memory_space<hbm>>) dst(%arg12 : memref<80x128xf32, #tpu.memory_space<vmem>>)
      %dma_wait3A_624 = arith.constant 0 : i32
      %dma_wait3A_625 = arith.constant 0 : i32
      %dma_wait3A_626 = tpu.memref_slice %arg3[%dma_wait3A_624, %dma_wait3A_625] : memref<10000x128xf32, #tpu.memory_space<hbm>> -> memref<10000x128xf32, #tpu.memory_space<hbm>>
      tpu.wait_indirect_dma semaphore(%arg25 : memref<!tpu.dma_semaphore, #tpu.memory_space<semaphore_mem>>) src(%dma_wait3A_626 : memref<10000x128xf32, #tpu.memory_space<hbm>>) dst(%arg13 : memref<80x128xf32, #tpu.memory_space<vmem>>)
      %dma_start3A_627 = arith.constant 0 : i32
      %dma_start3A_628 = arith.constant 0 : i32
      %dma_start3A_629 = tpu.memref_slice %arg21[%dma_start3A_627, %dma_start3A_628] : memref<2560x128xf32, #tpu.memory_space<vmem_shared>> -> memref<2560x128xf32, #tpu.memory_space<vmem_shared>>
      tpu.enqueue_indirect_dma source(%arg12 : memref<80x128xf32, #tpu.memory_space<vmem>>) target(%dma_start3A_629 : memref<2560x128xf32, #tpu.memory_space<vmem_shared>>) offsets(%arg19 : memref<80xi32, #tpu.memory_space<vmem>>) semaphore(%arg28 : memref<!tpu.dma_semaphore, #tpu.memory_space<semaphore_mem>>) {add = true}
      %dma_start3A_630 = arith.constant 0 : i32
      %dma_start3A_631 = arith.constant 0 : i32
      %dma_start3A_632 = tpu.memref_slice %arg22[%dma_start3A_630, %dma_start3A_631] : memref<2560x128xf32, #tpu.memory_space<vmem_shared>> -> memref<2560x128xf32, #tpu.memory_space<vmem_shared>>
      tpu.enqueue_indirect_dma source(%arg13 : memref<80x128xf32, #tpu.memory_space<vmem>>) target(%dma_start3A_632 : memref<2560x128xf32, #tpu.memory_space<vmem_shared>>) offsets(%arg19 : memref<80xi32, #tpu.memory_space<vmem>>) semaphore(%arg28 : memref<!tpu.dma_semaphore, #tpu.memory_space<semaphore_mem>>) {add = true}
      %dma_wait3A_633 = arith.constant 0 : i32
      %dma_wait3A_634 = arith.constant 0 : i32
      %dma_wait3A_635 = tpu.memref_slice %arg21[%dma_wait3A_633, %dma_wait3A_634] : memref<2560x128xf32, #tpu.memory_space<vmem_shared>> -> memref<2560x128xf32, #tpu.memory_space<vmem_shared>>
      tpu.wait_indirect_dma semaphore(%arg28 : memref<!tpu.dma_semaphore, #tpu.memory_space<semaphore_mem>>) src(%arg12 : memref<80x128xf32, #tpu.memory_space<vmem>>) dst(%dma_wait3A_635 : memref<2560x128xf32, #tpu.memory_space<vmem_shared>>)
      %dma_wait3A_636 = arith.constant 0 : i32
      %dma_wait3A_637 = arith.constant 0 : i32
      %dma_wait3A_638 = tpu.memref_slice %arg22[%dma_wait3A_636, %dma_wait3A_637] : memref<2560x128xf32, #tpu.memory_space<vmem_shared>> -> memref<2560x128xf32, #tpu.memory_space<vmem_shared>>
      tpu.wait_indirect_dma semaphore(%arg28 : memref<!tpu.dma_semaphore, #tpu.memory_space<semaphore_mem>>) src(%arg13 : memref<80x128xf32, #tpu.memory_space<vmem>>) dst(%dma_wait3A_638 : memref<2560x128xf32, #tpu.memory_space<vmem_shared>>)
      %add3A_639 = arith.constant 1 : i32
      %add3A_640 = arith.addi %while3A_548, %add3A_639 : i32
      %lt3A_641 = arith.cmpi slt, %add3A_640, %max3A_305 : i32
      %convert_element_type3A_642 = arith.extui %lt3A_641 : i1 to i32
      %cond3A_643 = arith.constant 0 : i32
      %cond3A_644 = arith.cmpi ne, %convert_element_type3A_642, %cond3A_643 : i32
      scf.if %cond3A_644 {
        %mul3A_663 = arith.constant 2 : i32
        %mul3A_664 = arith.muli %mul3A_663, %while3A_548 : i32
        %add3A_665 = arith.constant 2 : i32
        %add3A_666 = arith.addi %mul3A_664, %add3A_665 : i32
        %mul3A_667 = arith.constant 80 : i32
        %mul3A_668 = arith.muli %add3A_666, %mul3A_667 : i32
        %add3A_669 = arith.addi %while3A_414, %mul3A_668 : i32
        %add3A_670 = arith.constant 0 : i32
        %add3A_671 = arith.addi %add3A_669, %add3A_670 : i32
        %get3A_672 = arith.index_cast %add3A_671 : i32 to index
        %get3A_673 = tpu.vector_load %arg10[%get3A_672] {strides = array<i32>} : memref<10352xi32, #tpu.memory_space<vmem>>, vector<16xi32>,
        %swap3A_674 = arith.constant 0 : index
        %swap3A_675 = tpu.vector_load %arg17[%swap3A_674] {strides = array<i32>} : memref<80xi32, #tpu.memory_space<vmem>>, vector<16xi32>,
        tpu.vector_store %arg17[%swap3A_674], %get3A_673 {strides = array<i32>} : memref<80xi32, #tpu.memory_space<vmem>>, vector<16xi32>,
        %add3A_676 = arith.constant 0 : i32
        %add3A_677 = arith.addi %add3A_669, %add3A_676 : i32
        %get3A_678 = arith.index_cast %add3A_677 : i32 to index
        %get3A_679 = tpu.vector_load %arg11[%get3A_678] {strides = array<i32>} : memref<10352xi32, #tpu.memory_space<vmem>>, vector<16xi32>,
        %swap3A_680 = arith.constant 0 : index
        %swap3A_681 = tpu.vector_load %arg19[%swap3A_680] {strides = array<i32>} : memref<80xi32, #tpu.memory_space<vmem>>, vector<16xi32>,
        tpu.vector_store %arg19[%swap3A_680], %get3A_679 {strides = array<i32>} : memref<80xi32, #tpu.memory_space<vmem>>, vector<16xi32>,
        %add3A_682 = arith.constant 16 : i32
        %add3A_683 = arith.addi %add3A_669, %add3A_682 : i32
        %get3A_684 = arith.index_cast %add3A_683 : i32 to index
        %get3A_685 = tpu.vector_load %arg10[%get3A_684] {strides = array<i32>} : memref<10352xi32, #tpu.memory_space<vmem>>, vector<16xi32>,
        %swap3A_686 = arith.constant 16 : index
        %swap3A_687 = tpu.vector_load %arg17[%swap3A_686] {strides = array<i32>} : memref<80xi32, #tpu.memory_space<vmem>>, vector<16xi32>,
        tpu.vector_store %arg17[%swap3A_686], %get3A_685 {strides = array<i32>} : memref<80xi32, #tpu.memory_space<vmem>>, vector<16xi32>,
        %add3A_688 = arith.constant 16 : i32
        %add3A_689 = arith.addi %add3A_669, %add3A_688 : i32
        %get3A_690 = arith.index_cast %add3A_689 : i32 to index
        %get3A_691 = tpu.vector_load %arg11[%get3A_690] {strides = array<i32>} : memref<10352xi32, #tpu.memory_space<vmem>>, vector<16xi32>,
        %swap3A_692 = arith.constant 16 : index
        %swap3A_693 = tpu.vector_load %arg19[%swap3A_692] {strides = array<i32>} : memref<80xi32, #tpu.memory_space<vmem>>, vector<16xi32>,
        tpu.vector_store %arg19[%swap3A_692], %get3A_691 {strides = array<i32>} : memref<80xi32, #tpu.memory_space<vmem>>, vector<16xi32>,
        %add3A_694 = arith.constant 32 : i32
        %add3A_695 = arith.addi %add3A_669, %add3A_694 : i32
        %get3A_696 = arith.index_cast %add3A_695 : i32 to index
        %get3A_697 = tpu.vector_load %arg10[%get3A_696] {strides = array<i32>} : memref<10352xi32, #tpu.memory_space<vmem>>, vector<16xi32>,
        %swap3A_698 = arith.constant 32 : index
        %swap3A_699 = tpu.vector_load %arg17[%swap3A_698] {strides = array<i32>} : memref<80xi32, #tpu.memory_space<vmem>>, vector<16xi32>,
        tpu.vector_store %arg17[%swap3A_698], %get3A_697 {strides = array<i32>} : memref<80xi32, #tpu.memory_space<vmem>>, vector<16xi32>,
        %add3A_700 = arith.constant 32 : i32
        %add3A_701 = arith.addi %add3A_669, %add3A_700 : i32
        %get3A_702 = arith.index_cast %add3A_701 : i32 to index
        %get3A_703 = tpu.vector_load %arg11[%get3A_702] {strides = array<i32>} : memref<10352xi32, #tpu.memory_space<vmem>>, vector<16xi32>,
        %swap3A_704 = arith.constant 32 : index
        %swap3A_705 = tpu.vector_load %arg19[%swap3A_704] {strides = array<i32>} : memref<80xi32, #tpu.memory_space<vmem>>, vector<16xi32>,
        tpu.vector_store %arg19[%swap3A_704], %get3A_703 {strides = array<i32>} : memref<80xi32, #tpu.memory_space<vmem>>, vector<16xi32>,
        %add3A_706 = arith.constant 48 : i32
        %add3A_707 = arith.addi %add3A_669, %add3A_706 : i32
        %get3A_708 = arith.index_cast %add3A_707 : i32 to index
        %get3A_709 = tpu.vector_load %arg10[%get3A_708] {strides = array<i32>} : memref<10352xi32, #tpu.memory_space<vmem>>, vector<16xi32>,
        %swap3A_710 = arith.constant 48 : index
        %swap3A_711 = tpu.vector_load %arg17[%swap3A_710] {strides = array<i32>} : memref<80xi32, #tpu.memory_space<vmem>>, vector<16xi32>,
        tpu.vector_store %arg17[%swap3A_710], %get3A_709 {strides = array<i32>} : memref<80xi32, #tpu.memory_space<vmem>>, vector<16xi32>,
        %add3A_712 = arith.constant 48 : i32
        %add3A_713 = arith.addi %add3A_669, %add3A_712 : i32
        %get3A_714 = arith.index_cast %add3A_713 : i32 to index
        %get3A_715 = tpu.vector_load %arg11[%get3A_714] {strides = array<i32>} : memref<10352xi32, #tpu.memory_space<vmem>>, vector<16xi32>,
        %swap3A_716 = arith.constant 48 : index
        %swap3A_717 = tpu.vector_load %arg19[%swap3A_716] {strides = array<i32>} : memref<80xi32, #tpu.memory_space<vmem>>, vector<16xi32>,
        tpu.vector_store %arg19[%swap3A_716], %get3A_715 {strides = array<i32>} : memref<80xi32, #tpu.memory_space<vmem>>, vector<16xi32>,
        %add3A_718 = arith.constant 64 : i32
        %add3A_719 = arith.addi %add3A_669, %add3A_718 : i32
        %get3A_720 = arith.index_cast %add3A_719 : i32 to index
        %get3A_721 = tpu.vector_load %arg10[%get3A_720] {strides = array<i32>} : memref<10352xi32, #tpu.memory_space<vmem>>, vector<16xi32>,
        %swap3A_722 = arith.constant 64 : index
        %swap3A_723 = tpu.vector_load %arg17[%swap3A_722] {strides = array<i32>} : memref<80xi32, #tpu.memory_space<vmem>>, vector<16xi32>,
        tpu.vector_store %arg17[%swap3A_722], %get3A_721 {strides = array<i32>} : memref<80xi32, #tpu.memory_space<vmem>>, vector<16xi32>,
        %add3A_724 = arith.constant 64 : i32
        %add3A_725 = arith.addi %add3A_669, %add3A_724 : i32
        %get3A_726 = arith.index_cast %add3A_725 : i32 to index
        %get3A_727 = tpu.vector_load %arg11[%get3A_726] {strides = array<i32>} : memref<10352xi32, #tpu.memory_space<vmem>>, vector<16xi32>,
        %swap3A_728 = arith.constant 64 : index
        %swap3A_729 = tpu.vector_load %arg19[%swap3A_728] {strides = array<i32>} : memref<80xi32, #tpu.memory_space<vmem>>, vector<16xi32>,
        tpu.vector_store %arg19[%swap3A_728], %get3A_727 {strides = array<i32>} : memref<80xi32, #tpu.memory_space<vmem>>, vector<16xi32>,
        %dma_start3A_730 = arith.constant 0 : i32
        %dma_start3A_731 = arith.constant 0 : i32
        %dma_start3A_732 = tpu.memref_slice %arg2[%dma_start3A_730, %dma_start3A_731] : memref<10000x128xf32, #tpu.memory_space<hbm>> -> memref<10000x128xf32, #tpu.memory_space<hbm>>
        tpu.enqueue_indirect_dma source(%dma_start3A_732 : memref<10000x128xf32, #tpu.memory_space<hbm>>) target(%arg12 : memref<80x128xf32, #tpu.memory_space<vmem>>) offsets(%arg17 : memref<80xi32, #tpu.memory_space<vmem>>) semaphore(%arg24 : memref<!tpu.dma_semaphore, #tpu.memory_space<semaphore_mem>>)
        %dma_start3A_733 = arith.constant 0 : i32
        %dma_start3A_734 = arith.constant 0 : i32
        %dma_start3A_735 = tpu.memref_slice %arg3[%dma_start3A_733, %dma_start3A_734] : memref<10000x128xf32, #tpu.memory_space<hbm>> -> memref<10000x128xf32, #tpu.memory_space<hbm>>
        tpu.enqueue_indirect_dma source(%dma_start3A_735 : memref<10000x128xf32, #tpu.memory_space<hbm>>) target(%arg13 : memref<80x128xf32, #tpu.memory_space<vmem>>) offsets(%arg17 : memref<80xi32, #tpu.memory_space<vmem>>) semaphore(%arg25 : memref<!tpu.dma_semaphore, #tpu.memory_space<semaphore_mem>>)
      } else {
      }
      %dma_wait3A_645 = arith.constant 0 : i32
      %dma_wait3A_646 = arith.constant 0 : i32
      %dma_wait3A_647 = tpu.memref_slice %arg2[%dma_wait3A_645, %dma_wait3A_646] : memref<10000x128xf32, #tpu.memory_space<hbm>> -> memref<10000x128xf32, #tpu.memory_space<hbm>>
      tpu.wait_indirect_dma semaphore(%arg26 : memref<!tpu.dma_semaphore, #tpu.memory_space<semaphore_mem>>) src(%dma_wait3A_647 : memref<10000x128xf32, #tpu.memory_space<hbm>>) dst(%arg14 : memref<80x128xf32, #tpu.memory_space<vmem>>)
      %dma_wait3A_648 = arith.constant 0 : i32
      %dma_wait3A_649 = arith.constant 0 : i32
      %dma_wait3A_650 = tpu.memref_slice %arg3[%dma_wait3A_648, %dma_wait3A_649] : memref<10000x128xf32, #tpu.memory_space<hbm>> -> memref<10000x128xf32, #tpu.memory_space<hbm>>
      tpu.wait_indirect_dma semaphore(%arg27 : memref<!tpu.dma_semaphore, #tpu.memory_space<semaphore_mem>>) src(%dma_wait3A_650 : memref<10000x128xf32, #tpu.memory_space<hbm>>) dst(%arg15 : memref<80x128xf32, #tpu.memory_space<vmem>>)
      %dma_start3A_651 = arith.constant 0 : i32
      %dma_start3A_652 = arith.constant 0 : i32
      %dma_start3A_653 = tpu.memref_slice %arg21[%dma_start3A_651, %dma_start3A_652] : memref<2560x128xf32, #tpu.memory_space<vmem_shared>> -> memref<2560x128xf32, #tpu.memory_space<vmem_shared>>
      tpu.enqueue_indirect_dma source(%arg14 : memref<80x128xf32, #tpu.memory_space<vmem>>) target(%dma_start3A_653 : memref<2560x128xf32, #tpu.memory_space<vmem_shared>>) offsets(%arg20 : memref<80xi32, #tpu.memory_space<vmem>>) semaphore(%arg29 : memref<!tpu.dma_semaphore, #tpu.memory_space<semaphore_mem>>) {add = true}
      %dma_start3A_654 = arith.constant 0 : i32
      %dma_start3A_655 = arith.constant 0 : i32
      %dma_start3A_656 = tpu.memref_slice %arg22[%dma_start3A_654, %dma_start3A_655] : memref<2560x128xf32, #tpu.memory_space<vmem_shared>> -> memref<2560x128xf32, #tpu.memory_space<vmem_shared>>
      tpu.enqueue_indirect_dma source(%arg15 : memref<80x128xf32, #tpu.memory_space<vmem>>) target(%dma_start3A_656 : memref<2560x128xf32, #tpu.memory_space<vmem_shared>>) offsets(%arg20 : memref<80xi32, #tpu.memory_space<vmem>>) semaphore(%arg29 : memref<!tpu.dma_semaphore, #tpu.memory_space<semaphore_mem>>) {add = true}
      %dma_wait3A_657 = arith.constant 0 : i32
      %dma_wait3A_658 = arith.constant 0 : i32
      %dma_wait3A_659 = tpu.memref_slice %arg21[%dma_wait3A_657, %dma_wait3A_658] : memref<2560x128xf32, #tpu.memory_space<vmem_shared>> -> memref<2560x128xf32, #tpu.memory_space<vmem_shared>>
      tpu.wait_indirect_dma semaphore(%arg29 : memref<!tpu.dma_semaphore, #tpu.memory_space<semaphore_mem>>) src(%arg14 : memref<80x128xf32, #tpu.memory_space<vmem>>) dst(%dma_wait3A_659 : memref<2560x128xf32, #tpu.memory_space<vmem_shared>>)
      %dma_wait3A_660 = arith.constant 0 : i32
      %dma_wait3A_661 = arith.constant 0 : i32
      %dma_wait3A_662 = tpu.memref_slice %arg22[%dma_wait3A_660, %dma_wait3A_661] : memref<2560x128xf32, #tpu.memory_space<vmem_shared>> -> memref<2560x128xf32, #tpu.memory_space<vmem_shared>>
      tpu.wait_indirect_dma semaphore(%arg29 : memref<!tpu.dma_semaphore, #tpu.memory_space<semaphore_mem>>) src(%arg15 : memref<80x128xf32, #tpu.memory_space<vmem>>) dst(%dma_wait3A_662 : memref<2560x128xf32, #tpu.memory_space<vmem_shared>>)
    }
    %while3A_423 = arith.constant 1 : i32
    scf.for %while3A_548 = %while3A_421 to %while3A_417 step %while3A_423  : i32 {
      %mul3A_549 = arith.constant 2 : i32
      %mul3A_550 = arith.muli %mul3A_549, %while3A_548 : i32
      %add3A_551 = arith.constant 1 : i32
      %add3A_552 = arith.addi %mul3A_550, %add3A_551 : i32
      %mul3A_553 = arith.constant 80 : i32
      %mul3A_554 = arith.muli %add3A_552, %mul3A_553 : i32
      %add3A_555 = arith.addi %while3A_414, %mul3A_554 : i32
      %add3A_556 = arith.constant 0 : i32
      %add3A_557 = arith.addi %add3A_555, %add3A_556 : i32
      %get3A_558 = arith.index_cast %add3A_557 : i32 to index
      %get3A_559 = tpu.vector_load %arg10[%get3A_558] {strides = array<i32>} : memref<10352xi32, #tpu.memory_space<vmem>>, vector<16xi32>,
      %swap3A_560 = arith.constant 0 : index
      %swap3A_561 = tpu.vector_load %arg18[%swap3A_560] {strides = array<i32>} : memref<80xi32, #tpu.memory_space<vmem>>, vector<16xi32>,
      tpu.vector_store %arg18[%swap3A_560], %get3A_559 {strides = array<i32>} : memref<80xi32, #tpu.memory_space<vmem>>, vector<16xi32>,
      %add3A_562 = arith.constant 0 : i32
      %add3A_563 = arith.addi %add3A_555, %add3A_562 : i32
      %get3A_564 = arith.index_cast %add3A_563 : i32 to index
      %get3A_565 = tpu.vector_load %arg11[%get3A_564] {strides = array<i32>} : memref<10352xi32, #tpu.memory_space<vmem>>, vector<16xi32>,
      %swap3A_566 = arith.constant 0 : index
      %swap3A_567 = tpu.vector_load %arg20[%swap3A_566] {strides = array<i32>} : memref<80xi32, #tpu.memory_space<vmem>>, vector<16xi32>,
      tpu.vector_store %arg20[%swap3A_566], %get3A_565 {strides = array<i32>} : memref<80xi32, #tpu.memory_space<vmem>>, vector<16xi32>,
      %add3A_568 = arith.constant 16 : i32
      %add3A_569 = arith.addi %add3A_555, %add3A_568 : i32
      %get3A_570 = arith.index_cast %add3A_569 : i32 to index
      %get3A_571 = tpu.vector_load %arg10[%get3A_570] {strides = array<i32>} : memref<10352xi32, #tpu.memory_space<vmem>>, vector<16xi32>,
      %swap3A_572 = arith.constant 16 : index
      %swap3A_573 = tpu.vector_load %arg18[%swap3A_572] {strides = array<i32>} : memref<80xi32, #tpu.memory_space<vmem>>, vector<16xi32>,
      tpu.vector_store %arg18[%swap3A_572], %get3A_571 {strides = array<i32>} : memref<80xi32, #tpu.memory_space<vmem>>, vector<16xi32>,
      %add3A_574 = arith.constant 16 : i32
      %add3A_575 = arith.addi %add3A_555, %add3A_574 : i32
      %get3A_576 = arith.index_cast %add3A_575 : i32 to index
      %get3A_577 = tpu.vector_load %arg11[%get3A_576] {strides = array<i32>} : memref<10352xi32, #tpu.memory_space<vmem>>, vector<16xi32>,
      %swap3A_578 = arith.constant 16 : index
      %swap3A_579 = tpu.vector_load %arg20[%swap3A_578] {strides = array<i32>} : memref<80xi32, #tpu.memory_space<vmem>>, vector<16xi32>,
      tpu.vector_store %arg20[%swap3A_578], %get3A_577 {strides = array<i32>} : memref<80xi32, #tpu.memory_space<vmem>>, vector<16xi32>,
      %add3A_580 = arith.constant 32 : i32
      %add3A_581 = arith.addi %add3A_555, %add3A_580 : i32
      %get3A_582 = arith.index_cast %add3A_581 : i32 to index
      %get3A_583 = tpu.vector_load %arg10[%get3A_582] {strides = array<i32>} : memref<10352xi32, #tpu.memory_space<vmem>>, vector<16xi32>,
      %swap3A_584 = arith.constant 32 : index
      %swap3A_585 = tpu.vector_load %arg18[%swap3A_584] {strides = array<i32>} : memref<80xi32, #tpu.memory_space<vmem>>, vector<16xi32>,
      tpu.vector_store %arg18[%swap3A_584], %get3A_583 {strides = array<i32>} : memref<80xi32, #tpu.memory_space<vmem>>, vector<16xi32>,
      %add3A_586 = arith.constant 32 : i32
      %add3A_587 = arith.addi %add3A_555, %add3A_586 : i32
      %get3A_588 = arith.index_cast %add3A_587 : i32 to index
      %get3A_589 = tpu.vector_load %arg11[%get3A_588] {strides = array<i32>} : memref<10352xi32, #tpu.memory_space<vmem>>, vector<16xi32>,
      %swap3A_590 = arith.constant 32 : index
      %swap3A_591 = tpu.vector_load %arg20[%swap3A_590] {strides = array<i32>} : memref<80xi32, #tpu.memory_space<vmem>>, vector<16xi32>,
      tpu.vector_store %arg20[%swap3A_590], %get3A_589 {strides = array<i32>} : memref<80xi32, #tpu.memory_space<vmem>>, vector<16xi32>,
      %add3A_592 = arith.constant 48 : i32
      %add3A_593 = arith.addi %add3A_555, %add3A_592 : i32
      %get3A_594 = arith.index_cast %add3A_593 : i32 to index
      %get3A_595 = tpu.vector_load %arg10[%get3A_594] {strides = array<i32>} : memref<10352xi32, #tpu.memory_space<vmem>>, vector<16xi32>,
      %swap3A_596 = arith.constant 48 : index
      %swap3A_597 = tpu.vector_load %arg18[%swap3A_596] {strides = array<i32>} : memref<80xi32, #tpu.memory_space<vmem>>, vector<16xi32>,
      tpu.vector_store %arg18[%swap3A_596], %get3A_595 {strides = array<i32>} : memref<80xi32, #tpu.memory_space<vmem>>, vector<16xi32>,
      %add3A_598 = arith.constant 48 : i32
      %add3A_599 = arith.addi %add3A_555, %add3A_598 : i32
      %get3A_600 = arith.index_cast %add3A_599 : i32 to index
      %get3A_601 = tpu.vector_load %arg11[%get3A_600] {strides = array<i32>} : memref<10352xi32, #tpu.memory_space<vmem>>, vector<16xi32>,
      %swap3A_602 = arith.constant 48 : index
      %swap3A_603 = tpu.vector_load %arg20[%swap3A_602] {strides = array<i32>} : memref<80xi32, #tpu.memory_space<vmem>>, vector<16xi32>,
      tpu.vector_store %arg20[%swap3A_602], %get3A_601 {strides = array<i32>} : memref<80xi32, #tpu.memory_space<vmem>>, vector<16xi32>,
      %add3A_604 = arith.constant 64 : i32
      %add3A_605 = arith.addi %add3A_555, %add3A_604 : i32
      %get3A_606 = arith.index_cast %add3A_605 : i32 to index
      %get3A_607 = tpu.vector_load %arg10[%get3A_606] {strides = array<i32>} : memref<10352xi32, #tpu.memory_space<vmem>>, vector<16xi32>,
      %swap3A_608 = arith.constant 64 : index
      %swap3A_609 = tpu.vector_load %arg18[%swap3A_608] {strides = array<i32>} : memref<80xi32, #tpu.memory_space<vmem>>, vector<16xi32>,
      tpu.vector_store %arg18[%swap3A_608], %get3A_607 {strides = array<i32>} : memref<80xi32, #tpu.memory_space<vmem>>, vector<16xi32>,
      %add3A_610 = arith.constant 64 : i32
      %add3A_611 = arith.addi %add3A_555, %add3A_610 : i32
      %get3A_612 = arith.index_cast %add3A_611 : i32 to index
      %get3A_613 = tpu.vector_load %arg11[%get3A_612] {strides = array<i32>} : memref<10352xi32, #tpu.memory_space<vmem>>, vector<16xi32>,
      %swap3A_614 = arith.constant 64 : index
      %swap3A_615 = tpu.vector_load %arg20[%swap3A_614] {strides = array<i32>} : memref<80xi32, #tpu.memory_space<vmem>>, vector<16xi32>,
      tpu.vector_store %arg20[%swap3A_614], %get3A_613 {strides = array<i32>} : memref<80xi32, #tpu.memory_space<vmem>>, vector<16xi32>,
      %dma_start3A_616 = arith.constant 0 : i32
      %dma_start3A_617 = arith.constant 0 : i32
      %dma_start3A_618 = tpu.memref_slice %arg2[%dma_start3A_616, %dma_start3A_617] : memref<10000x128xf32, #tpu.memory_space<hbm>> -> memref<10000x128xf32, #tpu.memory_space<hbm>>
      tpu.enqueue_indirect_dma source(%dma_start3A_618 : memref<10000x128xf32, #tpu.memory_space<hbm>>) target(%arg14 : memref<80x128xf32, #tpu.memory_space<vmem>>) offsets(%arg18 : memref<80xi32, #tpu.memory_space<vmem>>) semaphore(%arg26 : memref<!tpu.dma_semaphore, #tpu.memory_space<semaphore_mem>>)
      %dma_start3A_619 = arith.constant 0 : i32
      %dma_start3A_620 = arith.constant 0 : i32
      %dma_start3A_621 = tpu.memref_slice %arg3[%dma_start3A_619, %dma_start3A_620] : memref<10000x128xf32, #tpu.memory_space<hbm>> -> memref<10000x128xf32, #tpu.memory_space<hbm>>
      tpu.enqueue_indirect_dma source(%dma_start3A_621 : memref<10000x128xf32, #tpu.memory_space<hbm>>) target(%arg15 : memref<80x128xf32, #tpu.memory_space<vmem>>) offsets(%arg18 : memref<80xi32, #tpu.memory_space<vmem>>) semaphore(%arg27 : memref<!tpu.dma_semaphore, #tpu.memory_space<semaphore_mem>>)
      %dma_wait3A = arith.constant 0 : i32
      %dma_wait3A_622 = arith.constant 0 : i32
      %dma_wait3A_623 = tpu.memref_slice %arg2[%dma_wait3A, %dma_wait3A_622] : memref<10000x128xf32, #tpu.memory_space<hbm>> -> memref<10000x128xf32, #tpu.memory_space<hbm>>
      tpu.wait_indirect_dma semaphore(%arg24 : memref<!tpu.dma_semaphore, #tpu.memory_space<semaphore_mem>>) src(%dma_wait3A_623 : memref<10000x128xf32, #tpu.memory_space<hbm>>) dst(%arg12 : memref<80x128xf32, #tpu.memory_space<vmem>>)
      %dma_wait3A_624 = arith.constant 0 : i32
      %dma_wait3A_625 = arith.constant 0 : i32
      %dma_wait3A_626 = tpu.memref_slice %arg3[%dma_wait3A_624, %dma_wait3A_625] : memref<10000x128xf32, #tpu.memory_space<hbm>> -> memref<10000x128xf32, #tpu.memory_space<hbm>>
      tpu.wait_indirect_dma semaphore(%arg25 : memref<!tpu.dma_semaphore, #tpu.memory_space<semaphore_mem>>) src(%dma_wait3A_626 : memref<10000x128xf32, #tpu.memory_space<hbm>>) dst(%arg13 : memref<80x128xf32, #tpu.memory_space<vmem>>)
      %dma_start3A_627 = arith.constant 0 : i32
      %dma_start3A_628 = arith.constant 0 : i32
      %dma_start3A_629 = tpu.memref_slice %arg21[%dma_start3A_627, %dma_start3A_628] : memref<2560x128xf32, #tpu.memory_space<vmem_shared>> -> memref<2560x128xf32, #tpu.memory_space<vmem_shared>>
      tpu.enqueue_indirect_dma source(%arg12 : memref<80x128xf32, #tpu.memory_space<vmem>>) target(%dma_start3A_629 : memref<2560x128xf32, #tpu.memory_space<vmem_shared>>) offsets(%arg19 : memref<80xi32, #tpu.memory_space<vmem>>) semaphore(%arg28 : memref<!tpu.dma_semaphore, #tpu.memory_space<semaphore_mem>>) {add = true}
      %dma_start3A_630 = arith.constant 0 : i32
      %dma_start3A_631 = arith.constant 0 : i32
      %dma_start3A_632 = tpu.memref_slice %arg22[%dma_start3A_630, %dma_start3A_631] : memref<2560x128xf32, #tpu.memory_space<vmem_shared>> -> memref<2560x128xf32, #tpu.memory_space<vmem_shared>>
      tpu.enqueue_indirect_dma source(%arg13 : memref<80x128xf32, #tpu.memory_space<vmem>>) target(%dma_start3A_632 : memref<2560x128xf32, #tpu.memory_space<vmem_shared>>) offsets(%arg19 : memref<80xi32, #tpu.memory_space<vmem>>) semaphore(%arg28 : memref<!tpu.dma_semaphore, #tpu.memory_space<semaphore_mem>>) {add = true}
      %dma_wait3A_633 = arith.constant 0 : i32
      %dma_wait3A_634 = arith.constant 0 : i32
      %dma_wait3A_635 = tpu.memref_slice %arg21[%dma_wait3A_633, %dma_wait3A_634] : memref<2560x128xf32, #tpu.memory_space<vmem_shared>> -> memref<2560x128xf32, #tpu.memory_space<vmem_shared>>
      tpu.wait_indirect_dma semaphore(%arg28 : memref<!tpu.dma_semaphore, #tpu.memory_space<semaphore_mem>>) src(%arg12 : memref<80x128xf32, #tpu.memory_space<vmem>>) dst(%dma_wait3A_635 : memref<2560x128xf32, #tpu.memory_space<vmem_shared>>)
      %dma_wait3A_636 = arith.constant 0 : i32
      %dma_wait3A_637 = arith.constant 0 : i32
      %dma_wait3A_638 = tpu.memref_slice %arg22[%dma_wait3A_636, %dma_wait3A_637] : memref<2560x128xf32, #tpu.memory_space<vmem_shared>> -> memref<2560x128xf32, #tpu.memory_space<vmem_shared>>
      tpu.wait_indirect_dma semaphore(%arg28 : memref<!tpu.dma_semaphore, #tpu.memory_space<semaphore_mem>>) src(%arg13 : memref<80x128xf32, #tpu.memory_space<vmem>>) dst(%dma_wait3A_638 : memref<2560x128xf32, #tpu.memory_space<vmem_shared>>)
      %add3A_639 = arith.constant 1 : i32
      %add3A_640 = arith.addi %while3A_548, %add3A_639 : i32
      %lt3A_641 = arith.cmpi slt, %add3A_640, %max3A_305 : i32
      %convert_element_type3A_642 = arith.extui %lt3A_641 : i1 to i32
      %cond3A_643 = arith.constant 0 : i32
      %cond3A_644 = arith.cmpi ne, %convert_element_type3A_642, %cond3A_643 : i32
      scf.if %cond3A_644 {
        %mul3A_663 = arith.constant 2 : i32
        %mul3A_664 = arith.muli %mul3A_663, %while3A_548 : i32
        %add3A_665 = arith.constant 2 : i32
        %add3A_666 = arith.addi %mul3A_664, %add3A_665 : i32
        %mul3A_667 = arith.constant 80 : i32
        %mul3A_668 = arith.muli %add3A_666, %mul3A_667 : i32
        %add3A_669 = arith.addi %while3A_414, %mul3A_668 : i32
        %add3A_670 = arith.constant 0 : i32
        %add3A_671 = arith.addi %add3A_669, %add3A_670 : i32
        %get3A_672 = arith.index_cast %add3A_671 : i32 to index
        %get3A_673 = tpu.vector_load %arg10[%get3A_672] {strides = array<i32>} : memref<10352xi32, #tpu.memory_space<vmem>>, vector<16xi32>,
        %swap3A_674 = arith.constant 0 : index
        %swap3A_675 = tpu.vector_load %arg17[%swap3A_674] {strides = array<i32>} : memref<80xi32, #tpu.memory_space<vmem>>, vector<16xi32>,
        tpu.vector_store %arg17[%swap3A_674], %get3A_673 {strides = array<i32>} : memref<80xi32, #tpu.memory_space<vmem>>, vector<16xi32>,
        %add3A_676 = arith.constant 0 : i32
        %add3A_677 = arith.addi %add3A_669, %add3A_676 : i32
        %get3A_678 = arith.index_cast %add3A_677 : i32 to index
        %get3A_679 = tpu.vector_load %arg11[%get3A_678] {strides = array<i32>} : memref<10352xi32, #tpu.memory_space<vmem>>, vector<16xi32>,
        %swap3A_680 = arith.constant 0 : index
        %swap3A_681 = tpu.vector_load %arg19[%swap3A_680] {strides = array<i32>} : memref<80xi32, #tpu.memory_space<vmem>>, vector<16xi32>,
        tpu.vector_store %arg19[%swap3A_680], %get3A_679 {strides = array<i32>} : memref<80xi32, #tpu.memory_space<vmem>>, vector<16xi32>,
        %add3A_682 = arith.constant 16 : i32
        %add3A_683 = arith.addi %add3A_669, %add3A_682 : i32
        %get3A_684 = arith.index_cast %add3A_683 : i32 to index
        %get3A_685 = tpu.vector_load %arg10[%get3A_684] {strides = array<i32>} : memref<10352xi32, #tpu.memory_space<vmem>>, vector<16xi32>,
        %swap3A_686 = arith.constant 16 : index
        %swap3A_687 = tpu.vector_load %arg17[%swap3A_686] {strides = array<i32>} : memref<80xi32, #tpu.memory_space<vmem>>, vector<16xi32>,
        tpu.vector_store %arg17[%swap3A_686], %get3A_685 {strides = array<i32>} : memref<80xi32, #tpu.memory_space<vmem>>, vector<16xi32>,
        %add3A_688 = arith.constant 16 : i32
        %add3A_689 = arith.addi %add3A_669, %add3A_688 : i32
        %get3A_690 = arith.index_cast %add3A_689 : i32 to index
        %get3A_691 = tpu.vector_load %arg11[%get3A_690] {strides = array<i32>} : memref<10352xi32, #tpu.memory_space<vmem>>, vector<16xi32>,
        %swap3A_692 = arith.constant 16 : index
        %swap3A_693 = tpu.vector_load %arg19[%swap3A_692] {strides = array<i32>} : memref<80xi32, #tpu.memory_space<vmem>>, vector<16xi32>,
        tpu.vector_store %arg19[%swap3A_692], %get3A_691 {strides = array<i32>} : memref<80xi32, #tpu.memory_space<vmem>>, vector<16xi32>,
        %add3A_694 = arith.constant 32 : i32
        %add3A_695 = arith.addi %add3A_669, %add3A_694 : i32
        %get3A_696 = arith.index_cast %add3A_695 : i32 to index
        %get3A_697 = tpu.vector_load %arg10[%get3A_696] {strides = array<i32>} : memref<10352xi32, #tpu.memory_space<vmem>>, vector<16xi32>,
        %swap3A_698 = arith.constant 32 : index
        %swap3A_699 = tpu.vector_load %arg17[%swap3A_698] {strides = array<i32>} : memref<80xi32, #tpu.memory_space<vmem>>, vector<16xi32>,
        tpu.vector_store %arg17[%swap3A_698], %get3A_697 {strides = array<i32>} : memref<80xi32, #tpu.memory_space<vmem>>, vector<16xi32>,
        %add3A_700 = arith.constant 32 : i32
        %add3A_701 = arith.addi %add3A_669, %add3A_700 : i32
        %get3A_702 = arith.index_cast %add3A_701 : i32 to index
        %get3A_703 = tpu.vector_load %arg11[%get3A_702] {strides = array<i32>} : memref<10352xi32, #tpu.memory_space<vmem>>, vector<16xi32>,
        %swap3A_704 = arith.constant 32 : index
        %swap3A_705 = tpu.vector_load %arg19[%swap3A_704] {strides = array<i32>} : memref<80xi32, #tpu.memory_space<vmem>>, vector<16xi32>,
        tpu.vector_store %arg19[%swap3A_704], %get3A_703 {strides = array<i32>} : memref<80xi32, #tpu.memory_space<vmem>>, vector<16xi32>,
        %add3A_706 = arith.constant 48 : i32
        %add3A_707 = arith.addi %add3A_669, %add3A_706 : i32
        %get3A_708 = arith.index_cast %add3A_707 : i32 to index
        %get3A_709 = tpu.vector_load %arg10[%get3A_708] {strides = array<i32>} : memref<10352xi32, #tpu.memory_space<vmem>>, vector<16xi32>,
        %swap3A_710 = arith.constant 48 : index
        %swap3A_711 = tpu.vector_load %arg17[%swap3A_710] {strides = array<i32>} : memref<80xi32, #tpu.memory_space<vmem>>, vector<16xi32>,
        tpu.vector_store %arg17[%swap3A_710], %get3A_709 {strides = array<i32>} : memref<80xi32, #tpu.memory_space<vmem>>, vector<16xi32>,
        %add3A_712 = arith.constant 48 : i32
        %add3A_713 = arith.addi %add3A_669, %add3A_712 : i32
        %get3A_714 = arith.index_cast %add3A_713 : i32 to index
        %get3A_715 = tpu.vector_load %arg11[%get3A_714] {strides = array<i32>} : memref<10352xi32, #tpu.memory_space<vmem>>, vector<16xi32>,
        %swap3A_716 = arith.constant 48 : index
        %swap3A_717 = tpu.vector_load %arg19[%swap3A_716] {strides = array<i32>} : memref<80xi32, #tpu.memory_space<vmem>>, vector<16xi32>,
        tpu.vector_store %arg19[%swap3A_716], %get3A_715 {strides = array<i32>} : memref<80xi32, #tpu.memory_space<vmem>>, vector<16xi32>,
        %add3A_718 = arith.constant 64 : i32
        %add3A_719 = arith.addi %add3A_669, %add3A_718 : i32
        %get3A_720 = arith.index_cast %add3A_719 : i32 to index
        %get3A_721 = tpu.vector_load %arg10[%get3A_720] {strides = array<i32>} : memref<10352xi32, #tpu.memory_space<vmem>>, vector<16xi32>,
        %swap3A_722 = arith.constant 64 : index
        %swap3A_723 = tpu.vector_load %arg17[%swap3A_722] {strides = array<i32>} : memref<80xi32, #tpu.memory_space<vmem>>, vector<16xi32>,
        tpu.vector_store %arg17[%swap3A_722], %get3A_721 {strides = array<i32>} : memref<80xi32, #tpu.memory_space<vmem>>, vector<16xi32>,
        %add3A_724 = arith.constant 64 : i32
        %add3A_725 = arith.addi %add3A_669, %add3A_724 : i32
        %get3A_726 = arith.index_cast %add3A_725 : i32 to index
        %get3A_727 = tpu.vector_load %arg11[%get3A_726] {strides = array<i32>} : memref<10352xi32, #tpu.memory_space<vmem>>, vector<16xi32>,
        %swap3A_728 = arith.constant 64 : index
        %swap3A_729 = tpu.vector_load %arg19[%swap3A_728] {strides = array<i32>} : memref<80xi32, #tpu.memory_space<vmem>>, vector<16xi32>,
        tpu.vector_store %arg19[%swap3A_728], %get3A_727 {strides = array<i32>} : memref<80xi32, #tpu.memory_space<vmem>>, vector<16xi32>,
        %dma_start3A_730 = arith.constant 0 : i32
        %dma_start3A_731 = arith.constant 0 : i32
        %dma_start3A_732 = tpu.memref_slice %arg2[%dma_start3A_730, %dma_start3A_731] : memref<10000x128xf32, #tpu.memory_space<hbm>> -> memref<10000x128xf32, #tpu.memory_space<hbm>>
        tpu.enqueue_indirect_dma source(%dma_start3A_732 : memref<10000x128xf32, #tpu.memory_space<hbm>>) target(%arg12 : memref<80x128xf32, #tpu.memory_space<vmem>>) offsets(%arg17 : memref<80xi32, #tpu.memory_space<vmem>>) semaphore(%arg24 : memref<!tpu.dma_semaphore, #tpu.memory_space<semaphore_mem>>)
        %dma_start3A_733 = arith.constant 0 : i32
        %dma_start3A_734 = arith.constant 0 : i32
        %dma_start3A_735 = tpu.memref_slice %arg3[%dma_start3A_733, %dma_start3A_734] : memref<10000x128xf32, #tpu.memory_space<hbm>> -> memref<10000x128xf32, #tpu.memory_space<hbm>>
        tpu.enqueue_indirect_dma source(%dma_start3A_735 : memref<10000x128xf32, #tpu.memory_space<hbm>>) target(%arg13 : memref<80x128xf32, #tpu.memory_space<vmem>>) offsets(%arg17 : memref<80xi32, #tpu.memory_space<vmem>>) semaphore(%arg25 : memref<!tpu.dma_semaphore, #tpu.memory_space<semaphore_mem>>)
      } else {
      }
      %dma_wait3A_645 = arith.constant 0 : i32
      %dma_wait3A_646 = arith.constant 0 : i32
      %dma_wait3A_647 = tpu.memref_slice %arg2[%dma_wait3A_645, %dma_wait3A_646] : memref<10000x128xf32, #tpu.memory_space<hbm>> -> memref<10000x128xf32, #tpu.memory_space<hbm>>
      tpu.wait_indirect_dma semaphore(%arg26 : memref<!tpu.dma_semaphore, #tpu.memory_space<semaphore_mem>>) src(%dma_wait3A_647 : memref<10000x128xf32, #tpu.memory_space<hbm>>) dst(%arg14 : memref<80x128xf32, #tpu.memory_space<vmem>>)
      %dma_wait3A_648 = arith.constant 0 : i32
      %dma_wait3A_649 = arith.constant 0 : i32
      %dma_wait3A_650 = tpu.memref_slice %arg3[%dma_wait3A_648, %dma_wait3A_649] : memref<10000x128xf32, #tpu.memory_space<hbm>> -> memref<10000x128xf32, #tpu.memory_space<hbm>>
      tpu.wait_indirect_dma semaphore(%arg27 : memref<!tpu.dma_semaphore, #tpu.memory_space<semaphore_mem>>) src(%dma_wait3A_650 : memref<10000x128xf32, #tpu.memory_space<hbm>>) dst(%arg15 : memref<80x128xf32, #tpu.memory_space<vmem>>)
      %dma_start3A_651 = arith.constant 0 : i32
      %dma_start3A_652 = arith.constant 0 : i32
      %dma_start3A_653 = tpu.memref_slice %arg21[%dma_start3A_651, %dma_start3A_652] : memref<2560x128xf32, #tpu.memory_space<vmem_shared>> -> memref<2560x128xf32, #tpu.memory_space<vmem_shared>>
      tpu.enqueue_indirect_dma source(%arg14 : memref<80x128xf32, #tpu.memory_space<vmem>>) target(%dma_start3A_653 : memref<2560x128xf32, #tpu.memory_space<vmem_shared>>) offsets(%arg20 : memref<80xi32, #tpu.memory_space<vmem>>) semaphore(%arg29 : memref<!tpu.dma_semaphore, #tpu.memory_space<semaphore_mem>>) {add = true}
      %dma_start3A_654 = arith.constant 0 : i32
      %dma_start3A_655 = arith.constant 0 : i32
      %dma_start3A_656 = tpu.memref_slice %arg22[%dma_start3A_654, %dma_start3A_655] : memref<2560x128xf32, #tpu.memory_space<vmem_shared>> -> memref<2560x128xf32, #tpu.memory_space<vmem_shared>>
      tpu.enqueue_indirect_dma source(%arg15 : memref<80x128xf32, #tpu.memory_space<vmem>>) target(%dma_start3A_656 : memref<2560x128xf32, #tpu.memory_space<vmem_shared>>) offsets(%arg20 : memref<80xi32, #tpu.memory_space<vmem>>) semaphore(%arg29 : memref<!tpu.dma_semaphore, #tpu.memory_space<semaphore_mem>>) {add = true}
      %dma_wait3A_657 = arith.constant 0 : i32
      %dma_wait3A_658 = arith.constant 0 : i32
      %dma_wait3A_659 = tpu.memref_slice %arg21[%dma_wait3A_657, %dma_wait3A_658] : memref<2560x128xf32, #tpu.memory_space<vmem_shared>> -> memref<2560x128xf32, #tpu.memory_space<vmem_shared>>
      tpu.wait_indirect_dma semaphore(%arg29 : memref<!tpu.dma_semaphore, #tpu.memory_space<semaphore_mem>>) src(%arg14 : memref<80x128xf32, #tpu.memory_space<vmem>>) dst(%dma_wait3A_659 : memref<2560x128xf32, #tpu.memory_space<vmem_shared>>)
      %dma_wait3A_660 = arith.constant 0 : i32
      %dma_wait3A_661 = arith.constant 0 : i32
      %dma_wait3A_662 = tpu.memref_slice %arg22[%dma_wait3A_660, %dma_wait3A_661] : memref<2560x128xf32, #tpu.memory_space<vmem_shared>> -> memref<2560x128xf32, #tpu.memory_space<vmem_shared>>
      tpu.wait_indirect_dma semaphore(%arg29 : memref<!tpu.dma_semaphore, #tpu.memory_space<semaphore_mem>>) src(%arg15 : memref<80x128xf32, #tpu.memory_space<vmem>>) dst(%dma_wait3A_662 : memref<2560x128xf32, #tpu.memory_space<vmem_shared>>)
    }
    %barrier3A_424 = arith.constant 0 : index
    tpu.barrier barrier_id(%barrier3A_424)
    %lt3A_425 = arith.constant 15 : i32
    %lt3A_426 = arith.cmpi slt, %arg1, %lt3A_425 : i32
    %convert_element_type3A = arith.extui %lt3A_426 : i1 to i32
    %cond3A = arith.constant 0 : i32
    %cond3A_427 = arith.cmpi ne, %convert_element_type3A, %cond3A : i32
    scf.if %cond3A_427 {
      %mul3A_548 = arith.constant 160 : i32
      %mul3A_549 = arith.muli %arg1, %mul3A_548 : i32
      %add3A_550 = arith.addi %add3A_339, %mul3A_549 : i32
      "tpu.region"() ({
        %run_scoped3A = tpu.sem_alloc : memref<!tpu.dma_semaphore, #tpu.memory_space<semaphore_mem>>
        %dma_start3A_552 = arith.constant 0 : i32
        %dma_start3A_553 = tpu.memref_slice %arg6[%add3A_550, %dma_start3A_552] : memref<10000x128xf32, #tpu.memory_space<hbm>> -> memref<160x128xf32, #tpu.memory_space<hbm>>
        %dma_start3A_554 = arith.constant 0 : i32
        %dma_start3A_555 = tpu.memref_slice %arg21[%mul3A_549, %dma_start3A_554] : memref<2560x128xf32, #tpu.memory_space<vmem_shared>> -> memref<160x128xf32, #tpu.memory_space<vmem_shared>>
        tpu.enqueue_dma source(%dma_start3A_555 : memref<160x128xf32, #tpu.memory_space<vmem_shared>>) target(%dma_start3A_553 : memref<160x128xf32, #tpu.memory_space<hbm>>) target_semaphore(%run_scoped3A : memref<!tpu.dma_semaphore, #tpu.memory_space<semaphore_mem>>)
        %dma_wait3A = arith.constant 0 : i32
        %dma_wait3A_556 = tpu.memref_slice %arg6[%add3A_550, %dma_wait3A] : memref<10000x128xf32, #tpu.memory_space<hbm>> -> memref<160x128xf32, #tpu.memory_space<hbm>>
        %dma_wait3A_557 = arith.constant 0 : i32
        %dma_wait3A_558 = tpu.memref_slice %arg21[%mul3A_549, %dma_wait3A_557] : memref<2560x128xf32, #tpu.memory_space<vmem_shared>> -> memref<160x128xf32, #tpu.memory_space<vmem_shared>>
        tpu.wait_dma2 semaphore(%run_scoped3A : memref<!tpu.dma_semaphore, #tpu.memory_space<semaphore_mem>>) src(%dma_wait3A_558 : memref<160x128xf32, #tpu.memory_space<vmem_shared>>) dst(%dma_wait3A_556 : memref<160x128xf32, #tpu.memory_space<hbm>>)
        tpu.yield
      }) : () -> ()
      %add3A_551 = arith.addi %add3A_339, %mul3A_549 : i32
      "tpu.region"() ({
        %run_scoped3A = tpu.sem_alloc : memref<!tpu.dma_semaphore, #tpu.memory_space<semaphore_mem>>
        %dma_start3A_552 = arith.constant 0 : i32
        %dma_start3A_553 = tpu.memref_slice %arg7[%add3A_551, %dma_start3A_552] : memref<10000x128xf32, #tpu.memory_space<hbm>> -> memref<160x128xf32, #tpu.memory_space<hbm>>
        %dma_start3A_554 = arith.constant 0 : i32
        %dma_start3A_555 = tpu.memref_slice %arg22[%mul3A_549, %dma_start3A_554] : memref<2560x128xf32, #tpu.memory_space<vmem_shared>> -> memref<160x128xf32, #tpu.memory_space<vmem_shared>>
        tpu.enqueue_dma source(%dma_start3A_555 : memref<160x128xf32, #tpu.memory_space<vmem_shared>>) target(%dma_start3A_553 : memref<160x128xf32, #tpu.memory_space<hbm>>) target_semaphore(%run_scoped3A : memref<!tpu.dma_semaphore, #tpu.memory_space<semaphore_mem>>)
        %dma_wait3A = arith.constant 0 : i32
        %dma_wait3A_556 = tpu.memref_slice %arg7[%add3A_551, %dma_wait3A] : memref<10000x128xf32, #tpu.memory_space<hbm>> -> memref<160x128xf32, #tpu.memory_space<hbm>>
        %dma_wait3A_557 = arith.constant 0 : i32
        %dma_wait3A_558 = tpu.memref_slice %arg22[%mul3A_549, %dma_wait3A_557] : memref<2560x128xf32, #tpu.memory_space<vmem_shared>> -> memref<160x128xf32, #tpu.memory_space<vmem_shared>>
        tpu.wait_dma2 semaphore(%run_scoped3A : memref<!tpu.dma_semaphore, #tpu.memory_space<semaphore_mem>>) src(%dma_wait3A_558 : memref<160x128xf32, #tpu.memory_space<vmem_shared>>) dst(%dma_wait3A_556 : memref<160x128xf32, #tpu.memory_space<hbm>>)
        tpu.yield
      }) : () -> ()
    } else {
    }
    %eq3A_428 = arith.constant 15 : i32
    %eq3A_429 = arith.cmpi eq, %arg1, %eq3A_428 : i32
    %convert_element_type3A_430 = arith.extui %eq3A_429 : i1 to i32
    %cond3A_431 = arith.constant 0 : i32
    %cond3A_432 = arith.cmpi ne, %convert_element_type3A_430, %cond3A_431 : i32
    scf.if %cond3A_432 {
      %add3A_548 = arith.constant 2400 : i32
      %add3A_549 = arith.addi %add3A_339, %add3A_548 : i32
      "tpu.region"() ({
        %run_scoped3A = tpu.sem_alloc : memref<!tpu.dma_semaphore, #tpu.memory_space<semaphore_mem>>
        %dma_start3A_552 = arith.constant 0 : i32
        %dma_start3A_553 = tpu.memref_slice %arg6[%add3A_549, %dma_start3A_552] : memref<10000x128xf32, #tpu.memory_space<hbm>> -> memref<104x128xf32, #tpu.memory_space<hbm>>
        %dma_start3A_554 = arith.constant 2400 : i32
        %dma_start3A_555 = arith.constant 0 : i32
        %dma_start3A_556 = tpu.memref_slice %arg21[%dma_start3A_554, %dma_start3A_555] : memref<2560x128xf32, #tpu.memory_space<vmem_shared>> -> memref<104x128xf32, #tpu.memory_space<vmem_shared>>
        tpu.enqueue_dma source(%dma_start3A_556 : memref<104x128xf32, #tpu.memory_space<vmem_shared>>) target(%dma_start3A_553 : memref<104x128xf32, #tpu.memory_space<hbm>>) target_semaphore(%run_scoped3A : memref<!tpu.dma_semaphore, #tpu.memory_space<semaphore_mem>>)
        %dma_wait3A = arith.constant 0 : i32
        %dma_wait3A_557 = tpu.memref_slice %arg6[%add3A_549, %dma_wait3A] : memref<10000x128xf32, #tpu.memory_space<hbm>> -> memref<104x128xf32, #tpu.memory_space<hbm>>
        %dma_wait3A_558 = arith.constant 2400 : i32
        %dma_wait3A_559 = arith.constant 0 : i32
        %dma_wait3A_560 = tpu.memref_slice %arg21[%dma_wait3A_558, %dma_wait3A_559] : memref<2560x128xf32, #tpu.memory_space<vmem_shared>> -> memref<104x128xf32, #tpu.memory_space<vmem_shared>>
        tpu.wait_dma2 semaphore(%run_scoped3A : memref<!tpu.dma_semaphore, #tpu.memory_space<semaphore_mem>>) src(%dma_wait3A_560 : memref<104x128xf32, #tpu.memory_space<vmem_shared>>) dst(%dma_wait3A_557 : memref<104x128xf32, #tpu.memory_space<hbm>>)
        tpu.yield
      }) : () -> ()
      %add3A_550 = arith.constant 2400 : i32
      %add3A_551 = arith.addi %add3A_339, %add3A_550 : i32
      "tpu.region"() ({
        %run_scoped3A = tpu.sem_alloc : memref<!tpu.dma_semaphore, #tpu.memory_space<semaphore_mem>>
        %dma_start3A_552 = arith.constant 0 : i32
        %dma_start3A_553 = tpu.memref_slice %arg7[%add3A_551, %dma_start3A_552] : memref<10000x128xf32, #tpu.memory_space<hbm>> -> memref<104x128xf32, #tpu.memory_space<hbm>>
        %dma_start3A_554 = arith.constant 2400 : i32
        %dma_start3A_555 = arith.constant 0 : i32
        %dma_start3A_556 = tpu.memref_slice %arg22[%dma_start3A_554, %dma_start3A_555] : memref<2560x128xf32, #tpu.memory_space<vmem_shared>> -> memref<104x128xf32, #tpu.memory_space<vmem_shared>>
        tpu.enqueue_dma source(%dma_start3A_556 : memref<104x128xf32, #tpu.memory_space<vmem_shared>>) target(%dma_start3A_553 : memref<104x128xf32, #tpu.memory_space<hbm>>) target_semaphore(%run_scoped3A : memref<!tpu.dma_semaphore, #tpu.memory_space<semaphore_mem>>)
        %dma_wait3A = arith.constant 0 : i32
        %dma_wait3A_557 = tpu.memref_slice %arg7[%add3A_551, %dma_wait3A] : memref<10000x128xf32, #tpu.memory_space<hbm>> -> memref<104x128xf32, #tpu.memory_space<hbm>>
        %dma_wait3A_558 = arith.constant 2400 : i32
        %dma_wait3A_559 = arith.constant 0 : i32
        %dma_wait3A_560 = tpu.memref_slice %arg22[%dma_wait3A_558, %dma_wait3A_559] : memref<2560x128xf32, #tpu.memory_space<vmem_shared>> -> memref<104x128xf32, #tpu.memory_space<vmem_shared>>
        tpu.wait_dma2 semaphore(%run_scoped3A : memref<!tpu.dma_semaphore, #tpu.memory_space<semaphore_mem>>) src(%dma_wait3A_560 : memref<104x128xf32, #tpu.memory_space<vmem_shared>>) dst(%dma_wait3A_557 : memref<104x128xf32, #tpu.memory_space<hbm>>)
        tpu.yield
      }) : () -> ()
    } else {
    }
    %scan3A_433 = arith.constant 0 : i32
    %scan3A_434 = arith.constant 0 : i32
    %scan3A_435 = arith.constant 80 : i32
    %scan3A_436 = arith.addi %scan3A_434, %scan3A_435 : i32
    %scan3A_437 = arith.constant 1 : i32
    scf.for %scan3A_548 = %scan3A_434 to %scan3A_436 step %scan3A_437  : i32 {
      %swap3A_549 = arith.index_cast %scan3A_548 : i32 to index
      %swap3A_550 = arith.constant 0 : index
      %swap3A_551 = tpu.vector_load %arg12[%swap3A_549, %swap3A_550] {strides = array<i32>} : memref<80x128xf32, #tpu.memory_space<vmem>>, vector<16xf32>,
      tpu.vector_store %arg12[%swap3A_549, %swap3A_550], %broadcast_in_dim3A_1 {strides = array<i32>} : memref<80x128xf32, #tpu.memory_space<vmem>>, vector<16xf32>,
      %swap3A_552 = arith.index_cast %scan3A_548 : i32 to index
      %swap3A_553 = arith.constant 16 : index
      %swap3A_554 = tpu.vector_load %arg12[%swap3A_552, %swap3A_553] {strides = array<i32>} : memref<80x128xf32, #tpu.memory_space<vmem>>, vector<16xf32>,
      tpu.vector_store %arg12[%swap3A_552, %swap3A_553], %broadcast_in_dim3A_1 {strides = array<i32>} : memref<80x128xf32, #tpu.memory_space<vmem>>, vector<16xf32>,
      %swap3A_555 = arith.index_cast %scan3A_548 : i32 to index
      %swap3A_556 = arith.constant 32 : index
      %swap3A_557 = tpu.vector_load %arg12[%swap3A_555, %swap3A_556] {strides = array<i32>} : memref<80x128xf32, #tpu.memory_space<vmem>>, vector<16xf32>,
      tpu.vector_store %arg12[%swap3A_555, %swap3A_556], %broadcast_in_dim3A_1 {strides = array<i32>} : memref<80x128xf32, #tpu.memory_space<vmem>>, vector<16xf32>,
      %swap3A_558 = arith.index_cast %scan3A_548 : i32 to index
      %swap3A_559 = arith.constant 48 : index
      %swap3A_560 = tpu.vector_load %arg12[%swap3A_558, %swap3A_559] {strides = array<i32>} : memref<80x128xf32, #tpu.memory_space<vmem>>, vector<16xf32>,
      tpu.vector_store %arg12[%swap3A_558, %swap3A_559], %broadcast_in_dim3A_1 {strides = array<i32>} : memref<80x128xf32, #tpu.memory_space<vmem>>, vector<16xf32>,
      %swap3A_561 = arith.index_cast %scan3A_548 : i32 to index
      %swap3A_562 = arith.constant 64 : index
      %swap3A_563 = tpu.vector_load %arg12[%swap3A_561, %swap3A_562] {strides = array<i32>} : memref<80x128xf32, #tpu.memory_space<vmem>>, vector<16xf32>,
      tpu.vector_store %arg12[%swap3A_561, %swap3A_562], %broadcast_in_dim3A_1 {strides = array<i32>} : memref<80x128xf32, #tpu.memory_space<vmem>>, vector<16xf32>,
      %swap3A_564 = arith.index_cast %scan3A_548 : i32 to index
      %swap3A_565 = arith.constant 80 : index
      %swap3A_566 = tpu.vector_load %arg12[%swap3A_564, %swap3A_565] {strides = array<i32>} : memref<80x128xf32, #tpu.memory_space<vmem>>, vector<16xf32>,
      tpu.vector_store %arg12[%swap3A_564, %swap3A_565], %broadcast_in_dim3A_1 {strides = array<i32>} : memref<80x128xf32, #tpu.memory_space<vmem>>, vector<16xf32>,
      %swap3A_567 = arith.index_cast %scan3A_548 : i32 to index
      %swap3A_568 = arith.constant 96 : index
      %swap3A_569 = tpu.vector_load %arg12[%swap3A_567, %swap3A_568] {strides = array<i32>} : memref<80x128xf32, #tpu.memory_space<vmem>>, vector<16xf32>,
      tpu.vector_store %arg12[%swap3A_567, %swap3A_568], %broadcast_in_dim3A_1 {strides = array<i32>} : memref<80x128xf32, #tpu.memory_space<vmem>>, vector<16xf32>,
      %swap3A_570 = arith.index_cast %scan3A_548 : i32 to index
      %swap3A_571 = arith.constant 112 : index
      %swap3A_572 = tpu.vector_load %arg12[%swap3A_570, %swap3A_571] {strides = array<i32>} : memref<80x128xf32, #tpu.memory_space<vmem>>, vector<16xf32>,
      tpu.vector_store %arg12[%swap3A_570, %swap3A_571], %broadcast_in_dim3A_1 {strides = array<i32>} : memref<80x128xf32, #tpu.memory_space<vmem>>, vector<16xf32>,
      %swap3A_573 = arith.index_cast %scan3A_548 : i32 to index
      %swap3A_574 = arith.constant 0 : index
      %swap3A_575 = tpu.vector_load %arg16[%swap3A_573, %swap3A_574] {strides = array<i32>} : memref<80x16xf32, #tpu.memory_space<vmem>>, vector<16xf32>,
      tpu.vector_store %arg16[%swap3A_573, %swap3A_574], %broadcast_in_dim3A_1 {strides = array<i32>} : memref<80x16xf32, #tpu.memory_space<vmem>>, vector<16xf32>,
    }
    %scan3A_438 = arith.constant 80 : i32
    %barrier3A_439 = arith.constant 0 : index
    tpu.barrier barrier_id(%barrier3A_439)
    %mul3A_440 = arith.constant 5000 : i32
    %mul3A_441 = arith.muli %arg0, %mul3A_440 : i32
    %add3A_442 = arith.constant 2504 : i32
    %add3A_443 = arith.addi %mul3A_441, %add3A_442 : i32
    %mul3A_444 = arith.constant 2 : i32
    %mul3A_445 = arith.muli %max3A_335, %mul3A_444 : i32
    %mul3A_446 = arith.constant 80 : i32
    %mul3A_447 = arith.muli %mul3A_445, %mul3A_446 : i32
    %sub3A_448 = arith.constant 10352 : i32
    %sub3A_449 = arith.subi %sub3A_448, %mul3A_447 : i32
    %mul3A_450 = arith.constant 160 : i32
    %mul3A_451 = arith.muli %arg1, %mul3A_450 : i32
    "tpu.region"() ({
      %run_scoped3A = tpu.sem_alloc : memref<!tpu.dma_semaphore, #tpu.memory_space<semaphore_mem>>
      %dma_start3A_548 = arith.constant 0 : i32
      %dma_start3A_549 = tpu.memref_slice %arg21[%mul3A_451, %dma_start3A_548] : memref<2560x128xf32, #tpu.memory_space<vmem_shared>> -> memref<80x128xf32, #tpu.memory_space<vmem_shared>>
      %dma_start3A_550 = arith.constant 0 : i32
      %dma_start3A_551 = tpu.memref_slice %arg21[%mul3A_451, %dma_start3A_550] : memref<2560x128xf32, #tpu.memory_space<vmem_shared>> -> memref<80x128xf32, #tpu.memory_space<vmem_shared>>
      tpu.enqueue_dma source(%arg12 : memref<80x128xf32, #tpu.memory_space<vmem>>) target(%dma_start3A_551 : memref<80x128xf32, #tpu.memory_space<vmem_shared>>) target_semaphore(%run_scoped3A : memref<!tpu.dma_semaphore, #tpu.memory_space<semaphore_mem>>)
      %dma_wait3A = arith.constant 0 : i32
      %dma_wait3A_552 = tpu.memref_slice %arg21[%mul3A_451, %dma_wait3A] : memref<2560x128xf32, #tpu.memory_space<vmem_shared>> -> memref<80x128xf32, #tpu.memory_space<vmem_shared>>
      %dma_wait3A_553 = arith.constant 0 : i32
      %dma_wait3A_554 = tpu.memref_slice %arg21[%mul3A_451, %dma_wait3A_553] : memref<2560x128xf32, #tpu.memory_space<vmem_shared>> -> memref<80x128xf32, #tpu.memory_space<vmem_shared>>
      tpu.wait_dma2 semaphore(%run_scoped3A : memref<!tpu.dma_semaphore, #tpu.memory_space<semaphore_mem>>) src(%arg12 : memref<80x128xf32, #tpu.memory_space<vmem>>) dst(%dma_wait3A_554 : memref<80x128xf32, #tpu.memory_space<vmem_shared>>)
      tpu.yield
    }) : () -> ()
    %add3A_452 = arith.constant 80 : i32
    %add3A_453 = arith.addi %mul3A_451, %add3A_452 : i32
    "tpu.region"() ({
      %run_scoped3A = tpu.sem_alloc : memref<!tpu.dma_semaphore, #tpu.memory_space<semaphore_mem>>
      %dma_start3A_548 = arith.constant 0 : i32
      %dma_start3A_549 = tpu.memref_slice %arg21[%add3A_453, %dma_start3A_548] : memref<2560x128xf32, #tpu.memory_space<vmem_shared>> -> memref<80x128xf32, #tpu.memory_space<vmem_shared>>
      %dma_start3A_550 = arith.constant 0 : i32
      %dma_start3A_551 = tpu.memref_slice %arg21[%add3A_453, %dma_start3A_550] : memref<2560x128xf32, #tpu.memory_space<vmem_shared>> -> memref<80x128xf32, #tpu.memory_space<vmem_shared>>
      tpu.enqueue_dma source(%arg12 : memref<80x128xf32, #tpu.memory_space<vmem>>) target(%dma_start3A_551 : memref<80x128xf32, #tpu.memory_space<vmem_shared>>) target_semaphore(%run_scoped3A : memref<!tpu.dma_semaphore, #tpu.memory_space<semaphore_mem>>)
      %dma_wait3A = arith.constant 0 : i32
      %dma_wait3A_552 = tpu.memref_slice %arg21[%add3A_453, %dma_wait3A] : memref<2560x128xf32, #tpu.memory_space<vmem_shared>> -> memref<80x128xf32, #tpu.memory_space<vmem_shared>>
      %dma_wait3A_553 = arith.constant 0 : i32
      %dma_wait3A_554 = tpu.memref_slice %arg21[%add3A_453, %dma_wait3A_553] : memref<2560x128xf32, #tpu.memory_space<vmem_shared>> -> memref<80x128xf32, #tpu.memory_space<vmem_shared>>
      tpu.wait_dma2 semaphore(%run_scoped3A : memref<!tpu.dma_semaphore, #tpu.memory_space<semaphore_mem>>) src(%arg12 : memref<80x128xf32, #tpu.memory_space<vmem>>) dst(%dma_wait3A_554 : memref<80x128xf32, #tpu.memory_space<vmem_shared>>)
      tpu.yield
    }) : () -> ()
    "tpu.region"() ({
      %run_scoped3A = tpu.sem_alloc : memref<!tpu.dma_semaphore, #tpu.memory_space<semaphore_mem>>
      %dma_start3A_548 = arith.constant 0 : i32
      %dma_start3A_549 = tpu.memref_slice %arg22[%mul3A_451, %dma_start3A_548] : memref<2560x128xf32, #tpu.memory_space<vmem_shared>> -> memref<80x128xf32, #tpu.memory_space<vmem_shared>>
      %dma_start3A_550 = arith.constant 0 : i32
      %dma_start3A_551 = tpu.memref_slice %arg22[%mul3A_451, %dma_start3A_550] : memref<2560x128xf32, #tpu.memory_space<vmem_shared>> -> memref<80x128xf32, #tpu.memory_space<vmem_shared>>
      tpu.enqueue_dma source(%arg12 : memref<80x128xf32, #tpu.memory_space<vmem>>) target(%dma_start3A_551 : memref<80x128xf32, #tpu.memory_space<vmem_shared>>) target_semaphore(%run_scoped3A : memref<!tpu.dma_semaphore, #tpu.memory_space<semaphore_mem>>)
      %dma_wait3A = arith.constant 0 : i32
      %dma_wait3A_552 = tpu.memref_slice %arg22[%mul3A_451, %dma_wait3A] : memref<2560x128xf32, #tpu.memory_space<vmem_shared>> -> memref<80x128xf32, #tpu.memory_space<vmem_shared>>
      %dma_wait3A_553 = arith.constant 0 : i32
      %dma_wait3A_554 = tpu.memref_slice %arg22[%mul3A_451, %dma_wait3A_553] : memref<2560x128xf32, #tpu.memory_space<vmem_shared>> -> memref<80x128xf32, #tpu.memory_space<vmem_shared>>
      tpu.wait_dma2 semaphore(%run_scoped3A : memref<!tpu.dma_semaphore, #tpu.memory_space<semaphore_mem>>) src(%arg12 : memref<80x128xf32, #tpu.memory_space<vmem>>) dst(%dma_wait3A_554 : memref<80x128xf32, #tpu.memory_space<vmem_shared>>)
      tpu.yield
    }) : () -> ()
    %add3A_454 = arith.constant 80 : i32
    %add3A_455 = arith.addi %mul3A_451, %add3A_454 : i32
    "tpu.region"() ({
      %run_scoped3A = tpu.sem_alloc : memref<!tpu.dma_semaphore, #tpu.memory_space<semaphore_mem>>
      %dma_start3A_548 = arith.constant 0 : i32
      %dma_start3A_549 = tpu.memref_slice %arg22[%add3A_455, %dma_start3A_548] : memref<2560x128xf32, #tpu.memory_space<vmem_shared>> -> memref<80x128xf32, #tpu.memory_space<vmem_shared>>
      %dma_start3A_550 = arith.constant 0 : i32
      %dma_start3A_551 = tpu.memref_slice %arg22[%add3A_455, %dma_start3A_550] : memref<2560x128xf32, #tpu.memory_space<vmem_shared>> -> memref<80x128xf32, #tpu.memory_space<vmem_shared>>
      tpu.enqueue_dma source(%arg12 : memref<80x128xf32, #tpu.memory_space<vmem>>) target(%dma_start3A_551 : memref<80x128xf32, #tpu.memory_space<vmem_shared>>) target_semaphore(%run_scoped3A : memref<!tpu.dma_semaphore, #tpu.memory_space<semaphore_mem>>)
      %dma_wait3A = arith.constant 0 : i32
      %dma_wait3A_552 = tpu.memref_slice %arg22[%add3A_455, %dma_wait3A] : memref<2560x128xf32, #tpu.memory_space<vmem_shared>> -> memref<80x128xf32, #tpu.memory_space<vmem_shared>>
      %dma_wait3A_553 = arith.constant 0 : i32
      %dma_wait3A_554 = tpu.memref_slice %arg22[%add3A_455, %dma_wait3A_553] : memref<2560x128xf32, #tpu.memory_space<vmem_shared>> -> memref<80x128xf32, #tpu.memory_space<vmem_shared>>
      tpu.wait_dma2 semaphore(%run_scoped3A : memref<!tpu.dma_semaphore, #tpu.memory_space<semaphore_mem>>) src(%arg12 : memref<80x128xf32, #tpu.memory_space<vmem>>) dst(%dma_wait3A_554 : memref<80x128xf32, #tpu.memory_space<vmem_shared>>)
      tpu.yield
    }) : () -> ()
    %barrier3A_456 = arith.constant 0 : index
    tpu.barrier barrier_id(%barrier3A_456)
    %mul3A_457 = arith.constant 0 : i32
    %mul3A_458 = arith.constant 80 : i32
    %mul3A_459 = arith.muli %mul3A_457, %mul3A_458 : i32
    %add3A_460 = arith.addi %sub3A_449, %mul3A_459 : i32
    %add3A_461 = arith.constant 0 : i32
    %add3A_462 = arith.addi %add3A_460, %add3A_461 : i32
    %get3A_463 = arith.index_cast %add3A_462 : i32 to index
    %get3A_464 = tpu.vector_load %arg10[%get3A_463] {strides = array<i32>} : memref<10352xi32, #tpu.memory_space<vmem>>, vector<16xi32>,
    %swap3A_465 = arith.constant 0 : index
    %swap3A_466 = tpu.vector_load %arg17[%swap3A_465] {strides = array<i32>} : memref<80xi32, #tpu.memory_space<vmem>>, vector<16xi32>,
    tpu.vector_store %arg17[%swap3A_465], %get3A_464 {strides = array<i32>} : memref<80xi32, #tpu.memory_space<vmem>>, vector<16xi32>,
    %add3A_467 = arith.constant 0 : i32
    %add3A_468 = arith.addi %add3A_460, %add3A_467 : i32
    %get3A_469 = arith.index_cast %add3A_468 : i32 to index
    %get3A_470 = tpu.vector_load %arg11[%get3A_469] {strides = array<i32>} : memref<10352xi32, #tpu.memory_space<vmem>>, vector<16xi32>,
    %swap3A_471 = arith.constant 0 : index
    %swap3A_472 = tpu.vector_load %arg19[%swap3A_471] {strides = array<i32>} : memref<80xi32, #tpu.memory_space<vmem>>, vector<16xi32>,
    tpu.vector_store %arg19[%swap3A_471], %get3A_470 {strides = array<i32>} : memref<80xi32, #tpu.memory_space<vmem>>, vector<16xi32>,
    %add3A_473 = arith.constant 16 : i32
    %add3A_474 = arith.addi %add3A_460, %add3A_473 : i32
    %get3A_475 = arith.index_cast %add3A_474 : i32 to index
    %get3A_476 = tpu.vector_load %arg10[%get3A_475] {strides = array<i32>} : memref<10352xi32, #tpu.memory_space<vmem>>, vector<16xi32>,
    %swap3A_477 = arith.constant 16 : index
    %swap3A_478 = tpu.vector_load %arg17[%swap3A_477] {strides = array<i32>} : memref<80xi32, #tpu.memory_space<vmem>>, vector<16xi32>,
    tpu.vector_store %arg17[%swap3A_477], %get3A_476 {strides = array<i32>} : memref<80xi32, #tpu.memory_space<vmem>>, vector<16xi32>,
    %add3A_479 = arith.constant 16 : i32
    %add3A_480 = arith.addi %add3A_460, %add3A_479 : i32
    %get3A_481 = arith.index_cast %add3A_480 : i32 to index
    %get3A_482 = tpu.vector_load %arg11[%get3A_481] {strides = array<i32>} : memref<10352xi32, #tpu.memory_space<vmem>>, vector<16xi32>,
    %swap3A_483 = arith.constant 16 : index
    %swap3A_484 = tpu.vector_load %arg19[%swap3A_483] {strides = array<i32>} : memref<80xi32, #tpu.memory_space<vmem>>, vector<16xi32>,
    tpu.vector_store %arg19[%swap3A_483], %get3A_482 {strides = array<i32>} : memref<80xi32, #tpu.memory_space<vmem>>, vector<16xi32>,
    %add3A_485 = arith.constant 32 : i32
    %add3A_486 = arith.addi %add3A_460, %add3A_485 : i32
    %get3A_487 = arith.index_cast %add3A_486 : i32 to index
    %get3A_488 = tpu.vector_load %arg10[%get3A_487] {strides = array<i32>} : memref<10352xi32, #tpu.memory_space<vmem>>, vector<16xi32>,
    %swap3A_489 = arith.constant 32 : index
    %swap3A_490 = tpu.vector_load %arg17[%swap3A_489] {strides = array<i32>} : memref<80xi32, #tpu.memory_space<vmem>>, vector<16xi32>,
    tpu.vector_store %arg17[%swap3A_489], %get3A_488 {strides = array<i32>} : memref<80xi32, #tpu.memory_space<vmem>>, vector<16xi32>,
    %add3A_491 = arith.constant 32 : i32
    %add3A_492 = arith.addi %add3A_460, %add3A_491 : i32
    %get3A_493 = arith.index_cast %add3A_492 : i32 to index
    %get3A_494 = tpu.vector_load %arg11[%get3A_493] {strides = array<i32>} : memref<10352xi32, #tpu.memory_space<vmem>>, vector<16xi32>,
    %swap3A_495 = arith.constant 32 : index
    %swap3A_496 = tpu.vector_load %arg19[%swap3A_495] {strides = array<i32>} : memref<80xi32, #tpu.memory_space<vmem>>, vector<16xi32>,
    tpu.vector_store %arg19[%swap3A_495], %get3A_494 {strides = array<i32>} : memref<80xi32, #tpu.memory_space<vmem>>, vector<16xi32>,
    %add3A_497 = arith.constant 48 : i32
    %add3A_498 = arith.addi %add3A_460, %add3A_497 : i32
    %get3A_499 = arith.index_cast %add3A_498 : i32 to index
    %get3A_500 = tpu.vector_load %arg10[%get3A_499] {strides = array<i32>} : memref<10352xi32, #tpu.memory_space<vmem>>, vector<16xi32>,
    %swap3A_501 = arith.constant 48 : index
    %swap3A_502 = tpu.vector_load %arg17[%swap3A_501] {strides = array<i32>} : memref<80xi32, #tpu.memory_space<vmem>>, vector<16xi32>,
    tpu.vector_store %arg17[%swap3A_501], %get3A_500 {strides = array<i32>} : memref<80xi32, #tpu.memory_space<vmem>>, vector<16xi32>,
    %add3A_503 = arith.constant 48 : i32
    %add3A_504 = arith.addi %add3A_460, %add3A_503 : i32
    %get3A_505 = arith.index_cast %add3A_504 : i32 to index
    %get3A_506 = tpu.vector_load %arg11[%get3A_505] {strides = array<i32>} : memref<10352xi32, #tpu.memory_space<vmem>>, vector<16xi32>,
    %swap3A_507 = arith.constant 48 : index
    %swap3A_508 = tpu.vector_load %arg19[%swap3A_507] {strides = array<i32>} : memref<80xi32, #tpu.memory_space<vmem>>, vector<16xi32>,
    tpu.vector_store %arg19[%swap3A_507], %get3A_506 {strides = array<i32>} : memref<80xi32, #tpu.memory_space<vmem>>, vector<16xi32>,
    %add3A_509 = arith.constant 64 : i32
    %add3A_510 = arith.addi %add3A_460, %add3A_509 : i32
    %get3A_511 = arith.index_cast %add3A_510 : i32 to index
    %get3A_512 = tpu.vector_load %arg10[%get3A_511] {strides = array<i32>} : memref<10352xi32, #tpu.memory_space<vmem>>, vector<16xi32>,
    %swap3A_513 = arith.constant 64 : index
    %swap3A_514 = tpu.vector_load %arg17[%swap3A_513] {strides = array<i32>} : memref<80xi32, #tpu.memory_space<vmem>>, vector<16xi32>,
    tpu.vector_store %arg17[%swap3A_513], %get3A_512 {strides = array<i32>} : memref<80xi32, #tpu.memory_space<vmem>>, vector<16xi32>,
    %add3A_515 = arith.constant 64 : i32
    %add3A_516 = arith.addi %add3A_460, %add3A_515 : i32
    %get3A_517 = arith.index_cast %add3A_516 : i32 to index
    %get3A_518 = tpu.vector_load %arg11[%get3A_517] {strides = array<i32>} : memref<10352xi32, #tpu.memory_space<vmem>>, vector<16xi32>,
    %swap3A_519 = arith.constant 64 : index
    %swap3A_520 = tpu.vector_load %arg19[%swap3A_519] {strides = array<i32>} : memref<80xi32, #tpu.memory_space<vmem>>, vector<16xi32>,
    tpu.vector_store %arg19[%swap3A_519], %get3A_518 {strides = array<i32>} : memref<80xi32, #tpu.memory_space<vmem>>, vector<16xi32>,
    %dma_start3A_521 = arith.constant 0 : i32
    %dma_start3A_522 = arith.constant 0 : i32
    %dma_start3A_523 = tpu.memref_slice %arg2[%dma_start3A_521, %dma_start3A_522] : memref<10000x128xf32, #tpu.memory_space<hbm>> -> memref<10000x128xf32, #tpu.memory_space<hbm>>
    tpu.enqueue_indirect_dma source(%dma_start3A_523 : memref<10000x128xf32, #tpu.memory_space<hbm>>) target(%arg12 : memref<80x128xf32, #tpu.memory_space<vmem>>) offsets(%arg17 : memref<80xi32, #tpu.memory_space<vmem>>) semaphore(%arg24 : memref<!tpu.dma_semaphore, #tpu.memory_space<semaphore_mem>>)
    %dma_start3A_524 = arith.constant 0 : i32
    %dma_start3A_525 = arith.constant 0 : i32
    %dma_start3A_526 = tpu.memref_slice %arg3[%dma_start3A_524, %dma_start3A_525] : memref<10000x128xf32, #tpu.memory_space<hbm>> -> memref<10000x128xf32, #tpu.memory_space<hbm>>
    tpu.enqueue_indirect_dma source(%dma_start3A_526 : memref<10000x128xf32, #tpu.memory_space<hbm>>) target(%arg13 : memref<80x128xf32, #tpu.memory_space<vmem>>) offsets(%arg17 : memref<80xi32, #tpu.memory_space<vmem>>) semaphore(%arg25 : memref<!tpu.dma_semaphore, #tpu.memory_space<semaphore_mem>>)
    %while3A_527 = arith.constant 0 : i32
    %while3A_528 = arith.constant 0 : i32
    %while3A_529 = arith.subi %max3A_335, %while3A_528 : i32
    %while3A_530 = arith.addi %while3A_528, %while3A_529 : i32
    %while3A_531 = arith.constant 1 : i32
    %while3A_532 = arith.divsi %while3A_529, %while3A_531 : i32
    %while3A_533 = arith.muli %while3A_532, %while3A_531 : i32
    %while3A_534 = arith.addi %while3A_528, %while3A_533 : i32
    %while3A_535 = arith.constant 1 : i32
    scf.for %while3A_548 = %while3A_528 to %while3A_534 step %while3A_535  : i32 {
      %mul3A_549 = arith.constant 2 : i32
      %mul3A_550 = arith.muli %mul3A_549, %while3A_548 : i32
      %add3A_551 = arith.constant 1 : i32
      %add3A_552 = arith.addi %mul3A_550, %add3A_551 : i32
      %mul3A_553 = arith.constant 80 : i32
      %mul3A_554 = arith.muli %add3A_552, %mul3A_553 : i32
      %add3A_555 = arith.addi %sub3A_449, %mul3A_554 : i32
      %add3A_556 = arith.constant 0 : i32
      %add3A_557 = arith.addi %add3A_555, %add3A_556 : i32
      %get3A_558 = arith.index_cast %add3A_557 : i32 to index
      %get3A_559 = tpu.vector_load %arg10[%get3A_558] {strides = array<i32>} : memref<10352xi32, #tpu.memory_space<vmem>>, vector<16xi32>,
      %swap3A_560 = arith.constant 0 : index
      %swap3A_561 = tpu.vector_load %arg18[%swap3A_560] {strides = array<i32>} : memref<80xi32, #tpu.memory_space<vmem>>, vector<16xi32>,
      tpu.vector_store %arg18[%swap3A_560], %get3A_559 {strides = array<i32>} : memref<80xi32, #tpu.memory_space<vmem>>, vector<16xi32>,
      %add3A_562 = arith.constant 0 : i32
      %add3A_563 = arith.addi %add3A_555, %add3A_562 : i32
      %get3A_564 = arith.index_cast %add3A_563 : i32 to index
      %get3A_565 = tpu.vector_load %arg11[%get3A_564] {strides = array<i32>} : memref<10352xi32, #tpu.memory_space<vmem>>, vector<16xi32>,
      %swap3A_566 = arith.constant 0 : index
      %swap3A_567 = tpu.vector_load %arg20[%swap3A_566] {strides = array<i32>} : memref<80xi32, #tpu.memory_space<vmem>>, vector<16xi32>,
      tpu.vector_store %arg20[%swap3A_566], %get3A_565 {strides = array<i32>} : memref<80xi32, #tpu.memory_space<vmem>>, vector<16xi32>,
      %add3A_568 = arith.constant 16 : i32
      %add3A_569 = arith.addi %add3A_555, %add3A_568 : i32
      %get3A_570 = arith.index_cast %add3A_569 : i32 to index
      %get3A_571 = tpu.vector_load %arg10[%get3A_570] {strides = array<i32>} : memref<10352xi32, #tpu.memory_space<vmem>>, vector<16xi32>,
      %swap3A_572 = arith.constant 16 : index
      %swap3A_573 = tpu.vector_load %arg18[%swap3A_572] {strides = array<i32>} : memref<80xi32, #tpu.memory_space<vmem>>, vector<16xi32>,
      tpu.vector_store %arg18[%swap3A_572], %get3A_571 {strides = array<i32>} : memref<80xi32, #tpu.memory_space<vmem>>, vector<16xi32>,
      %add3A_574 = arith.constant 16 : i32
      %add3A_575 = arith.addi %add3A_555, %add3A_574 : i32
      %get3A_576 = arith.index_cast %add3A_575 : i32 to index
      %get3A_577 = tpu.vector_load %arg11[%get3A_576] {strides = array<i32>} : memref<10352xi32, #tpu.memory_space<vmem>>, vector<16xi32>,
      %swap3A_578 = arith.constant 16 : index
      %swap3A_579 = tpu.vector_load %arg20[%swap3A_578] {strides = array<i32>} : memref<80xi32, #tpu.memory_space<vmem>>, vector<16xi32>,
      tpu.vector_store %arg20[%swap3A_578], %get3A_577 {strides = array<i32>} : memref<80xi32, #tpu.memory_space<vmem>>, vector<16xi32>,
      %add3A_580 = arith.constant 32 : i32
      %add3A_581 = arith.addi %add3A_555, %add3A_580 : i32
      %get3A_582 = arith.index_cast %add3A_581 : i32 to index
      %get3A_583 = tpu.vector_load %arg10[%get3A_582] {strides = array<i32>} : memref<10352xi32, #tpu.memory_space<vmem>>, vector<16xi32>,
      %swap3A_584 = arith.constant 32 : index
      %swap3A_585 = tpu.vector_load %arg18[%swap3A_584] {strides = array<i32>} : memref<80xi32, #tpu.memory_space<vmem>>, vector<16xi32>,
      tpu.vector_store %arg18[%swap3A_584], %get3A_583 {strides = array<i32>} : memref<80xi32, #tpu.memory_space<vmem>>, vector<16xi32>,
      %add3A_586 = arith.constant 32 : i32
      %add3A_587 = arith.addi %add3A_555, %add3A_586 : i32
      %get3A_588 = arith.index_cast %add3A_587 : i32 to index
      %get3A_589 = tpu.vector_load %arg11[%get3A_588] {strides = array<i32>} : memref<10352xi32, #tpu.memory_space<vmem>>, vector<16xi32>,
      %swap3A_590 = arith.constant 32 : index
      %swap3A_591 = tpu.vector_load %arg20[%swap3A_590] {strides = array<i32>} : memref<80xi32, #tpu.memory_space<vmem>>, vector<16xi32>,
      tpu.vector_store %arg20[%swap3A_590], %get3A_589 {strides = array<i32>} : memref<80xi32, #tpu.memory_space<vmem>>, vector<16xi32>,
      %add3A_592 = arith.constant 48 : i32
      %add3A_593 = arith.addi %add3A_555, %add3A_592 : i32
      %get3A_594 = arith.index_cast %add3A_593 : i32 to index
      %get3A_595 = tpu.vector_load %arg10[%get3A_594] {strides = array<i32>} : memref<10352xi32, #tpu.memory_space<vmem>>, vector<16xi32>,
      %swap3A_596 = arith.constant 48 : index
      %swap3A_597 = tpu.vector_load %arg18[%swap3A_596] {strides = array<i32>} : memref<80xi32, #tpu.memory_space<vmem>>, vector<16xi32>,
      tpu.vector_store %arg18[%swap3A_596], %get3A_595 {strides = array<i32>} : memref<80xi32, #tpu.memory_space<vmem>>, vector<16xi32>,
      %add3A_598 = arith.constant 48 : i32
      %add3A_599 = arith.addi %add3A_555, %add3A_598 : i32
      %get3A_600 = arith.index_cast %add3A_599 : i32 to index
      %get3A_601 = tpu.vector_load %arg11[%get3A_600] {strides = array<i32>} : memref<10352xi32, #tpu.memory_space<vmem>>, vector<16xi32>,
      %swap3A_602 = arith.constant 48 : index
      %swap3A_603 = tpu.vector_load %arg20[%swap3A_602] {strides = array<i32>} : memref<80xi32, #tpu.memory_space<vmem>>, vector<16xi32>,
      tpu.vector_store %arg20[%swap3A_602], %get3A_601 {strides = array<i32>} : memref<80xi32, #tpu.memory_space<vmem>>, vector<16xi32>,
      %add3A_604 = arith.constant 64 : i32
      %add3A_605 = arith.addi %add3A_555, %add3A_604 : i32
      %get3A_606 = arith.index_cast %add3A_605 : i32 to index
      %get3A_607 = tpu.vector_load %arg10[%get3A_606] {strides = array<i32>} : memref<10352xi32, #tpu.memory_space<vmem>>, vector<16xi32>,
      %swap3A_608 = arith.constant 64 : index
      %swap3A_609 = tpu.vector_load %arg18[%swap3A_608] {strides = array<i32>} : memref<80xi32, #tpu.memory_space<vmem>>, vector<16xi32>,
      tpu.vector_store %arg18[%swap3A_608], %get3A_607 {strides = array<i32>} : memref<80xi32, #tpu.memory_space<vmem>>, vector<16xi32>,
      %add3A_610 = arith.constant 64 : i32
      %add3A_611 = arith.addi %add3A_555, %add3A_610 : i32
      %get3A_612 = arith.index_cast %add3A_611 : i32 to index
      %get3A_613 = tpu.vector_load %arg11[%get3A_612] {strides = array<i32>} : memref<10352xi32, #tpu.memory_space<vmem>>, vector<16xi32>,
      %swap3A_614 = arith.constant 64 : index
      %swap3A_615 = tpu.vector_load %arg20[%swap3A_614] {strides = array<i32>} : memref<80xi32, #tpu.memory_space<vmem>>, vector<16xi32>,
      tpu.vector_store %arg20[%swap3A_614], %get3A_613 {strides = array<i32>} : memref<80xi32, #tpu.memory_space<vmem>>, vector<16xi32>,
      %dma_start3A_616 = arith.constant 0 : i32
      %dma_start3A_617 = arith.constant 0 : i32
      %dma_start3A_618 = tpu.memref_slice %arg2[%dma_start3A_616, %dma_start3A_617] : memref<10000x128xf32, #tpu.memory_space<hbm>> -> memref<10000x128xf32, #tpu.memory_space<hbm>>
      tpu.enqueue_indirect_dma source(%dma_start3A_618 : memref<10000x128xf32, #tpu.memory_space<hbm>>) target(%arg14 : memref<80x128xf32, #tpu.memory_space<vmem>>) offsets(%arg18 : memref<80xi32, #tpu.memory_space<vmem>>) semaphore(%arg26 : memref<!tpu.dma_semaphore, #tpu.memory_space<semaphore_mem>>)
      %dma_start3A_619 = arith.constant 0 : i32
      %dma_start3A_620 = arith.constant 0 : i32
      %dma_start3A_621 = tpu.memref_slice %arg3[%dma_start3A_619, %dma_start3A_620] : memref<10000x128xf32, #tpu.memory_space<hbm>> -> memref<10000x128xf32, #tpu.memory_space<hbm>>
      tpu.enqueue_indirect_dma source(%dma_start3A_621 : memref<10000x128xf32, #tpu.memory_space<hbm>>) target(%arg15 : memref<80x128xf32, #tpu.memory_space<vmem>>) offsets(%arg18 : memref<80xi32, #tpu.memory_space<vmem>>) semaphore(%arg27 : memref<!tpu.dma_semaphore, #tpu.memory_space<semaphore_mem>>)
      %dma_wait3A = arith.constant 0 : i32
      %dma_wait3A_622 = arith.constant 0 : i32
      %dma_wait3A_623 = tpu.memref_slice %arg2[%dma_wait3A, %dma_wait3A_622] : memref<10000x128xf32, #tpu.memory_space<hbm>> -> memref<10000x128xf32, #tpu.memory_space<hbm>>
      tpu.wait_indirect_dma semaphore(%arg24 : memref<!tpu.dma_semaphore, #tpu.memory_space<semaphore_mem>>) src(%dma_wait3A_623 : memref<10000x128xf32, #tpu.memory_space<hbm>>) dst(%arg12 : memref<80x128xf32, #tpu.memory_space<vmem>>)
      %dma_wait3A_624 = arith.constant 0 : i32
      %dma_wait3A_625 = arith.constant 0 : i32
      %dma_wait3A_626 = tpu.memref_slice %arg3[%dma_wait3A_624, %dma_wait3A_625] : memref<10000x128xf32, #tpu.memory_space<hbm>> -> memref<10000x128xf32, #tpu.memory_space<hbm>>
      tpu.wait_indirect_dma semaphore(%arg25 : memref<!tpu.dma_semaphore, #tpu.memory_space<semaphore_mem>>) src(%dma_wait3A_626 : memref<10000x128xf32, #tpu.memory_space<hbm>>) dst(%arg13 : memref<80x128xf32, #tpu.memory_space<vmem>>)
      %dma_start3A_627 = arith.constant 0 : i32
      %dma_start3A_628 = arith.constant 0 : i32
      %dma_start3A_629 = tpu.memref_slice %arg21[%dma_start3A_627, %dma_start3A_628] : memref<2560x128xf32, #tpu.memory_space<vmem_shared>> -> memref<2560x128xf32, #tpu.memory_space<vmem_shared>>
      tpu.enqueue_indirect_dma source(%arg12 : memref<80x128xf32, #tpu.memory_space<vmem>>) target(%dma_start3A_629 : memref<2560x128xf32, #tpu.memory_space<vmem_shared>>) offsets(%arg19 : memref<80xi32, #tpu.memory_space<vmem>>) semaphore(%arg28 : memref<!tpu.dma_semaphore, #tpu.memory_space<semaphore_mem>>) {add = true}
      %dma_start3A_630 = arith.constant 0 : i32
      %dma_start3A_631 = arith.constant 0 : i32
      %dma_start3A_632 = tpu.memref_slice %arg22[%dma_start3A_630, %dma_start3A_631] : memref<2560x128xf32, #tpu.memory_space<vmem_shared>> -> memref<2560x128xf32, #tpu.memory_space<vmem_shared>>
      tpu.enqueue_indirect_dma source(%arg13 : memref<80x128xf32, #tpu.memory_space<vmem>>) target(%dma_start3A_632 : memref<2560x128xf32, #tpu.memory_space<vmem_shared>>) offsets(%arg19 : memref<80xi32, #tpu.memory_space<vmem>>) semaphore(%arg28 : memref<!tpu.dma_semaphore, #tpu.memory_space<semaphore_mem>>) {add = true}
      %dma_wait3A_633 = arith.constant 0 : i32
      %dma_wait3A_634 = arith.constant 0 : i32
      %dma_wait3A_635 = tpu.memref_slice %arg21[%dma_wait3A_633, %dma_wait3A_634] : memref<2560x128xf32, #tpu.memory_space<vmem_shared>> -> memref<2560x128xf32, #tpu.memory_space<vmem_shared>>
      tpu.wait_indirect_dma semaphore(%arg28 : memref<!tpu.dma_semaphore, #tpu.memory_space<semaphore_mem>>) src(%arg12 : memref<80x128xf32, #tpu.memory_space<vmem>>) dst(%dma_wait3A_635 : memref<2560x128xf32, #tpu.memory_space<vmem_shared>>)
      %dma_wait3A_636 = arith.constant 0 : i32
      %dma_wait3A_637 = arith.constant 0 : i32
      %dma_wait3A_638 = tpu.memref_slice %arg22[%dma_wait3A_636, %dma_wait3A_637] : memref<2560x128xf32, #tpu.memory_space<vmem_shared>> -> memref<2560x128xf32, #tpu.memory_space<vmem_shared>>
      tpu.wait_indirect_dma semaphore(%arg28 : memref<!tpu.dma_semaphore, #tpu.memory_space<semaphore_mem>>) src(%arg13 : memref<80x128xf32, #tpu.memory_space<vmem>>) dst(%dma_wait3A_638 : memref<2560x128xf32, #tpu.memory_space<vmem_shared>>)
      %add3A_639 = arith.constant 1 : i32
      %add3A_640 = arith.addi %while3A_548, %add3A_639 : i32
      %lt3A_641 = arith.cmpi slt, %add3A_640, %max3A_335 : i32
      %convert_element_type3A_642 = arith.extui %lt3A_641 : i1 to i32
      %cond3A_643 = arith.constant 0 : i32
      %cond3A_644 = arith.cmpi ne, %convert_element_type3A_642, %cond3A_643 : i32
      scf.if %cond3A_644 {
        %mul3A_663 = arith.constant 2 : i32
        %mul3A_664 = arith.muli %mul3A_663, %while3A_548 : i32
        %add3A_665 = arith.constant 2 : i32
        %add3A_666 = arith.addi %mul3A_664, %add3A_665 : i32
        %mul3A_667 = arith.constant 80 : i32
        %mul3A_668 = arith.muli %add3A_666, %mul3A_667 : i32
        %add3A_669 = arith.addi %sub3A_449, %mul3A_668 : i32
        %add3A_670 = arith.constant 0 : i32
        %add3A_671 = arith.addi %add3A_669, %add3A_670 : i32
        %get3A_672 = arith.index_cast %add3A_671 : i32 to index
        %get3A_673 = tpu.vector_load %arg10[%get3A_672] {strides = array<i32>} : memref<10352xi32, #tpu.memory_space<vmem>>, vector<16xi32>,
        %swap3A_674 = arith.constant 0 : index
        %swap3A_675 = tpu.vector_load %arg17[%swap3A_674] {strides = array<i32>} : memref<80xi32, #tpu.memory_space<vmem>>, vector<16xi32>,
        tpu.vector_store %arg17[%swap3A_674], %get3A_673 {strides = array<i32>} : memref<80xi32, #tpu.memory_space<vmem>>, vector<16xi32>,
        %add3A_676 = arith.constant 0 : i32
        %add3A_677 = arith.addi %add3A_669, %add3A_676 : i32
        %get3A_678 = arith.index_cast %add3A_677 : i32 to index
        %get3A_679 = tpu.vector_load %arg11[%get3A_678] {strides = array<i32>} : memref<10352xi32, #tpu.memory_space<vmem>>, vector<16xi32>,
        %swap3A_680 = arith.constant 0 : index
        %swap3A_681 = tpu.vector_load %arg19[%swap3A_680] {strides = array<i32>} : memref<80xi32, #tpu.memory_space<vmem>>, vector<16xi32>,
        tpu.vector_store %arg19[%swap3A_680], %get3A_679 {strides = array<i32>} : memref<80xi32, #tpu.memory_space<vmem>>, vector<16xi32>,
        %add3A_682 = arith.constant 16 : i32
        %add3A_683 = arith.addi %add3A_669, %add3A_682 : i32
        %get3A_684 = arith.index_cast %add3A_683 : i32 to index
        %get3A_685 = tpu.vector_load %arg10[%get3A_684] {strides = array<i32>} : memref<10352xi32, #tpu.memory_space<vmem>>, vector<16xi32>,
        %swap3A_686 = arith.constant 16 : index
        %swap3A_687 = tpu.vector_load %arg17[%swap3A_686] {strides = array<i32>} : memref<80xi32, #tpu.memory_space<vmem>>, vector<16xi32>,
        tpu.vector_store %arg17[%swap3A_686], %get3A_685 {strides = array<i32>} : memref<80xi32, #tpu.memory_space<vmem>>, vector<16xi32>,
        %add3A_688 = arith.constant 16 : i32
        %add3A_689 = arith.addi %add3A_669, %add3A_688 : i32
        %get3A_690 = arith.index_cast %add3A_689 : i32 to index
        %get3A_691 = tpu.vector_load %arg11[%get3A_690] {strides = array<i32>} : memref<10352xi32, #tpu.memory_space<vmem>>, vector<16xi32>,
        %swap3A_692 = arith.constant 16 : index
        %swap3A_693 = tpu.vector_load %arg19[%swap3A_692] {strides = array<i32>} : memref<80xi32, #tpu.memory_space<vmem>>, vector<16xi32>,
        tpu.vector_store %arg19[%swap3A_692], %get3A_691 {strides = array<i32>} : memref<80xi32, #tpu.memory_space<vmem>>, vector<16xi32>,
        %add3A_694 = arith.constant 32 : i32
        %add3A_695 = arith.addi %add3A_669, %add3A_694 : i32
        %get3A_696 = arith.index_cast %add3A_695 : i32 to index
        %get3A_697 = tpu.vector_load %arg10[%get3A_696] {strides = array<i32>} : memref<10352xi32, #tpu.memory_space<vmem>>, vector<16xi32>,
        %swap3A_698 = arith.constant 32 : index
        %swap3A_699 = tpu.vector_load %arg17[%swap3A_698] {strides = array<i32>} : memref<80xi32, #tpu.memory_space<vmem>>, vector<16xi32>,
        tpu.vector_store %arg17[%swap3A_698], %get3A_697 {strides = array<i32>} : memref<80xi32, #tpu.memory_space<vmem>>, vector<16xi32>,
        %add3A_700 = arith.constant 32 : i32
        %add3A_701 = arith.addi %add3A_669, %add3A_700 : i32
        %get3A_702 = arith.index_cast %add3A_701 : i32 to index
        %get3A_703 = tpu.vector_load %arg11[%get3A_702] {strides = array<i32>} : memref<10352xi32, #tpu.memory_space<vmem>>, vector<16xi32>,
        %swap3A_704 = arith.constant 32 : index
        %swap3A_705 = tpu.vector_load %arg19[%swap3A_704] {strides = array<i32>} : memref<80xi32, #tpu.memory_space<vmem>>, vector<16xi32>,
        tpu.vector_store %arg19[%swap3A_704], %get3A_703 {strides = array<i32>} : memref<80xi32, #tpu.memory_space<vmem>>, vector<16xi32>,
        %add3A_706 = arith.constant 48 : i32
        %add3A_707 = arith.addi %add3A_669, %add3A_706 : i32
        %get3A_708 = arith.index_cast %add3A_707 : i32 to index
        %get3A_709 = tpu.vector_load %arg10[%get3A_708] {strides = array<i32>} : memref<10352xi32, #tpu.memory_space<vmem>>, vector<16xi32>,
        %swap3A_710 = arith.constant 48 : index
        %swap3A_711 = tpu.vector_load %arg17[%swap3A_710] {strides = array<i32>} : memref<80xi32, #tpu.memory_space<vmem>>, vector<16xi32>,
        tpu.vector_store %arg17[%swap3A_710], %get3A_709 {strides = array<i32>} : memref<80xi32, #tpu.memory_space<vmem>>, vector<16xi32>,
        %add3A_712 = arith.constant 48 : i32
        %add3A_713 = arith.addi %add3A_669, %add3A_712 : i32
        %get3A_714 = arith.index_cast %add3A_713 : i32 to index
        %get3A_715 = tpu.vector_load %arg11[%get3A_714] {strides = array<i32>} : memref<10352xi32, #tpu.memory_space<vmem>>, vector<16xi32>,
        %swap3A_716 = arith.constant 48 : index
        %swap3A_717 = tpu.vector_load %arg19[%swap3A_716] {strides = array<i32>} : memref<80xi32, #tpu.memory_space<vmem>>, vector<16xi32>,
        tpu.vector_store %arg19[%swap3A_716], %get3A_715 {strides = array<i32>} : memref<80xi32, #tpu.memory_space<vmem>>, vector<16xi32>,
        %add3A_718 = arith.constant 64 : i32
        %add3A_719 = arith.addi %add3A_669, %add3A_718 : i32
        %get3A_720 = arith.index_cast %add3A_719 : i32 to index
        %get3A_721 = tpu.vector_load %arg10[%get3A_720] {strides = array<i32>} : memref<10352xi32, #tpu.memory_space<vmem>>, vector<16xi32>,
        %swap3A_722 = arith.constant 64 : index
        %swap3A_723 = tpu.vector_load %arg17[%swap3A_722] {strides = array<i32>} : memref<80xi32, #tpu.memory_space<vmem>>, vector<16xi32>,
        tpu.vector_store %arg17[%swap3A_722], %get3A_721 {strides = array<i32>} : memref<80xi32, #tpu.memory_space<vmem>>, vector<16xi32>,
        %add3A_724 = arith.constant 64 : i32
        %add3A_725 = arith.addi %add3A_669, %add3A_724 : i32
        %get3A_726 = arith.index_cast %add3A_725 : i32 to index
        %get3A_727 = tpu.vector_load %arg11[%get3A_726] {strides = array<i32>} : memref<10352xi32, #tpu.memory_space<vmem>>, vector<16xi32>,
        %swap3A_728 = arith.constant 64 : index
        %swap3A_729 = tpu.vector_load %arg19[%swap3A_728] {strides = array<i32>} : memref<80xi32, #tpu.memory_space<vmem>>, vector<16xi32>,
        tpu.vector_store %arg19[%swap3A_728], %get3A_727 {strides = array<i32>} : memref<80xi32, #tpu.memory_space<vmem>>, vector<16xi32>,
        %dma_start3A_730 = arith.constant 0 : i32
        %dma_start3A_731 = arith.constant 0 : i32
        %dma_start3A_732 = tpu.memref_slice %arg2[%dma_start3A_730, %dma_start3A_731] : memref<10000x128xf32, #tpu.memory_space<hbm>> -> memref<10000x128xf32, #tpu.memory_space<hbm>>
        tpu.enqueue_indirect_dma source(%dma_start3A_732 : memref<10000x128xf32, #tpu.memory_space<hbm>>) target(%arg12 : memref<80x128xf32, #tpu.memory_space<vmem>>) offsets(%arg17 : memref<80xi32, #tpu.memory_space<vmem>>) semaphore(%arg24 : memref<!tpu.dma_semaphore, #tpu.memory_space<semaphore_mem>>)
        %dma_start3A_733 = arith.constant 0 : i32
        %dma_start3A_734 = arith.constant 0 : i32
        %dma_start3A_735 = tpu.memref_slice %arg3[%dma_start3A_733, %dma_start3A_734] : memref<10000x128xf32, #tpu.memory_space<hbm>> -> memref<10000x128xf32, #tpu.memory_space<hbm>>
        tpu.enqueue_indirect_dma source(%dma_start3A_735 : memref<10000x128xf32, #tpu.memory_space<hbm>>) target(%arg13 : memref<80x128xf32, #tpu.memory_space<vmem>>) offsets(%arg17 : memref<80xi32, #tpu.memory_space<vmem>>) semaphore(%arg25 : memref<!tpu.dma_semaphore, #tpu.memory_space<semaphore_mem>>)
      } else {
      }
      %dma_wait3A_645 = arith.constant 0 : i32
      %dma_wait3A_646 = arith.constant 0 : i32
      %dma_wait3A_647 = tpu.memref_slice %arg2[%dma_wait3A_645, %dma_wait3A_646] : memref<10000x128xf32, #tpu.memory_space<hbm>> -> memref<10000x128xf32, #tpu.memory_space<hbm>>
      tpu.wait_indirect_dma semaphore(%arg26 : memref<!tpu.dma_semaphore, #tpu.memory_space<semaphore_mem>>) src(%dma_wait3A_647 : memref<10000x128xf32, #tpu.memory_space<hbm>>) dst(%arg14 : memref<80x128xf32, #tpu.memory_space<vmem>>)
      %dma_wait3A_648 = arith.constant 0 : i32
      %dma_wait3A_649 = arith.constant 0 : i32
      %dma_wait3A_650 = tpu.memref_slice %arg3[%dma_wait3A_648, %dma_wait3A_649] : memref<10000x128xf32, #tpu.memory_space<hbm>> -> memref<10000x128xf32, #tpu.memory_space<hbm>>
      tpu.wait_indirect_dma semaphore(%arg27 : memref<!tpu.dma_semaphore, #tpu.memory_space<semaphore_mem>>) src(%dma_wait3A_650 : memref<10000x128xf32, #tpu.memory_space<hbm>>) dst(%arg15 : memref<80x128xf32, #tpu.memory_space<vmem>>)
      %dma_start3A_651 = arith.constant 0 : i32
      %dma_start3A_652 = arith.constant 0 : i32
      %dma_start3A_653 = tpu.memref_slice %arg21[%dma_start3A_651, %dma_start3A_652] : memref<2560x128xf32, #tpu.memory_space<vmem_shared>> -> memref<2560x128xf32, #tpu.memory_space<vmem_shared>>
      tpu.enqueue_indirect_dma source(%arg14 : memref<80x128xf32, #tpu.memory_space<vmem>>) target(%dma_start3A_653 : memref<2560x128xf32, #tpu.memory_space<vmem_shared>>) offsets(%arg20 : memref<80xi32, #tpu.memory_space<vmem>>) semaphore(%arg29 : memref<!tpu.dma_semaphore, #tpu.memory_space<semaphore_mem>>) {add = true}
      %dma_start3A_654 = arith.constant 0 : i32
      %dma_start3A_655 = arith.constant 0 : i32
      %dma_start3A_656 = tpu.memref_slice %arg22[%dma_start3A_654, %dma_start3A_655] : memref<2560x128xf32, #tpu.memory_space<vmem_shared>> -> memref<2560x128xf32, #tpu.memory_space<vmem_shared>>
      tpu.enqueue_indirect_dma source(%arg15 : memref<80x128xf32, #tpu.memory_space<vmem>>) target(%dma_start3A_656 : memref<2560x128xf32, #tpu.memory_space<vmem_shared>>) offsets(%arg20 : memref<80xi32, #tpu.memory_space<vmem>>) semaphore(%arg29 : memref<!tpu.dma_semaphore, #tpu.memory_space<semaphore_mem>>) {add = true}
      %dma_wait3A_657 = arith.constant 0 : i32
      %dma_wait3A_658 = arith.constant 0 : i32
      %dma_wait3A_659 = tpu.memref_slice %arg21[%dma_wait3A_657, %dma_wait3A_658] : memref<2560x128xf32, #tpu.memory_space<vmem_shared>> -> memref<2560x128xf32, #tpu.memory_space<vmem_shared>>
      tpu.wait_indirect_dma semaphore(%arg29 : memref<!tpu.dma_semaphore, #tpu.memory_space<semaphore_mem>>) src(%arg14 : memref<80x128xf32, #tpu.memory_space<vmem>>) dst(%dma_wait3A_659 : memref<2560x128xf32, #tpu.memory_space<vmem_shared>>)
      %dma_wait3A_660 = arith.constant 0 : i32
      %dma_wait3A_661 = arith.constant 0 : i32
      %dma_wait3A_662 = tpu.memref_slice %arg22[%dma_wait3A_660, %dma_wait3A_661] : memref<2560x128xf32, #tpu.memory_space<vmem_shared>> -> memref<2560x128xf32, #tpu.memory_space<vmem_shared>>
      tpu.wait_indirect_dma semaphore(%arg29 : memref<!tpu.dma_semaphore, #tpu.memory_space<semaphore_mem>>) src(%arg15 : memref<80x128xf32, #tpu.memory_space<vmem>>) dst(%dma_wait3A_662 : memref<2560x128xf32, #tpu.memory_space<vmem_shared>>)
    }
    %while3A_536 = arith.constant 1 : i32
    scf.for %while3A_548 = %while3A_534 to %while3A_530 step %while3A_536  : i32 {
      %mul3A_549 = arith.constant 2 : i32
      %mul3A_550 = arith.muli %mul3A_549, %while3A_548 : i32
      %add3A_551 = arith.constant 1 : i32
      %add3A_552 = arith.addi %mul3A_550, %add3A_551 : i32
      %mul3A_553 = arith.constant 80 : i32
      %mul3A_554 = arith.muli %add3A_552, %mul3A_553 : i32
      %add3A_555 = arith.addi %sub3A_449, %mul3A_554 : i32
      %add3A_556 = arith.constant 0 : i32
      %add3A_557 = arith.addi %add3A_555, %add3A_556 : i32
      %get3A_558 = arith.index_cast %add3A_557 : i32 to index
      %get3A_559 = tpu.vector_load %arg10[%get3A_558] {strides = array<i32>} : memref<10352xi32, #tpu.memory_space<vmem>>, vector<16xi32>,
      %swap3A_560 = arith.constant 0 : index
      %swap3A_561 = tpu.vector_load %arg18[%swap3A_560] {strides = array<i32>} : memref<80xi32, #tpu.memory_space<vmem>>, vector<16xi32>,
      tpu.vector_store %arg18[%swap3A_560], %get3A_559 {strides = array<i32>} : memref<80xi32, #tpu.memory_space<vmem>>, vector<16xi32>,
      %add3A_562 = arith.constant 0 : i32
      %add3A_563 = arith.addi %add3A_555, %add3A_562 : i32
      %get3A_564 = arith.index_cast %add3A_563 : i32 to index
      %get3A_565 = tpu.vector_load %arg11[%get3A_564] {strides = array<i32>} : memref<10352xi32, #tpu.memory_space<vmem>>, vector<16xi32>,
      %swap3A_566 = arith.constant 0 : index
      %swap3A_567 = tpu.vector_load %arg20[%swap3A_566] {strides = array<i32>} : memref<80xi32, #tpu.memory_space<vmem>>, vector<16xi32>,
      tpu.vector_store %arg20[%swap3A_566], %get3A_565 {strides = array<i32>} : memref<80xi32, #tpu.memory_space<vmem>>, vector<16xi32>,
      %add3A_568 = arith.constant 16 : i32
      %add3A_569 = arith.addi %add3A_555, %add3A_568 : i32
      %get3A_570 = arith.index_cast %add3A_569 : i32 to index
      %get3A_571 = tpu.vector_load %arg10[%get3A_570] {strides = array<i32>} : memref<10352xi32, #tpu.memory_space<vmem>>, vector<16xi32>,
      %swap3A_572 = arith.constant 16 : index
      %swap3A_573 = tpu.vector_load %arg18[%swap3A_572] {strides = array<i32>} : memref<80xi32, #tpu.memory_space<vmem>>, vector<16xi32>,
      tpu.vector_store %arg18[%swap3A_572], %get3A_571 {strides = array<i32>} : memref<80xi32, #tpu.memory_space<vmem>>, vector<16xi32>,
      %add3A_574 = arith.constant 16 : i32
      %add3A_575 = arith.addi %add3A_555, %add3A_574 : i32
      %get3A_576 = arith.index_cast %add3A_575 : i32 to index
      %get3A_577 = tpu.vector_load %arg11[%get3A_576] {strides = array<i32>} : memref<10352xi32, #tpu.memory_space<vmem>>, vector<16xi32>,
      %swap3A_578 = arith.constant 16 : index
      %swap3A_579 = tpu.vector_load %arg20[%swap3A_578] {strides = array<i32>} : memref<80xi32, #tpu.memory_space<vmem>>, vector<16xi32>,
      tpu.vector_store %arg20[%swap3A_578], %get3A_577 {strides = array<i32>} : memref<80xi32, #tpu.memory_space<vmem>>, vector<16xi32>,
      %add3A_580 = arith.constant 32 : i32
      %add3A_581 = arith.addi %add3A_555, %add3A_580 : i32
      %get3A_582 = arith.index_cast %add3A_581 : i32 to index
      %get3A_583 = tpu.vector_load %arg10[%get3A_582] {strides = array<i32>} : memref<10352xi32, #tpu.memory_space<vmem>>, vector<16xi32>,
      %swap3A_584 = arith.constant 32 : index
      %swap3A_585 = tpu.vector_load %arg18[%swap3A_584] {strides = array<i32>} : memref<80xi32, #tpu.memory_space<vmem>>, vector<16xi32>,
      tpu.vector_store %arg18[%swap3A_584], %get3A_583 {strides = array<i32>} : memref<80xi32, #tpu.memory_space<vmem>>, vector<16xi32>,
      %add3A_586 = arith.constant 32 : i32
      %add3A_587 = arith.addi %add3A_555, %add3A_586 : i32
      %get3A_588 = arith.index_cast %add3A_587 : i32 to index
      %get3A_589 = tpu.vector_load %arg11[%get3A_588] {strides = array<i32>} : memref<10352xi32, #tpu.memory_space<vmem>>, vector<16xi32>,
      %swap3A_590 = arith.constant 32 : index
      %swap3A_591 = tpu.vector_load %arg20[%swap3A_590] {strides = array<i32>} : memref<80xi32, #tpu.memory_space<vmem>>, vector<16xi32>,
      tpu.vector_store %arg20[%swap3A_590], %get3A_589 {strides = array<i32>} : memref<80xi32, #tpu.memory_space<vmem>>, vector<16xi32>,
      %add3A_592 = arith.constant 48 : i32
      %add3A_593 = arith.addi %add3A_555, %add3A_592 : i32
      %get3A_594 = arith.index_cast %add3A_593 : i32 to index
      %get3A_595 = tpu.vector_load %arg10[%get3A_594] {strides = array<i32>} : memref<10352xi32, #tpu.memory_space<vmem>>, vector<16xi32>,
      %swap3A_596 = arith.constant 48 : index
      %swap3A_597 = tpu.vector_load %arg18[%swap3A_596] {strides = array<i32>} : memref<80xi32, #tpu.memory_space<vmem>>, vector<16xi32>,
      tpu.vector_store %arg18[%swap3A_596], %get3A_595 {strides = array<i32>} : memref<80xi32, #tpu.memory_space<vmem>>, vector<16xi32>,
      %add3A_598 = arith.constant 48 : i32
      %add3A_599 = arith.addi %add3A_555, %add3A_598 : i32
      %get3A_600 = arith.index_cast %add3A_599 : i32 to index
      %get3A_601 = tpu.vector_load %arg11[%get3A_600] {strides = array<i32>} : memref<10352xi32, #tpu.memory_space<vmem>>, vector<16xi32>,
      %swap3A_602 = arith.constant 48 : index
      %swap3A_603 = tpu.vector_load %arg20[%swap3A_602] {strides = array<i32>} : memref<80xi32, #tpu.memory_space<vmem>>, vector<16xi32>,
      tpu.vector_store %arg20[%swap3A_602], %get3A_601 {strides = array<i32>} : memref<80xi32, #tpu.memory_space<vmem>>, vector<16xi32>,
      %add3A_604 = arith.constant 64 : i32
      %add3A_605 = arith.addi %add3A_555, %add3A_604 : i32
      %get3A_606 = arith.index_cast %add3A_605 : i32 to index
      %get3A_607 = tpu.vector_load %arg10[%get3A_606] {strides = array<i32>} : memref<10352xi32, #tpu.memory_space<vmem>>, vector<16xi32>,
      %swap3A_608 = arith.constant 64 : index
      %swap3A_609 = tpu.vector_load %arg18[%swap3A_608] {strides = array<i32>} : memref<80xi32, #tpu.memory_space<vmem>>, vector<16xi32>,
      tpu.vector_store %arg18[%swap3A_608], %get3A_607 {strides = array<i32>} : memref<80xi32, #tpu.memory_space<vmem>>, vector<16xi32>,
      %add3A_610 = arith.constant 64 : i32
      %add3A_611 = arith.addi %add3A_555, %add3A_610 : i32
      %get3A_612 = arith.index_cast %add3A_611 : i32 to index
      %get3A_613 = tpu.vector_load %arg11[%get3A_612] {strides = array<i32>} : memref<10352xi32, #tpu.memory_space<vmem>>, vector<16xi32>,
      %swap3A_614 = arith.constant 64 : index
      %swap3A_615 = tpu.vector_load %arg20[%swap3A_614] {strides = array<i32>} : memref<80xi32, #tpu.memory_space<vmem>>, vector<16xi32>,
      tpu.vector_store %arg20[%swap3A_614], %get3A_613 {strides = array<i32>} : memref<80xi32, #tpu.memory_space<vmem>>, vector<16xi32>,
      %dma_start3A_616 = arith.constant 0 : i32
      %dma_start3A_617 = arith.constant 0 : i32
      %dma_start3A_618 = tpu.memref_slice %arg2[%dma_start3A_616, %dma_start3A_617] : memref<10000x128xf32, #tpu.memory_space<hbm>> -> memref<10000x128xf32, #tpu.memory_space<hbm>>
      tpu.enqueue_indirect_dma source(%dma_start3A_618 : memref<10000x128xf32, #tpu.memory_space<hbm>>) target(%arg14 : memref<80x128xf32, #tpu.memory_space<vmem>>) offsets(%arg18 : memref<80xi32, #tpu.memory_space<vmem>>) semaphore(%arg26 : memref<!tpu.dma_semaphore, #tpu.memory_space<semaphore_mem>>)
      %dma_start3A_619 = arith.constant 0 : i32
      %dma_start3A_620 = arith.constant 0 : i32
      %dma_start3A_621 = tpu.memref_slice %arg3[%dma_start3A_619, %dma_start3A_620] : memref<10000x128xf32, #tpu.memory_space<hbm>> -> memref<10000x128xf32, #tpu.memory_space<hbm>>
      tpu.enqueue_indirect_dma source(%dma_start3A_621 : memref<10000x128xf32, #tpu.memory_space<hbm>>) target(%arg15 : memref<80x128xf32, #tpu.memory_space<vmem>>) offsets(%arg18 : memref<80xi32, #tpu.memory_space<vmem>>) semaphore(%arg27 : memref<!tpu.dma_semaphore, #tpu.memory_space<semaphore_mem>>)
      %dma_wait3A = arith.constant 0 : i32
      %dma_wait3A_622 = arith.constant 0 : i32
      %dma_wait3A_623 = tpu.memref_slice %arg2[%dma_wait3A, %dma_wait3A_622] : memref<10000x128xf32, #tpu.memory_space<hbm>> -> memref<10000x128xf32, #tpu.memory_space<hbm>>
      tpu.wait_indirect_dma semaphore(%arg24 : memref<!tpu.dma_semaphore, #tpu.memory_space<semaphore_mem>>) src(%dma_wait3A_623 : memref<10000x128xf32, #tpu.memory_space<hbm>>) dst(%arg12 : memref<80x128xf32, #tpu.memory_space<vmem>>)
      %dma_wait3A_624 = arith.constant 0 : i32
      %dma_wait3A_625 = arith.constant 0 : i32
      %dma_wait3A_626 = tpu.memref_slice %arg3[%dma_wait3A_624, %dma_wait3A_625] : memref<10000x128xf32, #tpu.memory_space<hbm>> -> memref<10000x128xf32, #tpu.memory_space<hbm>>
      tpu.wait_indirect_dma semaphore(%arg25 : memref<!tpu.dma_semaphore, #tpu.memory_space<semaphore_mem>>) src(%dma_wait3A_626 : memref<10000x128xf32, #tpu.memory_space<hbm>>) dst(%arg13 : memref<80x128xf32, #tpu.memory_space<vmem>>)
      %dma_start3A_627 = arith.constant 0 : i32
      %dma_start3A_628 = arith.constant 0 : i32
      %dma_start3A_629 = tpu.memref_slice %arg21[%dma_start3A_627, %dma_start3A_628] : memref<2560x128xf32, #tpu.memory_space<vmem_shared>> -> memref<2560x128xf32, #tpu.memory_space<vmem_shared>>
      tpu.enqueue_indirect_dma source(%arg12 : memref<80x128xf32, #tpu.memory_space<vmem>>) target(%dma_start3A_629 : memref<2560x128xf32, #tpu.memory_space<vmem_shared>>) offsets(%arg19 : memref<80xi32, #tpu.memory_space<vmem>>) semaphore(%arg28 : memref<!tpu.dma_semaphore, #tpu.memory_space<semaphore_mem>>) {add = true}
      %dma_start3A_630 = arith.constant 0 : i32
      %dma_start3A_631 = arith.constant 0 : i32
      %dma_start3A_632 = tpu.memref_slice %arg22[%dma_start3A_630, %dma_start3A_631] : memref<2560x128xf32, #tpu.memory_space<vmem_shared>> -> memref<2560x128xf32, #tpu.memory_space<vmem_shared>>
      tpu.enqueue_indirect_dma source(%arg13 : memref<80x128xf32, #tpu.memory_space<vmem>>) target(%dma_start3A_632 : memref<2560x128xf32, #tpu.memory_space<vmem_shared>>) offsets(%arg19 : memref<80xi32, #tpu.memory_space<vmem>>) semaphore(%arg28 : memref<!tpu.dma_semaphore, #tpu.memory_space<semaphore_mem>>) {add = true}
      %dma_wait3A_633 = arith.constant 0 : i32
      %dma_wait3A_634 = arith.constant 0 : i32
      %dma_wait3A_635 = tpu.memref_slice %arg21[%dma_wait3A_633, %dma_wait3A_634] : memref<2560x128xf32, #tpu.memory_space<vmem_shared>> -> memref<2560x128xf32, #tpu.memory_space<vmem_shared>>
      tpu.wait_indirect_dma semaphore(%arg28 : memref<!tpu.dma_semaphore, #tpu.memory_space<semaphore_mem>>) src(%arg12 : memref<80x128xf32, #tpu.memory_space<vmem>>) dst(%dma_wait3A_635 : memref<2560x128xf32, #tpu.memory_space<vmem_shared>>)
      %dma_wait3A_636 = arith.constant 0 : i32
      %dma_wait3A_637 = arith.constant 0 : i32
      %dma_wait3A_638 = tpu.memref_slice %arg22[%dma_wait3A_636, %dma_wait3A_637] : memref<2560x128xf32, #tpu.memory_space<vmem_shared>> -> memref<2560x128xf32, #tpu.memory_space<vmem_shared>>
      tpu.wait_indirect_dma semaphore(%arg28 : memref<!tpu.dma_semaphore, #tpu.memory_space<semaphore_mem>>) src(%arg13 : memref<80x128xf32, #tpu.memory_space<vmem>>) dst(%dma_wait3A_638 : memref<2560x128xf32, #tpu.memory_space<vmem_shared>>)
      %add3A_639 = arith.constant 1 : i32
      %add3A_640 = arith.addi %while3A_548, %add3A_639 : i32
      %lt3A_641 = arith.cmpi slt, %add3A_640, %max3A_335 : i32
      %convert_element_type3A_642 = arith.extui %lt3A_641 : i1 to i32
      %cond3A_643 = arith.constant 0 : i32
      %cond3A_644 = arith.cmpi ne, %convert_element_type3A_642, %cond3A_643 : i32
      scf.if %cond3A_644 {
        %mul3A_663 = arith.constant 2 : i32
        %mul3A_664 = arith.muli %mul3A_663, %while3A_548 : i32
        %add3A_665 = arith.constant 2 : i32
        %add3A_666 = arith.addi %mul3A_664, %add3A_665 : i32
        %mul3A_667 = arith.constant 80 : i32
        %mul3A_668 = arith.muli %add3A_666, %mul3A_667 : i32
        %add3A_669 = arith.addi %sub3A_449, %mul3A_668 : i32
        %add3A_670 = arith.constant 0 : i32
        %add3A_671 = arith.addi %add3A_669, %add3A_670 : i32
        %get3A_672 = arith.index_cast %add3A_671 : i32 to index
        %get3A_673 = tpu.vector_load %arg10[%get3A_672] {strides = array<i32>} : memref<10352xi32, #tpu.memory_space<vmem>>, vector<16xi32>,
        %swap3A_674 = arith.constant 0 : index
        %swap3A_675 = tpu.vector_load %arg17[%swap3A_674] {strides = array<i32>} : memref<80xi32, #tpu.memory_space<vmem>>, vector<16xi32>,
        tpu.vector_store %arg17[%swap3A_674], %get3A_673 {strides = array<i32>} : memref<80xi32, #tpu.memory_space<vmem>>, vector<16xi32>,
        %add3A_676 = arith.constant 0 : i32
        %add3A_677 = arith.addi %add3A_669, %add3A_676 : i32
        %get3A_678 = arith.index_cast %add3A_677 : i32 to index
        %get3A_679 = tpu.vector_load %arg11[%get3A_678] {strides = array<i32>} : memref<10352xi32, #tpu.memory_space<vmem>>, vector<16xi32>,
        %swap3A_680 = arith.constant 0 : index
        %swap3A_681 = tpu.vector_load %arg19[%swap3A_680] {strides = array<i32>} : memref<80xi32, #tpu.memory_space<vmem>>, vector<16xi32>,
        tpu.vector_store %arg19[%swap3A_680], %get3A_679 {strides = array<i32>} : memref<80xi32, #tpu.memory_space<vmem>>, vector<16xi32>,
        %add3A_682 = arith.constant 16 : i32
        %add3A_683 = arith.addi %add3A_669, %add3A_682 : i32
        %get3A_684 = arith.index_cast %add3A_683 : i32 to index
        %get3A_685 = tpu.vector_load %arg10[%get3A_684] {strides = array<i32>} : memref<10352xi32, #tpu.memory_space<vmem>>, vector<16xi32>,
        %swap3A_686 = arith.constant 16 : index
        %swap3A_687 = tpu.vector_load %arg17[%swap3A_686] {strides = array<i32>} : memref<80xi32, #tpu.memory_space<vmem>>, vector<16xi32>,
        tpu.vector_store %arg17[%swap3A_686], %get3A_685 {strides = array<i32>} : memref<80xi32, #tpu.memory_space<vmem>>, vector<16xi32>,
        %add3A_688 = arith.constant 16 : i32
        %add3A_689 = arith.addi %add3A_669, %add3A_688 : i32
        %get3A_690 = arith.index_cast %add3A_689 : i32 to index
        %get3A_691 = tpu.vector_load %arg11[%get3A_690] {strides = array<i32>} : memref<10352xi32, #tpu.memory_space<vmem>>, vector<16xi32>,
        %swap3A_692 = arith.constant 16 : index
        %swap3A_693 = tpu.vector_load %arg19[%swap3A_692] {strides = array<i32>} : memref<80xi32, #tpu.memory_space<vmem>>, vector<16xi32>,
        tpu.vector_store %arg19[%swap3A_692], %get3A_691 {strides = array<i32>} : memref<80xi32, #tpu.memory_space<vmem>>, vector<16xi32>,
        %add3A_694 = arith.constant 32 : i32
        %add3A_695 = arith.addi %add3A_669, %add3A_694 : i32
        %get3A_696 = arith.index_cast %add3A_695 : i32 to index
        %get3A_697 = tpu.vector_load %arg10[%get3A_696] {strides = array<i32>} : memref<10352xi32, #tpu.memory_space<vmem>>, vector<16xi32>,
        %swap3A_698 = arith.constant 32 : index
        %swap3A_699 = tpu.vector_load %arg17[%swap3A_698] {strides = array<i32>} : memref<80xi32, #tpu.memory_space<vmem>>, vector<16xi32>,
        tpu.vector_store %arg17[%swap3A_698], %get3A_697 {strides = array<i32>} : memref<80xi32, #tpu.memory_space<vmem>>, vector<16xi32>,
        %add3A_700 = arith.constant 32 : i32
        %add3A_701 = arith.addi %add3A_669, %add3A_700 : i32
        %get3A_702 = arith.index_cast %add3A_701 : i32 to index
        %get3A_703 = tpu.vector_load %arg11[%get3A_702] {strides = array<i32>} : memref<10352xi32, #tpu.memory_space<vmem>>, vector<16xi32>,
        %swap3A_704 = arith.constant 32 : index
        %swap3A_705 = tpu.vector_load %arg19[%swap3A_704] {strides = array<i32>} : memref<80xi32, #tpu.memory_space<vmem>>, vector<16xi32>,
        tpu.vector_store %arg19[%swap3A_704], %get3A_703 {strides = array<i32>} : memref<80xi32, #tpu.memory_space<vmem>>, vector<16xi32>,
        %add3A_706 = arith.constant 48 : i32
        %add3A_707 = arith.addi %add3A_669, %add3A_706 : i32
        %get3A_708 = arith.index_cast %add3A_707 : i32 to index
        %get3A_709 = tpu.vector_load %arg10[%get3A_708] {strides = array<i32>} : memref<10352xi32, #tpu.memory_space<vmem>>, vector<16xi32>,
        %swap3A_710 = arith.constant 48 : index
        %swap3A_711 = tpu.vector_load %arg17[%swap3A_710] {strides = array<i32>} : memref<80xi32, #tpu.memory_space<vmem>>, vector<16xi32>,
        tpu.vector_store %arg17[%swap3A_710], %get3A_709 {strides = array<i32>} : memref<80xi32, #tpu.memory_space<vmem>>, vector<16xi32>,
        %add3A_712 = arith.constant 48 : i32
        %add3A_713 = arith.addi %add3A_669, %add3A_712 : i32
        %get3A_714 = arith.index_cast %add3A_713 : i32 to index
        %get3A_715 = tpu.vector_load %arg11[%get3A_714] {strides = array<i32>} : memref<10352xi32, #tpu.memory_space<vmem>>, vector<16xi32>,
        %swap3A_716 = arith.constant 48 : index
        %swap3A_717 = tpu.vector_load %arg19[%swap3A_716] {strides = array<i32>} : memref<80xi32, #tpu.memory_space<vmem>>, vector<16xi32>,
        tpu.vector_store %arg19[%swap3A_716], %get3A_715 {strides = array<i32>} : memref<80xi32, #tpu.memory_space<vmem>>, vector<16xi32>,
        %add3A_718 = arith.constant 64 : i32
        %add3A_719 = arith.addi %add3A_669, %add3A_718 : i32
        %get3A_720 = arith.index_cast %add3A_719 : i32 to index
        %get3A_721 = tpu.vector_load %arg10[%get3A_720] {strides = array<i32>} : memref<10352xi32, #tpu.memory_space<vmem>>, vector<16xi32>,
        %swap3A_722 = arith.constant 64 : index
        %swap3A_723 = tpu.vector_load %arg17[%swap3A_722] {strides = array<i32>} : memref<80xi32, #tpu.memory_space<vmem>>, vector<16xi32>,
        tpu.vector_store %arg17[%swap3A_722], %get3A_721 {strides = array<i32>} : memref<80xi32, #tpu.memory_space<vmem>>, vector<16xi32>,
        %add3A_724 = arith.constant 64 : i32
        %add3A_725 = arith.addi %add3A_669, %add3A_724 : i32
        %get3A_726 = arith.index_cast %add3A_725 : i32 to index
        %get3A_727 = tpu.vector_load %arg11[%get3A_726] {strides = array<i32>} : memref<10352xi32, #tpu.memory_space<vmem>>, vector<16xi32>,
        %swap3A_728 = arith.constant 64 : index
        %swap3A_729 = tpu.vector_load %arg19[%swap3A_728] {strides = array<i32>} : memref<80xi32, #tpu.memory_space<vmem>>, vector<16xi32>,
        tpu.vector_store %arg19[%swap3A_728], %get3A_727 {strides = array<i32>} : memref<80xi32, #tpu.memory_space<vmem>>, vector<16xi32>,
        %dma_start3A_730 = arith.constant 0 : i32
        %dma_start3A_731 = arith.constant 0 : i32
        %dma_start3A_732 = tpu.memref_slice %arg2[%dma_start3A_730, %dma_start3A_731] : memref<10000x128xf32, #tpu.memory_space<hbm>> -> memref<10000x128xf32, #tpu.memory_space<hbm>>
        tpu.enqueue_indirect_dma source(%dma_start3A_732 : memref<10000x128xf32, #tpu.memory_space<hbm>>) target(%arg12 : memref<80x128xf32, #tpu.memory_space<vmem>>) offsets(%arg17 : memref<80xi32, #tpu.memory_space<vmem>>) semaphore(%arg24 : memref<!tpu.dma_semaphore, #tpu.memory_space<semaphore_mem>>)
        %dma_start3A_733 = arith.constant 0 : i32
        %dma_start3A_734 = arith.constant 0 : i32
        %dma_start3A_735 = tpu.memref_slice %arg3[%dma_start3A_733, %dma_start3A_734] : memref<10000x128xf32, #tpu.memory_space<hbm>> -> memref<10000x128xf32, #tpu.memory_space<hbm>>
        tpu.enqueue_indirect_dma source(%dma_start3A_735 : memref<10000x128xf32, #tpu.memory_space<hbm>>) target(%arg13 : memref<80x128xf32, #tpu.memory_space<vmem>>) offsets(%arg17 : memref<80xi32, #tpu.memory_space<vmem>>) semaphore(%arg25 : memref<!tpu.dma_semaphore, #tpu.memory_space<semaphore_mem>>)
      } else {
      }
      %dma_wait3A_645 = arith.constant 0 : i32
      %dma_wait3A_646 = arith.constant 0 : i32
      %dma_wait3A_647 = tpu.memref_slice %arg2[%dma_wait3A_645, %dma_wait3A_646] : memref<10000x128xf32, #tpu.memory_space<hbm>> -> memref<10000x128xf32, #tpu.memory_space<hbm>>
      tpu.wait_indirect_dma semaphore(%arg26 : memref<!tpu.dma_semaphore, #tpu.memory_space<semaphore_mem>>) src(%dma_wait3A_647 : memref<10000x128xf32, #tpu.memory_space<hbm>>) dst(%arg14 : memref<80x128xf32, #tpu.memory_space<vmem>>)
      %dma_wait3A_648 = arith.constant 0 : i32
      %dma_wait3A_649 = arith.constant 0 : i32
      %dma_wait3A_650 = tpu.memref_slice %arg3[%dma_wait3A_648, %dma_wait3A_649] : memref<10000x128xf32, #tpu.memory_space<hbm>> -> memref<10000x128xf32, #tpu.memory_space<hbm>>
      tpu.wait_indirect_dma semaphore(%arg27 : memref<!tpu.dma_semaphore, #tpu.memory_space<semaphore_mem>>) src(%dma_wait3A_650 : memref<10000x128xf32, #tpu.memory_space<hbm>>) dst(%arg15 : memref<80x128xf32, #tpu.memory_space<vmem>>)
      %dma_start3A_651 = arith.constant 0 : i32
      %dma_start3A_652 = arith.constant 0 : i32
      %dma_start3A_653 = tpu.memref_slice %arg21[%dma_start3A_651, %dma_start3A_652] : memref<2560x128xf32, #tpu.memory_space<vmem_shared>> -> memref<2560x128xf32, #tpu.memory_space<vmem_shared>>
      tpu.enqueue_indirect_dma source(%arg14 : memref<80x128xf32, #tpu.memory_space<vmem>>) target(%dma_start3A_653 : memref<2560x128xf32, #tpu.memory_space<vmem_shared>>) offsets(%arg20 : memref<80xi32, #tpu.memory_space<vmem>>) semaphore(%arg29 : memref<!tpu.dma_semaphore, #tpu.memory_space<semaphore_mem>>) {add = true}
      %dma_start3A_654 = arith.constant 0 : i32
      %dma_start3A_655 = arith.constant 0 : i32
      %dma_start3A_656 = tpu.memref_slice %arg22[%dma_start3A_654, %dma_start3A_655] : memref<2560x128xf32, #tpu.memory_space<vmem_shared>> -> memref<2560x128xf32, #tpu.memory_space<vmem_shared>>
      tpu.enqueue_indirect_dma source(%arg15 : memref<80x128xf32, #tpu.memory_space<vmem>>) target(%dma_start3A_656 : memref<2560x128xf32, #tpu.memory_space<vmem_shared>>) offsets(%arg20 : memref<80xi32, #tpu.memory_space<vmem>>) semaphore(%arg29 : memref<!tpu.dma_semaphore, #tpu.memory_space<semaphore_mem>>) {add = true}
      %dma_wait3A_657 = arith.constant 0 : i32
      %dma_wait3A_658 = arith.constant 0 : i32
      %dma_wait3A_659 = tpu.memref_slice %arg21[%dma_wait3A_657, %dma_wait3A_658] : memref<2560x128xf32, #tpu.memory_space<vmem_shared>> -> memref<2560x128xf32, #tpu.memory_space<vmem_shared>>
      tpu.wait_indirect_dma semaphore(%arg29 : memref<!tpu.dma_semaphore, #tpu.memory_space<semaphore_mem>>) src(%arg14 : memref<80x128xf32, #tpu.memory_space<vmem>>) dst(%dma_wait3A_659 : memref<2560x128xf32, #tpu.memory_space<vmem_shared>>)
      %dma_wait3A_660 = arith.constant 0 : i32
      %dma_wait3A_661 = arith.constant 0 : i32
      %dma_wait3A_662 = tpu.memref_slice %arg22[%dma_wait3A_660, %dma_wait3A_661] : memref<2560x128xf32, #tpu.memory_space<vmem_shared>> -> memref<2560x128xf32, #tpu.memory_space<vmem_shared>>
      tpu.wait_indirect_dma semaphore(%arg29 : memref<!tpu.dma_semaphore, #tpu.memory_space<semaphore_mem>>) src(%arg15 : memref<80x128xf32, #tpu.memory_space<vmem>>) dst(%dma_wait3A_662 : memref<2560x128xf32, #tpu.memory_space<vmem_shared>>)
    }
    %barrier3A_537 = arith.constant 0 : index
    tpu.barrier barrier_id(%barrier3A_537)
    %lt3A_538 = arith.constant 15 : i32
    %lt3A_539 = arith.cmpi slt, %arg1, %lt3A_538 : i32
    %convert_element_type3A_540 = arith.extui %lt3A_539 : i1 to i32
    %cond3A_541 = arith.constant 0 : i32
    %cond3A_542 = arith.cmpi ne, %convert_element_type3A_540, %cond3A_541 : i32
    scf.if %cond3A_542 {
      %mul3A_548 = arith.constant 160 : i32
      %mul3A_549 = arith.muli %arg1, %mul3A_548 : i32
      %add3A_550 = arith.addi %add3A_443, %mul3A_549 : i32
      "tpu.region"() ({
        %run_scoped3A = tpu.sem_alloc : memref<!tpu.dma_semaphore, #tpu.memory_space<semaphore_mem>>
        %dma_start3A_552 = arith.constant 0 : i32
        %dma_start3A_553 = tpu.memref_slice %arg6[%add3A_550, %dma_start3A_552] : memref<10000x128xf32, #tpu.memory_space<hbm>> -> memref<160x128xf32, #tpu.memory_space<hbm>>
        %dma_start3A_554 = arith.constant 0 : i32
        %dma_start3A_555 = tpu.memref_slice %arg21[%mul3A_549, %dma_start3A_554] : memref<2560x128xf32, #tpu.memory_space<vmem_shared>> -> memref<160x128xf32, #tpu.memory_space<vmem_shared>>
        tpu.enqueue_dma source(%dma_start3A_555 : memref<160x128xf32, #tpu.memory_space<vmem_shared>>) target(%dma_start3A_553 : memref<160x128xf32, #tpu.memory_space<hbm>>) target_semaphore(%run_scoped3A : memref<!tpu.dma_semaphore, #tpu.memory_space<semaphore_mem>>)
        %dma_wait3A = arith.constant 0 : i32
        %dma_wait3A_556 = tpu.memref_slice %arg6[%add3A_550, %dma_wait3A] : memref<10000x128xf32, #tpu.memory_space<hbm>> -> memref<160x128xf32, #tpu.memory_space<hbm>>
        %dma_wait3A_557 = arith.constant 0 : i32
        %dma_wait3A_558 = tpu.memref_slice %arg21[%mul3A_549, %dma_wait3A_557] : memref<2560x128xf32, #tpu.memory_space<vmem_shared>> -> memref<160x128xf32, #tpu.memory_space<vmem_shared>>
        tpu.wait_dma2 semaphore(%run_scoped3A : memref<!tpu.dma_semaphore, #tpu.memory_space<semaphore_mem>>) src(%dma_wait3A_558 : memref<160x128xf32, #tpu.memory_space<vmem_shared>>) dst(%dma_wait3A_556 : memref<160x128xf32, #tpu.memory_space<hbm>>)
        tpu.yield
      }) : () -> ()
      %add3A_551 = arith.addi %add3A_443, %mul3A_549 : i32
      "tpu.region"() ({
        %run_scoped3A = tpu.sem_alloc : memref<!tpu.dma_semaphore, #tpu.memory_space<semaphore_mem>>
        %dma_start3A_552 = arith.constant 0 : i32
        %dma_start3A_553 = tpu.memref_slice %arg7[%add3A_551, %dma_start3A_552] : memref<10000x128xf32, #tpu.memory_space<hbm>> -> memref<160x128xf32, #tpu.memory_space<hbm>>
        %dma_start3A_554 = arith.constant 0 : i32
        %dma_start3A_555 = tpu.memref_slice %arg22[%mul3A_549, %dma_start3A_554] : memref<2560x128xf32, #tpu.memory_space<vmem_shared>> -> memref<160x128xf32, #tpu.memory_space<vmem_shared>>
        tpu.enqueue_dma source(%dma_start3A_555 : memref<160x128xf32, #tpu.memory_space<vmem_shared>>) target(%dma_start3A_553 : memref<160x128xf32, #tpu.memory_space<hbm>>) target_semaphore(%run_scoped3A : memref<!tpu.dma_semaphore, #tpu.memory_space<semaphore_mem>>)
        %dma_wait3A = arith.constant 0 : i32
        %dma_wait3A_556 = tpu.memref_slice %arg7[%add3A_551, %dma_wait3A] : memref<10000x128xf32, #tpu.memory_space<hbm>> -> memref<160x128xf32, #tpu.memory_space<hbm>>
        %dma_wait3A_557 = arith.constant 0 : i32
        %dma_wait3A_558 = tpu.memref_slice %arg22[%mul3A_549, %dma_wait3A_557] : memref<2560x128xf32, #tpu.memory_space<vmem_shared>> -> memref<160x128xf32, #tpu.memory_space<vmem_shared>>
        tpu.wait_dma2 semaphore(%run_scoped3A : memref<!tpu.dma_semaphore, #tpu.memory_space<semaphore_mem>>) src(%dma_wait3A_558 : memref<160x128xf32, #tpu.memory_space<vmem_shared>>) dst(%dma_wait3A_556 : memref<160x128xf32, #tpu.memory_space<hbm>>)
        tpu.yield
      }) : () -> ()
    } else {
    }
    %eq3A_543 = arith.constant 15 : i32
    %eq3A_544 = arith.cmpi eq, %arg1, %eq3A_543 : i32
    %convert_element_type3A_545 = arith.extui %eq3A_544 : i1 to i32
    %cond3A_546 = arith.constant 0 : i32
    %cond3A_547 = arith.cmpi ne, %convert_element_type3A_545, %cond3A_546 : i32
    scf.if %cond3A_547 {
      %add3A_548 = arith.constant 2400 : i32
      %add3A_549 = arith.addi %add3A_443, %add3A_548 : i32
      "tpu.region"() ({
        %run_scoped3A = tpu.sem_alloc : memref<!tpu.dma_semaphore, #tpu.memory_space<semaphore_mem>>
        %dma_start3A_552 = arith.constant 0 : i32
        %dma_start3A_553 = tpu.memref_slice %arg6[%add3A_549, %dma_start3A_552] : memref<10000x128xf32, #tpu.memory_space<hbm>> -> memref<96x128xf32, #tpu.memory_space<hbm>>
        %dma_start3A_554 = arith.constant 2400 : i32
        %dma_start3A_555 = arith.constant 0 : i32
        %dma_start3A_556 = tpu.memref_slice %arg21[%dma_start3A_554, %dma_start3A_555] : memref<2560x128xf32, #tpu.memory_space<vmem_shared>> -> memref<96x128xf32, #tpu.memory_space<vmem_shared>>
        tpu.enqueue_dma source(%dma_start3A_556 : memref<96x128xf32, #tpu.memory_space<vmem_shared>>) target(%dma_start3A_553 : memref<96x128xf32, #tpu.memory_space<hbm>>) target_semaphore(%run_scoped3A : memref<!tpu.dma_semaphore, #tpu.memory_space<semaphore_mem>>)
        %dma_wait3A = arith.constant 0 : i32
        %dma_wait3A_557 = tpu.memref_slice %arg6[%add3A_549, %dma_wait3A] : memref<10000x128xf32, #tpu.memory_space<hbm>> -> memref<96x128xf32, #tpu.memory_space<hbm>>
        %dma_wait3A_558 = arith.constant 2400 : i32
        %dma_wait3A_559 = arith.constant 0 : i32
        %dma_wait3A_560 = tpu.memref_slice %arg21[%dma_wait3A_558, %dma_wait3A_559] : memref<2560x128xf32, #tpu.memory_space<vmem_shared>> -> memref<96x128xf32, #tpu.memory_space<vmem_shared>>
        tpu.wait_dma2 semaphore(%run_scoped3A : memref<!tpu.dma_semaphore, #tpu.memory_space<semaphore_mem>>) src(%dma_wait3A_560 : memref<96x128xf32, #tpu.memory_space<vmem_shared>>) dst(%dma_wait3A_557 : memref<96x128xf32, #tpu.memory_space<hbm>>)
        tpu.yield
      }) : () -> ()
      %add3A_550 = arith.constant 2400 : i32
      %add3A_551 = arith.addi %add3A_443, %add3A_550 : i32
      "tpu.region"() ({
        %run_scoped3A = tpu.sem_alloc : memref<!tpu.dma_semaphore, #tpu.memory_space<semaphore_mem>>
        %dma_start3A_552 = arith.constant 0 : i32
        %dma_start3A_553 = tpu.memref_slice %arg7[%add3A_551, %dma_start3A_552] : memref<10000x128xf32, #tpu.memory_space<hbm>> -> memref<96x128xf32, #tpu.memory_space<hbm>>
        %dma_start3A_554 = arith.constant 2400 : i32
        %dma_start3A_555 = arith.constant 0 : i32
        %dma_start3A_556 = tpu.memref_slice %arg22[%dma_start3A_554, %dma_start3A_555] : memref<2560x128xf32, #tpu.memory_space<vmem_shared>> -> memref<96x128xf32, #tpu.memory_space<vmem_shared>>
        tpu.enqueue_dma source(%dma_start3A_556 : memref<96x128xf32, #tpu.memory_space<vmem_shared>>) target(%dma_start3A_553 : memref<96x128xf32, #tpu.memory_space<hbm>>) target_semaphore(%run_scoped3A : memref<!tpu.dma_semaphore, #tpu.memory_space<semaphore_mem>>)
        %dma_wait3A = arith.constant 0 : i32
        %dma_wait3A_557 = tpu.memref_slice %arg7[%add3A_551, %dma_wait3A] : memref<10000x128xf32, #tpu.memory_space<hbm>> -> memref<96x128xf32, #tpu.memory_space<hbm>>
        %dma_wait3A_558 = arith.constant 2400 : i32
        %dma_wait3A_559 = arith.constant 0 : i32
        %dma_wait3A_560 = tpu.memref_slice %arg22[%dma_wait3A_558, %dma_wait3A_559] : memref<2560x128xf32, #tpu.memory_space<vmem_shared>> -> memref<96x128xf32, #tpu.memory_space<vmem_shared>>
        tpu.wait_dma2 semaphore(%run_scoped3A : memref<!tpu.dma_semaphore, #tpu.memory_space<semaphore_mem>>) src(%dma_wait3A_560 : memref<96x128xf32, #tpu.memory_space<vmem_shared>>) dst(%dma_wait3A_557 : memref<96x128xf32, #tpu.memory_space<hbm>>)
        tpu.yield
      }) : () -> ()
    } else {
    }
    return
  }
}

module attributes {stable_mosaic.version = 14 : i64} {
  func.func @_self_body(%arg0: i32, %arg1: memref<2000x128xf32, #tpu.memory_space<vmem>>, %arg2: memref<2000x128xf32, #tpu.memory_space<vmem>>, %arg3: memref<256x256xf32, #tpu.memory_space<vmem>>, %arg4: memref<1x256xf32, #tpu.memory_space<vmem>>, %arg5: memref<2000x256xf32, #tpu.memory_space<vmem>>) attributes {dimension_semantics = [#tpu.dimension_semantics<arbitrary>], iteration_bounds = array<i64: 5>, scalar_prefetch = 0 : i64, scratch_operands = 0 : i64, tpu.core_type = #tpu.core_type<tc>, window_params = [{transform_indices = @transform_0, window_bounds = array<i64: 2000, 128>}, {transform_indices = @transform_1, window_bounds = array<i64: 2000, 128>}, {pipeline_mode = #tpu.pipeline_mode<synchronous>, transform_indices = @transform_2, window_bounds = array<i64: 256, 256>}, {pipeline_mode = #tpu.pipeline_mode<synchronous>, transform_indices = @transform_3, window_bounds = array<i64: 1, 256>}, {transform_indices = @transform_4, window_bounds = array<i64: 2000, 256>}]} {
    %get3A = arith.constant 0 : index
    %get3A_0 = arith.constant 0 : index
    %get3A_1 = vector.load %arg1[%get3A, %get3A_0] : memref<2000x128xf32, #tpu.memory_space<vmem>>, vector<2000x128xf32>
    %get3A_2 = arith.constant 0 : index
    %get3A_3 = arith.constant 0 : index
    %get3A_4 = vector.load %arg3[%get3A_2, %get3A_3] : memref<256x256xf32, #tpu.memory_space<vmem>>, vector<256x128xf32>
    %dot_general3A = arith.constant dense<0.000000e+00> : vector<2000x256xf32>
    %dot_general3A_5 = tpu.matmul %get3A_1, %get3A_4, %dot_general3A {dimension_numbers = #tpu.dot_dimension_numbers<[1], [1], [0], [0], [0, 0, 1, 0], [], []>, transpose_lhs_hint = false} : vector<2000x128xf32>, vector<256x128xf32>, vector<2000x256xf32> -> vector<2000x256xf32>
    %get3A_6 = arith.constant 0 : index
    %get3A_7 = arith.constant 0 : index
    %get3A_8 = vector.load %arg2[%get3A_6, %get3A_7] : memref<2000x128xf32, #tpu.memory_space<vmem>>, vector<2000x128xf32>
    %get3A_9 = arith.constant 0 : index
    %get3A_10 = arith.constant 128 : index
    %get3A_11 = vector.load %arg3[%get3A_9, %get3A_10] : memref<256x256xf32, #tpu.memory_space<vmem>>, vector<256x128xf32>
    %dot_general3A_12 = arith.constant dense<0.000000e+00> : vector<2000x256xf32>
    %dot_general3A_13 = tpu.matmul %get3A_8, %get3A_11, %dot_general3A_12 {dimension_numbers = #tpu.dot_dimension_numbers<[1], [1], [0], [0], [0, 0, 1, 0], [], []>, transpose_lhs_hint = false} : vector<2000x128xf32>, vector<256x128xf32>, vector<2000x256xf32> -> vector<2000x256xf32>
    %add3A = arith.addf %dot_general3A_5, %dot_general3A_13 : vector<2000x256xf32>
    %get3A_14 = arith.constant 0 : index
    %get3A_15 = arith.constant 0 : index
    %get3A_16 = vector.load %arg4[%get3A_14, %get3A_15] : memref<1x256xf32, #tpu.memory_space<vmem>>, vector<1x256xf32>
    %add3A_17 = vector.broadcast %get3A_16 : vector<1x256xf32> to vector<2000x256xf32>
    %add3A_18 = arith.addf %add3A, %add3A_17 : vector<2000x256xf32>
    %swap3A = arith.constant 0 : index
    %swap3A_19 = arith.constant 0 : index
    %swap3A_20 = vector.load %arg5[%swap3A, %swap3A_19] : memref<2000x256xf32, #tpu.memory_space<vmem>>, vector<2000x256xf32>
    tpu.vector_store %arg5[%swap3A, %swap3A_19], %add3A_18 {strides = array<i32>} : memref<2000x256xf32, #tpu.memory_space<vmem>>, vector<2000x256xf32>,
    return
  }
  func.func @transform_0(%arg0: i32) -> (i32, i32) {
    %c0_i32 = arith.constant 0 : i32
    %c0_i32_0 = arith.constant 0 : i32
    return %arg0, %c0_i32 : i32, i32
  }
  func.func @transform_1(%arg0: i32) -> (i32, i32) {
    %c0_i32 = arith.constant 0 : i32
    %c0_i32_0 = arith.constant 0 : i32
    return %arg0, %c0_i32 : i32, i32
  }
  func.func @transform_2(%arg0: i32) -> (i32, i32) {
    %c0_i32 = arith.constant 0 : i32
    %c0_i32_0 = arith.constant 0 : i32
    %c0_i32_1 = arith.constant 0 : i32
    return %c0_i32, %c0_i32_0 : i32, i32
  }
  func.func @transform_3(%arg0: i32) -> (i32, i32) {
    %c0_i32 = arith.constant 0 : i32
    %c0_i32_0 = arith.constant 0 : i32
    %c0_i32_1 = arith.constant 0 : i32
    return %c0_i32, %c0_i32_0 : i32, i32
  }
  func.func @transform_4(%arg0: i32) -> (i32, i32) {
    %c0_i32 = arith.constant 0 : i32
    %c0_i32_0 = arith.constant 0 : i32
    return %arg0, %c0_i32 : i32, i32
  }
}

module attributes {stable_mosaic.version = 14 : i64} {
  func.func @_combine_body(%arg0: i32, %arg1: memref<2000x128xf32, #tpu.memory_space<vmem>>, %arg2: memref<2000x128xf32, #tpu.memory_space<vmem>>, %arg3: memref<2000x16xf32, #tpu.memory_space<vmem>>, %arg4: memref<2000x256xf32, #tpu.memory_space<vmem>>, %arg5: memref<256x256xf32, #tpu.memory_space<vmem>>, %arg6: memref<2000x128xf32, #tpu.memory_space<vmem>>, %arg7: memref<2000x128xf32, #tpu.memory_space<vmem>>) attributes {dimension_semantics = [#tpu.dimension_semantics<arbitrary>], iteration_bounds = array<i64: 5>, scalar_prefetch = 0 : i64, scratch_operands = 0 : i64, tpu.core_type = #tpu.core_type<tc>, window_params = [{transform_indices = @transform_0, window_bounds = array<i64: 2000, 128>}, {transform_indices = @transform_1, window_bounds = array<i64: 2000, 128>}, {transform_indices = @transform_2, window_bounds = array<i64: 2000, 16>}, {transform_indices = @transform_3, window_bounds = array<i64: 2000, 256>}, {pipeline_mode = #tpu.pipeline_mode<synchronous>, transform_indices = @transform_4, window_bounds = array<i64: 256, 256>}, {transform_indices = @transform_5, window_bounds = array<i64: 2000, 128>}, {transform_indices = @transform_6, window_bounds = array<i64: 2000, 128>}]} {
    %get3A = arith.constant 0 : index
    %get3A_0 = arith.constant 0 : index
    %get3A_1 = vector.load %arg3[%get3A, %get3A_0] : memref<2000x16xf32, #tpu.memory_space<vmem>>, vector<2000x1xf32>
    %max3A = arith.constant 1.000000e+00 : f32
    %max3A_2 = vector.broadcast %max3A : f32 to vector<2000x1xf32>
    %max3A_3 = arith.maximumf %get3A_1, %max3A_2 : vector<2000x1xf32>
    %div3A = arith.constant 1.000000e+00 : f32
    %div3A_4 = vector.broadcast %div3A : f32 to vector<2000x1xf32>
    %div3A_5 = arith.divf %div3A_4, %max3A_3 : vector<2000x1xf32>
    %get3A_6 = arith.constant 0 : index
    %get3A_7 = arith.constant 0 : index
    %get3A_8 = vector.load %arg1[%get3A_6, %get3A_7] : memref<2000x128xf32, #tpu.memory_space<vmem>>, vector<2000x128xf32>
    %mul3A = vector.broadcast %div3A_5 : vector<2000x1xf32> to vector<2000x128xf32>
    %mul3A_9 = arith.mulf %get3A_8, %mul3A : vector<2000x128xf32>
    %get3A_10 = arith.constant 0 : index
    %get3A_11 = arith.constant 0 : index
    %get3A_12 = vector.load %arg5[%get3A_10, %get3A_11] : memref<256x256xf32, #tpu.memory_space<vmem>>, vector<256x128xf32>
    %dot_general3A = arith.constant dense<0.000000e+00> : vector<2000x256xf32>
    %dot_general3A_13 = tpu.matmul %mul3A_9, %get3A_12, %dot_general3A {dimension_numbers = #tpu.dot_dimension_numbers<[1], [1], [0], [0], [0, 0, 1, 0], [], []>, transpose_lhs_hint = false} : vector<2000x128xf32>, vector<256x128xf32>, vector<2000x256xf32> -> vector<2000x256xf32>
    %get3A_14 = arith.constant 0 : index
    %get3A_15 = arith.constant 0 : index
    %get3A_16 = vector.load %arg2[%get3A_14, %get3A_15] : memref<2000x128xf32, #tpu.memory_space<vmem>>, vector<2000x128xf32>
    %mul3A_17 = vector.broadcast %div3A_5 : vector<2000x1xf32> to vector<2000x128xf32>
    %mul3A_18 = arith.mulf %get3A_16, %mul3A_17 : vector<2000x128xf32>
    %get3A_19 = arith.constant 0 : index
    %get3A_20 = arith.constant 128 : index
    %get3A_21 = vector.load %arg5[%get3A_19, %get3A_20] : memref<256x256xf32, #tpu.memory_space<vmem>>, vector<256x128xf32>
    %dot_general3A_22 = arith.constant dense<0.000000e+00> : vector<2000x256xf32>
    %dot_general3A_23 = tpu.matmul %mul3A_18, %get3A_21, %dot_general3A_22 {dimension_numbers = #tpu.dot_dimension_numbers<[1], [1], [0], [0], [0, 0, 1, 0], [], []>, transpose_lhs_hint = false} : vector<2000x128xf32>, vector<256x128xf32>, vector<2000x256xf32> -> vector<2000x256xf32>
    %add3A = arith.addf %dot_general3A_13, %dot_general3A_23 : vector<2000x256xf32>
    %get3A_24 = arith.constant 0 : index
    %get3A_25 = arith.constant 0 : index
    %get3A_26 = vector.load %arg4[%get3A_24, %get3A_25] : memref<2000x256xf32, #tpu.memory_space<vmem>>, vector<2000x256xf32>
    %add3A_27 = arith.addf %add3A, %get3A_26 : vector<2000x256xf32>
    %max3A_28 = arith.constant 0.000000e+00 : f32
    %max3A_29 = vector.broadcast %max3A_28 : f32 to vector<2000x256xf32>
    %max3A_30 = arith.maximumf %add3A_27, %max3A_29 : vector<2000x256xf32>
    %slice3A = vector.extract_strided_slice %max3A_30 {offsets = [0, 0], sizes = [2000, 128], strides = [1, 1]} : vector<2000x256xf32> to vector<2000x128xf32>
    %swap3A = arith.constant 0 : index
    %swap3A_31 = arith.constant 0 : index
    %swap3A_32 = vector.load %arg6[%swap3A, %swap3A_31] : memref<2000x128xf32, #tpu.memory_space<vmem>>, vector<2000x128xf32>
    tpu.vector_store %arg6[%swap3A, %swap3A_31], %slice3A {strides = array<i32>} : memref<2000x128xf32, #tpu.memory_space<vmem>>, vector<2000x128xf32>,
    %slice3A_33 = vector.extract_strided_slice %max3A_30 {offsets = [0, 128], sizes = [2000, 128], strides = [1, 1]} : vector<2000x256xf32> to vector<2000x128xf32>
    %swap3A_34 = arith.constant 0 : index
    %swap3A_35 = arith.constant 0 : index
    %swap3A_36 = vector.load %arg7[%swap3A_34, %swap3A_35] : memref<2000x128xf32, #tpu.memory_space<vmem>>, vector<2000x128xf32>
    tpu.vector_store %arg7[%swap3A_34, %swap3A_35], %slice3A_33 {strides = array<i32>} : memref<2000x128xf32, #tpu.memory_space<vmem>>, vector<2000x128xf32>,
    return
  }
  func.func @transform_0(%arg0: i32) -> (i32, i32) {
    %c0_i32 = arith.constant 0 : i32
    %c0_i32_0 = arith.constant 0 : i32
    return %arg0, %c0_i32 : i32, i32
  }
  func.func @transform_1(%arg0: i32) -> (i32, i32) {
    %c0_i32 = arith.constant 0 : i32
    %c0_i32_0 = arith.constant 0 : i32
    return %arg0, %c0_i32 : i32, i32
  }
  func.func @transform_2(%arg0: i32) -> (i32, i32) {
    %c0_i32 = arith.constant 0 : i32
    %c0_i32_0 = arith.constant 0 : i32
    return %arg0, %c0_i32 : i32, i32
  }
  func.func @transform_3(%arg0: i32) -> (i32, i32) {
    %c0_i32 = arith.constant 0 : i32
    %c0_i32_0 = arith.constant 0 : i32
    return %arg0, %c0_i32 : i32, i32
  }
  func.func @transform_4(%arg0: i32) -> (i32, i32) {
    %c0_i32 = arith.constant 0 : i32
    %c0_i32_0 = arith.constant 0 : i32
    %c0_i32_1 = arith.constant 0 : i32
    return %c0_i32, %c0_i32_0 : i32, i32
  }
  func.func @transform_5(%arg0: i32) -> (i32, i32) {
    %c0_i32 = arith.constant 0 : i32
    %c0_i32_0 = arith.constant 0 : i32
    return %arg0, %c0_i32 : i32, i32
  }
  func.func @transform_6(%arg0: i32) -> (i32, i32) {
    %c0_i32 = arith.constant 0 : i32
    %c0_i32_0 = arith.constant 0 : i32
    return %arg0, %c0_i32 : i32, i32
  }
}

module attributes {stable_mosaic.version = 14 : i64} {
  func.func @body_wrapped(%arg0: i32, %arg1: memref<2000x128xf32, #tpu.memory_space<vmem>>, %arg2: memref<2000x128xf32, #tpu.memory_space<vmem>>, %arg3: memref<2000x16xf32, #tpu.memory_space<vmem>>, %arg4: memref<2000x256xf32, #tpu.memory_space<vmem>>, %arg5: memref<256x256xf32, #tpu.memory_space<vmem>>, %arg6: memref<2000x256xf32, #tpu.memory_space<vmem>>) attributes {dimension_semantics = [#tpu.dimension_semantics<arbitrary>], iteration_bounds = array<i64: 5>, scalar_prefetch = 0 : i64, scratch_operands = 0 : i64, tpu.core_type = #tpu.core_type<tc>, window_params = [{transform_indices = @transform_0, window_bounds = array<i64: 2000, 128>}, {transform_indices = @transform_1, window_bounds = array<i64: 2000, 128>}, {transform_indices = @transform_2, window_bounds = array<i64: 2000, 16>}, {transform_indices = @transform_3, window_bounds = array<i64: 2000, 256>}, {pipeline_mode = #tpu.pipeline_mode<synchronous>, transform_indices = @transform_4, window_bounds = array<i64: 256, 256>}, {transform_indices = @transform_5, window_bounds = array<i64: 2000, 256>}]} {
    %get3A = arith.constant 0 : index
    %get3A_0 = arith.constant 0 : index
    %get3A_1 = vector.load %arg3[%get3A, %get3A_0] : memref<2000x16xf32, #tpu.memory_space<vmem>>, vector<2000x1xf32>
    %max3A = arith.constant 1.000000e+00 : f32
    %max3A_2 = vector.broadcast %max3A : f32 to vector<2000x1xf32>
    %max3A_3 = arith.maximumf %get3A_1, %max3A_2 : vector<2000x1xf32>
    %div3A = arith.constant 1.000000e+00 : f32
    %div3A_4 = vector.broadcast %div3A : f32 to vector<2000x1xf32>
    %div3A_5 = arith.divf %div3A_4, %max3A_3 : vector<2000x1xf32>
    %get3A_6 = arith.constant 0 : index
    %get3A_7 = arith.constant 0 : index
    %get3A_8 = vector.load %arg1[%get3A_6, %get3A_7] : memref<2000x128xf32, #tpu.memory_space<vmem>>, vector<2000x128xf32>
    %mul3A = vector.broadcast %div3A_5 : vector<2000x1xf32> to vector<2000x128xf32>
    %mul3A_9 = arith.mulf %get3A_8, %mul3A : vector<2000x128xf32>
    %get3A_10 = arith.constant 0 : index
    %get3A_11 = arith.constant 0 : index
    %get3A_12 = vector.load %arg5[%get3A_10, %get3A_11] : memref<256x256xf32, #tpu.memory_space<vmem>>, vector<256x128xf32>
    %dot_general3A = arith.constant dense<0.000000e+00> : vector<2000x256xf32>
    %dot_general3A_13 = tpu.matmul %mul3A_9, %get3A_12, %dot_general3A {dimension_numbers = #tpu.dot_dimension_numbers<[1], [1], [0], [0], [0, 0, 1, 0], [], []>, transpose_lhs_hint = false} : vector<2000x128xf32>, vector<256x128xf32>, vector<2000x256xf32> -> vector<2000x256xf32>
    %get3A_14 = arith.constant 0 : index
    %get3A_15 = arith.constant 0 : index
    %get3A_16 = vector.load %arg2[%get3A_14, %get3A_15] : memref<2000x128xf32, #tpu.memory_space<vmem>>, vector<2000x128xf32>
    %mul3A_17 = vector.broadcast %div3A_5 : vector<2000x1xf32> to vector<2000x128xf32>
    %mul3A_18 = arith.mulf %get3A_16, %mul3A_17 : vector<2000x128xf32>
    %get3A_19 = arith.constant 0 : index
    %get3A_20 = arith.constant 128 : index
    %get3A_21 = vector.load %arg5[%get3A_19, %get3A_20] : memref<256x256xf32, #tpu.memory_space<vmem>>, vector<256x128xf32>
    %dot_general3A_22 = arith.constant dense<0.000000e+00> : vector<2000x256xf32>
    %dot_general3A_23 = tpu.matmul %mul3A_18, %get3A_21, %dot_general3A_22 {dimension_numbers = #tpu.dot_dimension_numbers<[1], [1], [0], [0], [0, 0, 1, 0], [], []>, transpose_lhs_hint = false} : vector<2000x128xf32>, vector<256x128xf32>, vector<2000x256xf32> -> vector<2000x256xf32>
    %add3A = arith.addf %dot_general3A_13, %dot_general3A_23 : vector<2000x256xf32>
    %get3A_24 = arith.constant 0 : index
    %get3A_25 = arith.constant 0 : index
    %get3A_26 = vector.load %arg4[%get3A_24, %get3A_25] : memref<2000x256xf32, #tpu.memory_space<vmem>>, vector<2000x256xf32>
    %add3A_27 = arith.addf %add3A, %get3A_26 : vector<2000x256xf32>
    %swap3A = arith.constant 0 : index
    %swap3A_28 = arith.constant 0 : index
    %swap3A_29 = vector.load %arg6[%swap3A, %swap3A_28] : memref<2000x256xf32, #tpu.memory_space<vmem>>, vector<2000x256xf32>
    tpu.vector_store %arg6[%swap3A, %swap3A_28], %add3A_27 {strides = array<i32>} : memref<2000x256xf32, #tpu.memory_space<vmem>>, vector<2000x256xf32>,
    return
  }
  func.func @transform_0(%arg0: i32) -> (i32, i32) {
    %c0_i32 = arith.constant 0 : i32
    %c0_i32_0 = arith.constant 0 : i32
    return %arg0, %c0_i32 : i32, i32
  }
  func.func @transform_1(%arg0: i32) -> (i32, i32) {
    %c0_i32 = arith.constant 0 : i32
    %c0_i32_0 = arith.constant 0 : i32
    return %arg0, %c0_i32 : i32, i32
  }
  func.func @transform_2(%arg0: i32) -> (i32, i32) {
    %c0_i32 = arith.constant 0 : i32
    %c0_i32_0 = arith.constant 0 : i32
    return %arg0, %c0_i32 : i32, i32
  }
  func.func @transform_3(%arg0: i32) -> (i32, i32) {
    %c0_i32 = arith.constant 0 : i32
    %c0_i32_0 = arith.constant 0 : i32
    return %arg0, %c0_i32 : i32, i32
  }
  func.func @transform_4(%arg0: i32) -> (i32, i32) {
    %c0_i32 = arith.constant 0 : i32
    %c0_i32_0 = arith.constant 0 : i32
    %c0_i32_1 = arith.constant 0 : i32
    return %c0_i32, %c0_i32_0 : i32, i32
  }
  func.func @transform_5(%arg0: i32) -> (i32, i32) {
    %c0_i32 = arith.constant 0 : i32
    %c0_i32_0 = arith.constant 0 : i32
    return %arg0, %c0_i32 : i32, i32
  }
}

</mosaic_0001>

<sc_bundles>
// kernel: kernel.11.cloned.1.call-start
scs
__scs_entry_jumppad:
0x0: {  	(pc) =	sbr.rel $0x88, $3  }
0x1: {  	(tag) =	ssettag $0x0;
	lr =	simm.s32 $0x1  }
0x2: {  	[smem:$0x3F99] =	sst lr;
	_ =	strace $0xD0000000  }
0x3: {  	_ = 	snop  }
0x4: {  	_ = 	snop  }
0x5: {  	_ = 	snop  }
0x6: {  	_ = 	snop  }
0x7: {  	_ = 	snop  }
__scs_overlays_trampoline_lowered:
0x8: {  	[smem:$0x3FA8] =	sst s0  }
0x9: {  	[smem:$0x3FA9] =	sst s1  }
0xa: {  	[smem:$0x3FAA] =	sst s2  }
0xb: {  	[smem:$0x3FAB] =	sst s3  }
0xc: {  	[smem:$0x3FAC] =	sst s4  }
0xd: {  	[smem:$0x3FAD] =	sst s5  }
0xe: {  	[smem:$0x3FAE] =	sst s6  }
0xf: {  	[smem:$0x3FAF] =	sst s7  }
0x10: {  	[smem:$0x3FB0] =	sst s8  }
0x11: {  	[smem:$0x3FB1] =	sst s9;
	s0 =	simm.s32 @!p0 $0x0  }
0x12: {  	s1 =	sld [smem:$0x3F97];
	s0 =	simm.s32 @p0 $0x1  }
0x13: {  	[smem:$0x3FB2] =	sst s0;
	s0 =	simm.s32 @!p1 $0x0  }
0x14: {  	s2 =	sld [smem:$0x3F96];
	s0 =	simm.s32 @p1 $0x1  }
0x15: {  	[smem:$0x3FB3] =	sst s0;
	s0 =	simm.s32 @!p2 $0x0  }
0x16: {  	s3 =	sld [smem:$0x3FDB];
	s0 =	simm.s32 @p2 $0x1  }
0x17: {  	s4 =	simm.s32 $0x1BF5;
	[smem:$0x3FB5] =	sst s0  }
0x18: {  	s0 =	sld [smem:$0x3F98];
	_ =	swait.ge [sflag:s4], $0x0  }
0x19: {  	s7 =	sld [smem:$0x3F99]  }
0x1a: {  	s8 =	sadd.s32 $0xFFFFE003, lr  }
0x1b: {  	s9 =	sadd.s32 $0xFFFFFEF7, lr;
	s5 =	simm.s32 $0xFFFFFFFF;
	p2 =	slt.u32 s8, $0xFFFFF086  }
0x1c: {  	p1 =	slt.u32 s9, $0xF7A;
	s5 =	simm.s32 @!p2 $0x0  }
0x1d: {  	s5 =	simm.s32 @p1 $0x1;
	p0 =	seq.s32 s7, s2  }
0x1e: {  	s7 =	smul.u32 @!p0 $0xF7A, s2;
	p2 =	seq.s32 @!p0 s5, $0x0  }
0x1f: {  	s9 =	smul.u32 $0xF7A, s1;
	s8 =	simm.s32 @!p0 $0x1BF5;
	p2 =	por !p2, p0  }
0x20: {  	[sflag:s8] =	ssyncset.s32 @!p0 $0xFFFFF086;
	s6 =	sadd.s32 @!p0 s3, s7;
	s7 =	simm.s32 @!p0 $0x108  }
0x21: {  	s3 =	sadd.s32 s3, s9;
	s6 =	sadd.s32 @!p0 $0x88, s6;
	s7 =	simm.s32 @p2 $0x1082  }
0x22: {  	[simem:s7], [sflag:s8] =	dma.local @!p0 [hbm:s6], $0xF7A  }
0x23: {  	s9 =	sor.u32 $0xD0000000, s2;
	s6 =	simm.s32 $0x108;
	_ =	swait.ge @!p0 [sflag:s8], $0x0  }
0x24: {  	s3 =	sadd.s32 $0x88, s3;
	s6 =	simm.s32 @!p1 $0x1082;
	[sflag:s4] =	ssyncset.s32 $0xFFFFF086  }
0x25: {  	[simem:s6], [sflag:s4] =	dma.local [hbm:s3], $0xF7A  }
0x26: {  	[smem:$0x3F99] =	sst s1;
	(tag) =	ssettag s2;
	_ =	strace s9  }
0x27: {  	s1 =	sld [smem:$0x3FA9]  }
0x28: {  	s2 =	sld [smem:$0x3FAA]  }
0x29: {  	s4 =	sld [smem:$0x3FAC]  }
0x2a: {  	p0 =	seq.s32 s5, $0x0;
	s5 =	sld [smem:$0x3FAD]  }
0x2b: {  	s6 =	sld [smem:$0x3FAE]  }
0x2c: {  	s7 =	sld [smem:$0x3FAF]  }
0x2d: {  	s3 =	simm.s32 $0x108;
	s8 =	sld [smem:$0x3FB0]  }
0x2e: {  	s3 =	simm.s32 @!p0 $0x1082;
	s9 =	sld [smem:$0x3FB1]  }
0x2f: {  	lr =	sadd.s32 s0, s3;
	s0 =	sld [smem:$0x3FA8]  }
0x30: {  	s3 =	sld [smem:$0x3FAB]  }
0x31: {  	[smem:$0x3FB4] =	sst s10  }
0x32: {  	s10 =	sld [smem:$0x3FB2];
	_ =	sdelay $0x3  }
0x33: {  	p0 =	seq.s32 s10, $0x1;
	s10 =	sld [smem:$0x3FB4];
	_ =	sdelay $0x3  }
0x34: {  	[smem:$0x3FB4] =	sst s10  }
0x35: {  	s10 =	sld [smem:$0x3FB3];
	_ =	sdelay $0x3  }
0x36: {  	p1 =	seq.s32 s10, $0x1;
	s10 =	sld [smem:$0x3FB4];
	_ =	sdelay $0x3  }
0x37: {  	[smem:$0x3FB4] =	sst s10  }
0x38: {  	s10 =	sld [smem:$0x3FB5]  }
0x39: {  	_ = 	snop;
	(pc) =	sbr.ind lr, $3  }
0x3a: {  	_ = 	snop  }
0x3b: {  	_ = 	snop  }
0x3c: {  	p2 =	seq.s32 s10, $0x1;
	s10 =	sld [smem:$0x3FB4]  }
0x3d: {  	_ =	shalt  }
0x3e: {  	_ =	shalt  }
0x3f: {  	_ =	shalt  }
0x40: {  	_ =	shalt  }
0x41: {  	_ =	shalt  }
0x42: {  	_ =	shalt  }
0x43: {  	_ =	shalt  }
0x44: {  	_ =	shalt  }
0x45: {  	_ =	shalt  }
0x46: {  	_ =	shalt  }
0x47: {  	_ =	shalt  }
0x48: {  	_ =	shalt  }
0x49: {  	_ =	shalt  }
0x4a: {  	_ =	shalt  }
0x4b: {  	_ =	shalt  }
0x4c: {  	_ =	shalt  }
0x4d: {  	_ =	shalt  }
0x4e: {  	_ =	shalt  }
0x4f: {  	_ =	shalt  }
0x50: {  	_ =	shalt  }
0x51: {  	_ =	shalt  }
0x52: {  	_ =	shalt  }
0x53: {  	_ =	shalt  }
0x54: {  	_ =	shalt  }
0x55: {  	_ =	shalt  }
0x56: {  	_ =	shalt  }
0x57: {  	_ =	shalt  }
0x58: {  	_ =	shalt  }
0x59: {  	_ =	shalt  }
0x5a: {  	_ =	shalt  }
0x5b: {  	_ =	shalt  }
0x5c: {  	_ =	shalt  }
0x5d: {  	_ =	shalt  }
0x5e: {  	_ =	shalt  }
0x5f: {  	_ =	shalt  }
0x60: {  	_ =	shalt  }
0x61: {  	_ =	shalt  }
0x62: {  	_ =	shalt  }
0x63: {  	_ =	shalt  }
0x64: {  	_ =	shalt  }
0x65: {  	_ =	shalt  }
0x66: {  	_ =	shalt  }
0x67: {  	_ =	shalt  }
0x68: {  	_ =	shalt  }
0x69: {  	_ =	shalt  }
0x6a: {  	_ =	shalt  }
0x6b: {  	_ =	shalt  }
0x6c: {  	_ =	shalt  }
0x6d: {  	_ =	shalt  }
0x6e: {  	_ =	shalt  }
0x6f: {  	_ =	shalt  }
0x70: {  	_ =	shalt  }
0x71: {  	_ =	shalt  }
0x72: {  	_ =	shalt  }
0x73: {  	_ =	shalt  }
0x74: {  	_ =	shalt  }
0x75: {  	_ =	shalt  }
0x76: {  	_ =	shalt  }
0x77: {  	_ =	shalt  }
0x78: {  	_ =	shalt  }
0x79: {  	_ =	shalt  }
0x7a: {  	_ =	shalt  }
0x7b: {  	_ =	shalt  }
0x7c: {  	_ =	shalt  }
0x7d: {  	_ =	shalt  }
0x7e: {  	_ =	shalt  }
0x7f: {  	_ =	shalt  }
0x80: {  	_ =	shalt  }
0x81: {  	_ =	shalt  }
0x82: {  	_ =	shalt  }
0x83: {  	_ =	shalt  }
0x84: {  	_ =	shalt  }
0x85: {  	_ =	shalt  }
0x86: {  	_ =	shalt  }
0x87: {  	_ =	shalt  }
.Lfunc_end0:
.L_simem_size_0:
called_computation.1_lowered:
.L_overlay_start_0:
0x88: {  	s2 =	sld [smem:$0x3FD9]  }
0x89: {  	s3 =	sld [smem:$0x3FFE];
	_ =	sdelay $0x1  }
0x8a: {  	s1 =	srdreg.scid  }
0x8b: {  	s0 =	sand.u32 $0x1, s1  }
0x8c: {  	s17 =	sshll.u32 s0, $0xA;
	s2 =	sadd.s32 s3, s2  }
0x8d: {  	s2 =	sadd.s32 s2, s17  }
0x8e: {  	[smem:$0x3FC0] =	sst s2  }
0x8f: {  	_ = 	snop  }
0x90: {  	s2 =	sld [smem:$0x3FD0];
	(tm) =	ssettm $0x1  }
0x91: {  	s18 =	sld [smem:$0x3FFB];
	_ =	sdelay $0x3  }
0x92: {  	_ =	strace s18  }
0x93: {  	s3 =	sld [smem:$0x3FFC];
	_ =	sdelay $0x3  }
0x94: {  	_ =	strace s3  }
0x95: {  	s3 =	sld [smem:$0x3FFD];
	_ =	sdelay $0x3  }
0x96: {  	_ =	strace s3  }
0x97: {  	_ =	strace $0x8FFFFFFF  }
0x98: {  	s19 =	sld [smem:$0x3FDB];
	_ =	sdelay $0x1  }
0x99: {  	s4 =	simm.s32 $_scs_section_size  }
0x9a: {  	s5 =	simm.s32 $_size__tile_overlayer_lowered;
	s6 =	simm.s32 $_tile_overlayer_lowered  }
0x9b: {  	s22 =	simm.s32 $0x1BFF;
	s21 =	sshll.u32 s6, $0x1;
	s3 =	sadd.s32 s4, s19  }
0x9c: {  	s7 =	simm.s32 $0x0;
	s20 =	sshll.u32 s5, $0x1;
	s5 =	sadd.s32 s21, s3  }
0x9d: {  	[timem:s7], [sflag:s22] =	dma.local [hbm:s5], s20  }
0x9e: {  	_ =	swait.ge [sflag:s22], s20  }
0x9f: {  	s4 =	ssub.s32 $0x0, s20;
	[sflag:s22] =	ssyncset.done $0x0  }
0xa0: {  	[sflag:s22] =	ssyncadd.s32 s4;
	_ =	sdelay $0x1  }
0xa1: {  	s23 =	simm.s32 $0x1B8B  }
0xa2: {  	_ =	swait.ge [sflag:s23], $0x1  }
0xa3: {  	[sflag:s23] =	ssyncset.done $0x0  }
0xa4: {  	s25 =	simm.s32 $0x1B8E;
	s24 =	sld [smem:$0x3FFE];
	[sflag:s23] =	ssyncadd.s32 $0xFFFFFFFF  }
0xa5: {  	s26 =	simm.s32 $execute0_lowered;
	[smem:$0x3FD2] =	sst s25  }
0xa6: {  	s5 =	sshll.u32 s26, $0x1;
	_ =	strace $0x80000049;
	[dreg:$0x1] =	wrdreg $0xFFFFFFFF  }
0xa7: {  	s28 =	simm.s32 $_size_execute0_lowered;
	s3 =	sadd.s32 s3, s5;
	[dreg:$0x0] =	wrdreg $0x0  }
0xa8: {  	s5 =	sshll.u32 s28, $0x1;
	[dreg:$0x2] =	wrdreg s3  }
0xa9: {  	[dreg:$0x3] =	wrdreg s5  }
0xaa: {  	[dreg:$0x4] =	wrdreg $0xC0  }
0xab: {  	_ =	task [dreg:s7], $0x5FFFF  }
0xac: {  	[dreg:$0x1] =	wrdreg $0xFFFFFFFF  }
0xad: {  	[dreg:$0x0] =	wrdreg $0x60  }
0xae: {  	[dreg:$0x2] =	wrdreg s2  }
0xaf: {  	[dreg:$0x3] =	wrdreg s24  }
0xb0: {  	[dreg:$0x4] =	wrdreg $0x106C00  }
0xb1: {  	[dreg:$0x5] =	wrdreg $0x156C00  }
0xb2: {  	[dreg:$0x6] =	wrdreg $0x9  }
0xb3: {  	_ =	task.clear_ibuf [dreg:s7], $0x7FFFF;
	_ =	strace $0x90000049  }
0xb4: {  	s29 =	simm.s32 $0x9;
	_ =	strace $0x8000004B  }
0xb5: {  	_ =	swait.ge [sflag:s29], $0x1  }
0xb6: {  	[sflag:s29] =	ssyncadd.s32 $0xFFFFFFFF  }
0xb7: {  	_ =	strace $0x9000004B  }
0xb8: {  	_ =	sfence  }
0xb9: {  	s30 =	sld [smem:$0x0];
	_ =	sdelay $0x2  }
0xba: {  	s31 =	sshll.u32 s1, $0xD;
	s1 =	sshrl.u32 s1, $0x2  }
0xbb: {  	s3 =	sand.u32 $0x4000, s31;
	s1 =	sadd.s32 s1, s30  }
0xbc: {  	s0 =	sor.u32 s3, s0;
	s1 =	sshll.u32 s1, $0x11  }
0xbd: {  	s0 =	sor.u32 s1, s0  }
0xbe: {  	s0 =	sadd.s32 $0x8F2B, s0  }
0xbf: {  	[sflag:s0] =	ssyncadd.remote.s32 $0x1  }
0xc0: {  	_ =	sfence.sel $0xFFFF  }
0xc1: {  	[dreg:$0x0] =	wrdreg $0xFFFFFFFF;
	(pc) =	sbr.abs _section_cstart, $3  }
0xc2: {  	[dreg:$0x1] =	wrdreg $0xFFFFFFFF  }
0xc3: {  	_ =	task.clear_ibuf [dreg:s7], $0x2FFFF;
	_ =	strace $0x9FFFFFFF  }
0xc4: {  	(tm) =	ssettm $0x7FFFFFFF  }
0xc5: {  	_ =	shalt  }
tec
execute0_lowered:
.L_overlay_start_1:
0x0: {  	(tag) =	ssettag $0x1  }
0x1: {  	s1 =	rddreg [dreg:$0x0]  }
0x2: {  	s0 =	rddreg [dreg:$0x1]  }
0x3: {  	s2 =	rddreg [dreg:$0x2]  }
0x4: {  	s3 =	rddreg [dreg:$0x3];
	s6 =	simm.s32 $0x0  }
0x5: {  	s4 =	srdreg.scid;
	s16 =	stileid.u32;
	s28 =	simm.s32 $0x3810  }
0x6: {  	s29 =	simm.s32 $0xFA0;
	s30 =	simm.s32 $0x1;
	s31 =	simm.s32 $0x6080  }
0x7: {  	[smem:$0x7FF] =	sst s6;
	s5 =	sadd.s32 $0x2B800, s0;
	s26 =	sadd.s32 $0x57A00, s0  }
0x8: {  	s4 =	sand.u32 $0x1, s4;
	s8 =	sadd.s32 $0x52A00, s0;
	s7 =	sadd.s32 $0x5CA00, s0  }
0x9: {  	s0 =	sadd.s32 $0x83C00, s0;
	s12 =	smul.u32 $0x5000, s16;
	s13 =	sshll.u32 s16, $0x5  }
0xa: {  	s15 =	smul.u32 $0xA0, s16;
	s23 =	sadd.s32 $0x4B000, s2;
	p0 =	seq.s32 s16, $0xF  }
0xb: {  	_ =	strace $0x8000004A;
	s9 =	ssub.s32 $0x2, s4;
	s11 =	smul.u32 $0x1388, s4  }
0xc: {  	s14 =	sshll.u32 s4, $0x4;
	s4 =	smul.u32 $0x9C400, s4;
	[dreg:$0x11] =	wrdreg s23  }
0xd: {  	s23 =	simm.s32 $0x10670;
	[dreg:$0x6] =	wrdreg s26;
	s10 =	sshrl.u32 s9, $0x1  }
0xe: {  	s13 =	sor.u32 s14, s13;
	s24 =	sadd.s32 s12, s2;
	s25 =	sadd.s32 $0x2800, s12  }
0xf: {  	s12 =	sadd.s32 s12, s3;
	s10 =	ssub.s32 s9, s10;
	s9 =	smul.u32 $0x2710, s16  }
0x10: {  	[dreg:$0x7] =	wrdreg s24;
	s15 =	sadd.s32 s15, s11;
	s17 =	sadd.s32 s25, s2  }
0x11: {  	[dreg:$0x9] =	wrdreg s12;
	s14 =	sadd.s32 s25, s3;
	s4 =	sshrl.u32 s4, $0x3  }
0x12: {  	s24 =	sadd.s32 $0x4B000, s3;
	s16 =	simm.s32 $0xB080;
	[dreg:$0x8] =	wrdreg s17  }
0x13: {  	s17 =	sshll.u32 s15, $0x4;
	[dreg:$0xa] =	wrdreg s14;
	s20 =	sadd.s32 $0x9600, s4  }
0x14: {  	s4 =	sadd.s32 $0x13280, s4;
	[dreg:$0x14] =	wrdreg s24;
	s25 =	smax.u32 s10, $0x1  }
0x15: {  	s15 =	simm.s32 $0x105D0;
	s18 =	sadd.s32 s7, s17;
	[dreg:$0x15] =	wrdreg s25  }
0x16: {  	s24 =	simm.s32 $0x6;
	s19 =	sadd.s32 s0, s17;
	[dreg:$0xb] =	wrdreg s18  }
0x17: {  	v0 =	vlaneseq.u32;
	s12 =	sadd.s32 $0x9C80, s17;
	s21 =	sadd.s32 s7, s20;
	[dreg:$0xc] =	wrdreg s19  }
0x18: {  	v1 =	vor.u32 s13, v0;
	s14 =	sadd.s32 s0, s20;
	s25 =	simm.s32 $0x7;
	[dreg:$0xd] =	wrdreg s21  }
0x19: {  	v2 =	vmulhi.u32 $0x4924925, v1;
	s17 =	simm.s32 $0xD880;
	[dreg:$0xe] =	wrdreg s14;
	s22 =	sadd.s32 s7, s12  }
0x1a: {  	s20 =	simm.s32 $0x5;
	s12 =	sadd.s32 s0, s12;
	[dreg:$0xf] =	wrdreg s22  }
0x1b: {  	s7 =	sadd.s32 s7, s4;
	s0 =	sadd.s32 s0, s4;
	v2 =	vmul.u32 $0x38, v2;
	[dreg:$0x10] =	wrdreg s12  }
0x1c: {  	v4 =	vimm.f32 $0.0e+00;
	v7 =	vmul.u32 $0xFFFFFFFF, v0;
	s14 =	simm.s32 $0x8880;
	s18 =	simm.s32 $0x2;
	[dreg:$0x12] =	wrdreg s7  }
0x1d: {  	v5 =	vimm.s32 $0x0;
	v6 =	vimm.s32 $0x286F;
	s19 =	simm.s32 $0x10620;
	s21 =	simm.s32 $0x3;
	[dreg:$0x13] =	wrdreg s0;
	v3 =	vsub.s32 v1, v2  }
0x1e: {  	v7 =	vadd.s32 $0x286F, v7;
	s12 =	simm.s32 $0x7D0;
	s0 =	simm.s32 $0x50;
	s22 =	simm.s32 $0x4;
	v2 =	vmov s11;
	v3 =	vadd.s32 $0x9C8, v3  }
.LBB2_1:
0x1f: {  	s4 =	simm.s32 $0x60C0  }
0x20: {  	[tilespmem:s4+$0xFFFFFFD0] =	vst v4  }
0x21: {  	[tilespmem:s4+$0xFFFFFFE0] =	vst v4  }
0x22: {  	[tilespmem:s4+$0xFFFFFFF0] =	vst v4  }
0x23: {  	[tilespmem:s4+$0x0] =	vst v4  }
0x24: {  	[tilespmem:s4+$0x10] =	vst v4  }
0x25: {  	[tilespmem:s4+$0x20] =	vst v4  }
0x26: {  	[tilespmem:s4+$0x30] =	vst v4  }
0x27: {  	s10 =	simm.s32 $0x0;
	s7 =	simm.s32 $0x40;
	[tilespmem:s4+$0xFFFFFFC0] =	vst v4  }
.LBB2_2:
0x28: {  	p1 =	sne.s32 s7, $0x13C0;
	[tilespmem:s10+$0x10080] =	vst v4;
	s4 =	sadd.s32 $0x80, s4  }
0x29: {  	[tilespmem:s4+$0xFFFFFFD0] =	vst v4  }
0x2a: {  	[tilespmem:s4+$0xFFFFFFE0] =	vst v4  }
0x2b: {  	[tilespmem:s4+$0xFFFFFFF0] =	vst v4  }
.Ltmp0:
0x2c: {  	[tilespmem:s4+$0x0] =	vst v4;
	(pc) =	sbr.rel @p1 .LBB2_2-.Ltmp0, $4  }
0x2d: {  	[tilespmem:s4+$0x10] =	vst v4  }
0x2e: {  	[tilespmem:s4+$0x20] =	vst v4  }
0x2f: {  	[tilespmem:s4+$0x30] =	vst v4  }
0x30: {  	s10 =	sshra.s32 s7, $0x2;
	s7 =	sadd.s32 $0x40, s7;
	[tilespmem:s4+$0xFFFFFFC0] =	vst v4  }
0x31: {  	[tilespmem:s10+$0x10080] =	vst v4;
	s4 =	simm.s32 $0x0;
	v8 =	vimm.s32 $0x0;
	v9 =	vimm.s32 $0x0;
	s7 =	simm.s32 $0x0  }
.LBB2_4:
0x32: {  	s10 =	smul.u32 $0x7D0, s7;
	_ =	sdelay $0x1  }
0x33: {  	s10 =	sadd.s32 s9, s10  }
0x34: {  	s10 =	sshrl.u32 s10, $0x3  }
0x35: {  	s11 =	sadd.s32 s26, s10  }
0x36: {  	[tilespmem:s4], [sflag:$0x7] =	stream.linear.gather [hbm4b:s11+s4], $0x7D0, $0x38;
	[tilespmem:$0x1A6C0] =	vst v63  }
0x37: {  	_ =	swait.ge [sflag:s25], $0x7D0  }
0x38: {  	[sflag:s25] =	ssyncset.done $0x0  }
0x39: {  	s10 =	sadd.s32 s8, s10;
	[sflag:s25] =	ssyncadd.s32 $0xFFFFF830  }
0x3a: {  	[tilespmem:s12], [sflag:$0x7] =	stream.linear.gather [hbm4b:s10+s4], $0x7D0, $0x38;
	[tilespmem:$0x1A6C0] =	vst v63  }
0x3b: {  	_ =	swait.ge [sflag:s25], $0x7D0  }
0x3c: {  	[sflag:s25] =	ssyncset.done $0x0  }
0x3d: {  	s11 =	simm.s32 $0x0;
	[sflag:s25] =	ssyncadd.s32 $0xFFFFF830  }
0x3e: {  	v11 =	vmov v9;
	v10 =	vmov v8;
	s10 =	simm.s32 $0x40;
	v12 =	vld [tilespmem:s11+$0x7D0]  }
.LBB2_5:
0x3f: {  	p1 =	sne.s32 s10, $0x1F00;
	v13 =	vld [tilespmem:s11+$0x0];
	_ =	sdelay $0x3  }
0x40: {  	v12 =	vsub.s32 v12, v2  }
0x41: {  	vm1 =	vlt.u32 v12, $0x9C8;
	v14 =	vadd.s32 $0xFFFFF638, v12  }
0x42: {  	vm0 =	vlt.u32 v14, $0x9C0;
	v15 =	vsel vm1, $0x1, v5;
	v16 =	vmpcnt.ones.xlane vm1  }
0x43: {  	v17 =	vsel vm0, $0x1, v5;
	v18 =	vmpcnt.ones.xlane vm0;
	(xrf0) =	vadd.scan.msk.s32 $0xffff, v15  }
0x44: {  	v9 =	vadd.s32 v9, v16;
	(xrf0) =	vadd.scan.msk.s32 $0xffff, v17  }
0x45: {  	v8 =	vadd.s32 v8, v18;
	_ =	sdelay $0x2  }
0x46: {  	v15 =	vsel vm1, $0xFFFFFFFF, v5  }
0x47: {  	v15 =	vadd.s32 v15, v11;
	v11 =	vmov v9;
	v16, _, _ =	vpop (xrf0)  }
0x48: {  	v15 =	vadd.s32 v16, v15;
	v16, _, _ =	vpop (xrf0)  }
0x49: {  	v17 =	vsel vm0, $0x2870, v6;
	v16 =	vadd.s32 v16, v10;
	v10 =	vmov v8  }
0x4a: {  	v16 =	vsub.s32 v17, v16;
	_ =	sdelay $0x2  }
.Ltmp1:
0x4b: {  	[tilespmem:v15+s28+$0x0] =	vst.idx.msk vm1, v12;
	(pc) =	sbr.rel @p1 .LBB2_5-.Ltmp1, $4  }
0x4c: {  	[tilespmem:v15+s29+$0x0] =	vst.idx.msk vm1, v13  }
0x4d: {  	[tilespmem:v16+s28+$0x0] =	vst.idx.msk vm0, v14  }
0x4e: {  	s11 =	sshra.s32 s10, $0x2;
	[tilespmem:v16+s29+$0x0] =	vst.idx.msk vm0, v13  }
0x4f: {  	s10 =	sadd.s32 $0x40, s10;
	v12 =	vld [tilespmem:s11+$0x7D0]  }
0x50: {  	_ =	sdelay $0x3  }
0x51: {  	v12 =	vsub.s32 v12, v2  }
0x52: {  	vm0 =	vlt.u32 v12, $0x9C8;
	v13 =	vadd.s32 $0xFFFFF638, v12  }
0x53: {  	vm1 =	vlt.u32 v13, $0x9C0;
	v14 =	vsel vm0, $0x1, v5  }
0x54: {  	v15 =	vsel vm1, $0x1, v5;
	(xrf0) =	vadd.scan.msk.s32 $0xffff, v14  }
0x55: {  	(xrf0) =	vadd.scan.msk.s32 $0xffff, v15;
	_ =	sdelay $0x3  }
0x56: {  	v58 =	vsel vm0, $0xFFFFFFFF, v5  }
0x57: {  	v11 =	vadd.s32 v58, v11;
	v59, _, _ =	vpop (xrf0)  }
0x58: {  	v11 =	vadd.s32 v59, v11;
	v60, _, _ =	vpop (xrf0)  }
0x59: {  	v61 =	vld [tilespmem:s11+$0x0];
	v16 =	vsel vm1, $0x2870, v6;
	v10 =	vadd.s32 v60, v10  }
0x5a: {  	s7 =	sadd.s32 $0x1, s7;
	v10 =	vsub.s32 v16, v10  }
0x5b: {  	p1 =	sne.s32 s7, $0x5  }
.Ltmp2:
0x5c: {  	_ = 	snop;
	(pc) =	sbr.rel @p1 .LBB2_4-.Ltmp2, $4  }
0x5d: {  	[tilespmem:v11+s28+$0x0] =	vst.idx.msk vm0, v12  }
0x5e: {  	v62 =	vmpcnt.ones.xlane vm0;
	v63 =	vmpcnt.ones.xlane vm1;
	[tilespmem:v11+s29+$0x0] =	vst.idx.msk vm0, v61  }
0x5f: {  	[tilespmem:v10+s28+$0x0] =	vst.idx.msk vm1, v13  }
0x60: {  	v9 =	vadd.s32 v9, v62;
	v8 =	vadd.s32 v8, v63;
	[tilespmem:v10+s29+$0x0] =	vst.idx.msk vm1, v61  }
0x61: {  	v9 =	vxor.u32 $0x80000000, v9  }
0x62: {  	v8 =	vxor.u32 $0x80000000, v8;
	(xrf0) =	vmax.scan.msk.u32 $0xffff, v9  }
0x63: {  	(xrf0) =	vmax.scan.msk.u32 $0xffff, v8;
	_ =	sdelay $0x4  }
0x64: {  	v8, _, _ =	vpop (xrf0)  }
0x65: {  	(v2sf) =	vpush v8, $0xF;
	v8, _, _ =	vpop (xrf0)  }
0x66: {  	(v2sf) =	vpush v8, $0xF;
	_ =	sdelay $0xd  }
0x67: {  	s7 =	spop (v2sf)  }
0x68: {  	[dreg:$0x5] =	wrdreg s6;
	s4 =	sxor.u32 $0x80000000, s7;
	s6 =	spop (v2sf)  }
0x69: {  	s10 =	sxor.u32 $0x80000000, s6;
	v8 =	vadd.s32 s4, v0  }
0x6a: {  	v37 =	vmov s10  }
0x6b: {  	v9 =	vsub.s32 v7, v37  }
0x6c: {  	s13 =	sadd.s32 $0x80000010, s7  }
0x6d: {  	v10 =	vadd.s32 s13, v0;
	s26 =	sadd.s32 $0x80000010, s6  }
0x6e: {  	v11 =	vmov s26;
	[tilespmem:v8+s28+$0x0] =	vst.idx.msk $0xffff, v3  }
0x6f: {  	[tilespmem:v8+s29+$0x0] =	vst.idx.msk $0xffff, v1;
	v8 =	vsub.s32 v7, v11  }
0x70: {  	s10 =	sadd.s32 $0x80000020, s7;
	[tilespmem:v9+s28+$0x0] =	vst.idx.msk $0xffff, v3  }
0x71: {  	s11 =	sadd.s32 $0x80000020, s6;
	v38 =	vadd.s32 s10, v0;
	[tilespmem:v9+s29+$0x0] =	vst.idx.msk $0xffff, v1  }
0x72: {  	v39 =	vmov s11;
	[tilespmem:v10+s28+$0x0] =	vst.idx.msk $0xffff, v3  }
0x73: {  	v40 =	vsub.s32 v7, v39;
	[tilespmem:v10+s29+$0x0] =	vst.idx.msk $0xffff, v1  }
0x74: {  	s12 =	sadd.s32 $0x80000030, s7;
	[tilespmem:v8+s28+$0x0] =	vst.idx.msk $0xffff, v3  }
0x75: {  	s13 =	sadd.s32 $0x80000030, s6;
	[tilespmem:v8+s29+$0x0] =	vst.idx.msk $0xffff, v1;
	v8 =	vadd.s32 s12, v0  }
0x76: {  	v41 =	vmov s13;
	[tilespmem:v38+s28+$0x0] =	vst.idx.msk $0xffff, v3  }
0x77: {  	v42 =	vsub.s32 v7, v41;
	[tilespmem:v38+s29+$0x0] =	vst.idx.msk $0xffff, v1  }
0x78: {  	s26 =	sadd.s32 $0x80000040, s7;
	[tilespmem:v40+s28+$0x0] =	vst.idx.msk $0xffff, v3  }
0x79: {  	v43 =	vadd.s32 s26, v0;
	s10 =	sadd.s32 $0x80000040, s6;
	[tilespmem:v40+s29+$0x0] =	vst.idx.msk $0xffff, v1  }
0x7a: {  	v44 =	vmov s10;
	[tilespmem:v8+s28+$0x0] =	vst.idx.msk $0xffff, v3  }
0x7b: {  	[tilespmem:v8+s29+$0x0] =	vst.idx.msk $0xffff, v1;
	v8 =	vsub.s32 v7, v44  }
0x7c: {  	s11 =	sadd.s32 $0x80000050, s7;
	[tilespmem:v42+s28+$0x0] =	vst.idx.msk $0xffff, v3  }
0x7d: {  	v45 =	vadd.s32 s11, v0;
	s12 =	sadd.s32 $0x80000050, s6;
	[tilespmem:v42+s29+$0x0] =	vst.idx.msk $0xffff, v1  }
0x7e: {  	v46 =	vmov s12;
	[tilespmem:v43+s28+$0x0] =	vst.idx.msk $0xffff, v3  }
0x7f: {  	v47 =	vsub.s32 v7, v46;
	[tilespmem:v43+s29+$0x0] =	vst.idx.msk $0xffff, v1  }
0x80: {  	s13 =	sadd.s32 $0x80000060, s7;
	[tilespmem:v8+s28+$0x0] =	vst.idx.msk $0xffff, v3  }
0x81: {  	s26 =	sadd.s32 $0x80000060, s6;
	[tilespmem:v8+s29+$0x0] =	vst.idx.msk $0xffff, v1;
	v8 =	vadd.s32 s13, v0  }
0x82: {  	v48 =	vmov s26;
	[tilespmem:v45+s28+$0x0] =	vst.idx.msk $0xffff, v3  }
0x83: {  	v49 =	vsub.s32 v7, v48;
	[tilespmem:v45+s29+$0x0] =	vst.idx.msk $0xffff, v1  }
0x84: {  	s10 =	sadd.s32 $0x80000070, s7;
	[tilespmem:v47+s28+$0x0] =	vst.idx.msk $0xffff, v3  }
0x85: {  	s11 =	sadd.s32 $0x80000070, s6;
	v50 =	vadd.s32 s10, v0;
	[tilespmem:v47+s29+$0x0] =	vst.idx.msk $0xffff, v1  }
0x86: {  	v51 =	vmov s11;
	[tilespmem:v8+s28+$0x0] =	vst.idx.msk $0xffff, v3  }
0x87: {  	[tilespmem:v8+s29+$0x0] =	vst.idx.msk $0xffff, v1;
	v8 =	vsub.s32 v7, v51  }
0x88: {  	s12 =	sadd.s32 $0x80000080, s7;
	[tilespmem:v49+s28+$0x0] =	vst.idx.msk $0xffff, v3  }
0x89: {  	v52 =	vadd.s32 s12, v0;
	s13 =	sadd.s32 $0x80000080, s6;
	[tilespmem:v49+s29+$0x0] =	vst.idx.msk $0xffff, v1  }
0x8a: {  	v53 =	vmov s13;
	[tilespmem:v50+s28+$0x0] =	vst.idx.msk $0xffff, v3  }
0x8b: {  	v54 =	vsub.s32 v7, v53;
	[tilespmem:v50+s29+$0x0] =	vst.idx.msk $0xffff, v1  }
0x8c: {  	s26 =	sadd.s32 $0x80000090, s7;
	[tilespmem:v8+s28+$0x0] =	vst.idx.msk $0xffff, v3  }
0x8d: {  	[dreg:$0x16] =	wrdreg s6;
	s6 =	sadd.s32 $0x80000090, s6;
	[tilespmem:v8+s29+$0x0] =	vst.idx.msk $0xffff, v1;
	v8 =	vadd.s32 s26, v0  }
0x8e: {  	v55 =	vmov s6;
	[tilespmem:v52+s28+$0x0] =	vst.idx.msk $0xffff, v3  }
0x8f: {  	v56 =	vsub.s32 v7, v55;
	[tilespmem:v52+s29+$0x0] =	vst.idx.msk $0xffff, v1  }
0x90: {  	[tilespmem:v54+s28+$0x0] =	vst.idx.msk $0xffff, v3  }
0x91: {  	[tilespmem:v54+s29+$0x0] =	vst.idx.msk $0xffff, v1  }
0x92: {  	[tilespmem:v8+s28+$0x0] =	vst.idx.msk $0xffff, v3  }
0x93: {  	[tilespmem:v8+s29+$0x0] =	vst.idx.msk $0xffff, v1  }
0x94: {  	[tilespmem:v56+s28+$0x0] =	vst.idx.msk $0xffff, v3  }
0x95: {  	s10 =	rddreg [dreg:$0x7];
	[tilespmem:v56+s29+$0x0] =	vst.idx.msk $0xffff, v1  }
0x96: {  	[spmem:s10] =	stream.linear.scatter [tilespmem:s31], [sflag:$0x7], $0x2800, $0x38;
	[tilespmem:$0x1A6C0] =	vst v63  }
0x97: {  	_ =	swait.ge [sflag:s25], $0x2800  }
0x98: {  	[sflag:s25] =	ssyncset.done $0x0  }
0x99: {  	s11 =	rddreg [dreg:$0x8];
	[sflag:s25] =	ssyncadd.s32 $0xFFFFD800  }
0x9a: {  	[spmem:s11] =	stream.linear.scatter [tilespmem:s31], [sflag:$0x7], $0x2800, $0x38;
	[tilespmem:$0x1A6C0] =	vst v63  }
0x9b: {  	_ =	swait.ge [sflag:s25], $0x2800  }
0x9c: {  	[sflag:s25] =	ssyncset.done $0x0  }
0x9d: {  	s12 =	rddreg [dreg:$0x9];
	[sflag:s25] =	ssyncadd.s32 $0xFFFFD800  }
0x9e: {  	[spmem:s12] =	stream.linear.scatter [tilespmem:s31], [sflag:$0x7], $0x2800, $0x38;
	[tilespmem:$0x1A6C0] =	vst v63  }
0x9f: {  	_ =	swait.ge [sflag:s25], $0x2800  }
0xa0: {  	[sflag:s25] =	ssyncset.done $0x0  }
0xa1: {  	s13 =	rddreg [dreg:$0xa];
	[sflag:s25] =	ssyncadd.s32 $0xFFFFD800  }
0xa2: {  	[spmem:s13] =	stream.linear.scatter [tilespmem:s31], [sflag:$0x7], $0x2800, $0x38;
	[tilespmem:$0x1A6C0] =	vst v63  }
0xa3: {  	_ =	swait.ge [sflag:s25], $0x2800  }
0xa4: {  	[sflag:s25] =	ssyncset.done $0x0  }
0xa5: {  	[sflag:s25] =	ssyncadd.s32 $0xFFFFD800  }
0xa6: {  	[bflag:$0x0] =	sbarrier.arrive $0xFFFF  }
0xa7: {  	v8 =	vld [tilespmem:$0xFA0]  }
0xa8: {  	v57 =	vld [tilespmem:$0x3810]  }
0xa9: {  	v58 =	vld [tilespmem:$0xFB0]  }
0xaa: {  	v59 =	vld [tilespmem:$0x3820]  }
0xab: {  	v12 =	vld [tilespmem:$0xFC0]  }
0xac: {  	v60 =	vld [tilespmem:$0xFD0];
	[tilespmem:$0x10580] =	vst v8  }
0xad: {  	v61 =	vld [tilespmem:$0x3840];
	[tilespmem:$0x10620] =	vst v57  }
0xae: {  	v62 =	vld [tilespmem:$0xFE0];
	[tilespmem:$0x10590] =	vst v58  }
0xaf: {  	v63 =	vld [tilespmem:$0x3850];
	[tilespmem:$0x10630] =	vst v59  }
0xb0: {  	v8 =	vld [tilespmem:$0x3830];
	[tilespmem:$0x105A0] =	vst v12  }
0xb1: {  	[tilespmem:$0x105B0] =	vst v60  }
0xb2: {  	[tilespmem:$0x10650] =	vst v61  }
0xb3: {  	[tilespmem:$0x105C0] =	vst v62  }
0xb4: {  	[tilespmem:$0x10660] =	vst v63  }
0xb5: {  	s26 =	simm.s32 $0x10580;
	[tilespmem:$0x10640] =	vst v8  }
0xb6: {  	[tilespmem:s31], [sflag:$0x1] =	stream.indirect.gather [hbm4b:s1+s0], $0x80, s26, s0, $0xb8;
	[tilespmem:$0x1A6C0] =	vst v63  }
0xb7: {  	s10 =	simm.s32 $0x1010  }
0xb8: {  	[tilespmem:s14], [sflag:$0x2] =	stream.indirect.gather [hbm4b:s5+s0], $0x80, s26, s0, $0xb8;
	[tilespmem:$0x1A6C0] =	vst v63  }
0xb9: {  	v8 =	vld [tilespmem:s10+$0xFFFFFFE0];
	_ =	sdelay $0x4  }
0xba: {  	s4 =	simm.s32 $0x3880;
	[tilespmem:$0x105D0] =	vst v8  }
0xbb: {  	v8 =	vld [tilespmem:s4+$0xFFFFFFE0];
	_ =	sdelay $0x4  }
0xbc: {  	[tilespmem:$0x10670] =	vst v8  }
0xbd: {  	v8 =	vld [tilespmem:s10+$0xFFFFFFF0];
	_ =	sdelay $0x4  }
0xbe: {  	[tilespmem:$0x105E0] =	vst v8  }
0xbf: {  	v8 =	vld [tilespmem:s4+$0xFFFFFFF0];
	_ =	sdelay $0x4  }
0xc0: {  	[tilespmem:$0x10680] =	vst v8  }
0xc1: {  	v8 =	vld [tilespmem:s10+$0x0];
	_ =	sdelay $0x4  }
0xc2: {  	[tilespmem:$0x105F0] =	vst v8  }
0xc3: {  	v8 =	vld [tilespmem:s4+$0x0];
	_ =	sdelay $0x4  }
0xc4: {  	[tilespmem:$0x10690] =	vst v8  }
0xc5: {  	v8 =	vld [tilespmem:s10+$0x10];
	_ =	sdelay $0x4  }
0xc6: {  	[tilespmem:$0x10600] =	vst v8  }
0xc7: {  	v8 =	vld [tilespmem:s4+$0x10];
	_ =	sdelay $0x4  }
0xc8: {  	[tilespmem:$0x106A0] =	vst v8  }
0xc9: {  	v8 =	vld [tilespmem:s10+$0x20];
	_ =	sdelay $0x4  }
0xca: {  	[tilespmem:$0x10610] =	vst v8  }
0xcb: {  	v8 =	vld [tilespmem:s4+$0x20];
	_ =	sdelay $0x4  }
0xcc: {  	[tilespmem:$0x106B0] =	vst v8  }
0xcd: {  	[tilespmem:s16], [sflag:$0x3] =	stream.indirect.gather [hbm4b:s1+s0], $0x80, s15, s0, $0xb8;
	[tilespmem:$0x1A6C0] =	vst v63  }
0xce: {  	s12 =	sadd.s32 $0x8000009F, s7  }
0xcf: {  	[tilespmem:s17], [sflag:$0x4] =	stream.indirect.gather [hbm4b:s5+s0], $0x80, s15, s0, $0xb8;
	[tilespmem:$0x1A6C0] =	vst v63  }
0xd0: {  	s13 =	smulhi.u32 $0x66666667, s12;
	s26 =	sshra.s32 s12, $0x1F;
	_ =	swait.ge [sflag:s30], $0x2800  }
0xd1: {  	s26 =	smul.u32 $0x66666667, s26;
	[sflag:s30] =	ssyncset.done $0x0  }
0xd2: {  	[sflag:s30] =	ssyncadd.s32 $0xFFFFD800  }
0xd3: {  	s13 =	sadd.s32 s26, s13;
	_ =	swait.ge [sflag:s18], $0x2800  }
0xd4: {  	s26 =	sshrl.u32 s13, $0x1F;
	s13 =	sshra.s32 s13, $0x6;
	[sflag:s18] =	ssyncset.done $0x0  }
0xd5: {  	s13 =	sadd.s32 s26, s13;
	[sflag:s18] =	ssyncadd.s32 $0xFFFFD800  }
0xd6: {  	[spmem:s2] =	stream.indirect.scatter.add.f32 [tilespmem:s31], [sflag:$0x5], $0x80, s19, s0, $0xb8;
	[tilespmem:$0x1A6C0] =	vst v63  }
0xd7: {  	s7 =	ssub.s32 $0x7FFFFF61, s7;
	s26 =	smul.u32 $0xFFFFFF60, s13  }
0xd8: {  	[spmem:s3] =	stream.indirect.scatter.add.f32 [tilespmem:s14], [sflag:$0x5], $0x80, s19, s0, $0xb8;
	[tilespmem:$0x1A6C0] =	vst v63  }
0xd9: {  	p1 =	slt.s32 s12, $0x1;
	p2 =	sne.s32 s26, s7;
	_ =	swait.ge [sflag:s20], $0x2800  }
0xda: {  	p1 =	por !p1, !p2;
	[sflag:s20] =	ssyncset.done $0x0  }
0xdb: {  	s7 =	simm.s32 $0x1;
	p1 =	por !p1, !p1;
	[sflag:s20] =	ssyncadd.s32 $0xFFFFD800  }
0xdc: {  	s7 =	simm.s32 @!p1 $0x0;
	_ =	swait.ge [sflag:s20], $0x2800  }
0xdd: {  	s7 =	ssub.s32 s13, s7;
	[sflag:s20] =	ssyncset.done $0x0  }
0xde: {  	p1 =	sle.s32 s7, $0x1;
	[sflag:s20] =	ssyncadd.s32 $0xFFFFD800  }
0xdf: {  	v8 =	vld @!p1 [tilespmem:s10+$0x30];
	_ =	sdelay $0x4  }
0xe0: {  	[tilespmem:$0x10580] =	vst @!p1 v8  }
0xe1: {  	v8 =	vld @!p1 [tilespmem:s4+$0x30];
	_ =	sdelay $0x4  }
0xe2: {  	[tilespmem:$0x10620] =	vst @!p1 v8  }
0xe3: {  	v8 =	vld @!p1 [tilespmem:s10+$0x40];
	_ =	sdelay $0x4  }
0xe4: {  	[tilespmem:$0x10590] =	vst @!p1 v8  }
0xe5: {  	v8 =	vld @!p1 [tilespmem:s4+$0x40];
	_ =	sdelay $0x4  }
0xe6: {  	[tilespmem:$0x10630] =	vst @!p1 v8  }
0xe7: {  	v8 =	vld @!p1 [tilespmem:s10+$0x50];
	_ =	sdelay $0x4  }
0xe8: {  	[tilespmem:$0x105A0] =	vst @!p1 v8  }
0xe9: {  	v8 =	vld @!p1 [tilespmem:s4+$0x50];
	_ =	sdelay $0x4  }
0xea: {  	[tilespmem:$0x10640] =	vst @!p1 v8  }
0xeb: {  	v8 =	vld @!p1 [tilespmem:s10+$0x60];
	_ =	sdelay $0x4  }
0xec: {  	[tilespmem:$0x105B0] =	vst @!p1 v8  }
0xed: {  	v8 =	vld @!p1 [tilespmem:s4+$0x60];
	_ =	sdelay $0x4  }
0xee: {  	[tilespmem:$0x10650] =	vst @!p1 v8  }
0xef: {  	v8 =	vld @!p1 [tilespmem:s10+$0x70];
	_ =	sdelay $0x4  }
0xf0: {  	[tilespmem:$0x105C0] =	vst @!p1 v8  }
0xf1: {  	v8 =	vld @!p1 [tilespmem:s4+$0x70];
	_ =	sdelay $0x4  }
0xf2: {  	s12 =	simm.s32 @!p1 $0x10580;
	s13 =	simm.s32 @!p1 $0x6080;
	s10 =	simm.s32 @!p1 $0x50;
	[tilespmem:$0x10660] =	vst @!p1 v8  }
0xf3: {  	[tilespmem:s13], [sflag:$0x1] =	stream.indirect.gather @!p1 [hbm4b:s1+s10], $0x80, s12, s10, $0xb8;
	[tilespmem:$0x1A6C0] =	vst v63  }
0xf4: {  	s13 =	simm.s32 @!p1 $0x8880  }
0xf5: {  	[tilespmem:s13], [sflag:$0x2] =	stream.indirect.gather @!p1 [hbm4b:s5+s10], $0x80, s12, s10, $0xb8;
	[tilespmem:$0x1A6C0] =	vst v63  }
0xf6: {  	_ =	swait.ge [sflag:s21], $0x2800  }
0xf7: {  	[sflag:s21] =	ssyncset.done $0x0  }
0xf8: {  	[sflag:s21] =	ssyncadd.s32 $0xFFFFD800  }
0xf9: {  	_ =	swait.ge [sflag:s22], $0x2800  }
0xfa: {  	p1 =	sgt.s32 s7, $0x1;
	s10 =	smov.u32 s7;
	[sflag:s22] =	ssyncset.done $0x0  }
0xfb: {  	s10 =	simm.s32 @!p1 $0x1;
	[sflag:s22] =	ssyncadd.s32 $0xFFFFD800  }
0xfc: {  	[spmem:s2] =	stream.indirect.scatter.add.f32 [tilespmem:s16], [sflag:$0x6], $0x80, s23, s0, $0xb8;
	[tilespmem:$0x1A6C0] =	vst v63  }
0xfd: {  	p1 =	sne.s32 s10, $0x1  }
0xfe: {  	[spmem:s3] =	stream.indirect.scatter.add.f32 [tilespmem:s17], [sflag:$0x6], $0x80, s23, s0, $0xb8;
	[tilespmem:$0x1A6C0] =	vst v63  }
.Ltmp3:
0xff: {  	_ =	swait.ge [sflag:s24], $0x2800;
	(pc) =	sbr.rel @!p1 .LBB2_9-.Ltmp3, $4  }
0x100: {  	[sflag:s24] =	ssyncset.done $0x0  }
0x101: {  	[sflag:s24] =	ssyncadd.s32 $0xFFFFD800  }
0x102: {  	_ =	swait.ge [sflag:s24], $0x2800  }
0x103: {  	s12 =	simm.s32 $0x1;
	s13 =	simm.s32 $0x10B0;
	[sflag:s24] =	ssyncset.done $0x0  }
.LBB2_8:
0x104: {  	s12 =	sadd.s32 $0x1, s12;
	[sflag:s24] =	ssyncadd.s32 $0xFFFFD800;
	s4 =	sadd.s32 $0xA0, s4  }
0x105: {  	v8 =	vld [tilespmem:s13+$0xFFFFFFE0];
	p1 =	sne.s32 s10, s12;
	_ =	sdelay $0x4  }
0x106: {  	[tilespmem:$0x105D0] =	vst v8  }
0x107: {  	v8 =	vld [tilespmem:s4+$0xFFFFFFE0];
	_ =	sdelay $0x4  }
0x108: {  	[tilespmem:$0x10670] =	vst v8  }
0x109: {  	v8 =	vld [tilespmem:s13+$0xFFFFFFF0];
	_ =	sdelay $0x4  }
0x10a: {  	[tilespmem:$0x105E0] =	vst v8  }
0x10b: {  	v8 =	vld [tilespmem:s4+$0xFFFFFFF0];
	_ =	sdelay $0x4  }
0x10c: {  	[tilespmem:$0x10680] =	vst v8  }
0x10d: {  	v8 =	vld [tilespmem:s13+$0x0];
	_ =	sdelay $0x4  }
0x10e: {  	[tilespmem:$0x105F0] =	vst v8  }
0x10f: {  	v8 =	vld [tilespmem:s4+$0x0];
	_ =	sdelay $0x4  }
0x110: {  	[tilespmem:$0x10690] =	vst v8  }
0x111: {  	v8 =	vld [tilespmem:s13+$0x10];
	_ =	sdelay $0x4  }
0x112: {  	[tilespmem:$0x10600] =	vst v8  }
0x113: {  	v8 =	vld [tilespmem:s4+$0x10];
	_ =	sdelay $0x4  }
0x114: {  	[tilespmem:$0x106A0] =	vst v8  }
0x115: {  	v8 =	vld [tilespmem:s13+$0x20];
	_ =	sdelay $0x4  }
0x116: {  	[tilespmem:$0x10610] =	vst v8  }
0x117: {  	v8 =	vld [tilespmem:s4+$0x20];
	_ =	sdelay $0x4  }
0x118: {  	[tilespmem:$0x106B0] =	vst v8  }
0x119: {  	[tilespmem:s16], [sflag:$0x3] =	stream.indirect.gather [hbm4b:s1+s0], $0x80, s15, s0, $0xb8;
	[tilespmem:$0x1A6C0] =	vst v63  }
0x11a: {  	_ = 	snop  }
0x11b: {  	[tilespmem:s17], [sflag:$0x4] =	stream.indirect.gather [hbm4b:s5+s0], $0x80, s15, s0, $0xb8;
	[tilespmem:$0x1A6C0] =	vst v63  }
0x11c: {  	_ =	swait.ge [sflag:s30], $0x2800  }
0x11d: {  	[sflag:s30] =	ssyncset.done $0x0  }
0x11e: {  	[sflag:s30] =	ssyncadd.s32 $0xFFFFD800  }
0x11f: {  	_ =	swait.ge [sflag:s18], $0x2800  }
0x120: {  	[sflag:s18] =	ssyncset.done $0x0  }
0x121: {  	[sflag:s18] =	ssyncadd.s32 $0xFFFFD800  }
0x122: {  	[spmem:s2] =	stream.indirect.scatter.add.f32 [tilespmem:s31], [sflag:$0x5], $0x80, s19, s0, $0xb8;
	[tilespmem:$0x1A6C0] =	vst v63  }
0x123: {  	_ = 	snop  }
0x124: {  	[spmem:s3] =	stream.indirect.scatter.add.f32 [tilespmem:s14], [sflag:$0x5], $0x80, s19, s0, $0xb8;
	[tilespmem:$0x1A6C0] =	vst v63  }
0x125: {  	_ =	swait.ge [sflag:s20], $0x2800  }
0x126: {  	[sflag:s20] =	ssyncset.done $0x0  }
0x127: {  	[sflag:s20] =	ssyncadd.s32 $0xFFFFD800  }
0x128: {  	_ =	swait.ge [sflag:s20], $0x2800  }
0x129: {  	[sflag:s20] =	ssyncset.done $0x0  }
0x12a: {  	p2 =	sle.s32 s7, s12;
	[sflag:s20] =	ssyncadd.s32 $0xFFFFD800  }
0x12b: {  	v8 =	vld @!p2 [tilespmem:s13+$0x30];
	_ =	sdelay $0x4  }
0x12c: {  	[tilespmem:$0x10580] =	vst @!p2 v8  }
0x12d: {  	v8 =	vld @!p2 [tilespmem:s4+$0x30];
	_ =	sdelay $0x4  }
0x12e: {  	[tilespmem:$0x10620] =	vst @!p2 v8  }
0x12f: {  	v8 =	vld @!p2 [tilespmem:s13+$0x40];
	_ =	sdelay $0x4  }
0x130: {  	[tilespmem:$0x10590] =	vst @!p2 v8  }
0x131: {  	v8 =	vld @!p2 [tilespmem:s4+$0x40];
	_ =	sdelay $0x4  }
0x132: {  	[tilespmem:$0x10630] =	vst @!p2 v8  }
0x133: {  	v8 =	vld @!p2 [tilespmem:s13+$0x50];
	_ =	sdelay $0x4  }
0x134: {  	[tilespmem:$0x105A0] =	vst @!p2 v8  }
0x135: {  	v8 =	vld @!p2 [tilespmem:s4+$0x50];
	_ =	sdelay $0x4  }
0x136: {  	[tilespmem:$0x10640] =	vst @!p2 v8  }
0x137: {  	v8 =	vld @!p2 [tilespmem:s13+$0x60];
	_ =	sdelay $0x4  }
0x138: {  	[tilespmem:$0x105B0] =	vst @!p2 v8  }
0x139: {  	v8 =	vld @!p2 [tilespmem:s4+$0x60];
	_ =	sdelay $0x4  }
0x13a: {  	[tilespmem:$0x10650] =	vst @!p2 v8  }
0x13b: {  	v8 =	vld @!p2 [tilespmem:s13+$0x70];
	_ =	sdelay $0x4  }
0x13c: {  	[tilespmem:$0x105C0] =	vst @!p2 v8  }
0x13d: {  	v8 =	vld @!p2 [tilespmem:s4+$0x70];
	_ =	sdelay $0x4  }
0x13e: {  	s26 =	simm.s32 @!p2 $0x50;
	s11 =	simm.s32 @!p2 $0x10580;
	s6 =	simm.s32 @!p2 $0x6080;
	[tilespmem:$0x10660] =	vst @!p2 v8  }
0x13f: {  	[tilespmem:s6], [sflag:$0x1] =	stream.indirect.gather @!p2 [hbm4b:s1+s26], $0x80, s11, s26, $0xb8;
	[tilespmem:$0x1A6C0] =	vst v63  }
0x140: {  	s6 =	simm.s32 @!p2 $0x8880  }
0x141: {  	[tilespmem:s6], [sflag:$0x2] =	stream.indirect.gather @!p2 [hbm4b:s5+s26], $0x80, s11, s26, $0xb8;
	[tilespmem:$0x1A6C0] =	vst v63  }
0x142: {  	_ =	swait.ge [sflag:s21], $0x2800  }
0x143: {  	[sflag:s21] =	ssyncset.done $0x0  }
0x144: {  	[sflag:s21] =	ssyncadd.s32 $0xFFFFD800  }
0x145: {  	_ =	swait.ge [sflag:s22], $0x2800  }
0x146: {  	[sflag:s22] =	ssyncset.done $0x0  }
0x147: {  	[sflag:s22] =	ssyncadd.s32 $0xFFFFD800  }
0x148: {  	[spmem:s2] =	stream.indirect.scatter.add.f32 [tilespmem:s16], [sflag:$0x6], $0x80, s23, s0, $0xb8;
	[tilespmem:$0x1A6C0] =	vst v63  }
0x149: {  	_ = 	snop  }
0x14a: {  	[spmem:s3] =	stream.indirect.scatter.add.f32 [tilespmem:s17], [sflag:$0x6], $0x80, s23, s0, $0xb8;
	[tilespmem:$0x1A6C0] =	vst v63  }
.Ltmp4:
0x14b: {  	_ =	swait.ge [sflag:s24], $0x2800;
	(pc) =	sbr.rel @p1 .LBB2_8-.Ltmp4, $4  }
0x14c: {  	[sflag:s24] =	ssyncset.done $0x0  }
0x14d: {  	[sflag:s24] =	ssyncadd.s32 $0xFFFFD800  }
0x14e: {  	_ =	swait.ge [sflag:s24], $0x2800  }
0x14f: {  	s13 =	sadd.s32 $0xA0, s13;
	[sflag:s24] =	ssyncset.done $0x0  }
.LBB2_9:
0x150: {  	[sflag:s24] =	ssyncadd.s32 $0xFFFFD800  }
0x151: {  	[bflag:$0x0] =	sbarrier.arrive $0xFFFF  }
0x152: {  	s4 =	rddreg [dreg:$0x11]  }
0x153: {  	s6 =	rddreg [dreg:$0xd];
	s7 =	sshrl.u32 @p0 s4, $0x3  }
0x154: {  	s4 =	simm.s32 @p0 $0x1FC7;
	[dreg:$0x18] =	wrdreg s7  }
0x155: {  	[hbm:s6], [sflag:s4] =	dma.local @p0 [spmem:s7], $0x680  }
0x156: {  	s6 =	simm.s32 @p0 $0x7  }
0x157: {  	_ =	swait.ge @p0 [sflag:s6], $0x680  }
0x158: {  	s7 =	rddreg [dreg:$0x14]  }
0x159: {  	[sflag:s6] =	ssyncset.done @p0 $0x0;
	s10 =	sshrl.u32 @p0 s7, $0x3;
	s7 =	rddreg [dreg:$0xe]  }
0x15a: {  	[sflag:s6] =	ssyncadd.s32 @p0 $0xFFFFF980;
	[dreg:$0x19] =	wrdreg s10  }
0x15b: {  	[hbm:s7], [sflag:s4] =	dma.local @p0 [spmem:s10], $0x680  }
0x15c: {  	s4 =	stileid.u32;
	_ =	swait.ge @p0 [sflag:s6], $0x680  }
0x15d: {  	s4 =	sshll.u32 @!p0 s4, $0x6;
	s12 =	rddreg [dreg:$0x16];
	[sflag:s6] =	ssyncset.done @p0 $0x0  }
0x15e: {  	s11 =	sor.u32 @!p0 $0x1C07, s4;
	s4 =	rddreg [dreg:$0x7];
	s7 =	sadd.s32 $0x8000009F, s12  }
0x15f: {  	[sflag:s6] =	ssyncadd.s32 @p0 $0xFFFFF980;
	s6 =	sshrl.u32 @!p0 s4, $0x3;
	s4 =	rddreg [dreg:$0xb]  }
0x160: {  	[dreg:$0x1a] =	wrdreg s6;
	s13 =	smulhi.u32 $0x66666667, s7;
	s26 =	sshra.s32 s7, $0x1F  }
0x161: {  	[hbm:s4], [sflag:s11] =	dma.local @!p0 [spmem:s6], $0xA00  }
0x162: {  	s10 =	simm.s32 @!p0 $0x7;
	s6 =	smul.u32 $0x66666667, s26  }
0x163: {  	_ =	swait.ge @!p0 [sflag:s10], $0xA00;
	[dreg:$0x17] =	wrdreg s11  }
0x164: {  	s4 =	sadd.s32 s6, s13;
	s6 =	rddreg [dreg:$0x9]  }
0x165: {  	[sflag:s10] =	ssyncset.done @!p0 $0x0;
	s13 =	sshrl.u32 @!p0 s6, $0x3;
	s6 =	rddreg [dreg:$0xc]  }
0x166: {  	[sflag:s10] =	ssyncadd.s32 @!p0 $0xFFFFF600;
	[dreg:$0x1b] =	wrdreg s13  }
0x167: {  	[hbm:s6], [sflag:s11] =	dma.local @!p0 [spmem:s13], $0xA00  }
0x168: {  	s11 =	sshrl.u32 s4, $0x1F;
	s4 =	sshra.s32 s4, $0x6;
	_ =	swait.ge @!p0 [sflag:s10], $0xA00  }
0x169: {  	s6 =	sadd.s32 s11, s4;
	[sflag:s10] =	ssyncset.done @!p0 $0x0  }
0x16a: {  	s4 =	simm.s32 $0x60C0;
	s13 =	smul.u32 $0xFFFFFF60, s6;
	[sflag:s10] =	ssyncadd.s32 @!p0 $0xFFFFF600  }
0x16b: {  	s26 =	ssub.s32 $0x7FFFFF61, s12;
	[tilespmem:s4+$0xFFFFFFD0] =	vst v4  }
0x16c: {  	p1 =	slt.s32 s7, $0x1;
	p2 =	sne.s32 s13, s26;
	[tilespmem:s4+$0xFFFFFFE0] =	vst v4  }
0x16d: {  	[tilespmem:s4+$0xFFFFFFF0] =	vst v4;
	p1 =	por !p1, !p2  }
0x16e: {  	s7 =	simm.s32 $0x1;
	[tilespmem:s4+$0x0] =	vst v4;
	p1 =	por !p1, !p1  }
0x16f: {  	[tilespmem:s4+$0x10] =	vst v4;
	s7 =	simm.s32 @!p1 $0x0  }
0x170: {  	[tilespmem:s4+$0x20] =	vst v4;
	s7 =	ssub.s32 s6, s7  }
0x171: {  	[tilespmem:s4+$0x30] =	vst v4;
	p1 =	sgt.s32 s7, $0x1;
	s11 =	smov.u32 s7  }
0x172: {  	s12 =	simm.s32 $0x0;
	s10 =	simm.s32 $0x40;
	[tilespmem:s4+$0xFFFFFFC0] =	vst v4;
	s11 =	simm.s32 @!p1 $0x1  }
.LBB2_10:
0x173: {  	p1 =	sne.s32 s10, $0x13C0;
	[tilespmem:s12+$0x10080] =	vst v4;
	s4 =	sadd.s32 $0x80, s4  }
0x174: {  	[tilespmem:s4+$0xFFFFFFD0] =	vst v4  }
0x175: {  	[tilespmem:s4+$0xFFFFFFE0] =	vst v4  }
0x176: {  	[tilespmem:s4+$0xFFFFFFF0] =	vst v4  }
.Ltmp5:
0x177: {  	[tilespmem:s4+$0x0] =	vst v4;
	(pc) =	sbr.rel @p1 .LBB2_10-.Ltmp5, $4  }
0x178: {  	[tilespmem:s4+$0x10] =	vst v4  }
0x179: {  	[tilespmem:s4+$0x20] =	vst v4  }
0x17a: {  	[tilespmem:s4+$0x30] =	vst v4  }
0x17b: {  	s12 =	sshra.s32 s10, $0x2;
	s10 =	sadd.s32 $0x40, s10;
	[tilespmem:s4+$0xFFFFFFC0] =	vst v4  }
0x17c: {  	[tilespmem:s12+$0x10080] =	vst v4  }
0x17d: {  	[bflag:$0x0] =	sbarrier.arrive $0xFFFF  }
0x17e: {  	s4 =	rddreg [dreg:$0x7]  }
0x17f: {  	[spmem:s4] =	stream.linear.scatter [tilespmem:s31], [sflag:$0x7], $0x2800, $0x38;
	[tilespmem:$0x1A6C0] =	vst v63  }
0x180: {  	_ =	swait.ge [sflag:s25], $0x2800  }
0x181: {  	[sflag:s25] =	ssyncset.done $0x0  }
0x182: {  	s26 =	rddreg [dreg:$0x8];
	[sflag:s25] =	ssyncadd.s32 $0xFFFFD800  }
0x183: {  	[spmem:s26] =	stream.linear.scatter [tilespmem:s31], [sflag:$0x7], $0x2800, $0x38;
	[tilespmem:$0x1A6C0] =	vst v63  }
0x184: {  	_ =	swait.ge [sflag:s25], $0x2800  }
0x185: {  	[sflag:s25] =	ssyncset.done $0x0  }
0x186: {  	s6 =	rddreg [dreg:$0x9];
	[sflag:s25] =	ssyncadd.s32 $0xFFFFD800  }
0x187: {  	[spmem:s6] =	stream.linear.scatter [tilespmem:s31], [sflag:$0x7], $0x2800, $0x38;
	[tilespmem:$0x1A6C0] =	vst v63  }
0x188: {  	_ =	swait.ge [sflag:s25], $0x2800  }
0x189: {  	[sflag:s25] =	ssyncset.done $0x0  }
0x18a: {  	s10 =	rddreg [dreg:$0xa];
	[sflag:s25] =	ssyncadd.s32 $0xFFFFD800  }
0x18b: {  	[spmem:s10] =	stream.linear.scatter [tilespmem:s31], [sflag:$0x7], $0x2800, $0x38;
	[tilespmem:$0x1A6C0] =	vst v63  }
0x18c: {  	_ =	swait.ge [sflag:s25], $0x2800  }
0x18d: {  	s4 =	smul.u32 $0xA0, s11;
	[sflag:s25] =	ssyncset.done $0x0  }
0x18e: {  	[sflag:s25] =	ssyncadd.s32 $0xFFFFD800  }
0x18f: {  	s6 =	ssub.s32 $0x3810, s4;
	[bflag:$0x0] =	sbarrier.arrive $0xFFFF  }
0x190: {  	v8 =	vld [tilespmem:s6+$0x0];
	_ =	sdelay $0x4  }
0x191: {  	s12 =	ssub.s32 $0x6080, s4;
	[tilespmem:$0x10580] =	vst v8  }
0x192: {  	v8 =	vld [tilespmem:s12+$0x0];
	_ =	sdelay $0x4  }
0x193: {  	s13 =	ssub.s32 $0x3820, s4;
	[tilespmem:$0x10620] =	vst v8  }
0x194: {  	v8 =	vld [tilespmem:s13+$0x0];
	_ =	sdelay $0x4  }
0x195: {  	s26 =	ssub.s32 $0x6090, s4;
	[tilespmem:$0x10590] =	vst v8  }
0x196: {  	v8 =	vld [tilespmem:s26+$0x0];
	_ =	sdelay $0x4  }
0x197: {  	s10 =	ssub.s32 $0x3830, s4;
	[tilespmem:$0x10630] =	vst v8  }
0x198: {  	v8 =	vld [tilespmem:s10+$0x0];
	_ =	sdelay $0x4  }
0x199: {  	s12 =	ssub.s32 $0x60A0, s4;
	[tilespmem:$0x105A0] =	vst v8  }
0x19a: {  	v8 =	vld [tilespmem:s12+$0x0];
	_ =	sdelay $0x4  }
0x19b: {  	s13 =	ssub.s32 $0x3840, s4;
	[tilespmem:$0x10640] =	vst v8  }
0x19c: {  	v8 =	vld [tilespmem:s13+$0x0];
	_ =	sdelay $0x4  }
0x19d: {  	s26 =	ssub.s32 $0x60B0, s4;
	[tilespmem:$0x105B0] =	vst v8  }
0x19e: {  	v8 =	vld [tilespmem:s26+$0x0];
	_ =	sdelay $0x4  }
0x19f: {  	s10 =	ssub.s32 $0x3850, s4;
	[tilespmem:$0x10650] =	vst v8  }
0x1a0: {  	v8 =	vld [tilespmem:s10+$0x0];
	_ =	sdelay $0x4  }
0x1a1: {  	s4 =	ssub.s32 $0x60C0, s4;
	[tilespmem:$0x105C0] =	vst v8  }
0x1a2: {  	v8 =	vld [tilespmem:s4+$0x0];
	_ =	sdelay $0x2  }
0x1a3: {  	s13 =	smul.u32 $0xFFFFFD80, s11;
	_ =	sdelay $0x1  }
0x1a4: {  	s12 =	simm.s32 $0x10580;
	s26 =	sshra.s32 s13, $0x2;
	[tilespmem:$0x10660] =	vst v8  }
0x1a5: {  	[tilespmem:s31], [sflag:$0x1] =	stream.indirect.gather [hbm4b:s1+s0], $0x80, s12, s0, $0xb8;
	[tilespmem:$0x1A6C0] =	vst v63  }
0x1a6: {  	s4 =	sadd.s32 $0x38F0, s26  }
0x1a7: {  	[tilespmem:s14], [sflag:$0x2] =	stream.indirect.gather [hbm4b:s5+s0], $0x80, s12, s0, $0xb8;
	[tilespmem:$0x1A6C0] =	vst v63  }
0x1a8: {  	v8 =	vld [tilespmem:s4+$0xFFFFFF70];
	_ =	sdelay $0x4  }
0x1a9: {  	s10 =	sadd.s32 $0x6160, s26;
	[tilespmem:$0x105D0] =	vst v8  }
0x1aa: {  	v8 =	vld [tilespmem:s10+$0xFFFFFF70];
	_ =	sdelay $0x4  }
0x1ab: {  	[tilespmem:$0x10670] =	vst v8  }
0x1ac: {  	v8 =	vld [tilespmem:s4+$0xFFFFFF80];
	_ =	sdelay $0x4  }
0x1ad: {  	[tilespmem:$0x105E0] =	vst v8  }
0x1ae: {  	v8 =	vld [tilespmem:s10+$0xFFFFFF80];
	_ =	sdelay $0x4  }
0x1af: {  	[tilespmem:$0x10680] =	vst v8  }
0x1b0: {  	v8 =	vld [tilespmem:s4+$0xFFFFFF90];
	_ =	sdelay $0x4  }
0x1b1: {  	[tilespmem:$0x105F0] =	vst v8  }
0x1b2: {  	v8 =	vld [tilespmem:s10+$0xFFFFFF90];
	_ =	sdelay $0x4  }
0x1b3: {  	[tilespmem:$0x10690] =	vst v8  }
0x1b4: {  	v8 =	vld [tilespmem:s4+$0xFFFFFFA0];
	_ =	sdelay $0x4  }
0x1b5: {  	[tilespmem:$0x10600] =	vst v8  }
0x1b6: {  	v8 =	vld [tilespmem:s10+$0xFFFFFFA0];
	_ =	sdelay $0x4  }
0x1b7: {  	[tilespmem:$0x106A0] =	vst v8  }
0x1b8: {  	v8 =	vld [tilespmem:s4+$0xFFFFFFB0];
	_ =	sdelay $0x4  }
0x1b9: {  	[tilespmem:$0x10610] =	vst v8  }
0x1ba: {  	v8 =	vld [tilespmem:s10+$0xFFFFFFB0];
	_ =	sdelay $0x4  }
0x1bb: {  	[tilespmem:$0x106B0] =	vst v8  }
0x1bc: {  	[tilespmem:s16], [sflag:$0x3] =	stream.indirect.gather [hbm4b:s1+s0], $0x80, s15, s0, $0xb8;
	[tilespmem:$0x1A6C0] =	vst v63  }
0x1bd: {  	_ = 	snop  }
0x1be: {  	[tilespmem:s17], [sflag:$0x4] =	stream.indirect.gather [hbm4b:s5+s0], $0x80, s15, s0, $0xb8;
	[tilespmem:$0x1A6C0] =	vst v63  }
0x1bf: {  	_ =	swait.ge [sflag:s30], $0x2800  }
0x1c0: {  	[sflag:s30] =	ssyncset.done $0x0  }
0x1c1: {  	[sflag:s30] =	ssyncadd.s32 $0xFFFFD800  }
0x1c2: {  	_ =	swait.ge [sflag:s18], $0x2800  }
0x1c3: {  	[sflag:s18] =	ssyncset.done $0x0  }
0x1c4: {  	[sflag:s18] =	ssyncadd.s32 $0xFFFFD800  }
0x1c5: {  	[spmem:s2] =	stream.indirect.scatter.add.f32 [tilespmem:s31], [sflag:$0x5], $0x80, s19, s0, $0xb8;
	[tilespmem:$0x1A6C0] =	vst v63  }
0x1c6: {  	_ = 	snop  }
0x1c7: {  	[spmem:s3] =	stream.indirect.scatter.add.f32 [tilespmem:s14], [sflag:$0x5], $0x80, s19, s0, $0xb8;
	[tilespmem:$0x1A6C0] =	vst v63  }
0x1c8: {  	_ =	swait.ge [sflag:s20], $0x2800  }
0x1c9: {  	[sflag:s20] =	ssyncset.done $0x0  }
0x1ca: {  	[sflag:s20] =	ssyncadd.s32 $0xFFFFD800  }
0x1cb: {  	_ =	swait.ge [sflag:s20], $0x2800  }
0x1cc: {  	[sflag:s20] =	ssyncset.done $0x0  }
0x1cd: {  	p1 =	sle.s32 s7, $0x1;
	[sflag:s20] =	ssyncadd.s32 $0xFFFFD800  }
0x1ce: {  	v8 =	vld @!p1 [tilespmem:s4+$0xFFFFFFC0];
	_ =	sdelay $0x4  }
0x1cf: {  	[tilespmem:$0x10580] =	vst @!p1 v8  }
0x1d0: {  	v8 =	vld @!p1 [tilespmem:s10+$0xFFFFFFC0];
	_ =	sdelay $0x4  }
0x1d1: {  	[tilespmem:$0x10620] =	vst @!p1 v8  }
0x1d2: {  	v8 =	vld @!p1 [tilespmem:s4+$0xFFFFFFD0];
	_ =	sdelay $0x4  }
0x1d3: {  	[tilespmem:$0x10590] =	vst @!p1 v8  }
0x1d4: {  	v8 =	vld @!p1 [tilespmem:s10+$0xFFFFFFD0];
	_ =	sdelay $0x4  }
0x1d5: {  	[tilespmem:$0x10630] =	vst @!p1 v8  }
0x1d6: {  	v8 =	vld @!p1 [tilespmem:s4+$0xFFFFFFE0];
	_ =	sdelay $0x4  }
0x1d7: {  	[tilespmem:$0x105A0] =	vst @!p1 v8  }
0x1d8: {  	v8 =	vld @!p1 [tilespmem:s10+$0xFFFFFFE0];
	_ =	sdelay $0x4  }
0x1d9: {  	[tilespmem:$0x10640] =	vst @!p1 v8  }
0x1da: {  	v8 =	vld @!p1 [tilespmem:s4+$0xFFFFFFF0];
	_ =	sdelay $0x4  }
0x1db: {  	[tilespmem:$0x105B0] =	vst @!p1 v8  }
0x1dc: {  	v8 =	vld @!p1 [tilespmem:s10+$0xFFFFFFF0];
	_ =	sdelay $0x4  }
0x1dd: {  	[tilespmem:$0x10650] =	vst @!p1 v8  }
0x1de: {  	v8 =	vld @!p1 [tilespmem:s4+$0x0];
	_ =	sdelay $0x4  }
0x1df: {  	[tilespmem:$0x105C0] =	vst @!p1 v8  }
0x1e0: {  	v8 =	vld @!p1 [tilespmem:s10+$0x0];
	_ =	sdelay $0x4  }
0x1e1: {  	s6 =	simm.s32 @!p1 $0x50;
	s26 =	simm.s32 @!p1 $0x6080;
	s12 =	simm.s32 @!p1 $0x10580;
	[tilespmem:$0x10660] =	vst @!p1 v8  }
0x1e2: {  	[tilespmem:s26], [sflag:$0x1] =	stream.indirect.gather @!p1 [hbm4b:s1+s6], $0x80, s12, s6, $0xb8;
	[tilespmem:$0x1A6C0] =	vst v63  }
0x1e3: {  	s26 =	simm.s32 @!p1 $0x8880  }
0x1e4: {  	[tilespmem:s26], [sflag:$0x2] =	stream.indirect.gather @!p1 [hbm4b:s5+s6], $0x80, s12, s6, $0xb8;
	[tilespmem:$0x1A6C0] =	vst v63  }
0x1e5: {  	_ =	swait.ge [sflag:s21], $0x2800  }
0x1e6: {  	[sflag:s21] =	ssyncset.done $0x0  }
0x1e7: {  	[sflag:s21] =	ssyncadd.s32 $0xFFFFD800  }
0x1e8: {  	_ =	swait.ge [sflag:s22], $0x2800  }
0x1e9: {  	[sflag:s22] =	ssyncset.done $0x0  }
0x1ea: {  	[sflag:s22] =	ssyncadd.s32 $0xFFFFD800  }
0x1eb: {  	[spmem:s2] =	stream.indirect.scatter.add.f32 [tilespmem:s16], [sflag:$0x6], $0x80, s23, s0, $0xb8;
	[tilespmem:$0x1A6C0] =	vst v63  }
0x1ec: {  	p1 =	sne.s32 s11, $0x1  }
0x1ed: {  	[spmem:s3] =	stream.indirect.scatter.add.f32 [tilespmem:s17], [sflag:$0x6], $0x80, s23, s0, $0xb8;
	[tilespmem:$0x1A6C0] =	vst v63  }
.Ltmp6:
0x1ee: {  	_ =	swait.ge [sflag:s24], $0x2800;
	(pc) =	sbr.rel @!p1 .LBB2_13-.Ltmp6, $4  }
0x1ef: {  	[sflag:s24] =	ssyncset.done $0x0  }
0x1f0: {  	[sflag:s24] =	ssyncadd.s32 $0xFFFFD800  }
0x1f1: {  	_ =	swait.ge [sflag:s24], $0x2800  }
0x1f2: {  	s4 =	sadd.s32 $0xA0, s4;
	s12 =	simm.s32 $0x1;
	[sflag:s24] =	ssyncset.done $0x0  }
.LBB2_12:
0x1f3: {  	s12 =	sadd.s32 $0x1, s12;
	[sflag:s24] =	ssyncadd.s32 $0xFFFFD800;
	s10 =	sadd.s32 $0xA0, s10  }
0x1f4: {  	v8 =	vld [tilespmem:s4+$0xFFFFFF70];
	p1 =	sne.s32 s11, s12;
	_ =	sdelay $0x4  }
0x1f5: {  	[tilespmem:$0x105D0] =	vst v8  }
0x1f6: {  	v8 =	vld [tilespmem:s10+$0xFFFFFF70];
	_ =	sdelay $0x4  }
0x1f7: {  	[tilespmem:$0x10670] =	vst v8  }
0x1f8: {  	v8 =	vld [tilespmem:s4+$0xFFFFFF80];
	_ =	sdelay $0x4  }
0x1f9: {  	[tilespmem:$0x105E0] =	vst v8  }
0x1fa: {  	v8 =	vld [tilespmem:s10+$0xFFFFFF80];
	_ =	sdelay $0x4  }
0x1fb: {  	[tilespmem:$0x10680] =	vst v8  }
0x1fc: {  	v8 =	vld [tilespmem:s4+$0xFFFFFF90];
	_ =	sdelay $0x4  }
0x1fd: {  	[tilespmem:$0x105F0] =	vst v8  }
0x1fe: {  	v8 =	vld [tilespmem:s10+$0xFFFFFF90];
	_ =	sdelay $0x4  }
0x1ff: {  	[tilespmem:$0x10690] =	vst v8  }
0x200: {  	v8 =	vld [tilespmem:s4+$0xFFFFFFA0];
	_ =	sdelay $0x4  }
0x201: {  	[tilespmem:$0x10600] =	vst v8  }
0x202: {  	v8 =	vld [tilespmem:s10+$0xFFFFFFA0];
	_ =	sdelay $0x4  }
0x203: {  	[tilespmem:$0x106A0] =	vst v8  }
0x204: {  	v8 =	vld [tilespmem:s4+$0xFFFFFFB0];
	_ =	sdelay $0x4  }
0x205: {  	[tilespmem:$0x10610] =	vst v8  }
0x206: {  	v8 =	vld [tilespmem:s10+$0xFFFFFFB0];
	_ =	sdelay $0x4  }
0x207: {  	[tilespmem:$0x106B0] =	vst v8  }
0x208: {  	[tilespmem:s16], [sflag:$0x3] =	stream.indirect.gather [hbm4b:s1+s0], $0x80, s15, s0, $0xb8;
	[tilespmem:$0x1A6C0] =	vst v63  }
0x209: {  	_ = 	snop  }
0x20a: {  	[tilespmem:s17], [sflag:$0x4] =	stream.indirect.gather [hbm4b:s5+s0], $0x80, s15, s0, $0xb8;
	[tilespmem:$0x1A6C0] =	vst v63  }
0x20b: {  	_ =	swait.ge [sflag:s30], $0x2800  }
0x20c: {  	[sflag:s30] =	ssyncset.done $0x0  }
0x20d: {  	[sflag:s30] =	ssyncadd.s32 $0xFFFFD800  }
0x20e: {  	_ =	swait.ge [sflag:s18], $0x2800  }
0x20f: {  	[sflag:s18] =	ssyncset.done $0x0  }
0x210: {  	[sflag:s18] =	ssyncadd.s32 $0xFFFFD800  }
0x211: {  	[spmem:s2] =	stream.indirect.scatter.add.f32 [tilespmem:s31], [sflag:$0x5], $0x80, s19, s0, $0xb8;
	[tilespmem:$0x1A6C0] =	vst v63  }
0x212: {  	_ = 	snop  }
0x213: {  	[spmem:s3] =	stream.indirect.scatter.add.f32 [tilespmem:s14], [sflag:$0x5], $0x80, s19, s0, $0xb8;
	[tilespmem:$0x1A6C0] =	vst v63  }
0x214: {  	_ =	swait.ge [sflag:s20], $0x2800  }
0x215: {  	[sflag:s20] =	ssyncset.done $0x0  }
0x216: {  	[sflag:s20] =	ssyncadd.s32 $0xFFFFD800  }
0x217: {  	_ =	swait.ge [sflag:s20], $0x2800  }
0x218: {  	[sflag:s20] =	ssyncset.done $0x0  }
0x219: {  	p2 =	sle.s32 s7, s12;
	[sflag:s20] =	ssyncadd.s32 $0xFFFFD800  }
0x21a: {  	v8 =	vld @!p2 [tilespmem:s4+$0xFFFFFFC0];
	_ =	sdelay $0x4  }
0x21b: {  	[tilespmem:$0x10580] =	vst @!p2 v8  }
0x21c: {  	v8 =	vld @!p2 [tilespmem:s10+$0xFFFFFFC0];
	_ =	sdelay $0x4  }
0x21d: {  	[tilespmem:$0x10620] =	vst @!p2 v8  }
0x21e: {  	v8 =	vld @!p2 [tilespmem:s4+$0xFFFFFFD0];
	_ =	sdelay $0x4  }
0x21f: {  	[tilespmem:$0x10590] =	vst @!p2 v8  }
0x220: {  	v8 =	vld @!p2 [tilespmem:s10+$0xFFFFFFD0];
	_ =	sdelay $0x4  }
0x221: {  	[tilespmem:$0x10630] =	vst @!p2 v8  }
0x222: {  	v8 =	vld @!p2 [tilespmem:s4+$0xFFFFFFE0];
	_ =	sdelay $0x4  }
0x223: {  	[tilespmem:$0x105A0] =	vst @!p2 v8  }
0x224: {  	v8 =	vld @!p2 [tilespmem:s10+$0xFFFFFFE0];
	_ =	sdelay $0x4  }
0x225: {  	[tilespmem:$0x10640] =	vst @!p2 v8  }
0x226: {  	v8 =	vld @!p2 [tilespmem:s4+$0xFFFFFFF0];
	_ =	sdelay $0x4  }
0x227: {  	[tilespmem:$0x105B0] =	vst @!p2 v8  }
0x228: {  	v8 =	vld @!p2 [tilespmem:s10+$0xFFFFFFF0];
	_ =	sdelay $0x4  }
0x229: {  	[tilespmem:$0x10650] =	vst @!p2 v8  }
0x22a: {  	v8 =	vld @!p2 [tilespmem:s4+$0x0];
	_ =	sdelay $0x4  }
0x22b: {  	[tilespmem:$0x105C0] =	vst @!p2 v8  }
0x22c: {  	v8 =	vld @!p2 [tilespmem:s10+$0x0];
	_ =	sdelay $0x4  }
0x22d: {  	s6 =	simm.s32 @!p2 $0x50;
	s26 =	simm.s32 @!p2 $0x10580;
	s13 =	simm.s32 @!p2 $0x6080;
	[tilespmem:$0x10660] =	vst @!p2 v8  }
0x22e: {  	[tilespmem:s13], [sflag:$0x1] =	stream.indirect.gather @!p2 [hbm4b:s1+s6], $0x80, s26, s6, $0xb8;
	[tilespmem:$0x1A6C0] =	vst v63  }
0x22f: {  	s13 =	simm.s32 @!p2 $0x8880  }
0x230: {  	[tilespmem:s13], [sflag:$0x2] =	stream.indirect.gather @!p2 [hbm4b:s5+s6], $0x80, s26, s6, $0xb8;
	[tilespmem:$0x1A6C0] =	vst v63  }
0x231: {  	_ =	swait.ge [sflag:s21], $0x2800  }
0x232: {  	[sflag:s21] =	ssyncset.done $0x0  }
0x233: {  	[sflag:s21] =	ssyncadd.s32 $0xFFFFD800  }
0x234: {  	_ =	swait.ge [sflag:s22], $0x2800  }
0x235: {  	[sflag:s22] =	ssyncset.done $0x0  }
0x236: {  	[sflag:s22] =	ssyncadd.s32 $0xFFFFD800  }
0x237: {  	[spmem:s2] =	stream.indirect.scatter.add.f32 [tilespmem:s16], [sflag:$0x6], $0x80, s23, s0, $0xb8;
	[tilespmem:$0x1A6C0] =	vst v63  }
0x238: {  	_ = 	snop  }
0x239: {  	[spmem:s3] =	stream.indirect.scatter.add.f32 [tilespmem:s17], [sflag:$0x6], $0x80, s23, s0, $0xb8;
	[tilespmem:$0x1A6C0] =	vst v63  }
.Ltmp7:
0x23a: {  	_ =	swait.ge [sflag:s24], $0x2800;
	(pc) =	sbr.rel @p1 .LBB2_12-.Ltmp7, $4  }
0x23b: {  	[sflag:s24] =	ssyncset.done $0x0  }
0x23c: {  	[sflag:s24] =	ssyncadd.s32 $0xFFFFD800  }
0x23d: {  	_ =	swait.ge [sflag:s24], $0x2800  }
0x23e: {  	s4 =	sadd.s32 $0xA0, s4;
	[sflag:s24] =	ssyncset.done $0x0  }
.LBB2_13:
0x23f: {  	[sflag:s24] =	ssyncadd.s32 $0xFFFFD800  }
0x240: {  	[bflag:$0x0] =	sbarrier.arrive $0xFFFF  }
0x241: {  	s6 =	rddreg [dreg:$0x12]  }
0x242: {  	s4 =	simm.s32 @p0 $0x1FC7;
	s7 =	rddreg [dreg:$0x18]  }
0x243: {  	[hbm:s6], [sflag:s4] =	dma.local @p0 [spmem:s7], $0x600  }
0x244: {  	s6 =	simm.s32 @p0 $0x7  }
0x245: {  	_ =	swait.ge @p0 [sflag:s6], $0x600  }
0x246: {  	[sflag:s6] =	ssyncset.done @p0 $0x0;
	s7 =	rddreg [dreg:$0x13]  }
0x247: {  	s10 =	rddreg [dreg:$0x19];
	[sflag:s6] =	ssyncadd.s32 @p0 $0xFFFFFA00  }
0x248: {  	[hbm:s7], [sflag:s4] =	dma.local @p0 [spmem:s10], $0x600  }
0x249: {  	_ =	swait.ge @p0 [sflag:s6], $0x600  }
0x24a: {  	s4 =	rddreg [dreg:$0xf]  }
0x24b: {  	[sflag:s6] =	ssyncset.done @p0 $0x0;
	s7 =	rddreg [dreg:$0x17]  }
0x24c: {  	[sflag:s6] =	ssyncadd.s32 @p0 $0xFFFFFA00;
	s6 =	rddreg [dreg:$0x1a]  }
0x24d: {  	[hbm:s4], [sflag:s7] =	dma.local @!p0 [spmem:s6], $0xA00  }
0x24e: {  	s4 =	simm.s32 @!p0 $0x7  }
0x24f: {  	_ =	swait.ge @!p0 [sflag:s4], $0xA00  }
0x250: {  	[sflag:s4] =	ssyncset.done @!p0 $0x0;
	s6 =	rddreg [dreg:$0x10]  }
0x251: {  	s10 =	rddreg [dreg:$0x1b];
	[sflag:s4] =	ssyncadd.s32 @!p0 $0xFFFFF600  }
0x252: {  	[hbm:s6], [sflag:s7] =	dma.local @!p0 [spmem:s10], $0xA00  }
0x253: {  	_ =	swait.ge @!p0 [sflag:s4], $0xA00  }
0x254: {  	s13 =	rddreg [dreg:$0x5]  }
0x255: {  	s26 =	rddreg [dreg:$0x15];
	s6 =	sadd.s32 $0x1, s13  }
0x256: {  	p1 =	sne.s32 s6, s26  }
.Ltmp8:
0x257: {  	_ = 	snop;
	(pc) =	sbr.rel @p1 .LBB2_1-.Ltmp8, $3  }
0x258: {  	_ =	sdelay $0x1  }
0x259: {  	[sflag:s4] =	ssyncset.done @!p0 $0x0  }
0x25a: {  	s12 =	simm.s32 $0x7D0;
	[sflag:s4] =	ssyncadd.s32 @!p0 $0xFFFFF600;
	s26 =	rddreg [dreg:$0x6]  }
0x25b: {  	_ =	sfence.sel $0x180000  }
0x25c: {  	[bflag:$0x0] =	sbarrier.arrive $0xFFFF  }
0x25d: {  	_ =	strace $0x9000004A  }
0x25e: {  	s0 =	stileid.u32;
	[bflag:$0x2] =	sbarrier.arrive $0xFFFF  }
0x25f: {  	p0 =	sne.s32 s0, $0x0;
	s0 =	rddreg [dreg:$0x4]  }
0x260: {  	s0 =	sadd.s32 @!p0 $0x100000, s0  }
0x261: {  	[sflag:s0] =	ssyncadd.tile.s32 @!p0 $0x1;
	_ =	shalt  }
.Lfunc_end2:
_tile_overlayer_lowered:
.L_overlay_start_2:
0x262: {  	(tag) =	ssettag $0x2  }
0x263: {  	s0 =	rddreg [dreg:$0x0];
	s2 =	stileid.u32  }
0x264: {  	s1 =	rddreg [dreg:$0x1];
	p0 =	sne.s32 s2, $0x0  }
0x265: {  	s3 =	rddreg [dreg:$0x2];
	[bflag:$0x3] =	sbarrier.arrive $0xFFFF;
	s2 =	simm.s32 @!p0 $0x1C07  }
0x266: {  	[timem:s3], [sflag:s2] =	dma.local @!p0 [hbm:s0], s1  }
0x267: {  	s0 =	simm.s32 @!p0 $0x7  }
0x268: {  	_ =	swait.ge @!p0 [sflag:s0], s1  }
0x269: {  	s1 =	ssub.s32 @!p0 $0x0, s1;
	[sflag:s0] =	ssyncset.done @!p0 $0x0  }
0x26a: {  	[sflag:s0] =	ssyncadd.s32 @!p0 s1  }
0x26b: {  	[bflag:$0x3] =	sbarrier.arrive $0xFFFF  }
0x26c: {  	_ =	shalt  }

// kernel: kernel.8.cloned.1.call-start
scs
__scs_entry_jumppad:
0x0: {  	(pc) =	sbr.rel $0x88, $3  }
0x1: {  	(tag) =	ssettag $0x0;
	lr =	simm.s32 $0x1  }
0x2: {  	[smem:$0x3F99] =	sst lr;
	_ =	strace $0xD0000000  }
0x3: {  	_ = 	snop  }
0x4: {  	_ = 	snop  }
0x5: {  	_ = 	snop  }
0x6: {  	_ = 	snop  }
0x7: {  	_ = 	snop  }
__scs_overlays_trampoline_lowered:
0x8: {  	[smem:$0x3FA8] =	sst s0  }
0x9: {  	[smem:$0x3FA9] =	sst s1  }
0xa: {  	[smem:$0x3FAA] =	sst s2  }
0xb: {  	[smem:$0x3FAB] =	sst s3  }
0xc: {  	[smem:$0x3FAC] =	sst s4  }
0xd: {  	[smem:$0x3FAD] =	sst s5  }
0xe: {  	[smem:$0x3FAE] =	sst s6  }
0xf: {  	[smem:$0x3FAF] =	sst s7  }
0x10: {  	[smem:$0x3FB0] =	sst s8  }
0x11: {  	[smem:$0x3FB1] =	sst s9;
	s0 =	simm.s32 @!p0 $0x0  }
0x12: {  	s1 =	sld [smem:$0x3F97];
	s0 =	simm.s32 @p0 $0x1  }
0x13: {  	[smem:$0x3FB2] =	sst s0;
	s0 =	simm.s32 @!p1 $0x0  }
0x14: {  	s2 =	sld [smem:$0x3F96];
	s0 =	simm.s32 @p1 $0x1  }
0x15: {  	[smem:$0x3FB3] =	sst s0;
	s0 =	simm.s32 @!p2 $0x0  }
0x16: {  	s3 =	sld [smem:$0x3FDB];
	s0 =	simm.s32 @p2 $0x1  }
0x17: {  	s4 =	simm.s32 $0x1BF5;
	[smem:$0x3FB5] =	sst s0  }
0x18: {  	s0 =	sld [smem:$0x3F98];
	_ =	swait.ge [sflag:s4], $0x0  }
0x19: {  	s7 =	sld [smem:$0x3F99]  }
0x1a: {  	s8 =	sadd.s32 $0xFFFFE003, lr  }
0x1b: {  	s9 =	sadd.s32 $0xFFFFFEF7, lr;
	s5 =	simm.s32 $0xFFFFFFFF;
	p2 =	slt.u32 s8, $0xFFFFF086  }
0x1c: {  	p1 =	slt.u32 s9, $0xF7A;
	s5 =	simm.s32 @!p2 $0x0  }
0x1d: {  	s5 =	simm.s32 @p1 $0x1;
	p0 =	seq.s32 s7, s2  }
0x1e: {  	s7 =	smul.u32 @!p0 $0xF7A, s2;
	p2 =	seq.s32 @!p0 s5, $0x0  }
0x1f: {  	s9 =	smul.u32 $0xF7A, s1;
	s8 =	simm.s32 @!p0 $0x1BF5;
	p2 =	por !p2, p0  }
0x20: {  	[sflag:s8] =	ssyncset.s32 @!p0 $0xFFFFF086;
	s6 =	sadd.s32 @!p0 s3, s7;
	s7 =	simm.s32 @!p0 $0x108  }
0x21: {  	s3 =	sadd.s32 s3, s9;
	s6 =	sadd.s32 @!p0 $0x88, s6;
	s7 =	simm.s32 @p2 $0x1082  }
0x22: {  	[simem:s7], [sflag:s8] =	dma.local @!p0 [hbm:s6], $0xF7A  }
0x23: {  	s9 =	sor.u32 $0xD0000000, s2;
	s6 =	simm.s32 $0x108;
	_ =	swait.ge @!p0 [sflag:s8], $0x0  }
0x24: {  	s3 =	sadd.s32 $0x88, s3;
	s6 =	simm.s32 @!p1 $0x1082;
	[sflag:s4] =	ssyncset.s32 $0xFFFFF086  }
0x25: {  	[simem:s6], [sflag:s4] =	dma.local [hbm:s3], $0xF7A  }
0x26: {  	[smem:$0x3F99] =	sst s1;
	(tag) =	ssettag s2;
	_ =	strace s9  }
0x27: {  	s1 =	sld [smem:$0x3FA9]  }
0x28: {  	s2 =	sld [smem:$0x3FAA]  }
0x29: {  	s4 =	sld [smem:$0x3FAC]  }
0x2a: {  	p0 =	seq.s32 s5, $0x0;
	s5 =	sld [smem:$0x3FAD]  }
0x2b: {  	s6 =	sld [smem:$0x3FAE]  }
0x2c: {  	s7 =	sld [smem:$0x3FAF]  }
0x2d: {  	s3 =	simm.s32 $0x108;
	s8 =	sld [smem:$0x3FB0]  }
0x2e: {  	s3 =	simm.s32 @!p0 $0x1082;
	s9 =	sld [smem:$0x3FB1]  }
0x2f: {  	lr =	sadd.s32 s0, s3;
	s0 =	sld [smem:$0x3FA8]  }
0x30: {  	s3 =	sld [smem:$0x3FAB]  }
0x31: {  	[smem:$0x3FB4] =	sst s10  }
0x32: {  	s10 =	sld [smem:$0x3FB2];
	_ =	sdelay $0x3  }
0x33: {  	p0 =	seq.s32 s10, $0x1;
	s10 =	sld [smem:$0x3FB4];
	_ =	sdelay $0x3  }
0x34: {  	[smem:$0x3FB4] =	sst s10  }
0x35: {  	s10 =	sld [smem:$0x3FB3];
	_ =	sdelay $0x3  }
0x36: {  	p1 =	seq.s32 s10, $0x1;
	s10 =	sld [smem:$0x3FB4];
	_ =	sdelay $0x3  }
0x37: {  	[smem:$0x3FB4] =	sst s10  }
0x38: {  	s10 =	sld [smem:$0x3FB5]  }
0x39: {  	_ = 	snop;
	(pc) =	sbr.ind lr, $3  }
0x3a: {  	_ = 	snop  }
0x3b: {  	_ = 	snop  }
0x3c: {  	p2 =	seq.s32 s10, $0x1;
	s10 =	sld [smem:$0x3FB4]  }
0x3d: {  	_ =	shalt  }
0x3e: {  	_ =	shalt  }
0x3f: {  	_ =	shalt  }
0x40: {  	_ =	shalt  }
0x41: {  	_ =	shalt  }
0x42: {  	_ =	shalt  }
0x43: {  	_ =	shalt  }
0x44: {  	_ =	shalt  }
0x45: {  	_ =	shalt  }
0x46: {  	_ =	shalt  }
0x47: {  	_ =	shalt  }
0x48: {  	_ =	shalt  }
0x49: {  	_ =	shalt  }
0x4a: {  	_ =	shalt  }
0x4b: {  	_ =	shalt  }
0x4c: {  	_ =	shalt  }
0x4d: {  	_ =	shalt  }
0x4e: {  	_ =	shalt  }
0x4f: {  	_ =	shalt  }
0x50: {  	_ =	shalt  }
0x51: {  	_ =	shalt  }
0x52: {  	_ =	shalt  }
0x53: {  	_ =	shalt  }
0x54: {  	_ =	shalt  }
0x55: {  	_ =	shalt  }
0x56: {  	_ =	shalt  }
0x57: {  	_ =	shalt  }
0x58: {  	_ =	shalt  }
0x59: {  	_ =	shalt  }
0x5a: {  	_ =	shalt  }
0x5b: {  	_ =	shalt  }
0x5c: {  	_ =	shalt  }
0x5d: {  	_ =	shalt  }
0x5e: {  	_ =	shalt  }
0x5f: {  	_ =	shalt  }
0x60: {  	_ =	shalt  }
0x61: {  	_ =	shalt  }
0x62: {  	_ =	shalt  }
0x63: {  	_ =	shalt  }
0x64: {  	_ =	shalt  }
0x65: {  	_ =	shalt  }
0x66: {  	_ =	shalt  }
0x67: {  	_ =	shalt  }
0x68: {  	_ =	shalt  }
0x69: {  	_ =	shalt  }
0x6a: {  	_ =	shalt  }
0x6b: {  	_ =	shalt  }
0x6c: {  	_ =	shalt  }
0x6d: {  	_ =	shalt  }
0x6e: {  	_ =	shalt  }
0x6f: {  	_ =	shalt  }
0x70: {  	_ =	shalt  }
0x71: {  	_ =	shalt  }
0x72: {  	_ =	shalt  }
0x73: {  	_ =	shalt  }
0x74: {  	_ =	shalt  }
0x75: {  	_ =	shalt  }
0x76: {  	_ =	shalt  }
0x77: {  	_ =	shalt  }
0x78: {  	_ =	shalt  }
0x79: {  	_ =	shalt  }
0x7a: {  	_ =	shalt  }
0x7b: {  	_ =	shalt  }
0x7c: {  	_ =	shalt  }
0x7d: {  	_ =	shalt  }
0x7e: {  	_ =	shalt  }
0x7f: {  	_ =	shalt  }
0x80: {  	_ =	shalt  }
0x81: {  	_ =	shalt  }
0x82: {  	_ =	shalt  }
0x83: {  	_ =	shalt  }
0x84: {  	_ =	shalt  }
0x85: {  	_ =	shalt  }
0x86: {  	_ =	shalt  }
0x87: {  	_ =	shalt  }
.Lfunc_end0:
.L_simem_size_0:
called_computation_lowered:
.L_overlay_start_0:
0x88: {  	s2 =	sld [smem:$0x3FD9]  }
0x89: {  	s3 =	sld [smem:$0x3FFE];
	_ =	sdelay $0x1  }
0x8a: {  	s1 =	srdreg.scid  }
0x8b: {  	s0 =	sand.u32 $0x1, s1  }
0x8c: {  	s16 =	sshll.u32 s0, $0xA;
	s2 =	sadd.s32 s3, s2  }
0x8d: {  	s2 =	sadd.s32 s2, s16  }
0x8e: {  	[smem:$0x3FC0] =	sst s2  }
0x8f: {  	_ = 	snop  }
0x90: {  	(tm) =	ssettm $0x1  }
0x91: {  	s17 =	sld [smem:$0x3FFB];
	_ =	sdelay $0x3  }
0x92: {  	_ =	strace s17  }
0x93: {  	s2 =	sld [smem:$0x3FFC];
	_ =	sdelay $0x3  }
0x94: {  	_ =	strace s2  }
0x95: {  	s2 =	sld [smem:$0x3FFD];
	_ =	sdelay $0x3  }
0x96: {  	_ =	strace s2  }
0x97: {  	_ =	strace $0x8FFFFFFF  }
0x98: {  	s18 =	sld [smem:$0x3FDB];
	_ =	sdelay $0x1  }
0x99: {  	s19 =	simm.s32 $_scs_section_size  }
0x9a: {  	s4 =	simm.s32 $_size__tile_overlayer_lowered;
	s5 =	simm.s32 $_tile_overlayer_lowered  }
0x9b: {  	s22 =	simm.s32 $0x1BFF;
	s21 =	sshll.u32 s5, $0x1;
	s2 =	sadd.s32 s19, s18  }
0x9c: {  	s6 =	simm.s32 $0x0;
	s20 =	sshll.u32 s4, $0x1;
	s4 =	sadd.s32 s21, s2  }
0x9d: {  	[timem:s6], [sflag:s22] =	dma.local [hbm:s4], s20  }
0x9e: {  	_ =	swait.ge [sflag:s22], s20  }
0x9f: {  	s3 =	ssub.s32 $0x0, s20;
	[sflag:s22] =	ssyncset.done $0x0  }
0xa0: {  	[sflag:s22] =	ssyncadd.s32 s3;
	_ =	sdelay $0x1  }
0xa1: {  	s23 =	simm.s32 $0x1B8B  }
0xa2: {  	_ =	swait.ge [sflag:s23], $0x1  }
0xa3: {  	[sflag:s23] =	ssyncset.done $0x0  }
0xa4: {  	s25 =	simm.s32 $0x1B8E;
	s24 =	sld [smem:$0x3FFE];
	[sflag:s23] =	ssyncadd.s32 $0xFFFFFFFF  }
0xa5: {  	s26 =	simm.s32 $execute0_lowered;
	[smem:$0x3FD2] =	sst s25  }
0xa6: {  	s4 =	sshll.u32 s26, $0x1;
	_ =	strace $0x80000046;
	[dreg:$0x1] =	wrdreg $0xFFFFFFFF  }
0xa7: {  	s28 =	simm.s32 $_size_execute0_lowered;
	s2 =	sadd.s32 s2, s4;
	[dreg:$0x0] =	wrdreg $0x0  }
0xa8: {  	s4 =	sshll.u32 s28, $0x1;
	[dreg:$0x2] =	wrdreg s2  }
0xa9: {  	[dreg:$0x3] =	wrdreg s4  }
0xaa: {  	[dreg:$0x4] =	wrdreg $0xC0  }
0xab: {  	_ =	task [dreg:s6], $0x5FFFF  }
0xac: {  	[dreg:$0x1] =	wrdreg $0xFFFFFFFF  }
0xad: {  	[dreg:$0x0] =	wrdreg $0x60  }
0xae: {  	[dreg:$0x2] =	wrdreg s24  }
0xaf: {  	[dreg:$0x3] =	wrdreg $0x106C00  }
0xb0: {  	[dreg:$0x4] =	wrdreg $0x156C00  }
0xb1: {  	[dreg:$0x5] =	wrdreg $0x1A6C00  }
0xb2: {  	[dreg:$0x6] =	wrdreg $0x9  }
0xb3: {  	_ =	task.clear_ibuf [dreg:s6], $0x7FFFF;
	_ =	strace $0x90000046  }
0xb4: {  	s29 =	simm.s32 $0x9;
	_ =	strace $0x80000048  }
0xb5: {  	_ =	swait.ge [sflag:s29], $0x1  }
0xb6: {  	[sflag:s29] =	ssyncadd.s32 $0xFFFFFFFF  }
0xb7: {  	_ =	strace $0x90000048  }
0xb8: {  	_ =	sfence  }
0xb9: {  	s30 =	sld [smem:$0x0];
	_ =	sdelay $0x2  }
0xba: {  	s31 =	sshll.u32 s1, $0xD;
	s1 =	sshrl.u32 s1, $0x2  }
0xbb: {  	s3 =	sand.u32 $0x4000, s31;
	s1 =	sadd.s32 s1, s30  }
0xbc: {  	s0 =	sor.u32 s3, s0;
	s1 =	sshll.u32 s1, $0x11  }
0xbd: {  	s0 =	sor.u32 s1, s0  }
0xbe: {  	s0 =	sadd.s32 $0x8F2B, s0  }
0xbf: {  	[sflag:s0] =	ssyncadd.remote.s32 $0x1  }
0xc0: {  	_ =	sfence.sel $0xFFFF  }
0xc1: {  	[dreg:$0x0] =	wrdreg $0xFFFFFFFF;
	(pc) =	sbr.abs _section_cstart, $3  }
0xc2: {  	[dreg:$0x1] =	wrdreg $0xFFFFFFFF  }
0xc3: {  	_ =	task.clear_ibuf [dreg:s6], $0x2FFFF;
	_ =	strace $0x9FFFFFFF  }
0xc4: {  	(tm) =	ssettm $0x7FFFFFFF  }
0xc5: {  	_ =	shalt  }
tec
execute0_lowered:
.L_overlay_start_1:
0x0: {  	(tag) =	ssettag $0x1  }
0x1: {  	s4 =	rddreg [dreg:$0x0]  }
0x2: {  	s1 =	rddreg [dreg:$0x1]  }
0x3: {  	s2 =	rddreg [dreg:$0x2]  }
0x4: {  	s3 =	rddreg [dreg:$0x3];
	s20 =	simm.s32 $0x0  }
0x5: {  	s0 =	srdreg.scid;
	s18 =	stileid.u32;
	s29 =	simm.s32 $0xD880  }
0x6: {  	s31 =	simm.s32 $0x2;
	s28 =	simm.s32 $0x10670;
	[smem:$0x7FF] =	sst s20  }
0x7: {  	s5 =	sand.u32 $0x1, s0;
	s6 =	sadd.s32 $0x2B800, s4;
	s7 =	sadd.s32 $0x61A00, s4  }
0x8: {  	s9 =	smul.u32 $0xA0, s18;
	s10 =	sadd.s32 $0x88C00, s4;
	s11 =	sadd.s32 $0x5CA00, s4  }
0x9: {  	s13 =	sshll.u32 s18, $0x5;
	p0 =	seq.s32 s18, $0xF;
	s30 =	smul.u32 $0x2710, s18  }
0xa: {  	s0 =	smul.u32 $0x1388, s5;
	s8 =	ssub.s32 $0x2, s5;
	s5 =	sshll.u32 s5, $0x4  }
0xb: {  	_ =	strace $0x80000047;
	s12 =	sshrl.u32 s8, $0x1;
	s5 =	sor.u32 s5, s13  }
0xc: {  	[dreg:$0x1c] =	wrdreg s30;
	s14 =	sadd.s32 s9, s0;
	s8 =	ssub.s32 s8, s12  }
0xd: {  	s23 =	sadd.s32 $0x960, s0;
	s17 =	sadd.s32 $0x1328, s0;
	s21 =	sshll.u32 s14, $0x4  }
0xe: {  	s9 =	sadd.s32 $0x50, s9;
	s24 =	sshll.u32 s14, $0x1;
	s22 =	sadd.s32 s7, s21  }
0xf: {  	s15 =	sshll.u32 s23, $0x4;
	s12 =	sadd.s32 s10, s21;
	[dreg:$0x7] =	wrdreg s22  }
0x10: {  	s14 =	sadd.s32 $0x9C8, s14;
	s16 =	sadd.s32 s7, s15;
	[dreg:$0x8] =	wrdreg s12  }
0x11: {  	s19 =	sshll.u32 s17, $0x4;
	s15 =	sadd.s32 s10, s15;
	[dreg:$0x9] =	wrdreg s16  }
0x12: {  	v0 =	vlaneseq.u32;
	s25 =	sshll.u32 s14, $0x4;
	s21 =	sadd.s32 s10, s19;
	[dreg:$0xa] =	wrdreg s15  }
0x13: {  	v1 =	vor.u32 s5, v0;
	s5 =	simm.s32 $0x5;
	s26 =	sadd.s32 s7, s25;
	[dreg:$0xe] =	wrdreg s21  }
0x14: {  	s23 =	sshll.u32 s23, $0x1;
	s16 =	sadd.s32 s10, s25;
	[dreg:$0xb] =	wrdreg s26  }
0x15: {  	s13 =	sshll.u32 s9, $0x7;
	s7 =	sadd.s32 s7, s19;
	[dreg:$0xc] =	wrdreg s16  }
0x16: {  	s15 =	sadd.s32 $0x4600, s4;
	s22 =	sadd.s32 s11, s24;
	[dreg:$0xd] =	wrdreg s7  }
0x17: {  	s24 =	sshll.u32 s14, $0x1;
	s21 =	sadd.s32 $0x57A00, s4;
	[dreg:$0xf] =	wrdreg s22  }
0x18: {  	s25 =	sshll.u32 s17, $0x1;
	s7 =	sadd.s32 s11, s23;
	[dreg:$0x13] =	wrdreg s21  }
0x19: {  	s10 =	smul.u32 $0x5000, s18;
	s26 =	sadd.s32 s11, s25;
	[dreg:$0x10] =	wrdreg s7  }
0x1a: {  	v2 =	vmulhi.u32 $0x4924925, v1;
	s19 =	sshll.u32 s9, $0x4;
	s16 =	sadd.s32 s13, s1;
	[dreg:$0x12] =	wrdreg s26  }
0x1b: {  	s9 =	simm.s32 $0x3810;
	s22 =	smax.u32 s8, $0x1;
	[dreg:$0x17] =	wrdreg s16  }
0x1c: {  	v3 =	vmul.u32 $0x38, v2;
	v2 =	vmov s0;
	s0 =	simm.s32 $0x10620;
	s23 =	sadd.s32 $0x4B000, s1;
	[dreg:$0x1b] =	wrdreg s22  }
0x1d: {  	s25 =	sadd.s32 $0x9600, s3;
	s7 =	sadd.s32 s11, s24;
	[dreg:$0x1d] =	wrdreg s23  }
0x1e: {  	s11 =	smul.u32 $0x2800, s18;
	s26 =	sadd.s32 $0x52A00, s4;
	[dreg:$0x1f] =	wrdreg s25  }
0x1f: {  	s12 =	sadd.s32 s10, s1;
	s4 =	sadd.s32 s13, s2;
	[dreg:$0x11] =	wrdreg s7  }
0x20: {  	s24 =	sadd.s32 $0x4B000, s2;
	s13 =	simm.s32 $0x1;
	[dreg:$0x15] =	wrdreg s12  }
0x21: {  	s18 =	simm.s32 $0x105D0;
	s25 =	simm.s32 $0x4;
	[dreg:$0x18] =	wrdreg s4  }
0x22: {  	s16 =	simm.s32 $0x6;
	s7 =	sadd.s32 s10, s2;
	[dreg:$0x1e] =	wrdreg s24  }
0x23: {  	s4 =	sadd.s32 s19, s3;
	s10 =	simm.s32 $0xFA0;
	[dreg:$0x14] =	wrdreg s26  }
0x24: {  	s12 =	simm.s32 $0x10080;
	s19 =	simm.s32 $0xB080;
	[dreg:$0x16] =	wrdreg s7  }
0x25: {  	v4 =	vimm.f32 $0.0e+00;
	v7 =	vmul.u32 $0xFFFFFFFF, v0;
	s24 =	simm.s32 $0x3;
	s14 =	sshrl.u32 s11, $0x2;
	[dreg:$0x1a] =	wrdreg s4  }
0x26: {  	v5 =	vimm.s32 $0x0;
	v6 =	vimm.s32 $0x286F;
	v3 =	vsub.s32 v1, v3;
	s7 =	simm.s32 $0x7;
	s11 =	simm.s32 $0x6080;
	s17 =	sadd.s32 s14, s3  }
0x27: {  	v8 =	vimm.f32 $1.000000000e+00;
	v7 =	vadd.s32 $0x286F, v7;
	v3 =	vadd.s32 $0x9C8, v3;
	s14 =	simm.s32 $0x50;
	[dreg:$0x19] =	wrdreg s17;
	s17 =	simm.s32 $0x8880  }
.LBB2_1:
0x28: {  	s4 =	simm.s32 $0x60C0  }
0x29: {  	[tilespmem:s4+$0xFFFFFFD0] =	vst v4  }
0x2a: {  	[tilespmem:s4+$0xFFFFFFE0] =	vst v4  }
0x2b: {  	[tilespmem:s4+$0xFFFFFFF0] =	vst v4  }
0x2c: {  	[tilespmem:s4+$0x0] =	vst v4  }
0x2d: {  	[tilespmem:s4+$0x10] =	vst v4  }
0x2e: {  	[tilespmem:s4+$0x20] =	vst v4  }
0x2f: {  	[tilespmem:s4+$0x30] =	vst v4  }
0x30: {  	s22 =	simm.s32 $0x0;
	s8 =	simm.s32 $0x40;
	[tilespmem:s4+$0xFFFFFFC0] =	vst v4  }
.LBB2_2:
0x31: {  	p1 =	sne.s32 s8, $0x13C0;
	[tilespmem:s22+$0x10080] =	vst v4;
	s4 =	sadd.s32 $0x80, s4  }
0x32: {  	[tilespmem:s4+$0xFFFFFFD0] =	vst v4  }
0x33: {  	[tilespmem:s4+$0xFFFFFFE0] =	vst v4  }
0x34: {  	[tilespmem:s4+$0xFFFFFFF0] =	vst v4  }
.Ltmp0:
0x35: {  	[tilespmem:s4+$0x0] =	vst v4;
	(pc) =	sbr.rel @p1 .LBB2_2-.Ltmp0, $4  }
0x36: {  	[tilespmem:s4+$0x10] =	vst v4  }
0x37: {  	[tilespmem:s4+$0x20] =	vst v4  }
0x38: {  	[tilespmem:s4+$0x30] =	vst v4  }
0x39: {  	s22 =	sshra.s32 s8, $0x2;
	s8 =	sadd.s32 $0x40, s8;
	[tilespmem:s4+$0xFFFFFFC0] =	vst v4  }
0x3a: {  	[tilespmem:s22+$0x10080] =	vst v4;
	s4 =	simm.s32 $0x0;
	v9 =	vimm.s32 $0x0;
	v10 =	vimm.s32 $0x0;
	s8 =	simm.s32 $0x0  }
.LBB2_4:
0x3b: {  	s22 =	smul.u32 $0x7D0, s8;
	_ =	sdelay $0x1  }
0x3c: {  	s22 =	sadd.s32 s30, s22  }
0x3d: {  	s22 =	sshrl.u32 s22, $0x3  }
0x3e: {  	s23 =	sadd.s32 s21, s22  }
0x3f: {  	[tilespmem:s4], [sflag:$0x7] =	stream.linear.gather [hbm4b:s23+s4], $0x7D0, $0x38;
	[tilespmem:$0x1B0C0] =	vst v63  }
0x40: {  	_ =	swait.ge [sflag:s7], $0x7D0  }
0x41: {  	[sflag:s7] =	ssyncset.done $0x0  }
0x42: {  	s22 =	sadd.s32 s26, s22;
	s23 =	simm.s32 $0x7D0;
	[sflag:s7] =	ssyncadd.s32 $0xFFFFF830  }
0x43: {  	[tilespmem:s23], [sflag:$0x7] =	stream.linear.gather [hbm4b:s22+s4], $0x7D0, $0x38;
	[tilespmem:$0x1B0C0] =	vst v63  }
0x44: {  	_ =	swait.ge [sflag:s7], $0x7D0  }
0x45: {  	[sflag:s7] =	ssyncset.done $0x0  }
0x46: {  	s23 =	simm.s32 $0x0;
	[sflag:s7] =	ssyncadd.s32 $0xFFFFF830  }
0x47: {  	v12 =	vmov v10;
	v11 =	vmov v9;
	s22 =	simm.s32 $0x40;
	v13 =	vld [tilespmem:s23+$0x7D0]  }
.LBB2_5:
0x48: {  	p1 =	sne.s32 s22, $0x1F00;
	v14 =	vld [tilespmem:s23+$0x0];
	_ =	sdelay $0x3  }
0x49: {  	v13 =	vsub.s32 v13, v2  }
0x4a: {  	vm1 =	vlt.u32 v13, $0x9C8;
	v15 =	vadd.s32 $0xFFFFF638, v13  }
0x4b: {  	vm0 =	vlt.u32 v15, $0x9C0;
	v16 =	vsel vm1, $0x1, v5;
	v17 =	vmpcnt.ones.xlane vm1  }
0x4c: {  	v18 =	vsel vm0, $0x1, v5;
	v19 =	vmpcnt.ones.xlane vm0;
	(xrf0) =	vadd.scan.msk.s32 $0xffff, v16  }
0x4d: {  	v10 =	vadd.s32 v10, v17;
	(xrf0) =	vadd.scan.msk.s32 $0xffff, v18  }
0x4e: {  	v9 =	vadd.s32 v9, v19;
	_ =	sdelay $0x2  }
0x4f: {  	v16 =	vsel vm1, $0xFFFFFFFF, v5  }
0x50: {  	v16 =	vadd.s32 v16, v12;
	v12 =	vmov v10;
	v17, _, _ =	vpop (xrf0)  }
0x51: {  	v16 =	vadd.s32 v17, v16;
	v17, _, _ =	vpop (xrf0)  }
0x52: {  	v18 =	vsel vm0, $0x2870, v6;
	v17 =	vadd.s32 v17, v11;
	v11 =	vmov v9  }
0x53: {  	v17 =	vsub.s32 v18, v17;
	_ =	sdelay $0x2  }
.Ltmp1:
0x54: {  	[tilespmem:v16+s9+$0x0] =	vst.idx.msk vm1, v13;
	(pc) =	sbr.rel @p1 .LBB2_5-.Ltmp1, $4  }
0x55: {  	[tilespmem:v16+s10+$0x0] =	vst.idx.msk vm1, v14  }
0x56: {  	[tilespmem:v17+s9+$0x0] =	vst.idx.msk vm0, v15  }
0x57: {  	s23 =	sshra.s32 s22, $0x2;
	[tilespmem:v17+s10+$0x0] =	vst.idx.msk vm0, v14  }
0x58: {  	s22 =	sadd.s32 $0x40, s22;
	v13 =	vld [tilespmem:s23+$0x7D0]  }
0x59: {  	_ =	sdelay $0x3  }
0x5a: {  	v13 =	vsub.s32 v13, v2  }
0x5b: {  	vm0 =	vlt.u32 v13, $0x9C8;
	v14 =	vadd.s32 $0xFFFFF638, v13  }
0x5c: {  	vm1 =	vlt.u32 v14, $0x9C0;
	v15 =	vsel vm0, $0x1, v5  }
0x5d: {  	v16 =	vsel vm1, $0x1, v5;
	(xrf0) =	vadd.scan.msk.s32 $0xffff, v15  }
0x5e: {  	(xrf0) =	vadd.scan.msk.s32 $0xffff, v16;
	_ =	sdelay $0x3  }
0x5f: {  	v58 =	vsel vm0, $0xFFFFFFFF, v5  }
0x60: {  	v12 =	vadd.s32 v58, v12;
	v59, _, _ =	vpop (xrf0)  }
0x61: {  	v12 =	vadd.s32 v59, v12;
	v60, _, _ =	vpop (xrf0)  }
0x62: {  	v61 =	vld [tilespmem:s23+$0x0];
	v17 =	vsel vm1, $0x2870, v6;
	v11 =	vadd.s32 v60, v11  }
0x63: {  	s8 =	sadd.s32 $0x1, s8;
	v11 =	vsub.s32 v17, v11  }
0x64: {  	p1 =	sne.s32 s8, $0x5  }
.Ltmp2:
0x65: {  	_ = 	snop;
	(pc) =	sbr.rel @p1 .LBB2_4-.Ltmp2, $4  }
0x66: {  	[tilespmem:v12+s9+$0x0] =	vst.idx.msk vm0, v13  }
0x67: {  	v62 =	vmpcnt.ones.xlane vm0;
	v63 =	vmpcnt.ones.xlane vm1;
	[tilespmem:v12+s10+$0x0] =	vst.idx.msk vm0, v61  }
0x68: {  	[tilespmem:v11+s9+$0x0] =	vst.idx.msk vm1, v14  }
0x69: {  	v10 =	vadd.s32 v10, v62;
	v9 =	vadd.s32 v9, v63;
	[tilespmem:v11+s10+$0x0] =	vst.idx.msk vm1, v61  }
0x6a: {  	v10 =	vxor.u32 $0x80000000, v10  }
0x6b: {  	v9 =	vxor.u32 $0x80000000, v9;
	(xrf0) =	vmax.scan.msk.u32 $0xffff, v10  }
0x6c: {  	(xrf0) =	vmax.scan.msk.u32 $0xffff, v9;
	_ =	sdelay $0x4  }
0x6d: {  	v9, _, _ =	vpop (xrf0)  }
0x6e: {  	(v2sf) =	vpush v9, $0xF;
	v9, _, _ =	vpop (xrf0)  }
0x6f: {  	(v2sf) =	vpush v9, $0xF;
	_ =	sdelay $0xd  }
0x70: {  	s8 =	spop (v2sf)  }
0x71: {  	s22 =	sxor.u32 $0x80000000, s8;
	s4 =	spop (v2sf)  }
0x72: {  	s23 =	sxor.u32 $0x80000000, s4;
	v9 =	vadd.s32 s22, v0  }
0x73: {  	v10 =	vmov s23  }
0x74: {  	v10 =	vsub.s32 v7, v10  }
0x75: {  	s21 =	sadd.s32 $0x80000010, s8  }
0x76: {  	v11 =	vadd.s32 s21, v0;
	s23 =	sadd.s32 $0x80000010, s4  }
0x77: {  	v12 =	vmov s23;
	[tilespmem:v9+s9+$0x0] =	vst.idx.msk $0xffff, v3  }
0x78: {  	[tilespmem:v9+s10+$0x0] =	vst.idx.msk $0xffff, v1;
	v9 =	vsub.s32 v7, v12  }
0x79: {  	s26 =	sadd.s32 $0x80000020, s8;
	[tilespmem:v10+s9+$0x0] =	vst.idx.msk $0xffff, v3  }
0x7a: {  	s30 =	sadd.s32 $0x80000020, s4;
	[tilespmem:v10+s10+$0x0] =	vst.idx.msk $0xffff, v1;
	v10 =	vadd.s32 s26, v0  }
0x7b: {  	v56 =	vmov s30;
	[tilespmem:v11+s9+$0x0] =	vst.idx.msk $0xffff, v3  }
0x7c: {  	[tilespmem:v11+s10+$0x0] =	vst.idx.msk $0xffff, v1;
	v11 =	vsub.s32 v7, v56  }
0x7d: {  	[dreg:$0x6] =	wrdreg s20;
	s20 =	sadd.s32 $0x80000030, s8;
	[tilespmem:v9+s9+$0x0] =	vst.idx.msk $0xffff, v3  }
0x7e: {  	s21 =	sadd.s32 $0x80000030, s4;
	[tilespmem:v9+s10+$0x0] =	vst.idx.msk $0xffff, v1;
	v9 =	vadd.s32 s20, v0  }
0x7f: {  	v57 =	vmov s21;
	[tilespmem:v10+s9+$0x0] =	vst.idx.msk $0xffff, v3  }
0x80: {  	[tilespmem:v10+s10+$0x0] =	vst.idx.msk $0xffff, v1;
	v10 =	vsub.s32 v7, v57  }
0x81: {  	s23 =	sadd.s32 $0x80000040, s8;
	[tilespmem:v11+s9+$0x0] =	vst.idx.msk $0xffff, v3  }
0x82: {  	s26 =	sadd.s32 $0x80000040, s4;
	[tilespmem:v11+s10+$0x0] =	vst.idx.msk $0xffff, v1;
	v11 =	vadd.s32 s23, v0  }
0x83: {  	v58 =	vmov s26;
	[tilespmem:v9+s9+$0x0] =	vst.idx.msk $0xffff, v3  }
0x84: {  	[tilespmem:v9+s10+$0x0] =	vst.idx.msk $0xffff, v1;
	v9 =	vsub.s32 v7, v58  }
0x85: {  	s30 =	sadd.s32 $0x80000050, s8;
	[tilespmem:v10+s9+$0x0] =	vst.idx.msk $0xffff, v3  }
0x86: {  	s20 =	sadd.s32 $0x80000050, s4;
	[tilespmem:v10+s10+$0x0] =	vst.idx.msk $0xffff, v1;
	v10 =	vadd.s32 s30, v0  }
0x87: {  	v59 =	vmov s20;
	[tilespmem:v11+s9+$0x0] =	vst.idx.msk $0xffff, v3  }
0x88: {  	[tilespmem:v11+s10+$0x0] =	vst.idx.msk $0xffff, v1;
	v11 =	vsub.s32 v7, v59  }
0x89: {  	s21 =	sadd.s32 $0x80000060, s8;
	[tilespmem:v9+s9+$0x0] =	vst.idx.msk $0xffff, v3  }
0x8a: {  	s23 =	sadd.s32 $0x80000060, s4;
	[tilespmem:v9+s10+$0x0] =	vst.idx.msk $0xffff, v1;
	v9 =	vadd.s32 s21, v0  }
0x8b: {  	v60 =	vmov s23;
	[tilespmem:v10+s9+$0x0] =	vst.idx.msk $0xffff, v3  }
0x8c: {  	[tilespmem:v10+s10+$0x0] =	vst.idx.msk $0xffff, v1;
	v10 =	vsub.s32 v7, v60  }
0x8d: {  	s26 =	sadd.s32 $0x80000070, s8;
	[tilespmem:v11+s9+$0x0] =	vst.idx.msk $0xffff, v3  }
0x8e: {  	s30 =	sadd.s32 $0x80000070, s4;
	[tilespmem:v11+s10+$0x0] =	vst.idx.msk $0xffff, v1;
	v11 =	vadd.s32 s26, v0  }
0x8f: {  	v61 =	vmov s30;
	[tilespmem:v9+s9+$0x0] =	vst.idx.msk $0xffff, v3  }
0x90: {  	[tilespmem:v9+s10+$0x0] =	vst.idx.msk $0xffff, v1;
	v9 =	vsub.s32 v7, v61  }
0x91: {  	s20 =	sadd.s32 $0x80000080, s8;
	[tilespmem:v10+s9+$0x0] =	vst.idx.msk $0xffff, v3  }
0x92: {  	s21 =	sadd.s32 $0x80000080, s4;
	[tilespmem:v10+s10+$0x0] =	vst.idx.msk $0xffff, v1;
	v10 =	vadd.s32 s20, v0  }
0x93: {  	v62 =	vmov s21;
	[tilespmem:v11+s9+$0x0] =	vst.idx.msk $0xffff, v3  }
0x94: {  	[tilespmem:v11+s10+$0x0] =	vst.idx.msk $0xffff, v1;
	v11 =	vsub.s32 v7, v62  }
0x95: {  	s23 =	sadd.s32 $0x80000090, s8;
	[tilespmem:v9+s9+$0x0] =	vst.idx.msk $0xffff, v3  }
0x96: {  	s26 =	sadd.s32 $0x80000090, s4;
	[tilespmem:v9+s10+$0x0] =	vst.idx.msk $0xffff, v1;
	v9 =	vadd.s32 s23, v0  }
0x97: {  	v63 =	vmov s26;
	[tilespmem:v10+s9+$0x0] =	vst.idx.msk $0xffff, v3  }
0x98: {  	[tilespmem:v10+s10+$0x0] =	vst.idx.msk $0xffff, v1;
	v10 =	vsub.s32 v7, v63  }
0x99: {  	[tilespmem:v11+s9+$0x0] =	vst.idx.msk $0xffff, v3  }
0x9a: {  	[tilespmem:v11+s10+$0x0] =	vst.idx.msk $0xffff, v1  }
0x9b: {  	[tilespmem:v9+s9+$0x0] =	vst.idx.msk $0xffff, v3  }
0x9c: {  	[tilespmem:v9+s10+$0x0] =	vst.idx.msk $0xffff, v1  }
0x9d: {  	[tilespmem:v10+s9+$0x0] =	vst.idx.msk $0xffff, v3  }
0x9e: {  	s30 =	rddreg [dreg:$0x15];
	[tilespmem:v10+s10+$0x0] =	vst.idx.msk $0xffff, v1  }
0x9f: {  	[spmem:s30] =	stream.linear.scatter [tilespmem:s11], [sflag:$0x7], $0x2800, $0x38;
	[tilespmem:$0x1B0C0] =	vst v63  }
0xa0: {  	_ =	swait.ge [sflag:s7], $0x2800  }
0xa1: {  	[sflag:s7] =	ssyncset.done $0x0  }
0xa2: {  	s21 =	rddreg [dreg:$0x17];
	[sflag:s7] =	ssyncadd.s32 $0xFFFFD800  }
0xa3: {  	[spmem:s21] =	stream.linear.scatter [tilespmem:s11], [sflag:$0x7], $0x2800, $0x38;
	[tilespmem:$0x1B0C0] =	vst v63  }
0xa4: {  	_ =	swait.ge [sflag:s7], $0x2800  }
0xa5: {  	[sflag:s7] =	ssyncset.done $0x0  }
0xa6: {  	s22 =	rddreg [dreg:$0x16];
	[sflag:s7] =	ssyncadd.s32 $0xFFFFD800  }
0xa7: {  	[spmem:s22] =	stream.linear.scatter [tilespmem:s11], [sflag:$0x7], $0x2800, $0x38;
	[tilespmem:$0x1B0C0] =	vst v63  }
0xa8: {  	_ =	swait.ge [sflag:s7], $0x2800  }
0xa9: {  	[sflag:s7] =	ssyncset.done $0x0  }
0xaa: {  	s23 =	rddreg [dreg:$0x18];
	[sflag:s7] =	ssyncadd.s32 $0xFFFFD800  }
0xab: {  	[spmem:s23] =	stream.linear.scatter [tilespmem:s11], [sflag:$0x7], $0x2800, $0x38;
	[tilespmem:$0x1B0C0] =	vst v63  }
0xac: {  	_ =	swait.ge [sflag:s7], $0x2800  }
0xad: {  	[sflag:s7] =	ssyncset.done $0x0  }
0xae: {  	s26 =	rddreg [dreg:$0x19];
	[sflag:s7] =	ssyncadd.s32 $0xFFFFD800  }
0xaf: {  	[spmem:s26] =	stream.linear.scatter [tilespmem:s12], [sflag:$0x7], $0x500, $0x38;
	[tilespmem:$0x1B0C0] =	vst v63  }
0xb0: {  	_ =	swait.ge [sflag:s7], $0x500  }
0xb1: {  	[sflag:s7] =	ssyncset.done $0x0  }
0xb2: {  	s30 =	rddreg [dreg:$0x1a];
	[sflag:s7] =	ssyncadd.s32 $0xFFFFFB00  }
0xb3: {  	[spmem:s30] =	stream.linear.scatter [tilespmem:s12], [sflag:$0x7], $0x500, $0x38;
	[tilespmem:$0x1B0C0] =	vst v63  }
0xb4: {  	_ =	swait.ge [sflag:s7], $0x500  }
0xb5: {  	[sflag:s7] =	ssyncset.done $0x0  }
0xb6: {  	s22 =	simm.s32 $0x40;
	s23 =	simm.s32 $0x0;
	[sflag:s7] =	ssyncadd.s32 $0xFFFFFB00  }
.LBB2_8:
0xb7: {  	p1 =	sne.s32 s22, $0x13C0;
	[tilespmem:s23+$0x10080] =	vst v8;
	s23 =	smov.u32 s22;
	s22 =	sadd.s32 $0x40, s22  }
.Ltmp3:
0xb8: {  	(pc) =	sbr.rel @p1 .LBB2_8-.Ltmp3, $2  }
0xb9: {  	_ =	sdelay $0x2  }
0xba: {  	s23 =	sshra.s32 s23, $0x2  }
0xbb: {  	[tilespmem:s23+$0x10080] =	vst v8  }
0xbc: {  	[bflag:$0x0] =	sbarrier.arrive $0xFFFF  }
0xbd: {  	v9 =	vld [tilespmem:$0xFA0]  }
0xbe: {  	v10 =	vld [tilespmem:$0x3810]  }
0xbf: {  	s22 =	sadd.s32 $0x8000009F, s8;
	v11 =	vld [tilespmem:$0xFB0]  }
0xc0: {  	s21 =	smulhi.u32 $0x66666667, s22;
	s26 =	sshra.s32 s22, $0x1F;
	v12 =	vld [tilespmem:$0x3820]  }
0xc1: {  	s26 =	smul.u32 $0x66666667, s26;
	v13 =	vld [tilespmem:$0xFC0]  }
0xc2: {  	v62 =	vld [tilespmem:$0xFE0];
	[tilespmem:$0x10580] =	vst v9  }
0xc3: {  	v63 =	vld [tilespmem:$0x3850];
	s23 =	sadd.s32 s26, s21;
	[tilespmem:$0x10620] =	vst v10  }
0xc4: {  	s26 =	sshrl.u32 s23, $0x1F;
	s23 =	sshra.s32 s23, $0x6;
	v9 =	vld [tilespmem:$0x3830];
	[tilespmem:$0x10590] =	vst v11  }
0xc5: {  	s23 =	sadd.s32 s26, s23;
	v10 =	vld [tilespmem:$0xFD0];
	[tilespmem:$0x10630] =	vst v12  }
0xc6: {  	v11 =	vld [tilespmem:$0x3840];
	s26 =	smul.u32 $0xFFFFFF60, s23;
	[tilespmem:$0x105A0] =	vst v13  }
0xc7: {  	s30 =	ssub.s32 $0x7FFFFF61, s8;
	[tilespmem:$0x105C0] =	vst v62  }
0xc8: {  	p1 =	slt.s32 s22, $0x1;
	[tilespmem:$0x10660] =	vst v63;
	p2 =	sne.s32 s26, s30  }
0xc9: {  	p1 =	por !p1, !p2;
	[tilespmem:$0x10640] =	vst v9  }
0xca: {  	s8 =	simm.s32 $0x1;
	p1 =	por !p1, !p1;
	[tilespmem:$0x105B0] =	vst v10  }
0xcb: {  	s20 =	simm.s32 $0x10580;
	[tilespmem:$0x10650] =	vst v11;
	s8 =	simm.s32 @!p1 $0x0  }
0xcc: {  	[tilespmem:s11], [sflag:$0x1] =	stream.indirect.gather [hbm4b:s6+s14], $0x80, s20, s14, $0xb8;
	[tilespmem:$0x1B0C0] =	vst v63  }
0xcd: {  	s8 =	ssub.s32 s23, s8  }
0xce: {  	p1 =	sgt.s32 s8, $0x1;
	s22 =	smov.u32 s8  }
0xcf: {  	[tilespmem:s17], [sflag:$0x2] =	stream.indirect.gather [hbm4b:s15+s14], $0x80, s20, s14, $0xb8;
	[tilespmem:$0x1B0C0] =	vst v63  }
0xd0: {  	s26 =	simm.s32 $0x1010;
	s22 =	simm.s32 @!p1 $0x1  }
0xd1: {  	s23 =	simm.s32 $0x3880;
	[dreg:$0x5] =	wrdreg s22;
	s22 =	simm.s32 $0x0  }
.LBB2_10:
0xd2: {  	v9 =	vld [tilespmem:s26+$0xFFFFFFE0];
	_ =	sdelay $0x4  }
0xd3: {  	[tilespmem:$0x105D0] =	vst v9  }
0xd4: {  	v9 =	vld [tilespmem:s23+$0xFFFFFFE0];
	_ =	sdelay $0x4  }
0xd5: {  	[tilespmem:$0x10670] =	vst v9  }
0xd6: {  	v9 =	vld [tilespmem:s26+$0xFFFFFFF0];
	_ =	sdelay $0x4  }
0xd7: {  	[tilespmem:$0x105E0] =	vst v9  }
0xd8: {  	v9 =	vld [tilespmem:s23+$0xFFFFFFF0];
	_ =	sdelay $0x4  }
0xd9: {  	[tilespmem:$0x10680] =	vst v9  }
0xda: {  	v9 =	vld [tilespmem:s26+$0x0];
	_ =	sdelay $0x4  }
0xdb: {  	[tilespmem:$0x105F0] =	vst v9  }
0xdc: {  	v9 =	vld [tilespmem:s23+$0x0];
	_ =	sdelay $0x4  }
0xdd: {  	[tilespmem:$0x10690] =	vst v9  }
0xde: {  	v9 =	vld [tilespmem:s26+$0x10];
	_ =	sdelay $0x4  }
0xdf: {  	[tilespmem:$0x10600] =	vst v9  }
0xe0: {  	v9 =	vld [tilespmem:s23+$0x10];
	_ =	sdelay $0x4  }
0xe1: {  	[tilespmem:$0x106A0] =	vst v9  }
0xe2: {  	v9 =	vld [tilespmem:s26+$0x20];
	_ =	sdelay $0x4  }
0xe3: {  	[tilespmem:$0x10610] =	vst v9  }
0xe4: {  	v9 =	vld [tilespmem:s23+$0x20];
	_ =	sdelay $0x4  }
0xe5: {  	[tilespmem:$0x106B0] =	vst v9  }
0xe6: {  	[tilespmem:s19], [sflag:$0x3] =	stream.indirect.gather [hbm4b:s6+s14], $0x80, s18, s14, $0xb8;
	[tilespmem:$0x1B0C0] =	vst v63  }
0xe7: {  	_ = 	snop  }
0xe8: {  	[tilespmem:s29], [sflag:$0x4] =	stream.indirect.gather [hbm4b:s15+s14], $0x80, s18, s14, $0xb8;
	[tilespmem:$0x1B0C0] =	vst v63  }
0xe9: {  	_ =	swait.ge [sflag:s13], $0x2800  }
0xea: {  	[sflag:s13] =	ssyncset.done $0x0  }
0xeb: {  	[sflag:s13] =	ssyncadd.s32 $0xFFFFD800  }
0xec: {  	_ =	swait.ge [sflag:s31], $0x2800  }
0xed: {  	[sflag:s31] =	ssyncset.done $0x0  }
0xee: {  	[sflag:s31] =	ssyncadd.s32 $0xFFFFD800  }
0xef: {  	[spmem:s1] =	stream.indirect.scatter.add.f32 [tilespmem:s11], [sflag:$0x5], $0x80, s0, s14, $0xb8;
	[tilespmem:$0x1B0C0] =	vst v63  }
0xf0: {  	_ = 	snop  }
0xf1: {  	[spmem:s2] =	stream.indirect.scatter.add.f32 [tilespmem:s17], [sflag:$0x5], $0x80, s0, s14, $0xb8;
	[tilespmem:$0x1B0C0] =	vst v63  }
0xf2: {  	_ = 	snop  }
0xf3: {  	[spmem:s3] =	stream.indirect.scatter.add.f32 [tilespmem:s12], [sflag:$0x5], $0x10, s0, s14, $0xb8;
	[tilespmem:$0x1B0C0] =	vst v63  }
0xf4: {  	_ =	swait.ge [sflag:s5], $0x2800  }
0xf5: {  	[sflag:s5] =	ssyncset.done $0x0  }
0xf6: {  	[sflag:s5] =	ssyncadd.s32 $0xFFFFD800  }
0xf7: {  	_ =	swait.ge [sflag:s5], $0x2800  }
0xf8: {  	[sflag:s5] =	ssyncset.done $0x0  }
0xf9: {  	[sflag:s5] =	ssyncadd.s32 $0xFFFFD800  }
0xfa: {  	_ =	swait.ge [sflag:s5], $0x500  }
0xfb: {  	s22 =	sadd.s32 $0x1, s22;
	[sflag:s5] =	ssyncset.done $0x0  }
0xfc: {  	p1 =	sle.s32 s8, s22;
	[sflag:s5] =	ssyncadd.s32 $0xFFFFFB00  }
0xfd: {  	v9 =	vld @!p1 [tilespmem:s26+$0x30];
	_ =	sdelay $0x4  }
0xfe: {  	[tilespmem:$0x10580] =	vst @!p1 v9  }
0xff: {  	v9 =	vld @!p1 [tilespmem:s23+$0x30];
	_ =	sdelay $0x4  }
0x100: {  	[tilespmem:$0x10620] =	vst @!p1 v9  }
0x101: {  	v9 =	vld @!p1 [tilespmem:s26+$0x40];
	_ =	sdelay $0x4  }
0x102: {  	[tilespmem:$0x10590] =	vst @!p1 v9  }
0x103: {  	v9 =	vld @!p1 [tilespmem:s23+$0x40];
	_ =	sdelay $0x4  }
0x104: {  	[tilespmem:$0x10630] =	vst @!p1 v9  }
0x105: {  	v9 =	vld @!p1 [tilespmem:s26+$0x50];
	_ =	sdelay $0x4  }
0x106: {  	[tilespmem:$0x105A0] =	vst @!p1 v9  }
0x107: {  	v9 =	vld @!p1 [tilespmem:s23+$0x50];
	_ =	sdelay $0x4  }
0x108: {  	[tilespmem:$0x10640] =	vst @!p1 v9  }
0x109: {  	v9 =	vld @!p1 [tilespmem:s26+$0x60];
	_ =	sdelay $0x4  }
0x10a: {  	[tilespmem:$0x105B0] =	vst @!p1 v9  }
0x10b: {  	v9 =	vld @!p1 [tilespmem:s23+$0x60];
	_ =	sdelay $0x4  }
0x10c: {  	[tilespmem:$0x10650] =	vst @!p1 v9  }
0x10d: {  	v9 =	vld @!p1 [tilespmem:s26+$0x70];
	_ =	sdelay $0x4  }
0x10e: {  	[tilespmem:$0x105C0] =	vst @!p1 v9  }
0x10f: {  	v9 =	vld @!p1 [tilespmem:s23+$0x70];
	_ =	sdelay $0x4  }
0x110: {  	s20 =	simm.s32 @!p1 $0x50;
	s21 =	simm.s32 @!p1 $0x10580;
	s30 =	simm.s32 @!p1 $0x6080;
	[tilespmem:$0x10660] =	vst @!p1 v9  }
0x111: {  	[tilespmem:s30], [sflag:$0x1] =	stream.indirect.gather @!p1 [hbm4b:s6+s20], $0x80, s21, s20, $0xb8;
	[tilespmem:$0x1B0C0] =	vst v63  }
0x112: {  	s30 =	simm.s32 @!p1 $0x8880  }
0x113: {  	[tilespmem:s30], [sflag:$0x2] =	stream.indirect.gather @!p1 [hbm4b:s15+s20], $0x80, s21, s20, $0xb8;
	[tilespmem:$0x1B0C0] =	vst v63  }
0x114: {  	_ =	swait.ge [sflag:s24], $0x2800  }
0x115: {  	[sflag:s24] =	ssyncset.done $0x0  }
0x116: {  	[sflag:s24] =	ssyncadd.s32 $0xFFFFD800  }
0x117: {  	_ =	swait.ge [sflag:s25], $0x2800  }
0x118: {  	[sflag:s25] =	ssyncset.done $0x0  }
0x119: {  	[sflag:s25] =	ssyncadd.s32 $0xFFFFD800  }
0x11a: {  	[spmem:s1] =	stream.indirect.scatter.add.f32 [tilespmem:s19], [sflag:$0x6], $0x80, s28, s14, $0xb8;
	[tilespmem:$0x1B0C0] =	vst v63  }
0x11b: {  	_ = 	snop  }
0x11c: {  	[spmem:s2] =	stream.indirect.scatter.add.f32 [tilespmem:s29], [sflag:$0x6], $0x80, s28, s14, $0xb8;
	[tilespmem:$0x1B0C0] =	vst v63  }
0x11d: {  	_ = 	snop  }
0x11e: {  	[spmem:s3] =	stream.indirect.scatter.add.f32 [tilespmem:s12], [sflag:$0x6], $0x10, s28, s14, $0xb8;
	[tilespmem:$0x1B0C0] =	vst v63  }
0x11f: {  	_ =	swait.ge [sflag:s16], $0x2800  }
0x120: {  	[sflag:s16] =	ssyncset.done $0x0  }
0x121: {  	[sflag:s16] =	ssyncadd.s32 $0xFFFFD800  }
0x122: {  	_ =	swait.ge [sflag:s16], $0x2800  }
0x123: {  	[sflag:s16] =	ssyncset.done $0x0  }
0x124: {  	[sflag:s16] =	ssyncadd.s32 $0xFFFFD800  }
0x125: {  	_ =	swait.ge [sflag:s16], $0x500  }
0x126: {  	s30 =	rddreg [dreg:$0x5]  }
0x127: {  	p1 =	sne.s32 s30, s22  }
.Ltmp4:
0x128: {  	_ = 	snop;
	(pc) =	sbr.rel @p1 .LBB2_10-.Ltmp4, $3  }
0x129: {  	_ =	sdelay $0x1  }
0x12a: {  	[sflag:s16] =	ssyncset.done $0x0  }
0x12b: {  	s26 =	sadd.s32 $0xA0, s26;
	s23 =	sadd.s32 $0xA0, s23;
	[sflag:s16] =	ssyncadd.s32 $0xFFFFFB00  }
0x12c: {  	[bflag:$0x0] =	sbarrier.arrive $0xFFFF  }
0x12d: {  	s8 =	rddreg [dreg:$0x1d]  }
0x12e: {  	s20 =	rddreg [dreg:$0x9];
	s21 =	sshrl.u32 @p0 s8, $0x3  }
0x12f: {  	s8 =	simm.s32 @p0 $0x1FC7;
	[smem:$0x7F7] =	sst s21  }
0x130: {  	[hbm:s20], [sflag:s8] =	dma.local @p0 [spmem:s21], $0x680  }
0x131: {  	s20 =	simm.s32 @p0 $0x7  }
0x132: {  	_ =	swait.ge @p0 [sflag:s20], $0x680  }
0x133: {  	s21 =	rddreg [dreg:$0x1e]  }
0x134: {  	[sflag:s20] =	ssyncset.done @p0 $0x0;
	s22 =	sshrl.u32 @p0 s21, $0x3;
	s21 =	rddreg [dreg:$0xa]  }
0x135: {  	[sflag:s20] =	ssyncadd.s32 @p0 $0xFFFFF980;
	[smem:$0x7F8] =	sst s22  }
0x136: {  	[hbm:s21], [sflag:s8] =	dma.local @p0 [spmem:s22], $0x680  }
0x137: {  	_ =	swait.ge @p0 [sflag:s20], $0x680  }
0x138: {  	s21 =	rddreg [dreg:$0x1f]  }
0x139: {  	[sflag:s20] =	ssyncset.done @p0 $0x0;
	s22 =	sshrl.u32 @p0 s21, $0x3;
	s21 =	rddreg [dreg:$0x10]  }
0x13a: {  	[sflag:s20] =	ssyncadd.s32 @p0 $0xFFFFF980;
	[smem:$0x7F9] =	sst s22  }
0x13b: {  	[hbm:s21], [sflag:s8] =	dma.local @p0 [spmem:s22], $0xD0  }
0x13c: {  	s8 =	stileid.u32  }
0x13d: {  	_ =	swait.ge @p0 [sflag:s20], $0xD0;
	s8 =	sshll.u32 @!p0 s8, $0x6  }
0x13e: {  	[sflag:s20] =	ssyncset.done @p0 $0x0;
	s26 =	sor.u32 @!p0 $0x1C07, s8;
	s8 =	rddreg [dreg:$0x15]  }
0x13f: {  	[sflag:s20] =	ssyncadd.s32 @p0 $0xFFFFFF30;
	s20 =	sshrl.u32 @!p0 s8, $0x3;
	s8 =	rddreg [dreg:$0x7]  }
0x140: {  	[smem:$0x7FA] =	sst s20  }
0x141: {  	[hbm:s8], [sflag:s26] =	dma.local @!p0 [spmem:s20], $0xA00  }
0x142: {  	s8 =	simm.s32 @!p0 $0x7  }
0x143: {  	s20 =	sadd.s32 $0x8000009F, s4;
	_ =	swait.ge @!p0 [sflag:s8], $0xA00  }
0x144: {  	s21 =	smulhi.u32 $0x66666667, s20;
	s22 =	sshra.s32 s20, $0x1F;
	s23 =	rddreg [dreg:$0x16]  }
0x145: {  	[sflag:s8] =	ssyncset.done @!p0 $0x0;
	s30 =	sshrl.u32 @!p0 s23, $0x3;
	s23 =	rddreg [dreg:$0x8]  }
0x146: {  	s22 =	smul.u32 $0x66666667, s22;
	[sflag:s8] =	ssyncadd.s32 @!p0 $0xFFFFF600;
	[smem:$0x7FB] =	sst s30  }
0x147: {  	[hbm:s23], [sflag:s26] =	dma.local @!p0 [spmem:s30], $0xA00  }
0x148: {  	_ =	swait.ge @!p0 [sflag:s8], $0xA00  }
0x149: {  	s21 =	sadd.s32 s22, s21;
	s22 =	rddreg [dreg:$0x19]  }
0x14a: {  	[smem:$0x7FC] =	sst s26  }
0x14b: {  	[sflag:s8] =	ssyncset.done @!p0 $0x0;
	s23 =	sshrl.u32 @!p0 s22, $0x3;
	s22 =	rddreg [dreg:$0xf]  }
0x14c: {  	[sflag:s8] =	ssyncadd.s32 @!p0 $0xFFFFF600;
	[smem:$0x7FD] =	sst s23  }
0x14d: {  	[hbm:s22], [sflag:s26] =	dma.local @!p0 [spmem:s23], $0x140  }
0x14e: {  	s26 =	sshrl.u32 s21, $0x1F;
	s21 =	sshra.s32 s21, $0x6;
	_ =	swait.ge @!p0 [sflag:s8], $0x140  }
0x14f: {  	s21 =	sadd.s32 s26, s21;
	[sflag:s8] =	ssyncset.done @!p0 $0x0  }
0x150: {  	s22 =	smul.u32 $0xFFFFFF60, s21;
	[sflag:s8] =	ssyncadd.s32 @!p0 $0xFFFFFEC0;
	s8 =	simm.s32 $0x60C0  }
0x151: {  	s30 =	ssub.s32 $0x7FFFFF61, s4;
	[tilespmem:s8+$0xFFFFFFD0] =	vst v4  }
0x152: {  	p1 =	slt.s32 s20, $0x1;
	p2 =	sne.s32 s22, s30;
	[tilespmem:s8+$0xFFFFFFE0] =	vst v4  }
0x153: {  	[tilespmem:s8+$0xFFFFFFF0] =	vst v4;
	p1 =	por !p1, !p2  }
0x154: {  	s4 =	simm.s32 $0x1;
	[tilespmem:s8+$0x0] =	vst v4;
	p1 =	por !p1, !p1  }
0x155: {  	[tilespmem:s8+$0x10] =	vst v4;
	s4 =	simm.s32 @!p1 $0x0  }
0x156: {  	[tilespmem:s8+$0x20] =	vst v4;
	s26 =	ssub.s32 s21, s4  }
0x157: {  	[tilespmem:s8+$0x30] =	vst v4;
	p1 =	sgt.s32 s26, $0x1;
	s23 =	smov.u32 s26  }
0x158: {  	[tilespmem:s8+$0xFFFFFFC0] =	vst v4;
	s22 =	simm.s32 $0x0;
	s4 =	simm.s32 $0x40;
	s23 =	simm.s32 @!p1 $0x1  }
.LBB2_12:
0x159: {  	p1 =	sne.s32 s4, $0x13C0;
	[tilespmem:s22+$0x10080] =	vst v4;
	s8 =	sadd.s32 $0x80, s8  }
0x15a: {  	[tilespmem:s8+$0xFFFFFFD0] =	vst v4  }
0x15b: {  	[tilespmem:s8+$0xFFFFFFE0] =	vst v4  }
0x15c: {  	[tilespmem:s8+$0xFFFFFFF0] =	vst v4  }
.Ltmp5:
0x15d: {  	[tilespmem:s8+$0x0] =	vst v4;
	(pc) =	sbr.rel @p1 .LBB2_12-.Ltmp5, $4  }
0x15e: {  	[tilespmem:s8+$0x10] =	vst v4  }
0x15f: {  	[tilespmem:s8+$0x20] =	vst v4  }
0x160: {  	[tilespmem:s8+$0x30] =	vst v4  }
0x161: {  	s22 =	sshra.s32 s4, $0x2;
	s4 =	sadd.s32 $0x40, s4;
	[tilespmem:s8+$0xFFFFFFC0] =	vst v4  }
0x162: {  	[tilespmem:s22+$0x10080] =	vst v4  }
0x163: {  	[bflag:$0x0] =	sbarrier.arrive $0xFFFF  }
0x164: {  	s4 =	rddreg [dreg:$0x15]  }
0x165: {  	[spmem:s4] =	stream.linear.scatter [tilespmem:s11], [sflag:$0x7], $0x2800, $0x38;
	[tilespmem:$0x1B0C0] =	vst v63  }
0x166: {  	_ =	swait.ge [sflag:s7], $0x2800  }
0x167: {  	[sflag:s7] =	ssyncset.done $0x0  }
0x168: {  	s8 =	rddreg [dreg:$0x17];
	[sflag:s7] =	ssyncadd.s32 $0xFFFFD800  }
0x169: {  	[spmem:s8] =	stream.linear.scatter [tilespmem:s11], [sflag:$0x7], $0x2800, $0x38;
	[tilespmem:$0x1B0C0] =	vst v63  }
0x16a: {  	_ =	swait.ge [sflag:s7], $0x2800  }
0x16b: {  	[sflag:s7] =	ssyncset.done $0x0  }
0x16c: {  	s20 =	rddreg [dreg:$0x16];
	[sflag:s7] =	ssyncadd.s32 $0xFFFFD800  }
0x16d: {  	[spmem:s20] =	stream.linear.scatter [tilespmem:s11], [sflag:$0x7], $0x2800, $0x38;
	[tilespmem:$0x1B0C0] =	vst v63  }
0x16e: {  	_ =	swait.ge [sflag:s7], $0x2800  }
0x16f: {  	[sflag:s7] =	ssyncset.done $0x0  }
0x170: {  	s21 =	rddreg [dreg:$0x18];
	[sflag:s7] =	ssyncadd.s32 $0xFFFFD800  }
0x171: {  	[spmem:s21] =	stream.linear.scatter [tilespmem:s11], [sflag:$0x7], $0x2800, $0x38;
	[tilespmem:$0x1B0C0] =	vst v63  }
0x172: {  	_ =	swait.ge [sflag:s7], $0x2800  }
0x173: {  	[sflag:s7] =	ssyncset.done $0x0  }
0x174: {  	s22 =	rddreg [dreg:$0x19];
	[sflag:s7] =	ssyncadd.s32 $0xFFFFD800  }
0x175: {  	[spmem:s22] =	stream.linear.scatter [tilespmem:s12], [sflag:$0x7], $0x500, $0x38;
	[tilespmem:$0x1B0C0] =	vst v63  }
0x176: {  	_ =	swait.ge [sflag:s7], $0x500  }
0x177: {  	[sflag:s7] =	ssyncset.done $0x0  }
0x178: {  	s30 =	rddreg [dreg:$0x1a];
	[sflag:s7] =	ssyncadd.s32 $0xFFFFFB00  }
0x179: {  	[spmem:s30] =	stream.linear.scatter [tilespmem:s12], [sflag:$0x7], $0x500, $0x38;
	[tilespmem:$0x1B0C0] =	vst v63  }
0x17a: {  	_ =	swait.ge [sflag:s7], $0x500  }
0x17b: {  	[sflag:s7] =	ssyncset.done $0x0  }
0x17c: {  	s4 =	simm.s32 $0x40;
	s8 =	simm.s32 $0x0;
	[sflag:s7] =	ssyncadd.s32 $0xFFFFFB00  }
.LBB2_14:
0x17d: {  	p1 =	sne.s32 s4, $0x13C0;
	[tilespmem:s8+$0x10080] =	vst v8;
	s8 =	smov.u32 s4;
	s4 =	sadd.s32 $0x40, s4  }
.Ltmp6:
0x17e: {  	(pc) =	sbr.rel @p1 .LBB2_14-.Ltmp6, $2  }
0x17f: {  	_ =	sdelay $0x2  }
0x180: {  	s8 =	sshra.s32 s8, $0x2  }
0x181: {  	s4 =	smul.u32 $0xA0, s23  }
0x182: {  	[tilespmem:s8+$0x10080] =	vst v8  }
0x183: {  	[bflag:$0x0] =	sbarrier.arrive $0xFFFF;
	s21 =	ssub.s32 $0x3810, s4  }
0x184: {  	v9 =	vld [tilespmem:s21+$0x0];
	_ =	sdelay $0x4  }
0x185: {  	s22 =	ssub.s32 $0x6080, s4;
	[tilespmem:$0x10580] =	vst v9  }
0x186: {  	v9 =	vld [tilespmem:s22+$0x0];
	_ =	sdelay $0x4  }
0x187: {  	s30 =	ssub.s32 $0x3820, s4;
	[tilespmem:$0x10620] =	vst v9  }
0x188: {  	v9 =	vld [tilespmem:s30+$0x0];
	_ =	sdelay $0x4  }
0x189: {  	s20 =	ssub.s32 $0x6090, s4;
	[tilespmem:$0x10590] =	vst v9  }
0x18a: {  	v9 =	vld [tilespmem:s20+$0x0];
	_ =	sdelay $0x4  }
0x18b: {  	s21 =	ssub.s32 $0x3830, s4;
	[tilespmem:$0x10630] =	vst v9  }
0x18c: {  	v9 =	vld [tilespmem:s21+$0x0];
	_ =	sdelay $0x4  }
0x18d: {  	s22 =	ssub.s32 $0x60A0, s4;
	[tilespmem:$0x105A0] =	vst v9  }
0x18e: {  	v9 =	vld [tilespmem:s22+$0x0];
	_ =	sdelay $0x4  }
0x18f: {  	s30 =	ssub.s32 $0x3840, s4;
	[tilespmem:$0x10640] =	vst v9  }
0x190: {  	v9 =	vld [tilespmem:s30+$0x0];
	_ =	sdelay $0x4  }
0x191: {  	s20 =	ssub.s32 $0x60B0, s4;
	[tilespmem:$0x105B0] =	vst v9  }
0x192: {  	v9 =	vld [tilespmem:s20+$0x0];
	_ =	sdelay $0x4  }
0x193: {  	s21 =	ssub.s32 $0x3850, s4;
	[tilespmem:$0x10650] =	vst v9  }
0x194: {  	v9 =	vld [tilespmem:s21+$0x0];
	_ =	sdelay $0x4  }
0x195: {  	s4 =	ssub.s32 $0x60C0, s4;
	[tilespmem:$0x105C0] =	vst v9  }
0x196: {  	v9 =	vld [tilespmem:s4+$0x0];
	_ =	sdelay $0x2  }
0x197: {  	s30 =	smul.u32 $0xFFFFFD80, s23;
	_ =	sdelay $0x1  }
0x198: {  	s22 =	simm.s32 $0x10580;
	s4 =	sshra.s32 s30, $0x2;
	[tilespmem:$0x10660] =	vst v9  }
0x199: {  	[tilespmem:s11], [sflag:$0x1] =	stream.indirect.gather [hbm4b:s6+s14], $0x80, s22, s14, $0xb8;
	[tilespmem:$0x1B0C0] =	vst v63  }
0x19a: {  	s8 =	sadd.s32 $0x38F0, s4  }
0x19b: {  	[tilespmem:s17], [sflag:$0x2] =	stream.indirect.gather [hbm4b:s15+s14], $0x80, s22, s14, $0xb8;
	[tilespmem:$0x1B0C0] =	vst v63  }
0x19c: {  	v9 =	vld [tilespmem:s8+$0xFFFFFF70];
	_ =	sdelay $0x4  }
0x19d: {  	s4 =	sadd.s32 $0x6160, s4;
	[tilespmem:$0x105D0] =	vst v9  }
0x19e: {  	v9 =	vld [tilespmem:s4+$0xFFFFFF70];
	_ =	sdelay $0x4  }
0x19f: {  	[tilespmem:$0x10670] =	vst v9  }
0x1a0: {  	v9 =	vld [tilespmem:s8+$0xFFFFFF80];
	_ =	sdelay $0x4  }
0x1a1: {  	[tilespmem:$0x105E0] =	vst v9  }
0x1a2: {  	v9 =	vld [tilespmem:s4+$0xFFFFFF80];
	_ =	sdelay $0x4  }
0x1a3: {  	[tilespmem:$0x10680] =	vst v9  }
0x1a4: {  	v9 =	vld [tilespmem:s8+$0xFFFFFF90];
	_ =	sdelay $0x4  }
0x1a5: {  	[tilespmem:$0x105F0] =	vst v9  }
0x1a6: {  	v9 =	vld [tilespmem:s4+$0xFFFFFF90];
	_ =	sdelay $0x4  }
0x1a7: {  	[tilespmem:$0x10690] =	vst v9  }
0x1a8: {  	v9 =	vld [tilespmem:s8+$0xFFFFFFA0];
	_ =	sdelay $0x4  }
0x1a9: {  	[tilespmem:$0x10600] =	vst v9  }
0x1aa: {  	v9 =	vld [tilespmem:s4+$0xFFFFFFA0];
	_ =	sdelay $0x4  }
0x1ab: {  	[tilespmem:$0x106A0] =	vst v9  }
0x1ac: {  	v9 =	vld [tilespmem:s8+$0xFFFFFFB0];
	_ =	sdelay $0x4  }
0x1ad: {  	[tilespmem:$0x10610] =	vst v9  }
0x1ae: {  	v9 =	vld [tilespmem:s4+$0xFFFFFFB0];
	_ =	sdelay $0x4  }
0x1af: {  	[tilespmem:$0x106B0] =	vst v9  }
0x1b0: {  	[tilespmem:s19], [sflag:$0x3] =	stream.indirect.gather [hbm4b:s6+s14], $0x80, s18, s14, $0xb8;
	[tilespmem:$0x1B0C0] =	vst v63  }
0x1b1: {  	_ = 	snop  }
0x1b2: {  	[tilespmem:s29], [sflag:$0x4] =	stream.indirect.gather [hbm4b:s15+s14], $0x80, s18, s14, $0xb8;
	[tilespmem:$0x1B0C0] =	vst v63  }
0x1b3: {  	_ =	swait.ge [sflag:s13], $0x2800  }
0x1b4: {  	[sflag:s13] =	ssyncset.done $0x0  }
0x1b5: {  	[sflag:s13] =	ssyncadd.s32 $0xFFFFD800  }
0x1b6: {  	_ =	swait.ge [sflag:s31], $0x2800  }
0x1b7: {  	[sflag:s31] =	ssyncset.done $0x0  }
0x1b8: {  	[sflag:s31] =	ssyncadd.s32 $0xFFFFD800  }
0x1b9: {  	[spmem:s1] =	stream.indirect.scatter.add.f32 [tilespmem:s11], [sflag:$0x5], $0x80, s0, s14, $0xb8;
	[tilespmem:$0x1B0C0] =	vst v63  }
0x1ba: {  	_ = 	snop  }
0x1bb: {  	[spmem:s2] =	stream.indirect.scatter.add.f32 [tilespmem:s17], [sflag:$0x5], $0x80, s0, s14, $0xb8;
	[tilespmem:$0x1B0C0] =	vst v63  }
0x1bc: {  	_ = 	snop  }
0x1bd: {  	[spmem:s3] =	stream.indirect.scatter.add.f32 [tilespmem:s12], [sflag:$0x5], $0x10, s0, s14, $0xb8;
	[tilespmem:$0x1B0C0] =	vst v63  }
0x1be: {  	_ =	swait.ge [sflag:s5], $0x2800  }
0x1bf: {  	[sflag:s5] =	ssyncset.done $0x0  }
0x1c0: {  	[sflag:s5] =	ssyncadd.s32 $0xFFFFD800  }
0x1c1: {  	_ =	swait.ge [sflag:s5], $0x2800  }
0x1c2: {  	[sflag:s5] =	ssyncset.done $0x0  }
0x1c3: {  	[sflag:s5] =	ssyncadd.s32 $0xFFFFD800  }
0x1c4: {  	_ =	swait.ge [sflag:s5], $0x500  }
0x1c5: {  	[sflag:s5] =	ssyncset.done $0x0  }
0x1c6: {  	p1 =	sle.s32 s26, $0x1;
	[sflag:s5] =	ssyncadd.s32 $0xFFFFFB00  }
0x1c7: {  	v9 =	vld @!p1 [tilespmem:s8+$0xFFFFFFC0];
	_ =	sdelay $0x4  }
0x1c8: {  	[tilespmem:$0x10580] =	vst @!p1 v9  }
0x1c9: {  	v9 =	vld @!p1 [tilespmem:s4+$0xFFFFFFC0];
	_ =	sdelay $0x4  }
0x1ca: {  	[tilespmem:$0x10620] =	vst @!p1 v9  }
0x1cb: {  	v9 =	vld @!p1 [tilespmem:s8+$0xFFFFFFD0];
	_ =	sdelay $0x4  }
0x1cc: {  	[tilespmem:$0x10590] =	vst @!p1 v9  }
0x1cd: {  	v9 =	vld @!p1 [tilespmem:s4+$0xFFFFFFD0];
	_ =	sdelay $0x4  }
0x1ce: {  	[tilespmem:$0x10630] =	vst @!p1 v9  }
0x1cf: {  	v9 =	vld @!p1 [tilespmem:s8+$0xFFFFFFE0];
	_ =	sdelay $0x4  }
0x1d0: {  	[tilespmem:$0x105A0] =	vst @!p1 v9  }
0x1d1: {  	v9 =	vld @!p1 [tilespmem:s4+$0xFFFFFFE0];
	_ =	sdelay $0x4  }
0x1d2: {  	[tilespmem:$0x10640] =	vst @!p1 v9  }
0x1d3: {  	v9 =	vld @!p1 [tilespmem:s8+$0xFFFFFFF0];
	_ =	sdelay $0x4  }
0x1d4: {  	[tilespmem:$0x105B0] =	vst @!p1 v9  }
0x1d5: {  	v9 =	vld @!p1 [tilespmem:s4+$0xFFFFFFF0];
	_ =	sdelay $0x4  }
0x1d6: {  	[tilespmem:$0x10650] =	vst @!p1 v9  }
0x1d7: {  	v9 =	vld @!p1 [tilespmem:s8+$0x0];
	_ =	sdelay $0x4  }
0x1d8: {  	[tilespmem:$0x105C0] =	vst @!p1 v9  }
0x1d9: {  	v9 =	vld @!p1 [tilespmem:s4+$0x0];
	_ =	sdelay $0x4  }
0x1da: {  	s20 =	simm.s32 @!p1 $0x50;
	s21 =	simm.s32 @!p1 $0x10580;
	s22 =	simm.s32 @!p1 $0x6080;
	[tilespmem:$0x10660] =	vst @!p1 v9  }
0x1db: {  	[tilespmem:s22], [sflag:$0x1] =	stream.indirect.gather @!p1 [hbm4b:s6+s20], $0x80, s21, s20, $0xb8;
	[tilespmem:$0x1B0C0] =	vst v63  }
0x1dc: {  	s22 =	simm.s32 @!p1 $0x8880  }
0x1dd: {  	[tilespmem:s22], [sflag:$0x2] =	stream.indirect.gather @!p1 [hbm4b:s15+s20], $0x80, s21, s20, $0xb8;
	[tilespmem:$0x1B0C0] =	vst v63  }
0x1de: {  	_ =	swait.ge [sflag:s24], $0x2800  }
0x1df: {  	[sflag:s24] =	ssyncset.done $0x0  }
0x1e0: {  	[sflag:s24] =	ssyncadd.s32 $0xFFFFD800  }
0x1e1: {  	_ =	swait.ge [sflag:s25], $0x2800  }
0x1e2: {  	[sflag:s25] =	ssyncset.done $0x0  }
0x1e3: {  	[sflag:s25] =	ssyncadd.s32 $0xFFFFD800  }
0x1e4: {  	[spmem:s1] =	stream.indirect.scatter.add.f32 [tilespmem:s19], [sflag:$0x6], $0x80, s28, s14, $0xb8;
	[tilespmem:$0x1B0C0] =	vst v63  }
0x1e5: {  	_ = 	snop  }
0x1e6: {  	[spmem:s2] =	stream.indirect.scatter.add.f32 [tilespmem:s29], [sflag:$0x6], $0x80, s28, s14, $0xb8;
	[tilespmem:$0x1B0C0] =	vst v63  }
0x1e7: {  	_ = 	snop  }
0x1e8: {  	[spmem:s3] =	stream.indirect.scatter.add.f32 [tilespmem:s12], [sflag:$0x6], $0x10, s28, s14, $0xb8;
	[tilespmem:$0x1B0C0] =	vst v63  }
0x1e9: {  	_ =	swait.ge [sflag:s16], $0x2800  }
0x1ea: {  	[sflag:s16] =	ssyncset.done $0x0  }
0x1eb: {  	p1 =	sne.s32 s23, $0x1;
	[sflag:s16] =	ssyncadd.s32 $0xFFFFD800  }
.Ltmp7:
0x1ec: {  	_ =	swait.ge [sflag:s16], $0x2800;
	(pc) =	sbr.rel @!p1 .LBB2_17-.Ltmp7, $4  }
0x1ed: {  	[sflag:s16] =	ssyncset.done $0x0  }
0x1ee: {  	[sflag:s16] =	ssyncadd.s32 $0xFFFFD800  }
0x1ef: {  	_ =	swait.ge [sflag:s16], $0x500  }
0x1f0: {  	s8 =	sadd.s32 $0xA0, s8;
	s22 =	simm.s32 $0x1;
	[sflag:s16] =	ssyncset.done $0x0  }
.LBB2_16:
0x1f1: {  	s22 =	sadd.s32 $0x1, s22;
	[sflag:s16] =	ssyncadd.s32 $0xFFFFFB00;
	s4 =	sadd.s32 $0xA0, s4  }
0x1f2: {  	v9 =	vld [tilespmem:s8+$0xFFFFFF70];
	p1 =	sne.s32 s23, s22;
	_ =	sdelay $0x4  }
0x1f3: {  	[tilespmem:$0x105D0] =	vst v9  }
0x1f4: {  	v9 =	vld [tilespmem:s4+$0xFFFFFF70];
	_ =	sdelay $0x4  }
0x1f5: {  	[tilespmem:$0x10670] =	vst v9  }
0x1f6: {  	v9 =	vld [tilespmem:s8+$0xFFFFFF80];
	_ =	sdelay $0x4  }
0x1f7: {  	[tilespmem:$0x105E0] =	vst v9  }
0x1f8: {  	v9 =	vld [tilespmem:s4+$0xFFFFFF80];
	_ =	sdelay $0x4  }
0x1f9: {  	[tilespmem:$0x10680] =	vst v9  }
0x1fa: {  	v9 =	vld [tilespmem:s8+$0xFFFFFF90];
	_ =	sdelay $0x4  }
0x1fb: {  	[tilespmem:$0x105F0] =	vst v9  }
0x1fc: {  	v9 =	vld [tilespmem:s4+$0xFFFFFF90];
	_ =	sdelay $0x4  }
0x1fd: {  	[tilespmem:$0x10690] =	vst v9  }
0x1fe: {  	v9 =	vld [tilespmem:s8+$0xFFFFFFA0];
	_ =	sdelay $0x4  }
0x1ff: {  	[tilespmem:$0x10600] =	vst v9  }
0x200: {  	v9 =	vld [tilespmem:s4+$0xFFFFFFA0];
	_ =	sdelay $0x4  }
0x201: {  	[tilespmem:$0x106A0] =	vst v9  }
0x202: {  	v9 =	vld [tilespmem:s8+$0xFFFFFFB0];
	_ =	sdelay $0x4  }
0x203: {  	[tilespmem:$0x10610] =	vst v9  }
0x204: {  	v9 =	vld [tilespmem:s4+$0xFFFFFFB0];
	_ =	sdelay $0x4  }
0x205: {  	[tilespmem:$0x106B0] =	vst v9  }
0x206: {  	[tilespmem:s19], [sflag:$0x3] =	stream.indirect.gather [hbm4b:s6+s14], $0x80, s18, s14, $0xb8;
	[tilespmem:$0x1B0C0] =	vst v63  }
0x207: {  	_ = 	snop  }
0x208: {  	[tilespmem:s29], [sflag:$0x4] =	stream.indirect.gather [hbm4b:s15+s14], $0x80, s18, s14, $0xb8;
	[tilespmem:$0x1B0C0] =	vst v63  }
0x209: {  	_ =	swait.ge [sflag:s13], $0x2800  }
0x20a: {  	[sflag:s13] =	ssyncset.done $0x0  }
0x20b: {  	[sflag:s13] =	ssyncadd.s32 $0xFFFFD800  }
0x20c: {  	_ =	swait.ge [sflag:s31], $0x2800  }
0x20d: {  	[sflag:s31] =	ssyncset.done $0x0  }
0x20e: {  	[sflag:s31] =	ssyncadd.s32 $0xFFFFD800  }
0x20f: {  	[spmem:s1] =	stream.indirect.scatter.add.f32 [tilespmem:s11], [sflag:$0x5], $0x80, s0, s14, $0xb8;
	[tilespmem:$0x1B0C0] =	vst v63  }
0x210: {  	_ = 	snop  }
0x211: {  	[spmem:s2] =	stream.indirect.scatter.add.f32 [tilespmem:s17], [sflag:$0x5], $0x80, s0, s14, $0xb8;
	[tilespmem:$0x1B0C0] =	vst v63  }
0x212: {  	_ = 	snop  }
0x213: {  	[spmem:s3] =	stream.indirect.scatter.add.f32 [tilespmem:s12], [sflag:$0x5], $0x10, s0, s14, $0xb8;
	[tilespmem:$0x1B0C0] =	vst v63  }
0x214: {  	_ =	swait.ge [sflag:s5], $0x2800  }
0x215: {  	[sflag:s5] =	ssyncset.done $0x0  }
0x216: {  	[sflag:s5] =	ssyncadd.s32 $0xFFFFD800  }
0x217: {  	_ =	swait.ge [sflag:s5], $0x2800  }
0x218: {  	[sflag:s5] =	ssyncset.done $0x0  }
0x219: {  	[sflag:s5] =	ssyncadd.s32 $0xFFFFD800  }
0x21a: {  	_ =	swait.ge [sflag:s5], $0x500  }
0x21b: {  	[sflag:s5] =	ssyncset.done $0x0  }
0x21c: {  	p2 =	sle.s32 s26, s22;
	[sflag:s5] =	ssyncadd.s32 $0xFFFFFB00  }
0x21d: {  	v9 =	vld @!p2 [tilespmem:s8+$0xFFFFFFC0];
	_ =	sdelay $0x4  }
0x21e: {  	[tilespmem:$0x10580] =	vst @!p2 v9  }
0x21f: {  	v9 =	vld @!p2 [tilespmem:s4+$0xFFFFFFC0];
	_ =	sdelay $0x4  }
0x220: {  	[tilespmem:$0x10620] =	vst @!p2 v9  }
0x221: {  	v9 =	vld @!p2 [tilespmem:s8+$0xFFFFFFD0];
	_ =	sdelay $0x4  }
0x222: {  	[tilespmem:$0x10590] =	vst @!p2 v9  }
0x223: {  	v9 =	vld @!p2 [tilespmem:s4+$0xFFFFFFD0];
	_ =	sdelay $0x4  }
0x224: {  	[tilespmem:$0x10630] =	vst @!p2 v9  }
0x225: {  	v9 =	vld @!p2 [tilespmem:s8+$0xFFFFFFE0];
	_ =	sdelay $0x4  }
0x226: {  	[tilespmem:$0x105A0] =	vst @!p2 v9  }
0x227: {  	v9 =	vld @!p2 [tilespmem:s4+$0xFFFFFFE0];
	_ =	sdelay $0x4  }
0x228: {  	[tilespmem:$0x10640] =	vst @!p2 v9  }
0x229: {  	v9 =	vld @!p2 [tilespmem:s8+$0xFFFFFFF0];
	_ =	sdelay $0x4  }
0x22a: {  	[tilespmem:$0x105B0] =	vst @!p2 v9  }
0x22b: {  	v9 =	vld @!p2 [tilespmem:s4+$0xFFFFFFF0];
	_ =	sdelay $0x4  }
0x22c: {  	[tilespmem:$0x10650] =	vst @!p2 v9  }
0x22d: {  	v9 =	vld @!p2 [tilespmem:s8+$0x0];
	_ =	sdelay $0x4  }
0x22e: {  	[tilespmem:$0x105C0] =	vst @!p2 v9  }
0x22f: {  	v9 =	vld @!p2 [tilespmem:s4+$0x0];
	_ =	sdelay $0x4  }
0x230: {  	s20 =	simm.s32 @!p2 $0x50;
	s21 =	simm.s32 @!p2 $0x10580;
	s30 =	simm.s32 @!p2 $0x6080;
	[tilespmem:$0x10660] =	vst @!p2 v9  }
0x231: {  	[tilespmem:s30], [sflag:$0x1] =	stream.indirect.gather @!p2 [hbm4b:s6+s20], $0x80, s21, s20, $0xb8;
	[tilespmem:$0x1B0C0] =	vst v63  }
0x232: {  	s30 =	simm.s32 @!p2 $0x8880  }
0x233: {  	[tilespmem:s30], [sflag:$0x2] =	stream.indirect.gather @!p2 [hbm4b:s15+s20], $0x80, s21, s20, $0xb8;
	[tilespmem:$0x1B0C0] =	vst v63  }
0x234: {  	_ =	swait.ge [sflag:s24], $0x2800  }
0x235: {  	[sflag:s24] =	ssyncset.done $0x0  }
0x236: {  	[sflag:s24] =	ssyncadd.s32 $0xFFFFD800  }
0x237: {  	_ =	swait.ge [sflag:s25], $0x2800  }
0x238: {  	[sflag:s25] =	ssyncset.done $0x0  }
0x239: {  	[sflag:s25] =	ssyncadd.s32 $0xFFFFD800  }
0x23a: {  	[spmem:s1] =	stream.indirect.scatter.add.f32 [tilespmem:s19], [sflag:$0x6], $0x80, s28, s14, $0xb8;
	[tilespmem:$0x1B0C0] =	vst v63  }
0x23b: {  	_ = 	snop  }
0x23c: {  	[spmem:s2] =	stream.indirect.scatter.add.f32 [tilespmem:s29], [sflag:$0x6], $0x80, s28, s14, $0xb8;
	[tilespmem:$0x1B0C0] =	vst v63  }
0x23d: {  	_ = 	snop  }
0x23e: {  	[spmem:s3] =	stream.indirect.scatter.add.f32 [tilespmem:s12], [sflag:$0x6], $0x10, s28, s14, $0xb8;
	[tilespmem:$0x1B0C0] =	vst v63  }
0x23f: {  	_ =	swait.ge [sflag:s16], $0x2800  }
0x240: {  	[sflag:s16] =	ssyncset.done $0x0  }
0x241: {  	[sflag:s16] =	ssyncadd.s32 $0xFFFFD800  }
.Ltmp8:
0x242: {  	_ =	swait.ge [sflag:s16], $0x2800;
	(pc) =	sbr.rel @p1 .LBB2_16-.Ltmp8, $4  }
0x243: {  	[sflag:s16] =	ssyncset.done $0x0  }
0x244: {  	[sflag:s16] =	ssyncadd.s32 $0xFFFFD800  }
0x245: {  	_ =	swait.ge [sflag:s16], $0x500  }
0x246: {  	s8 =	sadd.s32 $0xA0, s8;
	[sflag:s16] =	ssyncset.done $0x0  }
.LBB2_17:
0x247: {  	[sflag:s16] =	ssyncadd.s32 $0xFFFFFB00  }
0x248: {  	[bflag:$0x0] =	sbarrier.arrive $0xFFFF  }
0x249: {  	s20 =	sld [smem:$0x7F7];
	_ =	sdelay $0x1  }
0x24a: {  	s4 =	simm.s32 @p0 $0x1FC7;
	s8 =	rddreg [dreg:$0xd]  }
0x24b: {  	[hbm:s8], [sflag:s4] =	dma.local @p0 [spmem:s20], $0x600  }
0x24c: {  	s8 =	simm.s32 @p0 $0x7  }
0x24d: {  	_ =	swait.ge @p0 [sflag:s8], $0x600  }
0x24e: {  	s21 =	sld [smem:$0x7F8]  }
0x24f: {  	[sflag:s8] =	ssyncset.done @p0 $0x0  }
0x250: {  	s20 =	rddreg [dreg:$0xe];
	[sflag:s8] =	ssyncadd.s32 @p0 $0xFFFFFA00  }
0x251: {  	[hbm:s20], [sflag:s4] =	dma.local @p0 [spmem:s21], $0x600  }
0x252: {  	_ =	swait.ge @p0 [sflag:s8], $0x600  }
0x253: {  	s21 =	sld [smem:$0x7F9]  }
0x254: {  	[sflag:s8] =	ssyncset.done @p0 $0x0  }
0x255: {  	s20 =	rddreg [dreg:$0x12];
	[sflag:s8] =	ssyncadd.s32 @p0 $0xFFFFFA00  }
0x256: {  	[hbm:s20], [sflag:s4] =	dma.local @p0 [spmem:s21], $0xC0  }
0x257: {  	_ =	swait.ge @p0 [sflag:s8], $0xC0  }
0x258: {  	[sflag:s8] =	ssyncset.done @p0 $0x0;
	s20 =	sld [smem:$0x7FC]  }
0x259: {  	[sflag:s8] =	ssyncadd.s32 @p0 $0xFFFFFF40;
	s8 =	sld [smem:$0x7FA];
	_ =	sdelay $0x1  }
0x25a: {  	s4 =	rddreg [dreg:$0xb]  }
0x25b: {  	[hbm:s4], [sflag:s20] =	dma.local @!p0 [spmem:s8], $0xA00  }
0x25c: {  	s4 =	simm.s32 @!p0 $0x7  }
0x25d: {  	_ =	swait.ge @!p0 [sflag:s4], $0xA00  }
0x25e: {  	s21 =	sld [smem:$0x7FB]  }
0x25f: {  	[sflag:s4] =	ssyncset.done @!p0 $0x0  }
0x260: {  	s8 =	rddreg [dreg:$0xc];
	[sflag:s4] =	ssyncadd.s32 @!p0 $0xFFFFF600  }
0x261: {  	[hbm:s8], [sflag:s20] =	dma.local @!p0 [spmem:s21], $0xA00  }
0x262: {  	_ =	swait.ge @!p0 [sflag:s4], $0xA00  }
0x263: {  	s21 =	sld [smem:$0x7FD]  }
0x264: {  	[sflag:s4] =	ssyncset.done @!p0 $0x0  }
0x265: {  	s8 =	rddreg [dreg:$0x11];
	[sflag:s4] =	ssyncadd.s32 @!p0 $0xFFFFF600  }
0x266: {  	[hbm:s8], [sflag:s20] =	dma.local @!p0 [spmem:s21], $0x140  }
0x267: {  	_ =	swait.ge @!p0 [sflag:s4], $0x140  }
0x268: {  	s23 =	rddreg [dreg:$0x6]  }
0x269: {  	s26 =	rddreg [dreg:$0x1b];
	s20 =	sadd.s32 $0x1, s23  }
0x26a: {  	p1 =	sne.s32 s20, s26  }
.Ltmp9:
0x26b: {  	_ = 	snop;
	(pc) =	sbr.rel @p1 .LBB2_1-.Ltmp9, $4  }
0x26c: {  	_ = 	snop  }
0x26d: {  	s21 =	rddreg [dreg:$0x13]  }
0x26e: {  	[sflag:s4] =	ssyncset.done @!p0 $0x0;
	s30 =	rddreg [dreg:$0x1c]  }
0x26f: {  	[sflag:s4] =	ssyncadd.s32 @!p0 $0xFFFFFEC0;
	s26 =	rddreg [dreg:$0x14]  }
0x270: {  	_ =	sfence.sel $0x180000  }
0x271: {  	[bflag:$0x0] =	sbarrier.arrive $0xFFFF  }
0x272: {  	_ =	strace $0x90000047  }
0x273: {  	s0 =	stileid.u32;
	[bflag:$0x2] =	sbarrier.arrive $0xFFFF  }
0x274: {  	p0 =	sne.s32 s0, $0x0;
	s0 =	rddreg [dreg:$0x4]  }
0x275: {  	s0 =	sadd.s32 @!p0 $0x100000, s0  }
0x276: {  	[sflag:s0] =	ssyncadd.tile.s32 @!p0 $0x1;
	_ =	shalt  }
.Lfunc_end2:
_tile_overlayer_lowered:
.L_overlay_start_2:
0x277: {  	(tag) =	ssettag $0x2  }
0x278: {  	s0 =	rddreg [dreg:$0x0];
	s2 =	stileid.u32  }
0x279: {  	s1 =	rddreg [dreg:$0x1];
	p0 =	sne.s32 s2, $0x0  }
0x27a: {  	s3 =	rddreg [dreg:$0x2];
	[bflag:$0x3] =	sbarrier.arrive $0xFFFF;
	s2 =	simm.s32 @!p0 $0x1C07  }
0x27b: {  	[timem:s3], [sflag:s2] =	dma.local @!p0 [hbm:s0], s1  }
0x27c: {  	s0 =	simm.s32 @!p0 $0x7  }
0x27d: {  	_ =	swait.ge @!p0 [sflag:s0], s1  }
0x27e: {  	s1 =	ssub.s32 @!p0 $0x0, s1;
	[sflag:s0] =	ssyncset.done @!p0 $0x0  }
0x27f: {  	[sflag:s0] =	ssyncadd.s32 @!p0 s1  }
0x280: {  	[bflag:$0x3] =	sbarrier.arrive $0xFFFF  }
0x281: {  	_ =	shalt  }

</sc_bundles>
